<compile_context>
chip_gen: v7x
topology: tpu7x:2x2x1
jax: 0.10.2.dev20260603
libtpu: 0.0.44.dev20260713+nightly
codegen_flags: <defaults>
</compile_context>

<pallas_src>
import jax
import jax.numpy as jnp
from jax import lax
from jax.experimental import pallas as pl
from jax.experimental.pallas import tpu as pltpu
from jax.experimental.pallas import tpu_sc as plsc

NUM_CORES = 2
NUM_SUBCORES = 16
NW = NUM_CORES * NUM_SUBCORES

V = 100
D = 128
L = 16
N_ROWS = 100000
CHUNK = 128
GROUPS = CHUNK // L
CW = CHUNK * D
NCHUNKS = 782
CPW = 25
NBUF = 6


def _emb_body(idx_hbm, table_hbm, out_hbm, table_v, idx_v, rows_v, sem_s):
    wid = lax.axis_index("s") * NUM_CORES + lax.axis_index("c")
    pltpu.sync_copy(table_hbm, table_v)
    pltpu.sync_copy(idx_hbm.at[wid], idx_v)

    def drain(b):
        pltpu.make_async_copy(
            rows_v.at[b].at[0], out_hbm.at[pl.ds(0, CW)], sem_s
        ).wait()

    def do_chunk(t, b):
        @pl.when(t >= NBUF)
        def _():
            drain(b)

        k = wid + NW * t

        @pl.when(k < NCHUNKS)
        def _():
            buf = rows_v.at[b].at[0]

            off = jnp.minimum(k * CHUNK, N_ROWS - CHUNK)

            @plsc.parallel_loop(0, GROUPS, 1, unroll=1)
            def _(g):
                xvec = idx_v[0, pl.ds(t * CHUNK + g * L, L)]
                srcs = xvec * D
                for l in range(L):
                    base = srcs[l]
                    dst = g * L * D + l * D
                    for j in range(D // L):
                        buf[pl.ds(dst + j * L, L)] = table_v[
                            pl.ds(base + j * L, L)
                        ]

            pltpu.async_copy(
                rows_v.at[b].at[0], out_hbm.at[pl.ds(off * D, CW)], sem_s
            )

    def outer(t, carry):
        do_chunk(t, t % NBUF)
        return carry

    lax.fori_loop(0, CPW, outer, 0)
    for t in range(CPW - NBUF, CPW):
        b = t % NBUF
        if t == CPW - 1:
            @pl.when(wid + NW * t < NCHUNKS)
            def _():
                drain(b)
        else:
            drain(b)


@jax.jit
def _emb(idx3, table_flat):
    mesh = plsc.VectorSubcoreMesh(core_axis_name="c", subcore_axis_name="s")
    return pl.kernel(
        _emb_body,
        out_type=jax.ShapeDtypeStruct((N_ROWS * D,), jnp.float32),
        mesh=mesh,
        compiler_params=pltpu.CompilerParams(needs_layout_passes=False),
        scratch_types=[
            pltpu.VMEM((V * D,), jnp.float32),
            pltpu.VMEM((1, CPW * CHUNK), jnp.int32),
            pltpu.VMEM((NBUF, 1, CW), jnp.float32),
            pltpu.SemaphoreType.DMA,
        ],
    )(idx3, table_flat)


def kernel(x, table):
    xi = x.astype(jnp.int32)
    main = xi[: (NCHUNKS - 1) * CHUNK].reshape(NCHUNKS - 1, CHUNK)
    tail = xi[N_ROWS - CHUNK:].reshape(1, CHUNK)
    pad = jnp.zeros((NW * CPW - NCHUNKS, CHUNK), jnp.int32)
    chunks = jnp.concatenate([main, tail, pad], axis=0)
    idx3 = (
        chunks.reshape(CPW, NW, CHUNK)
        .transpose(1, 0, 2)
        .reshape(NW, 1, CPW * CHUNK)
    )
    out = _emb(idx3, table.reshape(-1))
    return out.reshape(N_ROWS, D)

# --- scband reference (transcript-rebuilt; emitter-appended) ---
"""Pipeline reference for scband-atomic-num-embedding-87978110091585 (READ-ONLY COPY).

The authoritative reference and input builder live on the scoring server;
editing this copy changes nothing except your own understanding.
"""

import jax, jax.numpy as jnp
import numpy as np

NUM_EMBEDDINGS = 100
EMBEDDING_DIM = 128
N = 100000

def setup_inputs(seed: int = 0) -> dict:
    key = jax.random.key(seed)
    k_idx, k_tab = jax.random.split(key)
    x = jax.random.randint(k_idx, (N,), 0, NUM_EMBEDDINGS, dtype=jnp.int64 if jax.config.jax_enable_x64 else jnp.int32)
    table = jax.random.normal(k_tab, (NUM_EMBEDDINGS, EMBEDDING_DIM), dtype=jnp.float32)
    return {"x": x, "table": table}

def reference(x, table):
    # nn.Embedding forward: gather rows of the embedding table
    return jnp.take(table, x, axis=0)

if __name__ == "__main__":
    import jax
    _d = setup_inputs()
    print(jax.jit(kernel)(*tuple(_d.values())))

</pallas_src>

<mosaic_0001>
#map = affine_map<(d0, d1) -> (0, 0, 0)>
#map1 = affine_map<(d0, d1) -> (0)>
module attributes {stable_mosaic.version = 14 : i64} {
  func.func @_emb_body(%arg0: i32, %arg1: i32, %arg2: memref<32x1x3200xi32, #tpu.memory_space<hbm>>, %arg3: memref<12800xf32, #tpu.memory_space<hbm>>, %arg4: memref<12800000xf32, #tpu.memory_space<hbm>>, %arg5: memref<12800xf32, #tpu.memory_space<vmem>>, %arg6: memref<1x3200xi32, #tpu.memory_space<vmem>>, %arg7: memref<6x1x16384xf32, #tpu.memory_space<vmem>>, %arg8: memref<!tpu.dma_semaphore, #tpu.memory_space<semaphore_mem>>) attributes {dimension_semantics = [#tpu.dimension_semantics<core_parallel>, #tpu.dimension_semantics<subcore_parallel>], iteration_bounds = array<i64: 2, 16>, scalar_prefetch = 0 : i64, scratch_operands = 4 : i64, tpu.core_type = #tpu.core_type<sc_vector_subcore>, window_params = [{transform_indices = #map}, {transform_indices = #map1}, {transform_indices = #map1}]} {
    %mul3A = arith.constant 2 : i32
    %mul3A_0 = arith.muli %arg1, %mul3A : i32
    %add3A = arith.addi %mul3A_0, %arg0 : i32
    "tpu.region"() ({
      %run_scoped3A = tpu.sem_alloc : memref<!tpu.dma_semaphore, #tpu.memory_space<semaphore_mem>>
      tpu.enqueue_dma source(%arg3 : memref<12800xf32, #tpu.memory_space<hbm>>) target(%arg5 : memref<12800xf32, #tpu.memory_space<vmem>>) target_semaphore(%run_scoped3A : memref<!tpu.dma_semaphore, #tpu.memory_space<semaphore_mem>>)
      tpu.wait_dma2 semaphore(%run_scoped3A : memref<!tpu.dma_semaphore, #tpu.memory_space<semaphore_mem>>) src(%arg3 : memref<12800xf32, #tpu.memory_space<hbm>>) dst(%arg5 : memref<12800xf32, #tpu.memory_space<vmem>>)
      tpu.yield
    }) : () -> ()
    "tpu.region"() ({
      %run_scoped3A = tpu.sem_alloc : memref<!tpu.dma_semaphore, #tpu.memory_space<semaphore_mem>>
      %dma_start3A = arith.constant 0 : i32
      %dma_start3A_109 = arith.constant 0 : i32
      %dma_start3A_110 = tpu.memref_slice %arg2[%add3A, %dma_start3A, %dma_start3A_109] : memref<32x1x3200xi32, #tpu.memory_space<hbm>> -> memref<1x1x3200xi32, #tpu.memory_space<hbm>>
      %dma_start3A_111 = tpu.memref_squeeze %dma_start3A_110 : memref<1x1x3200xi32, #tpu.memory_space<hbm>> -> memref<1x3200xi32, #tpu.memory_space<hbm>>
      %dma_start3A_112 = arith.constant 0 : i32
      %dma_start3A_113 = arith.constant 0 : i32
      %dma_start3A_114 = tpu.memref_slice %arg2[%add3A, %dma_start3A_112, %dma_start3A_113] : memref<32x1x3200xi32, #tpu.memory_space<hbm>> -> memref<1x1x3200xi32, #tpu.memory_space<hbm>>
      %dma_start3A_115 = tpu.memref_squeeze %dma_start3A_114 : memref<1x1x3200xi32, #tpu.memory_space<hbm>> -> memref<1x3200xi32, #tpu.memory_space<hbm>>
      tpu.enqueue_dma source(%dma_start3A_115 : memref<1x3200xi32, #tpu.memory_space<hbm>>) target(%arg6 : memref<1x3200xi32, #tpu.memory_space<vmem>>) target_semaphore(%run_scoped3A : memref<!tpu.dma_semaphore, #tpu.memory_space<semaphore_mem>>)
      %dma_wait3A_116 = arith.constant 0 : i32
      %dma_wait3A_117 = arith.constant 0 : i32
      %dma_wait3A_118 = tpu.memref_slice %arg2[%add3A, %dma_wait3A_116, %dma_wait3A_117] : memref<32x1x3200xi32, #tpu.memory_space<hbm>> -> memref<1x1x3200xi32, #tpu.memory_space<hbm>>
      %dma_wait3A_119 = tpu.memref_squeeze %dma_wait3A_118 : memref<1x1x3200xi32, #tpu.memory_space<hbm>> -> memref<1x3200xi32, #tpu.memory_space<hbm>>
      %dma_wait3A_120 = arith.constant 0 : i32
      %dma_wait3A_121 = arith.constant 0 : i32
      %dma_wait3A_122 = tpu.memref_slice %arg2[%add3A, %dma_wait3A_120, %dma_wait3A_121] : memref<32x1x3200xi32, #tpu.memory_space<hbm>> -> memref<1x1x3200xi32, #tpu.memory_space<hbm>>
      %dma_wait3A_123 = tpu.memref_squeeze %dma_wait3A_122 : memref<1x1x3200xi32, #tpu.memory_space<hbm>> -> memref<1x3200xi32, #tpu.memory_space<hbm>>
      tpu.wait_dma2 semaphore(%run_scoped3A : memref<!tpu.dma_semaphore, #tpu.memory_space<semaphore_mem>>) src(%dma_wait3A_123 : memref<1x3200xi32, #tpu.memory_space<hbm>>) dst(%arg6 : memref<1x3200xi32, #tpu.memory_space<vmem>>)
      tpu.yield
    }) : () -> ()
    %scan3A = arith.constant 0 : i32
    %scan3A_1 = arith.constant 0 : i32
    %scan3A_2 = arith.constant 25 : i32
    %scan3A_3 = arith.addi %scan3A_1, %scan3A_2 : i32
    %scan3A_4 = arith.constant 1 : i32
    scf.for %scan3A_109 = %scan3A_1 to %scan3A_3 step %scan3A_4  : i32 {
      %jit3A = arith.constant 6 : i32
      %eq3A = arith.constant 0 : i32
      %eq3A_110 = arith.cmpi eq, %jit3A, %eq3A : i32
      %jit3A_111 = arith.constant 1 : i32
      %select_n3A = arith.select %eq3A_110, %jit3A_111, %jit3A : i32
      %rem3A = arith.remsi %scan3A_109, %select_n3A : i32
      %ne3A = arith.constant 0 : i32
      %ne3A_112 = arith.cmpi ne, %rem3A, %ne3A : i32
      %lt3A_113 = arith.constant 0 : i32
      %lt3A_114 = arith.cmpi slt, %rem3A, %lt3A_113 : i32
      %lt3A_115 = arith.constant 0 : i32
      %lt3A_116 = arith.cmpi slt, %select_n3A, %lt3A_115 : i32
      %ne3A_117 = arith.xori %lt3A_114, %lt3A_116 : i1
      %and3A = arith.andi %ne3A_117, %ne3A_112 : i1
      %add3A_118 = arith.addi %rem3A, %select_n3A : i32
      %select_n3A_119 = arith.select %and3A, %add3A_118, %rem3A : i32
      %ge3A = arith.constant 6 : i32
      %ge3A_120 = arith.cmpi sge, %scan3A_109, %ge3A : i32
      %convert_element_type3A_121 = arith.extui %ge3A_120 : i1 to i32
      %cond3A_122 = arith.constant 0 : i32
      %cond3A_123 = arith.cmpi ne, %convert_element_type3A_121, %cond3A_122 : i32
      scf.if %cond3A_123 {
        %dma_wait3A_132 = arith.constant 0 : i32
        %dma_wait3A_133 = arith.constant 0 : i32
        %dma_wait3A_134 = arith.constant 0 : i32
        %dma_wait3A_135 = tpu.memref_slice %arg7[%select_n3A_119, %dma_wait3A_133, %dma_wait3A_134] : memref<6x1x16384xf32, #tpu.memory_space<vmem>> -> memref<1x1x16384xf32, #tpu.memory_space<vmem>>
        %dma_wait3A_136 = tpu.memref_squeeze %dma_wait3A_135 : memref<1x1x16384xf32, #tpu.memory_space<vmem>> -> memref<1x16384xf32, #tpu.memory_space<vmem>>
        %dma_wait3A_137 = arith.constant 0 : i32
        %dma_wait3A_138 = tpu.memref_slice %dma_wait3A_136[%dma_wait3A_132, %dma_wait3A_137] : memref<1x16384xf32, #tpu.memory_space<vmem>> -> memref<1x16384xf32, #tpu.memory_space<vmem>>
        %dma_wait3A_139 = tpu.memref_squeeze %dma_wait3A_138 : memref<1x16384xf32, #tpu.memory_space<vmem>> -> memref<16384xf32, #tpu.memory_space<vmem>>
        %dma_wait3A_140 = arith.constant 0 : i32
        %dma_wait3A_141 = tpu.memref_slice %arg4[%dma_wait3A_140] : memref<12800000xf32, #tpu.memory_space<hbm>> -> memref<16384xf32, #tpu.memory_space<hbm>>
        %dma_wait3A_142 = arith.constant 0 : i32
        %dma_wait3A_143 = tpu.memref_slice %arg4[%dma_wait3A_142] : memref<12800000xf32, #tpu.memory_space<hbm>> -> memref<16384xf32, #tpu.memory_space<hbm>>
        %dma_wait3A_144 = arith.constant 0 : i32
        %dma_wait3A_145 = arith.constant 0 : i32
        %dma_wait3A_146 = tpu.memref_slice %arg7[%select_n3A_119, %dma_wait3A_144, %dma_wait3A_145] : memref<6x1x16384xf32, #tpu.memory_space<vmem>> -> memref<1x1x16384xf32, #tpu.memory_space<vmem>>
        %dma_wait3A_147 = tpu.memref_squeeze %dma_wait3A_146 : memref<1x1x16384xf32, #tpu.memory_space<vmem>> -> memref<1x16384xf32, #tpu.memory_space<vmem>>
        %dma_wait3A_148 = arith.constant 0 : i32
        %dma_wait3A_149 = tpu.memref_slice %dma_wait3A_147[%dma_wait3A_132, %dma_wait3A_148] : memref<1x16384xf32, #tpu.memory_space<vmem>> -> memref<1x16384xf32, #tpu.memory_space<vmem>>
        %dma_wait3A_150 = tpu.memref_squeeze %dma_wait3A_149 : memref<1x16384xf32, #tpu.memory_space<vmem>> -> memref<16384xf32, #tpu.memory_space<vmem>>
        tpu.wait_dma2 semaphore(%arg8 : memref<!tpu.dma_semaphore, #tpu.memory_space<semaphore_mem>>) src(%dma_wait3A_150 : memref<16384xf32, #tpu.memory_space<vmem>>) dst(%dma_wait3A_143 : memref<16384xf32, #tpu.memory_space<hbm>>)
      } else {
      }
      %mul3A_124 = arith.constant 32 : i32
      %mul3A_125 = arith.muli %mul3A_124, %scan3A_109 : i32
      %add3A_126 = arith.addi %add3A, %mul3A_125 : i32
      %lt3A_127 = arith.constant 782 : i32
      %lt3A_128 = arith.cmpi slt, %add3A_126, %lt3A_127 : i32
      %convert_element_type3A_129 = arith.extui %lt3A_128 : i1 to i32
      %cond3A_130 = arith.constant 0 : i32
      %cond3A_131 = arith.cmpi ne, %convert_element_type3A_129, %cond3A_130 : i32
      scf.if %cond3A_131 {
        %mul3A_132 = arith.constant 128 : i32
        %mul3A_133 = arith.muli %add3A_126, %mul3A_132 : i32
        %min3A = arith.constant 99872 : i32
        %min3A_134 = arith.minsi %mul3A_133, %min3A : i32
        %parallel_loop3A = arith.constant 0 : i32
        %parallel_loop3A_135 = arith.constant 8 : i32
        %parallel_loop3A_136 = arith.constant 1 : i32
        %parallel_loop3A_137 = arith.constant 0 : i32
        scf.for %parallel_loop3A_156 = %parallel_loop3A to %parallel_loop3A_135 step %parallel_loop3A_136  : i32 {
          %parallel_loop3A_157 = arith.constant 128 : i32
          %parallel_loop3A_158 = arith.muli %scan3A_109, %parallel_loop3A_157 : i32
          %parallel_loop3A_159 = arith.constant 16 : i32
          %parallel_loop3A_160 = arith.muli %parallel_loop3A_156, %parallel_loop3A_159 : i32
          %parallel_loop3A_161 = arith.addi %parallel_loop3A_158, %parallel_loop3A_160 : i32
          %parallel_loop3A_162 = arith.constant 0 : i32
          %parallel_loop3A_163 = arith.index_cast %parallel_loop3A_162 : i32 to index
          %parallel_loop3A_164 = arith.index_cast %parallel_loop3A_161 : i32 to index
          %parallel_loop3A_165 = tpu.vector_load %arg6[%parallel_loop3A_163, %parallel_loop3A_164] {strides = array<i32>} : memref<1x3200xi32, #tpu.memory_space<vmem>>, vector<16xi32>,
          %parallel_loop3A_166 = arith.constant 128 : i32
          %parallel_loop3A_167 = vector.broadcast %parallel_loop3A_166 : i32 to vector<16xi32>
          %parallel_loop3A_168 = arith.muli %parallel_loop3A_165, %parallel_loop3A_167 : vector<16xi32>
          %parallel_loop3A_169 = vector.extract_strided_slice %parallel_loop3A_168 {offsets = [0], sizes = [1], strides = [1]} : vector<16xi32> to vector<1xi32>
          %parallel_loop3A_170 = vector.extract %parallel_loop3A_169[0] : i32 from vector<1xi32>
          %parallel_loop3A_171 = arith.constant 16 : i32
          %parallel_loop3A_172 = arith.muli %parallel_loop3A_156, %parallel_loop3A_171 : i32
          %parallel_loop3A_173 = arith.constant 128 : i32
          %parallel_loop3A_174 = arith.muli %parallel_loop3A_172, %parallel_loop3A_173 : i32
          %parallel_loop3A_175 = arith.constant 0 : i32
          %parallel_loop3A_176 = arith.addi %parallel_loop3A_174, %parallel_loop3A_175 : i32
          %parallel_loop3A_177 = arith.constant 0 : i32
          %parallel_loop3A_178 = arith.addi %parallel_loop3A_170, %parallel_loop3A_177 : i32
          %parallel_loop3A_179 = arith.index_cast %parallel_loop3A_178 : i32 to index
          %parallel_loop3A_180 = tpu.vector_load %arg5[%parallel_loop3A_179] {strides = array<i32>} : memref<12800xf32, #tpu.memory_space<vmem>>, vector<16xf32>,
          %parallel_loop3A_181 = arith.constant 0 : i32
          %parallel_loop3A_182 = arith.addi %parallel_loop3A_176, %parallel_loop3A_181 : i32
          %parallel_loop3A_183 = arith.constant 0 : i32
          %parallel_loop3A_184 = arith.constant 0 : i32
          %parallel_loop3A_185 = tpu.memref_slice %arg7[%select_n3A_119, %parallel_loop3A_183, %parallel_loop3A_184] : memref<6x1x16384xf32, #tpu.memory_space<vmem>> -> memref<1x1x16384xf32, #tpu.memory_space<vmem>>
          %parallel_loop3A_186 = tpu.memref_squeeze %parallel_loop3A_185 : memref<1x1x16384xf32, #tpu.memory_space<vmem>> -> memref<1x16384xf32, #tpu.memory_space<vmem>>
          %parallel_loop3A_187 = arith.constant 0 : i32
          %parallel_loop3A_188 = tpu.memref_slice %parallel_loop3A_186[%parallel_loop3A_137, %parallel_loop3A_187] : memref<1x16384xf32, #tpu.memory_space<vmem>> -> memref<1x16384xf32, #tpu.memory_space<vmem>>
          %parallel_loop3A_189 = tpu.memref_squeeze %parallel_loop3A_188 : memref<1x16384xf32, #tpu.memory_space<vmem>> -> memref<16384xf32, #tpu.memory_space<vmem>>
          %parallel_loop3A_190 = arith.index_cast %parallel_loop3A_182 : i32 to index
          %parallel_loop3A_191 = tpu.vector_load %parallel_loop3A_189[%parallel_loop3A_190] {strides = array<i32>} : memref<16384xf32, #tpu.memory_space<vmem>>, vector<16xf32>,
          tpu.vector_store %parallel_loop3A_189[%parallel_loop3A_190], %parallel_loop3A_180 {strides = array<i32>} : memref<16384xf32, #tpu.memory_space<vmem>>, vector<16xf32>,
          %parallel_loop3A_192 = arith.constant 16 : i32
          %parallel_loop3A_193 = arith.addi %parallel_loop3A_170, %parallel_loop3A_192 : i32
          %parallel_loop3A_194 = arith.index_cast %parallel_loop3A_193 : i32 to index
          %parallel_loop3A_195 = tpu.vector_load %arg5[%parallel_loop3A_194] {strides = array<i32>} : memref<12800xf32, #tpu.memory_space<vmem>>, vector<16xf32>,
          %parallel_loop3A_196 = arith.constant 16 : i32
          %parallel_loop3A_197 = arith.addi %parallel_loop3A_176, %parallel_loop3A_196 : i32
          %parallel_loop3A_198 = arith.constant 0 : i32
          %parallel_loop3A_199 = arith.constant 0 : i32
          %parallel_loop3A_200 = tpu.memref_slice %arg7[%select_n3A_119, %parallel_loop3A_198, %parallel_loop3A_199] : memref<6x1x16384xf32, #tpu.memory_space<vmem>> -> memref<1x1x16384xf32, #tpu.memory_space<vmem>>
          %parallel_loop3A_201 = tpu.memref_squeeze %parallel_loop3A_200 : memref<1x1x16384xf32, #tpu.memory_space<vmem>> -> memref<1x16384xf32, #tpu.memory_space<vmem>>
          %parallel_loop3A_202 = arith.constant 0 : i32
          %parallel_loop3A_203 = tpu.memref_slice %parallel_loop3A_201[%parallel_loop3A_137, %parallel_loop3A_202] : memref<1x16384xf32, #tpu.memory_space<vmem>> -> memref<1x16384xf32, #tpu.memory_space<vmem>>
          %parallel_loop3A_204 = tpu.memref_squeeze %parallel_loop3A_203 : memref<1x16384xf32, #tpu.memory_space<vmem>> -> memref<16384xf32, #tpu.memory_space<vmem>>
          %parallel_loop3A_205 = arith.index_cast %parallel_loop3A_197 : i32 to index
          %parallel_loop3A_206 = tpu.vector_load %parallel_loop3A_204[%parallel_loop3A_205] {strides = array<i32>} : memref<16384xf32, #tpu.memory_space<vmem>>, vector<16xf32>,
          tpu.vector_store %parallel_loop3A_204[%parallel_loop3A_205], %parallel_loop3A_195 {strides = array<i32>} : memref<16384xf32, #tpu.memory_space<vmem>>, vector<16xf32>,
          %parallel_loop3A_207 = arith.constant 32 : i32
          %parallel_loop3A_208 = arith.addi %parallel_loop3A_170, %parallel_loop3A_207 : i32
          %parallel_loop3A_209 = arith.index_cast %parallel_loop3A_208 : i32 to index
          %parallel_loop3A_210 = tpu.vector_load %arg5[%parallel_loop3A_209] {strides = array<i32>} : memref<12800xf32, #tpu.memory_space<vmem>>, vector<16xf32>,
          %parallel_loop3A_211 = arith.constant 32 : i32
          %parallel_loop3A_212 = arith.addi %parallel_loop3A_176, %parallel_loop3A_211 : i32
          %parallel_loop3A_213 = arith.constant 0 : i32
          %parallel_loop3A_214 = arith.constant 0 : i32
          %parallel_loop3A_215 = tpu.memref_slice %arg7[%select_n3A_119, %parallel_loop3A_213, %parallel_loop3A_214] : memref<6x1x16384xf32, #tpu.memory_space<vmem>> -> memref<1x1x16384xf32, #tpu.memory_space<vmem>>
          %parallel_loop3A_216 = tpu.memref_squeeze %parallel_loop3A_215 : memref<1x1x16384xf32, #tpu.memory_space<vmem>> -> memref<1x16384xf32, #tpu.memory_space<vmem>>
          %parallel_loop3A_217 = arith.constant 0 : i32
          %parallel_loop3A_218 = tpu.memref_slice %parallel_loop3A_216[%parallel_loop3A_137, %parallel_loop3A_217] : memref<1x16384xf32, #tpu.memory_space<vmem>> -> memref<1x16384xf32, #tpu.memory_space<vmem>>
          %parallel_loop3A_219 = tpu.memref_squeeze %parallel_loop3A_218 : memref<1x16384xf32, #tpu.memory_space<vmem>> -> memref<16384xf32, #tpu.memory_space<vmem>>
          %parallel_loop3A_220 = arith.index_cast %parallel_loop3A_212 : i32 to index
          %parallel_loop3A_221 = tpu.vector_load %parallel_loop3A_219[%parallel_loop3A_220] {strides = array<i32>} : memref<16384xf32, #tpu.memory_space<vmem>>, vector<16xf32>,
          tpu.vector_store %parallel_loop3A_219[%parallel_loop3A_220], %parallel_loop3A_210 {strides = array<i32>} : memref<16384xf32, #tpu.memory_space<vmem>>, vector<16xf32>,
          %parallel_loop3A_222 = arith.constant 48 : i32
          %parallel_loop3A_223 = arith.addi %parallel_loop3A_170, %parallel_loop3A_222 : i32
          %parallel_loop3A_224 = arith.index_cast %parallel_loop3A_223 : i32 to index
          %parallel_loop3A_225 = tpu.vector_load %arg5[%parallel_loop3A_224] {strides = array<i32>} : memref<12800xf32, #tpu.memory_space<vmem>>, vector<16xf32>,
          %parallel_loop3A_226 = arith.constant 48 : i32
          %parallel_loop3A_227 = arith.addi %parallel_loop3A_176, %parallel_loop3A_226 : i32
          %parallel_loop3A_228 = arith.constant 0 : i32
          %parallel_loop3A_229 = arith.constant 0 : i32
          %parallel_loop3A_230 = tpu.memref_slice %arg7[%select_n3A_119, %parallel_loop3A_228, %parallel_loop3A_229] : memref<6x1x16384xf32, #tpu.memory_space<vmem>> -> memref<1x1x16384xf32, #tpu.memory_space<vmem>>
          %parallel_loop3A_231 = tpu.memref_squeeze %parallel_loop3A_230 : memref<1x1x16384xf32, #tpu.memory_space<vmem>> -> memref<1x16384xf32, #tpu.memory_space<vmem>>
          %parallel_loop3A_232 = arith.constant 0 : i32
          %parallel_loop3A_233 = tpu.memref_slice %parallel_loop3A_231[%parallel_loop3A_137, %parallel_loop3A_232] : memref<1x16384xf32, #tpu.memory_space<vmem>> -> memref<1x16384xf32, #tpu.memory_space<vmem>>
          %parallel_loop3A_234 = tpu.memref_squeeze %parallel_loop3A_233 : memref<1x16384xf32, #tpu.memory_space<vmem>> -> memref<16384xf32, #tpu.memory_space<vmem>>
          %parallel_loop3A_235 = arith.index_cast %parallel_loop3A_227 : i32 to index
          %parallel_loop3A_236 = tpu.vector_load %parallel_loop3A_234[%parallel_loop3A_235] {strides = array<i32>} : memref<16384xf32, #tpu.memory_space<vmem>>, vector<16xf32>,
          tpu.vector_store %parallel_loop3A_234[%parallel_loop3A_235], %parallel_loop3A_225 {strides = array<i32>} : memref<16384xf32, #tpu.memory_space<vmem>>, vector<16xf32>,
          %parallel_loop3A_237 = arith.constant 64 : i32
          %parallel_loop3A_238 = arith.addi %parallel_loop3A_170, %parallel_loop3A_237 : i32
          %parallel_loop3A_239 = arith.index_cast %parallel_loop3A_238 : i32 to index
          %parallel_loop3A_240 = tpu.vector_load %arg5[%parallel_loop3A_239] {strides = array<i32>} : memref<12800xf32, #tpu.memory_space<vmem>>, vector<16xf32>,
          %parallel_loop3A_241 = arith.constant 64 : i32
          %parallel_loop3A_242 = arith.addi %parallel_loop3A_176, %parallel_loop3A_241 : i32
          %parallel_loop3A_243 = arith.constant 0 : i32
          %parallel_loop3A_244 = arith.constant 0 : i32
          %parallel_loop3A_245 = tpu.memref_slice %arg7[%select_n3A_119, %parallel_loop3A_243, %parallel_loop3A_244] : memref<6x1x16384xf32, #tpu.memory_space<vmem>> -> memref<1x1x16384xf32, #tpu.memory_space<vmem>>
          %parallel_loop3A_246 = tpu.memref_squeeze %parallel_loop3A_245 : memref<1x1x16384xf32, #tpu.memory_space<vmem>> -> memref<1x16384xf32, #tpu.memory_space<vmem>>
          %parallel_loop3A_247 = arith.constant 0 : i32
          %parallel_loop3A_248 = tpu.memref_slice %parallel_loop3A_246[%parallel_loop3A_137, %parallel_loop3A_247] : memref<1x16384xf32, #tpu.memory_space<vmem>> -> memref<1x16384xf32, #tpu.memory_space<vmem>>
          %parallel_loop3A_249 = tpu.memref_squeeze %parallel_loop3A_248 : memref<1x16384xf32, #tpu.memory_space<vmem>> -> memref<16384xf32, #tpu.memory_space<vmem>>
          %parallel_loop3A_250 = arith.index_cast %parallel_loop3A_242 : i32 to index
          %parallel_loop3A_251 = tpu.vector_load %parallel_loop3A_249[%parallel_loop3A_250] {strides = array<i32>} : memref<16384xf32, #tpu.memory_space<vmem>>, vector<16xf32>,
          tpu.vector_store %parallel_loop3A_249[%parallel_loop3A_250], %parallel_loop3A_240 {strides = array<i32>} : memref<16384xf32, #tpu.memory_space<vmem>>, vector<16xf32>,
          %parallel_loop3A_252 = arith.constant 80 : i32
          %parallel_loop3A_253 = arith.addi %parallel_loop3A_170, %parallel_loop3A_252 : i32
          %parallel_loop3A_254 = arith.index_cast %parallel_loop3A_253 : i32 to index
          %parallel_loop3A_255 = tpu.vector_load %arg5[%parallel_loop3A_254] {strides = array<i32>} : memref<12800xf32, #tpu.memory_space<vmem>>, vector<16xf32>,
          %parallel_loop3A_256 = arith.constant 80 : i32
          %parallel_loop3A_257 = arith.addi %parallel_loop3A_176, %parallel_loop3A_256 : i32
          %parallel_loop3A_258 = arith.constant 0 : i32
          %parallel_loop3A_259 = arith.constant 0 : i32
          %parallel_loop3A_260 = tpu.memref_slice %arg7[%select_n3A_119, %parallel_loop3A_258, %parallel_loop3A_259] : memref<6x1x16384xf32, #tpu.memory_space<vmem>> -> memref<1x1x16384xf32, #tpu.memory_space<vmem>>
          %parallel_loop3A_261 = tpu.memref_squeeze %parallel_loop3A_260 : memref<1x1x16384xf32, #tpu.memory_space<vmem>> -> memref<1x16384xf32, #tpu.memory_space<vmem>>
          %parallel_loop3A_262 = arith.constant 0 : i32
          %parallel_loop3A_263 = tpu.memref_slice %parallel_loop3A_261[%parallel_loop3A_137, %parallel_loop3A_262] : memref<1x16384xf32, #tpu.memory_space<vmem>> -> memref<1x16384xf32, #tpu.memory_space<vmem>>
          %parallel_loop3A_264 = tpu.memref_squeeze %parallel_loop3A_263 : memref<1x16384xf32, #tpu.memory_space<vmem>> -> memref<16384xf32, #tpu.memory_space<vmem>>
          %parallel_loop3A_265 = arith.index_cast %parallel_loop3A_257 : i32 to index
          %parallel_loop3A_266 = tpu.vector_load %parallel_loop3A_264[%parallel_loop3A_265] {strides = array<i32>} : memref<16384xf32, #tpu.memory_space<vmem>>, vector<16xf32>,
          tpu.vector_store %parallel_loop3A_264[%parallel_loop3A_265], %parallel_loop3A_255 {strides = array<i32>} : memref<16384xf32, #tpu.memory_space<vmem>>, vector<16xf32>,
          %parallel_loop3A_267 = arith.constant 96 : i32
          %parallel_loop3A_268 = arith.addi %parallel_loop3A_170, %parallel_loop3A_267 : i32
          %parallel_loop3A_269 = arith.index_cast %parallel_loop3A_268 : i32 to index
          %parallel_loop3A_270 = tpu.vector_load %arg5[%parallel_loop3A_269] {strides = array<i32>} : memref<12800xf32, #tpu.memory_space<vmem>>, vector<16xf32>,
          %parallel_loop3A_271 = arith.constant 96 : i32
          %parallel_loop3A_272 = arith.addi %parallel_loop3A_176, %parallel_loop3A_271 : i32
          %parallel_loop3A_273 = arith.constant 0 : i32
          %parallel_loop3A_274 = arith.constant 0 : i32
          %parallel_loop3A_275 = tpu.memref_slice %arg7[%select_n3A_119, %parallel_loop3A_273, %parallel_loop3A_274] : memref<6x1x16384xf32, #tpu.memory_space<vmem>> -> memref<1x1x16384xf32, #tpu.memory_space<vmem>>
          %parallel_loop3A_276 = tpu.memref_squeeze %parallel_loop3A_275 : memref<1x1x16384xf32, #tpu.memory_space<vmem>> -> memref<1x16384xf32, #tpu.memory_space<vmem>>
          %parallel_loop3A_277 = arith.constant 0 : i32
          %parallel_loop3A_278 = tpu.memref_slice %parallel_loop3A_276[%parallel_loop3A_137, %parallel_loop3A_277] : memref<1x16384xf32, #tpu.memory_space<vmem>> -> memref<1x16384xf32, #tpu.memory_space<vmem>>
          %parallel_loop3A_279 = tpu.memref_squeeze %parallel_loop3A_278 : memref<1x16384xf32, #tpu.memory_space<vmem>> -> memref<16384xf32, #tpu.memory_space<vmem>>
          %parallel_loop3A_280 = arith.index_cast %parallel_loop3A_272 : i32 to index
          %parallel_loop3A_281 = tpu.vector_load %parallel_loop3A_279[%parallel_loop3A_280] {strides = array<i32>} : memref<16384xf32, #tpu.memory_space<vmem>>, vector<16xf32>,
          tpu.vector_store %parallel_loop3A_279[%parallel_loop3A_280], %parallel_loop3A_270 {strides = array<i32>} : memref<16384xf32, #tpu.memory_space<vmem>>, vector<16xf32>,
          %parallel_loop3A_282 = arith.constant 112 : i32
          %parallel_loop3A_283 = arith.addi %parallel_loop3A_170, %parallel_loop3A_282 : i32
          %parallel_loop3A_284 = arith.index_cast %parallel_loop3A_283 : i32 to index
          %parallel_loop3A_285 = tpu.vector_load %arg5[%parallel_loop3A_284] {strides = array<i32>} : memref<12800xf32, #tpu.memory_space<vmem>>, vector<16xf32>,
          %parallel_loop3A_286 = arith.constant 112 : i32
          %parallel_loop3A_287 = arith.addi %parallel_loop3A_176, %parallel_loop3A_286 : i32
          %parallel_loop3A_288 = arith.constant 0 : i32
          %parallel_loop3A_289 = arith.constant 0 : i32
          %parallel_loop3A_290 = tpu.memref_slice %arg7[%select_n3A_119, %parallel_loop3A_288, %parallel_loop3A_289] : memref<6x1x16384xf32, #tpu.memory_space<vmem>> -> memref<1x1x16384xf32, #tpu.memory_space<vmem>>
          %parallel_loop3A_291 = tpu.memref_squeeze %parallel_loop3A_290 : memref<1x1x16384xf32, #tpu.memory_space<vmem>> -> memref<1x16384xf32, #tpu.memory_space<vmem>>
          %parallel_loop3A_292 = arith.constant 0 : i32
          %parallel_loop3A_293 = tpu.memref_slice %parallel_loop3A_291[%parallel_loop3A_137, %parallel_loop3A_292] : memref<1x16384xf32, #tpu.memory_space<vmem>> -> memref<1x16384xf32, #tpu.memory_space<vmem>>
          %parallel_loop3A_294 = tpu.memref_squeeze %parallel_loop3A_293 : memref<1x16384xf32, #tpu.memory_space<vmem>> -> memref<16384xf32, #tpu.memory_space<vmem>>
          %parallel_loop3A_295 = arith.index_cast %parallel_loop3A_287 : i32 to index
          %parallel_loop3A_296 = tpu.vector_load %parallel_loop3A_294[%parallel_loop3A_295] {strides = array<i32>} : memref<16384xf32, #tpu.memory_space<vmem>>, vector<16xf32>,
          tpu.vector_store %parallel_loop3A_294[%parallel_loop3A_295], %parallel_loop3A_285 {strides = array<i32>} : memref<16384xf32, #tpu.memory_space<vmem>>, vector<16xf32>,
          %parallel_loop3A_297 = vector.extract_strided_slice %parallel_loop3A_168 {offsets = [1], sizes = [1], strides = [1]} : vector<16xi32> to vector<1xi32>
          %parallel_loop3A_298 = vector.extract %parallel_loop3A_297[0] : i32 from vector<1xi32>
          %parallel_loop3A_299 = arith.constant 16 : i32
          %parallel_loop3A_300 = arith.muli %parallel_loop3A_156, %parallel_loop3A_299 : i32
          %parallel_loop3A_301 = arith.constant 128 : i32
          %parallel_loop3A_302 = arith.muli %parallel_loop3A_300, %parallel_loop3A_301 : i32
          %parallel_loop3A_303 = arith.constant 128 : i32
          %parallel_loop3A_304 = arith.addi %parallel_loop3A_302, %parallel_loop3A_303 : i32
          %parallel_loop3A_305 = arith.constant 0 : i32
          %parallel_loop3A_306 = arith.addi %parallel_loop3A_298, %parallel_loop3A_305 : i32
          %parallel_loop3A_307 = arith.index_cast %parallel_loop3A_306 : i32 to index
          %parallel_loop3A_308 = tpu.vector_load %arg5[%parallel_loop3A_307] {strides = array<i32>} : memref<12800xf32, #tpu.memory_space<vmem>>, vector<16xf32>,
          %parallel_loop3A_309 = arith.constant 0 : i32
          %parallel_loop3A_310 = arith.addi %parallel_loop3A_304, %parallel_loop3A_309 : i32
          %parallel_loop3A_311 = arith.constant 0 : i32
          %parallel_loop3A_312 = arith.constant 0 : i32
          %parallel_loop3A_313 = tpu.memref_slice %arg7[%select_n3A_119, %parallel_loop3A_311, %parallel_loop3A_312] : memref<6x1x16384xf32, #tpu.memory_space<vmem>> -> memref<1x1x16384xf32, #tpu.memory_space<vmem>>
          %parallel_loop3A_314 = tpu.memref_squeeze %parallel_loop3A_313 : memref<1x1x16384xf32, #tpu.memory_space<vmem>> -> memref<1x16384xf32, #tpu.memory_space<vmem>>
          %parallel_loop3A_315 = arith.constant 0 : i32
          %parallel_loop3A_316 = tpu.memref_slice %parallel_loop3A_314[%parallel_loop3A_137, %parallel_loop3A_315] : memref<1x16384xf32, #tpu.memory_space<vmem>> -> memref<1x16384xf32, #tpu.memory_space<vmem>>
          %parallel_loop3A_317 = tpu.memref_squeeze %parallel_loop3A_316 : memref<1x16384xf32, #tpu.memory_space<vmem>> -> memref<16384xf32, #tpu.memory_space<vmem>>
          %parallel_loop3A_318 = arith.index_cast %parallel_loop3A_310 : i32 to index
          %parallel_loop3A_319 = tpu.vector_load %parallel_loop3A_317[%parallel_loop3A_318] {strides = array<i32>} : memref<16384xf32, #tpu.memory_space<vmem>>, vector<16xf32>,
          tpu.vector_store %parallel_loop3A_317[%parallel_loop3A_318], %parallel_loop3A_308 {strides = array<i32>} : memref<16384xf32, #tpu.memory_space<vmem>>, vector<16xf32>,
          %parallel_loop3A_320 = arith.constant 16 : i32
          %parallel_loop3A_321 = arith.addi %parallel_loop3A_298, %parallel_loop3A_320 : i32
          %parallel_loop3A_322 = arith.index_cast %parallel_loop3A_321 : i32 to index
          %parallel_loop3A_323 = tpu.vector_load %arg5[%parallel_loop3A_322] {strides = array<i32>} : memref<12800xf32, #tpu.memory_space<vmem>>, vector<16xf32>,
          %parallel_loop3A_324 = arith.constant 16 : i32
          %parallel_loop3A_325 = arith.addi %parallel_loop3A_304, %parallel_loop3A_324 : i32
          %parallel_loop3A_326 = arith.constant 0 : i32
          %parallel_loop3A_327 = arith.constant 0 : i32
          %parallel_loop3A_328 = tpu.memref_slice %arg7[%select_n3A_119, %parallel_loop3A_326, %parallel_loop3A_327] : memref<6x1x16384xf32, #tpu.memory_space<vmem>> -> memref<1x1x16384xf32, #tpu.memory_space<vmem>>
          %parallel_loop3A_329 = tpu.memref_squeeze %parallel_loop3A_328 : memref<1x1x16384xf32, #tpu.memory_space<vmem>> -> memref<1x16384xf32, #tpu.memory_space<vmem>>
          %parallel_loop3A_330 = arith.constant 0 : i32
          %parallel_loop3A_331 = tpu.memref_slice %parallel_loop3A_329[%parallel_loop3A_137, %parallel_loop3A_330] : memref<1x16384xf32, #tpu.memory_space<vmem>> -> memref<1x16384xf32, #tpu.memory_space<vmem>>
          %parallel_loop3A_332 = tpu.memref_squeeze %parallel_loop3A_331 : memref<1x16384xf32, #tpu.memory_space<vmem>> -> memref<16384xf32, #tpu.memory_space<vmem>>
          %parallel_loop3A_333 = arith.index_cast %parallel_loop3A_325 : i32 to index
          %parallel_loop3A_334 = tpu.vector_load %parallel_loop3A_332[%parallel_loop3A_333] {strides = array<i32>} : memref<16384xf32, #tpu.memory_space<vmem>>, vector<16xf32>,
          tpu.vector_store %parallel_loop3A_332[%parallel_loop3A_333], %parallel_loop3A_323 {strides = array<i32>} : memref<16384xf32, #tpu.memory_space<vmem>>, vector<16xf32>,
          %parallel_loop3A_335 = arith.constant 32 : i32
          %parallel_loop3A_336 = arith.addi %parallel_loop3A_298, %parallel_loop3A_335 : i32
          %parallel_loop3A_337 = arith.index_cast %parallel_loop3A_336 : i32 to index
          %parallel_loop3A_338 = tpu.vector_load %arg5[%parallel_loop3A_337] {strides = array<i32>} : memref<12800xf32, #tpu.memory_space<vmem>>, vector<16xf32>,
          %parallel_loop3A_339 = arith.constant 32 : i32
          %parallel_loop3A_340 = arith.addi %parallel_loop3A_304, %parallel_loop3A_339 : i32
          %parallel_loop3A_341 = arith.constant 0 : i32
          %parallel_loop3A_342 = arith.constant 0 : i32
          %parallel_loop3A_343 = tpu.memref_slice %arg7[%select_n3A_119, %parallel_loop3A_341, %parallel_loop3A_342] : memref<6x1x16384xf32, #tpu.memory_space<vmem>> -> memref<1x1x16384xf32, #tpu.memory_space<vmem>>
          %parallel_loop3A_344 = tpu.memref_squeeze %parallel_loop3A_343 : memref<1x1x16384xf32, #tpu.memory_space<vmem>> -> memref<1x16384xf32, #tpu.memory_space<vmem>>
          %parallel_loop3A_345 = arith.constant 0 : i32
          %parallel_loop3A_346 = tpu.memref_slice %parallel_loop3A_344[%parallel_loop3A_137, %parallel_loop3A_345] : memref<1x16384xf32, #tpu.memory_space<vmem>> -> memref<1x16384xf32, #tpu.memory_space<vmem>>
          %parallel_loop3A_347 = tpu.memref_squeeze %parallel_loop3A_346 : memref<1x16384xf32, #tpu.memory_space<vmem>> -> memref<16384xf32, #tpu.memory_space<vmem>>
          %parallel_loop3A_348 = arith.index_cast %parallel_loop3A_340 : i32 to index
          %parallel_loop3A_349 = tpu.vector_load %parallel_loop3A_347[%parallel_loop3A_348] {strides = array<i32>} : memref<16384xf32, #tpu.memory_space<vmem>>, vector<16xf32>,
          tpu.vector_store %parallel_loop3A_347[%parallel_loop3A_348], %parallel_loop3A_338 {strides = array<i32>} : memref<16384xf32, #tpu.memory_space<vmem>>, vector<16xf32>,
          %parallel_loop3A_350 = arith.constant 48 : i32
          %parallel_loop3A_351 = arith.addi %parallel_loop3A_298, %parallel_loop3A_350 : i32
          %parallel_loop3A_352 = arith.index_cast %parallel_loop3A_351 : i32 to index
          %parallel_loop3A_353 = tpu.vector_load %arg5[%parallel_loop3A_352] {strides = array<i32>} : memref<12800xf32, #tpu.memory_space<vmem>>, vector<16xf32>,
          %parallel_loop3A_354 = arith.constant 48 : i32
          %parallel_loop3A_355 = arith.addi %parallel_loop3A_304, %parallel_loop3A_354 : i32
          %parallel_loop3A_356 = arith.constant 0 : i32
          %parallel_loop3A_357 = arith.constant 0 : i32
          %parallel_loop3A_358 = tpu.memref_slice %arg7[%select_n3A_119, %parallel_loop3A_356, %parallel_loop3A_357] : memref<6x1x16384xf32, #tpu.memory_space<vmem>> -> memref<1x1x16384xf32, #tpu.memory_space<vmem>>
          %parallel_loop3A_359 = tpu.memref_squeeze %parallel_loop3A_358 : memref<1x1x16384xf32, #tpu.memory_space<vmem>> -> memref<1x16384xf32, #tpu.memory_space<vmem>>
          %parallel_loop3A_360 = arith.constant 0 : i32
          %parallel_loop3A_361 = tpu.memref_slice %parallel_loop3A_359[%parallel_loop3A_137, %parallel_loop3A_360] : memref<1x16384xf32, #tpu.memory_space<vmem>> -> memref<1x16384xf32, #tpu.memory_space<vmem>>
          %parallel_loop3A_362 = tpu.memref_squeeze %parallel_loop3A_361 : memref<1x16384xf32, #tpu.memory_space<vmem>> -> memref<16384xf32, #tpu.memory_space<vmem>>
          %parallel_loop3A_363 = arith.index_cast %parallel_loop3A_355 : i32 to index
          %parallel_loop3A_364 = tpu.vector_load %parallel_loop3A_362[%parallel_loop3A_363] {strides = array<i32>} : memref<16384xf32, #tpu.memory_space<vmem>>, vector<16xf32>,
          tpu.vector_store %parallel_loop3A_362[%parallel_loop3A_363], %parallel_loop3A_353 {strides = array<i32>} : memref<16384xf32, #tpu.memory_space<vmem>>, vector<16xf32>,
          %parallel_loop3A_365 = arith.constant 64 : i32
          %parallel_loop3A_366 = arith.addi %parallel_loop3A_298, %parallel_loop3A_365 : i32
          %parallel_loop3A_367 = arith.index_cast %parallel_loop3A_366 : i32 to index
          %parallel_loop3A_368 = tpu.vector_load %arg5[%parallel_loop3A_367] {strides = array<i32>} : memref<12800xf32, #tpu.memory_space<vmem>>, vector<16xf32>,
          %parallel_loop3A_369 = arith.constant 64 : i32
          %parallel_loop3A_370 = arith.addi %parallel_loop3A_304, %parallel_loop3A_369 : i32
          %parallel_loop3A_371 = arith.constant 0 : i32
          %parallel_loop3A_372 = arith.constant 0 : i32
          %parallel_loop3A_373 = tpu.memref_slice %arg7[%select_n3A_119, %parallel_loop3A_371, %parallel_loop3A_372] : memref<6x1x16384xf32, #tpu.memory_space<vmem>> -> memref<1x1x16384xf32, #tpu.memory_space<vmem>>
          %parallel_loop3A_374 = tpu.memref_squeeze %parallel_loop3A_373 : memref<1x1x16384xf32, #tpu.memory_space<vmem>> -> memref<1x16384xf32, #tpu.memory_space<vmem>>
          %parallel_loop3A_375 = arith.constant 0 : i32
          %parallel_loop3A_376 = tpu.memref_slice %parallel_loop3A_374[%parallel_loop3A_137, %parallel_loop3A_375] : memref<1x16384xf32, #tpu.memory_space<vmem>> -> memref<1x16384xf32, #tpu.memory_space<vmem>>
          %parallel_loop3A_377 = tpu.memref_squeeze %parallel_loop3A_376 : memref<1x16384xf32, #tpu.memory_space<vmem>> -> memref<16384xf32, #tpu.memory_space<vmem>>
          %parallel_loop3A_378 = arith.index_cast %parallel_loop3A_370 : i32 to index
          %parallel_loop3A_379 = tpu.vector_load %parallel_loop3A_377[%parallel_loop3A_378] {strides = array<i32>} : memref<16384xf32, #tpu.memory_space<vmem>>, vector<16xf32>,
          tpu.vector_store %parallel_loop3A_377[%parallel_loop3A_378], %parallel_loop3A_368 {strides = array<i32>} : memref<16384xf32, #tpu.memory_space<vmem>>, vector<16xf32>,
          %parallel_loop3A_380 = arith.constant 80 : i32
          %parallel_loop3A_381 = arith.addi %parallel_loop3A_298, %parallel_loop3A_380 : i32
          %parallel_loop3A_382 = arith.index_cast %parallel_loop3A_381 : i32 to index
          %parallel_loop3A_383 = tpu.vector_load %arg5[%parallel_loop3A_382] {strides = array<i32>} : memref<12800xf32, #tpu.memory_space<vmem>>, vector<16xf32>,
          %parallel_loop3A_384 = arith.constant 80 : i32
          %parallel_loop3A_385 = arith.addi %parallel_loop3A_304, %parallel_loop3A_384 : i32
          %parallel_loop3A_386 = arith.constant 0 : i32
          %parallel_loop3A_387 = arith.constant 0 : i32
          %parallel_loop3A_388 = tpu.memref_slice %arg7[%select_n3A_119, %parallel_loop3A_386, %parallel_loop3A_387] : memref<6x1x16384xf32, #tpu.memory_space<vmem>> -> memref<1x1x16384xf32, #tpu.memory_space<vmem>>
          %parallel_loop3A_389 = tpu.memref_squeeze %parallel_loop3A_388 : memref<1x1x16384xf32, #tpu.memory_space<vmem>> -> memref<1x16384xf32, #tpu.memory_space<vmem>>
          %parallel_loop3A_390 = arith.constant 0 : i32
          %parallel_loop3A_391 = tpu.memref_slice %parallel_loop3A_389[%parallel_loop3A_137, %parallel_loop3A_390] : memref<1x16384xf32, #tpu.memory_space<vmem>> -> memref<1x16384xf32, #tpu.memory_space<vmem>>
          %parallel_loop3A_392 = tpu.memref_squeeze %parallel_loop3A_391 : memref<1x16384xf32, #tpu.memory_space<vmem>> -> memref<16384xf32, #tpu.memory_space<vmem>>
          %parallel_loop3A_393 = arith.index_cast %parallel_loop3A_385 : i32 to index
          %parallel_loop3A_394 = tpu.vector_load %parallel_loop3A_392[%parallel_loop3A_393] {strides = array<i32>} : memref<16384xf32, #tpu.memory_space<vmem>>, vector<16xf32>,
          tpu.vector_store %parallel_loop3A_392[%parallel_loop3A_393], %parallel_loop3A_383 {strides = array<i32>} : memref<16384xf32, #tpu.memory_space<vmem>>, vector<16xf32>,
          %parallel_loop3A_395 = arith.constant 96 : i32
          %parallel_loop3A_396 = arith.addi %parallel_loop3A_298, %parallel_loop3A_395 : i32
          %parallel_loop3A_397 = arith.index_cast %parallel_loop3A_396 : i32 to index
          %parallel_loop3A_398 = tpu.vector_load %arg5[%parallel_loop3A_397] {strides = array<i32>} : memref<12800xf32, #tpu.memory_space<vmem>>, vector<16xf32>,
          %parallel_loop3A_399 = arith.constant 96 : i32
          %parallel_loop3A_400 = arith.addi %parallel_loop3A_304, %parallel_loop3A_399 : i32
          %parallel_loop3A_401 = arith.constant 0 : i32
          %parallel_loop3A_402 = arith.constant 0 : i32
          %parallel_loop3A_403 = tpu.memref_slice %arg7[%select_n3A_119, %parallel_loop3A_401, %parallel_loop3A_402] : memref<6x1x16384xf32, #tpu.memory_space<vmem>> -> memref<1x1x16384xf32, #tpu.memory_space<vmem>>
          %parallel_loop3A_404 = tpu.memref_squeeze %parallel_loop3A_403 : memref<1x1x16384xf32, #tpu.memory_space<vmem>> -> memref<1x16384xf32, #tpu.memory_space<vmem>>
          %parallel_loop3A_405 = arith.constant 0 : i32
          %parallel_loop3A_406 = tpu.memref_slice %parallel_loop3A_404[%parallel_loop3A_137, %parallel_loop3A_405] : memref<1x16384xf32, #tpu.memory_space<vmem>> -> memref<1x16384xf32, #tpu.memory_space<vmem>>
          %parallel_loop3A_407 = tpu.memref_squeeze %parallel_loop3A_406 : memref<1x16384xf32, #tpu.memory_space<vmem>> -> memref<16384xf32, #tpu.memory_space<vmem>>
          %parallel_loop3A_408 = arith.index_cast %parallel_loop3A_400 : i32 to index
          %parallel_loop3A_409 = tpu.vector_load %parallel_loop3A_407[%parallel_loop3A_408] {strides = array<i32>} : memref<16384xf32, #tpu.memory_space<vmem>>, vector<16xf32>,
          tpu.vector_store %parallel_loop3A_407[%parallel_loop3A_408], %parallel_loop3A_398 {strides = array<i32>} : memref<16384xf32, #tpu.memory_space<vmem>>, vector<16xf32>,
          %parallel_loop3A_410 = arith.constant 112 : i32
          %parallel_loop3A_411 = arith.addi %parallel_loop3A_298, %parallel_loop3A_410 : i32
          %parallel_loop3A_412 = arith.index_cast %parallel_loop3A_411 : i32 to index
          %parallel_loop3A_413 = tpu.vector_load %arg5[%parallel_loop3A_412] {strides = array<i32>} : memref<12800xf32, #tpu.memory_space<vmem>>, vector<16xf32>,
          %parallel_loop3A_414 = arith.constant 112 : i32
          %parallel_loop3A_415 = arith.addi %parallel_loop3A_304, %parallel_loop3A_414 : i32
          %parallel_loop3A_416 = arith.constant 0 : i32
          %parallel_loop3A_417 = arith.constant 0 : i32
          %parallel_loop3A_418 = tpu.memref_slice %arg7[%select_n3A_119, %parallel_loop3A_416, %parallel_loop3A_417] : memref<6x1x16384xf32, #tpu.memory_space<vmem>> -> memref<1x1x16384xf32, #tpu.memory_space<vmem>>
          %parallel_loop3A_419 = tpu.memref_squeeze %parallel_loop3A_418 : memref<1x1x16384xf32, #tpu.memory_space<vmem>> -> memref<1x16384xf32, #tpu.memory_space<vmem>>
          %parallel_loop3A_420 = arith.constant 0 : i32
          %parallel_loop3A_421 = tpu.memref_slice %parallel_loop3A_419[%parallel_loop3A_137, %parallel_loop3A_420] : memref<1x16384xf32, #tpu.memory_space<vmem>> -> memref<1x16384xf32, #tpu.memory_space<vmem>>
          %parallel_loop3A_422 = tpu.memref_squeeze %parallel_loop3A_421 : memref<1x16384xf32, #tpu.memory_space<vmem>> -> memref<16384xf32, #tpu.memory_space<vmem>>
          %parallel_loop3A_423 = arith.index_cast %parallel_loop3A_415 : i32 to index
          %parallel_loop3A_424 = tpu.vector_load %parallel_loop3A_422[%parallel_loop3A_423] {strides = array<i32>} : memref<16384xf32, #tpu.memory_space<vmem>>, vector<16xf32>,
          tpu.vector_store %parallel_loop3A_422[%parallel_loop3A_423], %parallel_loop3A_413 {strides = array<i32>} : memref<16384xf32, #tpu.memory_space<vmem>>, vector<16xf32>,
          %parallel_loop3A_425 = vector.extract_strided_slice %parallel_loop3A_168 {offsets = [2], sizes = [1], strides = [1]} : vector<16xi32> to vector<1xi32>
          %parallel_loop3A_426 = vector.extract %parallel_loop3A_425[0] : i32 from vector<1xi32>
          %parallel_loop3A_427 = arith.constant 16 : i32
          %parallel_loop3A_428 = arith.muli %parallel_loop3A_156, %parallel_loop3A_427 : i32
          %parallel_loop3A_429 = arith.constant 128 : i32
          %parallel_loop3A_430 = arith.muli %parallel_loop3A_428, %parallel_loop3A_429 : i32
          %parallel_loop3A_431 = arith.constant 256 : i32
          %parallel_loop3A_432 = arith.addi %parallel_loop3A_430, %parallel_loop3A_431 : i32
          %parallel_loop3A_433 = arith.constant 0 : i32
          %parallel_loop3A_434 = arith.addi %parallel_loop3A_426, %parallel_loop3A_433 : i32
          %parallel_loop3A_435 = arith.index_cast %parallel_loop3A_434 : i32 to index
          %parallel_loop3A_436 = tpu.vector_load %arg5[%parallel_loop3A_435] {strides = array<i32>} : memref<12800xf32, #tpu.memory_space<vmem>>, vector<16xf32>,
          %parallel_loop3A_437 = arith.constant 0 : i32
          %parallel_loop3A_438 = arith.addi %parallel_loop3A_432, %parallel_loop3A_437 : i32
          %parallel_loop3A_439 = arith.constant 0 : i32
          %parallel_loop3A_440 = arith.constant 0 : i32
          %parallel_loop3A_441 = tpu.memref_slice %arg7[%select_n3A_119, %parallel_loop3A_439, %parallel_loop3A_440] : memref<6x1x16384xf32, #tpu.memory_space<vmem>> -> memref<1x1x16384xf32, #tpu.memory_space<vmem>>
          %parallel_loop3A_442 = tpu.memref_squeeze %parallel_loop3A_441 : memref<1x1x16384xf32, #tpu.memory_space<vmem>> -> memref<1x16384xf32, #tpu.memory_space<vmem>>
          %parallel_loop3A_443 = arith.constant 0 : i32
          %parallel_loop3A_444 = tpu.memref_slice %parallel_loop3A_442[%parallel_loop3A_137, %parallel_loop3A_443] : memref<1x16384xf32, #tpu.memory_space<vmem>> -> memref<1x16384xf32, #tpu.memory_space<vmem>>
          %parallel_loop3A_445 = tpu.memref_squeeze %parallel_loop3A_444 : memref<1x16384xf32, #tpu.memory_space<vmem>> -> memref<16384xf32, #tpu.memory_space<vmem>>
          %parallel_loop3A_446 = arith.index_cast %parallel_loop3A_438 : i32 to index
          %parallel_loop3A_447 = tpu.vector_load %parallel_loop3A_445[%parallel_loop3A_446] {strides = array<i32>} : memref<16384xf32, #tpu.memory_space<vmem>>, vector<16xf32>,
          tpu.vector_store %parallel_loop3A_445[%parallel_loop3A_446], %parallel_loop3A_436 {strides = array<i32>} : memref<16384xf32, #tpu.memory_space<vmem>>, vector<16xf32>,
          %parallel_loop3A_448 = arith.constant 16 : i32
          %parallel_loop3A_449 = arith.addi %parallel_loop3A_426, %parallel_loop3A_448 : i32
          %parallel_loop3A_450 = arith.index_cast %parallel_loop3A_449 : i32 to index
          %parallel_loop3A_451 = tpu.vector_load %arg5[%parallel_loop3A_450] {strides = array<i32>} : memref<12800xf32, #tpu.memory_space<vmem>>, vector<16xf32>,
          %parallel_loop3A_452 = arith.constant 16 : i32
          %parallel_loop3A_453 = arith.addi %parallel_loop3A_432, %parallel_loop3A_452 : i32
          %parallel_loop3A_454 = arith.constant 0 : i32
          %parallel_loop3A_455 = arith.constant 0 : i32
          %parallel_loop3A_456 = tpu.memref_slice %arg7[%select_n3A_119, %parallel_loop3A_454, %parallel_loop3A_455] : memref<6x1x16384xf32, #tpu.memory_space<vmem>> -> memref<1x1x16384xf32, #tpu.memory_space<vmem>>
          %parallel_loop3A_457 = tpu.memref_squeeze %parallel_loop3A_456 : memref<1x1x16384xf32, #tpu.memory_space<vmem>> -> memref<1x16384xf32, #tpu.memory_space<vmem>>
          %parallel_loop3A_458 = arith.constant 0 : i32
          %parallel_loop3A_459 = tpu.memref_slice %parallel_loop3A_457[%parallel_loop3A_137, %parallel_loop3A_458] : memref<1x16384xf32, #tpu.memory_space<vmem>> -> memref<1x16384xf32, #tpu.memory_space<vmem>>
          %parallel_loop3A_460 = tpu.memref_squeeze %parallel_loop3A_459 : memref<1x16384xf32, #tpu.memory_space<vmem>> -> memref<16384xf32, #tpu.memory_space<vmem>>
          %parallel_loop3A_461 = arith.index_cast %parallel_loop3A_453 : i32 to index
          %parallel_loop3A_462 = tpu.vector_load %parallel_loop3A_460[%parallel_loop3A_461] {strides = array<i32>} : memref<16384xf32, #tpu.memory_space<vmem>>, vector<16xf32>,
          tpu.vector_store %parallel_loop3A_460[%parallel_loop3A_461], %parallel_loop3A_451 {strides = array<i32>} : memref<16384xf32, #tpu.memory_space<vmem>>, vector<16xf32>,
          %parallel_loop3A_463 = arith.constant 32 : i32
          %parallel_loop3A_464 = arith.addi %parallel_loop3A_426, %parallel_loop3A_463 : i32
          %parallel_loop3A_465 = arith.index_cast %parallel_loop3A_464 : i32 to index
          %parallel_loop3A_466 = tpu.vector_load %arg5[%parallel_loop3A_465] {strides = array<i32>} : memref<12800xf32, #tpu.memory_space<vmem>>, vector<16xf32>,
          %parallel_loop3A_467 = arith.constant 32 : i32
          %parallel_loop3A_468 = arith.addi %parallel_loop3A_432, %parallel_loop3A_467 : i32
          %parallel_loop3A_469 = arith.constant 0 : i32
          %parallel_loop3A_470 = arith.constant 0 : i32
          %parallel_loop3A_471 = tpu.memref_slice %arg7[%select_n3A_119, %parallel_loop3A_469, %parallel_loop3A_470] : memref<6x1x16384xf32, #tpu.memory_space<vmem>> -> memref<1x1x16384xf32, #tpu.memory_space<vmem>>
          %parallel_loop3A_472 = tpu.memref_squeeze %parallel_loop3A_471 : memref<1x1x16384xf32, #tpu.memory_space<vmem>> -> memref<1x16384xf32, #tpu.memory_space<vmem>>
          %parallel_loop3A_473 = arith.constant 0 : i32
          %parallel_loop3A_474 = tpu.memref_slice %parallel_loop3A_472[%parallel_loop3A_137, %parallel_loop3A_473] : memref<1x16384xf32, #tpu.memory_space<vmem>> -> memref<1x16384xf32, #tpu.memory_space<vmem>>
          %parallel_loop3A_475 = tpu.memref_squeeze %parallel_loop3A_474 : memref<1x16384xf32, #tpu.memory_space<vmem>> -> memref<16384xf32, #tpu.memory_space<vmem>>
          %parallel_loop3A_476 = arith.index_cast %parallel_loop3A_468 : i32 to index
          %parallel_loop3A_477 = tpu.vector_load %parallel_loop3A_475[%parallel_loop3A_476] {strides = array<i32>} : memref<16384xf32, #tpu.memory_space<vmem>>, vector<16xf32>,
          tpu.vector_store %parallel_loop3A_475[%parallel_loop3A_476], %parallel_loop3A_466 {strides = array<i32>} : memref<16384xf32, #tpu.memory_space<vmem>>, vector<16xf32>,
          %parallel_loop3A_478 = arith.constant 48 : i32
          %parallel_loop3A_479 = arith.addi %parallel_loop3A_426, %parallel_loop3A_478 : i32
          %parallel_loop3A_480 = arith.index_cast %parallel_loop3A_479 : i32 to index
          %parallel_loop3A_481 = tpu.vector_load %arg5[%parallel_loop3A_480] {strides = array<i32>} : memref<12800xf32, #tpu.memory_space<vmem>>, vector<16xf32>,
          %parallel_loop3A_482 = arith.constant 48 : i32
          %parallel_loop3A_483 = arith.addi %parallel_loop3A_432, %parallel_loop3A_482 : i32
          %parallel_loop3A_484 = arith.constant 0 : i32
          %parallel_loop3A_485 = arith.constant 0 : i32
          %parallel_loop3A_486 = tpu.memref_slice %arg7[%select_n3A_119, %parallel_loop3A_484, %parallel_loop3A_485] : memref<6x1x16384xf32, #tpu.memory_space<vmem>> -> memref<1x1x16384xf32, #tpu.memory_space<vmem>>
          %parallel_loop3A_487 = tpu.memref_squeeze %parallel_loop3A_486 : memref<1x1x16384xf32, #tpu.memory_space<vmem>> -> memref<1x16384xf32, #tpu.memory_space<vmem>>
          %parallel_loop3A_488 = arith.constant 0 : i32
          %parallel_loop3A_489 = tpu.memref_slice %parallel_loop3A_487[%parallel_loop3A_137, %parallel_loop3A_488] : memref<1x16384xf32, #tpu.memory_space<vmem>> -> memref<1x16384xf32, #tpu.memory_space<vmem>>
          %parallel_loop3A_490 = tpu.memref_squeeze %parallel_loop3A_489 : memref<1x16384xf32, #tpu.memory_space<vmem>> -> memref<16384xf32, #tpu.memory_space<vmem>>
          %parallel_loop3A_491 = arith.index_cast %parallel_loop3A_483 : i32 to index
          %parallel_loop3A_492 = tpu.vector_load %parallel_loop3A_490[%parallel_loop3A_491] {strides = array<i32>} : memref<16384xf32, #tpu.memory_space<vmem>>, vector<16xf32>,
          tpu.vector_store %parallel_loop3A_490[%parallel_loop3A_491], %parallel_loop3A_481 {strides = array<i32>} : memref<16384xf32, #tpu.memory_space<vmem>>, vector<16xf32>,
          %parallel_loop3A_493 = arith.constant 64 : i32
          %parallel_loop3A_494 = arith.addi %parallel_loop3A_426, %parallel_loop3A_493 : i32
          %parallel_loop3A_495 = arith.index_cast %parallel_loop3A_494 : i32 to index
          %parallel_loop3A_496 = tpu.vector_load %arg5[%parallel_loop3A_495] {strides = array<i32>} : memref<12800xf32, #tpu.memory_space<vmem>>, vector<16xf32>,
          %parallel_loop3A_497 = arith.constant 64 : i32
          %parallel_loop3A_498 = arith.addi %parallel_loop3A_432, %parallel_loop3A_497 : i32
          %parallel_loop3A_499 = arith.constant 0 : i32
          %parallel_loop3A_500 = arith.constant 0 : i32
          %parallel_loop3A_501 = tpu.memref_slice %arg7[%select_n3A_119, %parallel_loop3A_499, %parallel_loop3A_500] : memref<6x1x16384xf32, #tpu.memory_space<vmem>> -> memref<1x1x16384xf32, #tpu.memory_space<vmem>>
          %parallel_loop3A_502 = tpu.memref_squeeze %parallel_loop3A_501 : memref<1x1x16384xf32, #tpu.memory_space<vmem>> -> memref<1x16384xf32, #tpu.memory_space<vmem>>
          %parallel_loop3A_503 = arith.constant 0 : i32
          %parallel_loop3A_504 = tpu.memref_slice %parallel_loop3A_502[%parallel_loop3A_137, %parallel_loop3A_503] : memref<1x16384xf32, #tpu.memory_space<vmem>> -> memref<1x16384xf32, #tpu.memory_space<vmem>>
          %parallel_loop3A_505 = tpu.memref_squeeze %parallel_loop3A_504 : memref<1x16384xf32, #tpu.memory_space<vmem>> -> memref<16384xf32, #tpu.memory_space<vmem>>
          %parallel_loop3A_506 = arith.index_cast %parallel_loop3A_498 : i32 to index
          %parallel_loop3A_507 = tpu.vector_load %parallel_loop3A_505[%parallel_loop3A_506] {strides = array<i32>} : memref<16384xf32, #tpu.memory_space<vmem>>, vector<16xf32>,
          tpu.vector_store %parallel_loop3A_505[%parallel_loop3A_506], %parallel_loop3A_496 {strides = array<i32>} : memref<16384xf32, #tpu.memory_space<vmem>>, vector<16xf32>,
          %parallel_loop3A_508 = arith.constant 80 : i32
          %parallel_loop3A_509 = arith.addi %parallel_loop3A_426, %parallel_loop3A_508 : i32
          %parallel_loop3A_510 = arith.index_cast %parallel_loop3A_509 : i32 to index
          %parallel_loop3A_511 = tpu.vector_load %arg5[%parallel_loop3A_510] {strides = array<i32>} : memref<12800xf32, #tpu.memory_space<vmem>>, vector<16xf32>,
          %parallel_loop3A_512 = arith.constant 80 : i32
          %parallel_loop3A_513 = arith.addi %parallel_loop3A_432, %parallel_loop3A_512 : i32
          %parallel_loop3A_514 = arith.constant 0 : i32
          %parallel_loop3A_515 = arith.constant 0 : i32
          %parallel_loop3A_516 = tpu.memref_slice %arg7[%select_n3A_119, %parallel_loop3A_514, %parallel_loop3A_515] : memref<6x1x16384xf32, #tpu.memory_space<vmem>> -> memref<1x1x16384xf32, #tpu.memory_space<vmem>>
          %parallel_loop3A_517 = tpu.memref_squeeze %parallel_loop3A_516 : memref<1x1x16384xf32, #tpu.memory_space<vmem>> -> memref<1x16384xf32, #tpu.memory_space<vmem>>
          %parallel_loop3A_518 = arith.constant 0 : i32
          %parallel_loop3A_519 = tpu.memref_slice %parallel_loop3A_517[%parallel_loop3A_137, %parallel_loop3A_518] : memref<1x16384xf32, #tpu.memory_space<vmem>> -> memref<1x16384xf32, #tpu.memory_space<vmem>>
          %parallel_loop3A_520 = tpu.memref_squeeze %parallel_loop3A_519 : memref<1x16384xf32, #tpu.memory_space<vmem>> -> memref<16384xf32, #tpu.memory_space<vmem>>
          %parallel_loop3A_521 = arith.index_cast %parallel_loop3A_513 : i32 to index
          %parallel_loop3A_522 = tpu.vector_load %parallel_loop3A_520[%parallel_loop3A_521] {strides = array<i32>} : memref<16384xf32, #tpu.memory_space<vmem>>, vector<16xf32>,
          tpu.vector_store %parallel_loop3A_520[%parallel_loop3A_521], %parallel_loop3A_511 {strides = array<i32>} : memref<16384xf32, #tpu.memory_space<vmem>>, vector<16xf32>,
          %parallel_loop3A_523 = arith.constant 96 : i32
          %parallel_loop3A_524 = arith.addi %parallel_loop3A_426, %parallel_loop3A_523 : i32
          %parallel_loop3A_525 = arith.index_cast %parallel_loop3A_524 : i32 to index
          %parallel_loop3A_526 = tpu.vector_load %arg5[%parallel_loop3A_525] {strides = array<i32>} : memref<12800xf32, #tpu.memory_space<vmem>>, vector<16xf32>,
          %parallel_loop3A_527 = arith.constant 96 : i32
          %parallel_loop3A_528 = arith.addi %parallel_loop3A_432, %parallel_loop3A_527 : i32
          %parallel_loop3A_529 = arith.constant 0 : i32
          %parallel_loop3A_530 = arith.constant 0 : i32
          %parallel_loop3A_531 = tpu.memref_slice %arg7[%select_n3A_119, %parallel_loop3A_529, %parallel_loop3A_530] : memref<6x1x16384xf32, #tpu.memory_space<vmem>> -> memref<1x1x16384xf32, #tpu.memory_space<vmem>>
          %parallel_loop3A_532 = tpu.memref_squeeze %parallel_loop3A_531 : memref<1x1x16384xf32, #tpu.memory_space<vmem>> -> memref<1x16384xf32, #tpu.memory_space<vmem>>
          %parallel_loop3A_533 = arith.constant 0 : i32
          %parallel_loop3A_534 = tpu.memref_slice %parallel_loop3A_532[%parallel_loop3A_137, %parallel_loop3A_533] : memref<1x16384xf32, #tpu.memory_space<vmem>> -> memref<1x16384xf32, #tpu.memory_space<vmem>>
          %parallel_loop3A_535 = tpu.memref_squeeze %parallel_loop3A_534 : memref<1x16384xf32, #tpu.memory_space<vmem>> -> memref<16384xf32, #tpu.memory_space<vmem>>
          %parallel_loop3A_536 = arith.index_cast %parallel_loop3A_528 : i32 to index
          %parallel_loop3A_537 = tpu.vector_load %parallel_loop3A_535[%parallel_loop3A_536] {strides = array<i32>} : memref<16384xf32, #tpu.memory_space<vmem>>, vector<16xf32>,
          tpu.vector_store %parallel_loop3A_535[%parallel_loop3A_536], %parallel_loop3A_526 {strides = array<i32>} : memref<16384xf32, #tpu.memory_space<vmem>>, vector<16xf32>,
          %parallel_loop3A_538 = arith.constant 112 : i32
          %parallel_loop3A_539 = arith.addi %parallel_loop3A_426, %parallel_loop3A_538 : i32
          %parallel_loop3A_540 = arith.index_cast %parallel_loop3A_539 : i32 to index
          %parallel_loop3A_541 = tpu.vector_load %arg5[%parallel_loop3A_540] {strides = array<i32>} : memref<12800xf32, #tpu.memory_space<vmem>>, vector<16xf32>,
          %parallel_loop3A_542 = arith.constant 112 : i32
          %parallel_loop3A_543 = arith.addi %parallel_loop3A_432, %parallel_loop3A_542 : i32
          %parallel_loop3A_544 = arith.constant 0 : i32
          %parallel_loop3A_545 = arith.constant 0 : i32
          %parallel_loop3A_546 = tpu.memref_slice %arg7[%select_n3A_119, %parallel_loop3A_544, %parallel_loop3A_545] : memref<6x1x16384xf32, #tpu.memory_space<vmem>> -> memref<1x1x16384xf32, #tpu.memory_space<vmem>>
          %parallel_loop3A_547 = tpu.memref_squeeze %parallel_loop3A_546 : memref<1x1x16384xf32, #tpu.memory_space<vmem>> -> memref<1x16384xf32, #tpu.memory_space<vmem>>
          %parallel_loop3A_548 = arith.constant 0 : i32
          %parallel_loop3A_549 = tpu.memref_slice %parallel_loop3A_547[%parallel_loop3A_137, %parallel_loop3A_548] : memref<1x16384xf32, #tpu.memory_space<vmem>> -> memref<1x16384xf32, #tpu.memory_space<vmem>>
          %parallel_loop3A_550 = tpu.memref_squeeze %parallel_loop3A_549 : memref<1x16384xf32, #tpu.memory_space<vmem>> -> memref<16384xf32, #tpu.memory_space<vmem>>
          %parallel_loop3A_551 = arith.index_cast %parallel_loop3A_543 : i32 to index
          %parallel_loop3A_552 = tpu.vector_load %parallel_loop3A_550[%parallel_loop3A_551] {strides = array<i32>} : memref<16384xf32, #tpu.memory_space<vmem>>, vector<16xf32>,
          tpu.vector_store %parallel_loop3A_550[%parallel_loop3A_551], %parallel_loop3A_541 {strides = array<i32>} : memref<16384xf32, #tpu.memory_space<vmem>>, vector<16xf32>,
          %parallel_loop3A_553 = vector.extract_strided_slice %parallel_loop3A_168 {offsets = [3], sizes = [1], strides = [1]} : vector<16xi32> to vector<1xi32>
          %parallel_loop3A_554 = vector.extract %parallel_loop3A_553[0] : i32 from vector<1xi32>
          %parallel_loop3A_555 = arith.constant 16 : i32
          %parallel_loop3A_556 = arith.muli %parallel_loop3A_156, %parallel_loop3A_555 : i32
          %parallel_loop3A_557 = arith.constant 128 : i32
          %parallel_loop3A_558 = arith.muli %parallel_loop3A_556, %parallel_loop3A_557 : i32
          %parallel_loop3A_559 = arith.constant 384 : i32
          %parallel_loop3A_560 = arith.addi %parallel_loop3A_558, %parallel_loop3A_559 : i32
          %parallel_loop3A_561 = arith.constant 0 : i32
          %parallel_loop3A_562 = arith.addi %parallel_loop3A_554, %parallel_loop3A_561 : i32
          %parallel_loop3A_563 = arith.index_cast %parallel_loop3A_562 : i32 to index
          %parallel_loop3A_564 = tpu.vector_load %arg5[%parallel_loop3A_563] {strides = array<i32>} : memref<12800xf32, #tpu.memory_space<vmem>>, vector<16xf32>,
          %parallel_loop3A_565 = arith.constant 0 : i32
          %parallel_loop3A_566 = arith.addi %parallel_loop3A_560, %parallel_loop3A_565 : i32
          %parallel_loop3A_567 = arith.constant 0 : i32
          %parallel_loop3A_568 = arith.constant 0 : i32
          %parallel_loop3A_569 = tpu.memref_slice %arg7[%select_n3A_119, %parallel_loop3A_567, %parallel_loop3A_568] : memref<6x1x16384xf32, #tpu.memory_space<vmem>> -> memref<1x1x16384xf32, #tpu.memory_space<vmem>>
          %parallel_loop3A_570 = tpu.memref_squeeze %parallel_loop3A_569 : memref<1x1x16384xf32, #tpu.memory_space<vmem>> -> memref<1x16384xf32, #tpu.memory_space<vmem>>
          %parallel_loop3A_571 = arith.constant 0 : i32
          %parallel_loop3A_572 = tpu.memref_slice %parallel_loop3A_570[%parallel_loop3A_137, %parallel_loop3A_571] : memref<1x16384xf32, #tpu.memory_space<vmem>> -> memref<1x16384xf32, #tpu.memory_space<vmem>>
          %parallel_loop3A_573 = tpu.memref_squeeze %parallel_loop3A_572 : memref<1x16384xf32, #tpu.memory_space<vmem>> -> memref<16384xf32, #tpu.memory_space<vmem>>
          %parallel_loop3A_574 = arith.index_cast %parallel_loop3A_566 : i32 to index
          %parallel_loop3A_575 = tpu.vector_load %parallel_loop3A_573[%parallel_loop3A_574] {strides = array<i32>} : memref<16384xf32, #tpu.memory_space<vmem>>, vector<16xf32>,
          tpu.vector_store %parallel_loop3A_573[%parallel_loop3A_574], %parallel_loop3A_564 {strides = array<i32>} : memref<16384xf32, #tpu.memory_space<vmem>>, vector<16xf32>,
          %parallel_loop3A_576 = arith.constant 16 : i32
          %parallel_loop3A_577 = arith.addi %parallel_loop3A_554, %parallel_loop3A_576 : i32
          %parallel_loop3A_578 = arith.index_cast %parallel_loop3A_577 : i32 to index
          %parallel_loop3A_579 = tpu.vector_load %arg5[%parallel_loop3A_578] {strides = array<i32>} : memref<12800xf32, #tpu.memory_space<vmem>>, vector<16xf32>,
          %parallel_loop3A_580 = arith.constant 16 : i32
          %parallel_loop3A_581 = arith.addi %parallel_loop3A_560, %parallel_loop3A_580 : i32
          %parallel_loop3A_582 = arith.constant 0 : i32
          %parallel_loop3A_583 = arith.constant 0 : i32
          %parallel_loop3A_584 = tpu.memref_slice %arg7[%select_n3A_119, %parallel_loop3A_582, %parallel_loop3A_583] : memref<6x1x16384xf32, #tpu.memory_space<vmem>> -> memref<1x1x16384xf32, #tpu.memory_space<vmem>>
          %parallel_loop3A_585 = tpu.memref_squeeze %parallel_loop3A_584 : memref<1x1x16384xf32, #tpu.memory_space<vmem>> -> memref<1x16384xf32, #tpu.memory_space<vmem>>
          %parallel_loop3A_586 = arith.constant 0 : i32
          %parallel_loop3A_587 = tpu.memref_slice %parallel_loop3A_585[%parallel_loop3A_137, %parallel_loop3A_586] : memref<1x16384xf32, #tpu.memory_space<vmem>> -> memref<1x16384xf32, #tpu.memory_space<vmem>>
          %parallel_loop3A_588 = tpu.memref_squeeze %parallel_loop3A_587 : memref<1x16384xf32, #tpu.memory_space<vmem>> -> memref<16384xf32, #tpu.memory_space<vmem>>
          %parallel_loop3A_589 = arith.index_cast %parallel_loop3A_581 : i32 to index
          %parallel_loop3A_590 = tpu.vector_load %parallel_loop3A_588[%parallel_loop3A_589] {strides = array<i32>} : memref<16384xf32, #tpu.memory_space<vmem>>, vector<16xf32>,
          tpu.vector_store %parallel_loop3A_588[%parallel_loop3A_589], %parallel_loop3A_579 {strides = array<i32>} : memref<16384xf32, #tpu.memory_space<vmem>>, vector<16xf32>,
          %parallel_loop3A_591 = arith.constant 32 : i32
          %parallel_loop3A_592 = arith.addi %parallel_loop3A_554, %parallel_loop3A_591 : i32
          %parallel_loop3A_593 = arith.index_cast %parallel_loop3A_592 : i32 to index
          %parallel_loop3A_594 = tpu.vector_load %arg5[%parallel_loop3A_593] {strides = array<i32>} : memref<12800xf32, #tpu.memory_space<vmem>>, vector<16xf32>,
          %parallel_loop3A_595 = arith.constant 32 : i32
          %parallel_loop3A_596 = arith.addi %parallel_loop3A_560, %parallel_loop3A_595 : i32
          %parallel_loop3A_597 = arith.constant 0 : i32
          %parallel_loop3A_598 = arith.constant 0 : i32
          %parallel_loop3A_599 = tpu.memref_slice %arg7[%select_n3A_119, %parallel_loop3A_597, %parallel_loop3A_598] : memref<6x1x16384xf32, #tpu.memory_space<vmem>> -> memref<1x1x16384xf32, #tpu.memory_space<vmem>>
          %parallel_loop3A_600 = tpu.memref_squeeze %parallel_loop3A_599 : memref<1x1x16384xf32, #tpu.memory_space<vmem>> -> memref<1x16384xf32, #tpu.memory_space<vmem>>
          %parallel_loop3A_601 = arith.constant 0 : i32
          %parallel_loop3A_602 = tpu.memref_slice %parallel_loop3A_600[%parallel_loop3A_137, %parallel_loop3A_601] : memref<1x16384xf32, #tpu.memory_space<vmem>> -> memref<1x16384xf32, #tpu.memory_space<vmem>>
          %parallel_loop3A_603 = tpu.memref_squeeze %parallel_loop3A_602 : memref<1x16384xf32, #tpu.memory_space<vmem>> -> memref<16384xf32, #tpu.memory_space<vmem>>
          %parallel_loop3A_604 = arith.index_cast %parallel_loop3A_596 : i32 to index
          %parallel_loop3A_605 = tpu.vector_load %parallel_loop3A_603[%parallel_loop3A_604] {strides = array<i32>} : memref<16384xf32, #tpu.memory_space<vmem>>, vector<16xf32>,
          tpu.vector_store %parallel_loop3A_603[%parallel_loop3A_604], %parallel_loop3A_594 {strides = array<i32>} : memref<16384xf32, #tpu.memory_space<vmem>>, vector<16xf32>,
          %parallel_loop3A_606 = arith.constant 48 : i32
          %parallel_loop3A_607 = arith.addi %parallel_loop3A_554, %parallel_loop3A_606 : i32
          %parallel_loop3A_608 = arith.index_cast %parallel_loop3A_607 : i32 to index
          %parallel_loop3A_609 = tpu.vector_load %arg5[%parallel_loop3A_608] {strides = array<i32>} : memref<12800xf32, #tpu.memory_space<vmem>>, vector<16xf32>,
          %parallel_loop3A_610 = arith.constant 48 : i32
          %parallel_loop3A_611 = arith.addi %parallel_loop3A_560, %parallel_loop3A_610 : i32
          %parallel_loop3A_612 = arith.constant 0 : i32
          %parallel_loop3A_613 = arith.constant 0 : i32
          %parallel_loop3A_614 = tpu.memref_slice %arg7[%select_n3A_119, %parallel_loop3A_612, %parallel_loop3A_613] : memref<6x1x16384xf32, #tpu.memory_space<vmem>> -> memref<1x1x16384xf32, #tpu.memory_space<vmem>>
          %parallel_loop3A_615 = tpu.memref_squeeze %parallel_loop3A_614 : memref<1x1x16384xf32, #tpu.memory_space<vmem>> -> memref<1x16384xf32, #tpu.memory_space<vmem>>
          %parallel_loop3A_616 = arith.constant 0 : i32
          %parallel_loop3A_617 = tpu.memref_slice %parallel_loop3A_615[%parallel_loop3A_137, %parallel_loop3A_616] : memref<1x16384xf32, #tpu.memory_space<vmem>> -> memref<1x16384xf32, #tpu.memory_space<vmem>>
          %parallel_loop3A_618 = tpu.memref_squeeze %parallel_loop3A_617 : memref<1x16384xf32, #tpu.memory_space<vmem>> -> memref<16384xf32, #tpu.memory_space<vmem>>
          %parallel_loop3A_619 = arith.index_cast %parallel_loop3A_611 : i32 to index
          %parallel_loop3A_620 = tpu.vector_load %parallel_loop3A_618[%parallel_loop3A_619] {strides = array<i32>} : memref<16384xf32, #tpu.memory_space<vmem>>, vector<16xf32>,
          tpu.vector_store %parallel_loop3A_618[%parallel_loop3A_619], %parallel_loop3A_609 {strides = array<i32>} : memref<16384xf32, #tpu.memory_space<vmem>>, vector<16xf32>,
          %parallel_loop3A_621 = arith.constant 64 : i32
          %parallel_loop3A_622 = arith.addi %parallel_loop3A_554, %parallel_loop3A_621 : i32
          %parallel_loop3A_623 = arith.index_cast %parallel_loop3A_622 : i32 to index
          %parallel_loop3A_624 = tpu.vector_load %arg5[%parallel_loop3A_623] {strides = array<i32>} : memref<12800xf32, #tpu.memory_space<vmem>>, vector<16xf32>,
          %parallel_loop3A_625 = arith.constant 64 : i32
          %parallel_loop3A_626 = arith.addi %parallel_loop3A_560, %parallel_loop3A_625 : i32
          %parallel_loop3A_627 = arith.constant 0 : i32
          %parallel_loop3A_628 = arith.constant 0 : i32
          %parallel_loop3A_629 = tpu.memref_slice %arg7[%select_n3A_119, %parallel_loop3A_627, %parallel_loop3A_628] : memref<6x1x16384xf32, #tpu.memory_space<vmem>> -> memref<1x1x16384xf32, #tpu.memory_space<vmem>>
          %parallel_loop3A_630 = tpu.memref_squeeze %parallel_loop3A_629 : memref<1x1x16384xf32, #tpu.memory_space<vmem>> -> memref<1x16384xf32, #tpu.memory_space<vmem>>
          %parallel_loop3A_631 = arith.constant 0 : i32
          %parallel_loop3A_632 = tpu.memref_slice %parallel_loop3A_630[%parallel_loop3A_137, %parallel_loop3A_631] : memref<1x16384xf32, #tpu.memory_space<vmem>> -> memref<1x16384xf32, #tpu.memory_space<vmem>>
          %parallel_loop3A_633 = tpu.memref_squeeze %parallel_loop3A_632 : memref<1x16384xf32, #tpu.memory_space<vmem>> -> memref<16384xf32, #tpu.memory_space<vmem>>
          %parallel_loop3A_634 = arith.index_cast %parallel_loop3A_626 : i32 to index
          %parallel_loop3A_635 = tpu.vector_load %parallel_loop3A_633[%parallel_loop3A_634] {strides = array<i32>} : memref<16384xf32, #tpu.memory_space<vmem>>, vector<16xf32>,
          tpu.vector_store %parallel_loop3A_633[%parallel_loop3A_634], %parallel_loop3A_624 {strides = array<i32>} : memref<16384xf32, #tpu.memory_space<vmem>>, vector<16xf32>,
          %parallel_loop3A_636 = arith.constant 80 : i32
          %parallel_loop3A_637 = arith.addi %parallel_loop3A_554, %parallel_loop3A_636 : i32
          %parallel_loop3A_638 = arith.index_cast %parallel_loop3A_637 : i32 to index
          %parallel_loop3A_639 = tpu.vector_load %arg5[%parallel_loop3A_638] {strides = array<i32>} : memref<12800xf32, #tpu.memory_space<vmem>>, vector<16xf32>,
          %parallel_loop3A_640 = arith.constant 80 : i32
          %parallel_loop3A_641 = arith.addi %parallel_loop3A_560, %parallel_loop3A_640 : i32
          %parallel_loop3A_642 = arith.constant 0 : i32
          %parallel_loop3A_643 = arith.constant 0 : i32
          %parallel_loop3A_644 = tpu.memref_slice %arg7[%select_n3A_119, %parallel_loop3A_642, %parallel_loop3A_643] : memref<6x1x16384xf32, #tpu.memory_space<vmem>> -> memref<1x1x16384xf32, #tpu.memory_space<vmem>>
          %parallel_loop3A_645 = tpu.memref_squeeze %parallel_loop3A_644 : memref<1x1x16384xf32, #tpu.memory_space<vmem>> -> memref<1x16384xf32, #tpu.memory_space<vmem>>
          %parallel_loop3A_646 = arith.constant 0 : i32
          %parallel_loop3A_647 = tpu.memref_slice %parallel_loop3A_645[%parallel_loop3A_137, %parallel_loop3A_646] : memref<1x16384xf32, #tpu.memory_space<vmem>> -> memref<1x16384xf32, #tpu.memory_space<vmem>>
          %parallel_loop3A_648 = tpu.memref_squeeze %parallel_loop3A_647 : memref<1x16384xf32, #tpu.memory_space<vmem>> -> memref<16384xf32, #tpu.memory_space<vmem>>
          %parallel_loop3A_649 = arith.index_cast %parallel_loop3A_641 : i32 to index
          %parallel_loop3A_650 = tpu.vector_load %parallel_loop3A_648[%parallel_loop3A_649] {strides = array<i32>} : memref<16384xf32, #tpu.memory_space<vmem>>, vector<16xf32>,
          tpu.vector_store %parallel_loop3A_648[%parallel_loop3A_649], %parallel_loop3A_639 {strides = array<i32>} : memref<16384xf32, #tpu.memory_space<vmem>>, vector<16xf32>,
          %parallel_loop3A_651 = arith.constant 96 : i32
          %parallel_loop3A_652 = arith.addi %parallel_loop3A_554, %parallel_loop3A_651 : i32
          %parallel_loop3A_653 = arith.index_cast %parallel_loop3A_652 : i32 to index
          %parallel_loop3A_654 = tpu.vector_load %arg5[%parallel_loop3A_653] {strides = array<i32>} : memref<12800xf32, #tpu.memory_space<vmem>>, vector<16xf32>,
          %parallel_loop3A_655 = arith.constant 96 : i32
          %parallel_loop3A_656 = arith.addi %parallel_loop3A_560, %parallel_loop3A_655 : i32
          %parallel_loop3A_657 = arith.constant 0 : i32
          %parallel_loop3A_658 = arith.constant 0 : i32
          %parallel_loop3A_659 = tpu.memref_slice %arg7[%select_n3A_119, %parallel_loop3A_657, %parallel_loop3A_658] : memref<6x1x16384xf32, #tpu.memory_space<vmem>> -> memref<1x1x16384xf32, #tpu.memory_space<vmem>>
          %parallel_loop3A_660 = tpu.memref_squeeze %parallel_loop3A_659 : memref<1x1x16384xf32, #tpu.memory_space<vmem>> -> memref<1x16384xf32, #tpu.memory_space<vmem>>
          %parallel_loop3A_661 = arith.constant 0 : i32
          %parallel_loop3A_662 = tpu.memref_slice %parallel_loop3A_660[%parallel_loop3A_137, %parallel_loop3A_661] : memref<1x16384xf32, #tpu.memory_space<vmem>> -> memref<1x16384xf32, #tpu.memory_space<vmem>>
          %parallel_loop3A_663 = tpu.memref_squeeze %parallel_loop3A_662 : memref<1x16384xf32, #tpu.memory_space<vmem>> -> memref<16384xf32, #tpu.memory_space<vmem>>
          %parallel_loop3A_664 = arith.index_cast %parallel_loop3A_656 : i32 to index
          %parallel_loop3A_665 = tpu.vector_load %parallel_loop3A_663[%parallel_loop3A_664] {strides = array<i32>} : memref<16384xf32, #tpu.memory_space<vmem>>, vector<16xf32>,
          tpu.vector_store %parallel_loop3A_663[%parallel_loop3A_664], %parallel_loop3A_654 {strides = array<i32>} : memref<16384xf32, #tpu.memory_space<vmem>>, vector<16xf32>,
          %parallel_loop3A_666 = arith.constant 112 : i32
          %parallel_loop3A_667 = arith.addi %parallel_loop3A_554, %parallel_loop3A_666 : i32
          %parallel_loop3A_668 = arith.index_cast %parallel_loop3A_667 : i32 to index
          %parallel_loop3A_669 = tpu.vector_load %arg5[%parallel_loop3A_668] {strides = array<i32>} : memref<12800xf32, #tpu.memory_space<vmem>>, vector<16xf32>,
          %parallel_loop3A_670 = arith.constant 112 : i32
          %parallel_loop3A_671 = arith.addi %parallel_loop3A_560, %parallel_loop3A_670 : i32
          %parallel_loop3A_672 = arith.constant 0 : i32
          %parallel_loop3A_673 = arith.constant 0 : i32
          %parallel_loop3A_674 = tpu.memref_slice %arg7[%select_n3A_119, %parallel_loop3A_672, %parallel_loop3A_673] : memref<6x1x16384xf32, #tpu.memory_space<vmem>> -> memref<1x1x16384xf32, #tpu.memory_space<vmem>>
          %parallel_loop3A_675 = tpu.memref_squeeze %parallel_loop3A_674 : memref<1x1x16384xf32, #tpu.memory_space<vmem>> -> memref<1x16384xf32, #tpu.memory_space<vmem>>
          %parallel_loop3A_676 = arith.constant 0 : i32
          %parallel_loop3A_677 = tpu.memref_slice %parallel_loop3A_675[%parallel_loop3A_137, %parallel_loop3A_676] : memref<1x16384xf32, #tpu.memory_space<vmem>> -> memref<1x16384xf32, #tpu.memory_space<vmem>>
          %parallel_loop3A_678 = tpu.memref_squeeze %parallel_loop3A_677 : memref<1x16384xf32, #tpu.memory_space<vmem>> -> memref<16384xf32, #tpu.memory_space<vmem>>
          %parallel_loop3A_679 = arith.index_cast %parallel_loop3A_671 : i32 to index
          %parallel_loop3A_680 = tpu.vector_load %parallel_loop3A_678[%parallel_loop3A_679] {strides = array<i32>} : memref<16384xf32, #tpu.memory_space<vmem>>, vector<16xf32>,
          tpu.vector_store %parallel_loop3A_678[%parallel_loop3A_679], %parallel_loop3A_669 {strides = array<i32>} : memref<16384xf32, #tpu.memory_space<vmem>>, vector<16xf32>,
          %parallel_loop3A_681 = vector.extract_strided_slice %parallel_loop3A_168 {offsets = [4], sizes = [1], strides = [1]} : vector<16xi32> to vector<1xi32>
          %parallel_loop3A_682 = vector.extract %parallel_loop3A_681[0] : i32 from vector<1xi32>
          %parallel_loop3A_683 = arith.constant 16 : i32
          %parallel_loop3A_684 = arith.muli %parallel_loop3A_156, %parallel_loop3A_683 : i32
          %parallel_loop3A_685 = arith.constant 128 : i32
          %parallel_loop3A_686 = arith.muli %parallel_loop3A_684, %parallel_loop3A_685 : i32
          %parallel_loop3A_687 = arith.constant 512 : i32
          %parallel_loop3A_688 = arith.addi %parallel_loop3A_686, %parallel_loop3A_687 : i32
          %parallel_loop3A_689 = arith.constant 0 : i32
          %parallel_loop3A_690 = arith.addi %parallel_loop3A_682, %parallel_loop3A_689 : i32
          %parallel_loop3A_691 = arith.index_cast %parallel_loop3A_690 : i32 to index
          %parallel_loop3A_692 = tpu.vector_load %arg5[%parallel_loop3A_691] {strides = array<i32>} : memref<12800xf32, #tpu.memory_space<vmem>>, vector<16xf32>,
          %parallel_loop3A_693 = arith.constant 0 : i32
          %parallel_loop3A_694 = arith.addi %parallel_loop3A_688, %parallel_loop3A_693 : i32
          %parallel_loop3A_695 = arith.constant 0 : i32
          %parallel_loop3A_696 = arith.constant 0 : i32
          %parallel_loop3A_697 = tpu.memref_slice %arg7[%select_n3A_119, %parallel_loop3A_695, %parallel_loop3A_696] : memref<6x1x16384xf32, #tpu.memory_space<vmem>> -> memref<1x1x16384xf32, #tpu.memory_space<vmem>>
          %parallel_loop3A_698 = tpu.memref_squeeze %parallel_loop3A_697 : memref<1x1x16384xf32, #tpu.memory_space<vmem>> -> memref<1x16384xf32, #tpu.memory_space<vmem>>
          %parallel_loop3A_699 = arith.constant 0 : i32
          %parallel_loop3A_700 = tpu.memref_slice %parallel_loop3A_698[%parallel_loop3A_137, %parallel_loop3A_699] : memref<1x16384xf32, #tpu.memory_space<vmem>> -> memref<1x16384xf32, #tpu.memory_space<vmem>>
          %parallel_loop3A_701 = tpu.memref_squeeze %parallel_loop3A_700 : memref<1x16384xf32, #tpu.memory_space<vmem>> -> memref<16384xf32, #tpu.memory_space<vmem>>
          %parallel_loop3A_702 = arith.index_cast %parallel_loop3A_694 : i32 to index
          %parallel_loop3A_703 = tpu.vector_load %parallel_loop3A_701[%parallel_loop3A_702] {strides = array<i32>} : memref<16384xf32, #tpu.memory_space<vmem>>, vector<16xf32>,
          tpu.vector_store %parallel_loop3A_701[%parallel_loop3A_702], %parallel_loop3A_692 {strides = array<i32>} : memref<16384xf32, #tpu.memory_space<vmem>>, vector<16xf32>,
          %parallel_loop3A_704 = arith.constant 16 : i32
          %parallel_loop3A_705 = arith.addi %parallel_loop3A_682, %parallel_loop3A_704 : i32
          %parallel_loop3A_706 = arith.index_cast %parallel_loop3A_705 : i32 to index
          %parallel_loop3A_707 = tpu.vector_load %arg5[%parallel_loop3A_706] {strides = array<i32>} : memref<12800xf32, #tpu.memory_space<vmem>>, vector<16xf32>,
          %parallel_loop3A_708 = arith.constant 16 : i32
          %parallel_loop3A_709 = arith.addi %parallel_loop3A_688, %parallel_loop3A_708 : i32
          %parallel_loop3A_710 = arith.constant 0 : i32
          %parallel_loop3A_711 = arith.constant 0 : i32
          %parallel_loop3A_712 = tpu.memref_slice %arg7[%select_n3A_119, %parallel_loop3A_710, %parallel_loop3A_711] : memref<6x1x16384xf32, #tpu.memory_space<vmem>> -> memref<1x1x16384xf32, #tpu.memory_space<vmem>>
          %parallel_loop3A_713 = tpu.memref_squeeze %parallel_loop3A_712 : memref<1x1x16384xf32, #tpu.memory_space<vmem>> -> memref<1x16384xf32, #tpu.memory_space<vmem>>
          %parallel_loop3A_714 = arith.constant 0 : i32
          %parallel_loop3A_715 = tpu.memref_slice %parallel_loop3A_713[%parallel_loop3A_137, %parallel_loop3A_714] : memref<1x16384xf32, #tpu.memory_space<vmem>> -> memref<1x16384xf32, #tpu.memory_space<vmem>>
          %parallel_loop3A_716 = tpu.memref_squeeze %parallel_loop3A_715 : memref<1x16384xf32, #tpu.memory_space<vmem>> -> memref<16384xf32, #tpu.memory_space<vmem>>
          %parallel_loop3A_717 = arith.index_cast %parallel_loop3A_709 : i32 to index
          %parallel_loop3A_718 = tpu.vector_load %parallel_loop3A_716[%parallel_loop3A_717] {strides = array<i32>} : memref<16384xf32, #tpu.memory_space<vmem>>, vector<16xf32>,
          tpu.vector_store %parallel_loop3A_716[%parallel_loop3A_717], %parallel_loop3A_707 {strides = array<i32>} : memref<16384xf32, #tpu.memory_space<vmem>>, vector<16xf32>,
          %parallel_loop3A_719 = arith.constant 32 : i32
          %parallel_loop3A_720 = arith.addi %parallel_loop3A_682, %parallel_loop3A_719 : i32
          %parallel_loop3A_721 = arith.index_cast %parallel_loop3A_720 : i32 to index
          %parallel_loop3A_722 = tpu.vector_load %arg5[%parallel_loop3A_721] {strides = array<i32>} : memref<12800xf32, #tpu.memory_space<vmem>>, vector<16xf32>,
          %parallel_loop3A_723 = arith.constant 32 : i32
          %parallel_loop3A_724 = arith.addi %parallel_loop3A_688, %parallel_loop3A_723 : i32
          %parallel_loop3A_725 = arith.constant 0 : i32
          %parallel_loop3A_726 = arith.constant 0 : i32
          %parallel_loop3A_727 = tpu.memref_slice %arg7[%select_n3A_119, %parallel_loop3A_725, %parallel_loop3A_726] : memref<6x1x16384xf32, #tpu.memory_space<vmem>> -> memref<1x1x16384xf32, #tpu.memory_space<vmem>>
          %parallel_loop3A_728 = tpu.memref_squeeze %parallel_loop3A_727 : memref<1x1x16384xf32, #tpu.memory_space<vmem>> -> memref<1x16384xf32, #tpu.memory_space<vmem>>
          %parallel_loop3A_729 = arith.constant 0 : i32
          %parallel_loop3A_730 = tpu.memref_slice %parallel_loop3A_728[%parallel_loop3A_137, %parallel_loop3A_729] : memref<1x16384xf32, #tpu.memory_space<vmem>> -> memref<1x16384xf32, #tpu.memory_space<vmem>>
          %parallel_loop3A_731 = tpu.memref_squeeze %parallel_loop3A_730 : memref<1x16384xf32, #tpu.memory_space<vmem>> -> memref<16384xf32, #tpu.memory_space<vmem>>
          %parallel_loop3A_732 = arith.index_cast %parallel_loop3A_724 : i32 to index
          %parallel_loop3A_733 = tpu.vector_load %parallel_loop3A_731[%parallel_loop3A_732] {strides = array<i32>} : memref<16384xf32, #tpu.memory_space<vmem>>, vector<16xf32>,
          tpu.vector_store %parallel_loop3A_731[%parallel_loop3A_732], %parallel_loop3A_722 {strides = array<i32>} : memref<16384xf32, #tpu.memory_space<vmem>>, vector<16xf32>,
          %parallel_loop3A_734 = arith.constant 48 : i32
          %parallel_loop3A_735 = arith.addi %parallel_loop3A_682, %parallel_loop3A_734 : i32
          %parallel_loop3A_736 = arith.index_cast %parallel_loop3A_735 : i32 to index
          %parallel_loop3A_737 = tpu.vector_load %arg5[%parallel_loop3A_736] {strides = array<i32>} : memref<12800xf32, #tpu.memory_space<vmem>>, vector<16xf32>,
          %parallel_loop3A_738 = arith.constant 48 : i32
          %parallel_loop3A_739 = arith.addi %parallel_loop3A_688, %parallel_loop3A_738 : i32
          %parallel_loop3A_740 = arith.constant 0 : i32
          %parallel_loop3A_741 = arith.constant 0 : i32
          %parallel_loop3A_742 = tpu.memref_slice %arg7[%select_n3A_119, %parallel_loop3A_740, %parallel_loop3A_741] : memref<6x1x16384xf32, #tpu.memory_space<vmem>> -> memref<1x1x16384xf32, #tpu.memory_space<vmem>>
          %parallel_loop3A_743 = tpu.memref_squeeze %parallel_loop3A_742 : memref<1x1x16384xf32, #tpu.memory_space<vmem>> -> memref<1x16384xf32, #tpu.memory_space<vmem>>
          %parallel_loop3A_744 = arith.constant 0 : i32
          %parallel_loop3A_745 = tpu.memref_slice %parallel_loop3A_743[%parallel_loop3A_137, %parallel_loop3A_744] : memref<1x16384xf32, #tpu.memory_space<vmem>> -> memref<1x16384xf32, #tpu.memory_space<vmem>>
          %parallel_loop3A_746 = tpu.memref_squeeze %parallel_loop3A_745 : memref<1x16384xf32, #tpu.memory_space<vmem>> -> memref<16384xf32, #tpu.memory_space<vmem>>
          %parallel_loop3A_747 = arith.index_cast %parallel_loop3A_739 : i32 to index
          %parallel_loop3A_748 = tpu.vector_load %parallel_loop3A_746[%parallel_loop3A_747] {strides = array<i32>} : memref<16384xf32, #tpu.memory_space<vmem>>, vector<16xf32>,
          tpu.vector_store %parallel_loop3A_746[%parallel_loop3A_747], %parallel_loop3A_737 {strides = array<i32>} : memref<16384xf32, #tpu.memory_space<vmem>>, vector<16xf32>,
          %parallel_loop3A_749 = arith.constant 64 : i32
          %parallel_loop3A_750 = arith.addi %parallel_loop3A_682, %parallel_loop3A_749 : i32
          %parallel_loop3A_751 = arith.index_cast %parallel_loop3A_750 : i32 to index
          %parallel_loop3A_752 = tpu.vector_load %arg5[%parallel_loop3A_751] {strides = array<i32>} : memref<12800xf32, #tpu.memory_space<vmem>>, vector<16xf32>,
          %parallel_loop3A_753 = arith.constant 64 : i32
          %parallel_loop3A_754 = arith.addi %parallel_loop3A_688, %parallel_loop3A_753 : i32
          %parallel_loop3A_755 = arith.constant 0 : i32
          %parallel_loop3A_756 = arith.constant 0 : i32
          %parallel_loop3A_757 = tpu.memref_slice %arg7[%select_n3A_119, %parallel_loop3A_755, %parallel_loop3A_756] : memref<6x1x16384xf32, #tpu.memory_space<vmem>> -> memref<1x1x16384xf32, #tpu.memory_space<vmem>>
          %parallel_loop3A_758 = tpu.memref_squeeze %parallel_loop3A_757 : memref<1x1x16384xf32, #tpu.memory_space<vmem>> -> memref<1x16384xf32, #tpu.memory_space<vmem>>
          %parallel_loop3A_759 = arith.constant 0 : i32
          %parallel_loop3A_760 = tpu.memref_slice %parallel_loop3A_758[%parallel_loop3A_137, %parallel_loop3A_759] : memref<1x16384xf32, #tpu.memory_space<vmem>> -> memref<1x16384xf32, #tpu.memory_space<vmem>>
          %parallel_loop3A_761 = tpu.memref_squeeze %parallel_loop3A_760 : memref<1x16384xf32, #tpu.memory_space<vmem>> -> memref<16384xf32, #tpu.memory_space<vmem>>
          %parallel_loop3A_762 = arith.index_cast %parallel_loop3A_754 : i32 to index
          %parallel_loop3A_763 = tpu.vector_load %parallel_loop3A_761[%parallel_loop3A_762] {strides = array<i32>} : memref<16384xf32, #tpu.memory_space<vmem>>, vector<16xf32>,
          tpu.vector_store %parallel_loop3A_761[%parallel_loop3A_762], %parallel_loop3A_752 {strides = array<i32>} : memref<16384xf32, #tpu.memory_space<vmem>>, vector<16xf32>,
          %parallel_loop3A_764 = arith.constant 80 : i32
          %parallel_loop3A_765 = arith.addi %parallel_loop3A_682, %parallel_loop3A_764 : i32
          %parallel_loop3A_766 = arith.index_cast %parallel_loop3A_765 : i32 to index
          %parallel_loop3A_767 = tpu.vector_load %arg5[%parallel_loop3A_766] {strides = array<i32>} : memref<12800xf32, #tpu.memory_space<vmem>>, vector<16xf32>,
          %parallel_loop3A_768 = arith.constant 80 : i32
          %parallel_loop3A_769 = arith.addi %parallel_loop3A_688, %parallel_loop3A_768 : i32
          %parallel_loop3A_770 = arith.constant 0 : i32
          %parallel_loop3A_771 = arith.constant 0 : i32
          %parallel_loop3A_772 = tpu.memref_slice %arg7[%select_n3A_119, %parallel_loop3A_770, %parallel_loop3A_771] : memref<6x1x16384xf32, #tpu.memory_space<vmem>> -> memref<1x1x16384xf32, #tpu.memory_space<vmem>>
          %parallel_loop3A_773 = tpu.memref_squeeze %parallel_loop3A_772 : memref<1x1x16384xf32, #tpu.memory_space<vmem>> -> memref<1x16384xf32, #tpu.memory_space<vmem>>
          %parallel_loop3A_774 = arith.constant 0 : i32
          %parallel_loop3A_775 = tpu.memref_slice %parallel_loop3A_773[%parallel_loop3A_137, %parallel_loop3A_774] : memref<1x16384xf32, #tpu.memory_space<vmem>> -> memref<1x16384xf32, #tpu.memory_space<vmem>>
          %parallel_loop3A_776 = tpu.memref_squeeze %parallel_loop3A_775 : memref<1x16384xf32, #tpu.memory_space<vmem>> -> memref<16384xf32, #tpu.memory_space<vmem>>
          %parallel_loop3A_777 = arith.index_cast %parallel_loop3A_769 : i32 to index
          %parallel_loop3A_778 = tpu.vector_load %parallel_loop3A_776[%parallel_loop3A_777] {strides = array<i32>} : memref<16384xf32, #tpu.memory_space<vmem>>, vector<16xf32>,
          tpu.vector_store %parallel_loop3A_776[%parallel_loop3A_777], %parallel_loop3A_767 {strides = array<i32>} : memref<16384xf32, #tpu.memory_space<vmem>>, vector<16xf32>,
          %parallel_loop3A_779 = arith.constant 96 : i32
          %parallel_loop3A_780 = arith.addi %parallel_loop3A_682, %parallel_loop3A_779 : i32
          %parallel_loop3A_781 = arith.index_cast %parallel_loop3A_780 : i32 to index
          %parallel_loop3A_782 = tpu.vector_load %arg5[%parallel_loop3A_781] {strides = array<i32>} : memref<12800xf32, #tpu.memory_space<vmem>>, vector<16xf32>,
          %parallel_loop3A_783 = arith.constant 96 : i32
          %parallel_loop3A_784 = arith.addi %parallel_loop3A_688, %parallel_loop3A_783 : i32
          %parallel_loop3A_785 = arith.constant 0 : i32
          %parallel_loop3A_786 = arith.constant 0 : i32
          %parallel_loop3A_787 = tpu.memref_slice %arg7[%select_n3A_119, %parallel_loop3A_785, %parallel_loop3A_786] : memref<6x1x16384xf32, #tpu.memory_space<vmem>> -> memref<1x1x16384xf32, #tpu.memory_space<vmem>>
          %parallel_loop3A_788 = tpu.memref_squeeze %parallel_loop3A_787 : memref<1x1x16384xf32, #tpu.memory_space<vmem>> -> memref<1x16384xf32, #tpu.memory_space<vmem>>
          %parallel_loop3A_789 = arith.constant 0 : i32
          %parallel_loop3A_790 = tpu.memref_slice %parallel_loop3A_788[%parallel_loop3A_137, %parallel_loop3A_789] : memref<1x16384xf32, #tpu.memory_space<vmem>> -> memref<1x16384xf32, #tpu.memory_space<vmem>>
          %parallel_loop3A_791 = tpu.memref_squeeze %parallel_loop3A_790 : memref<1x16384xf32, #tpu.memory_space<vmem>> -> memref<16384xf32, #tpu.memory_space<vmem>>
          %parallel_loop3A_792 = arith.index_cast %parallel_loop3A_784 : i32 to index
          %parallel_loop3A_793 = tpu.vector_load %parallel_loop3A_791[%parallel_loop3A_792] {strides = array<i32>} : memref<16384xf32, #tpu.memory_space<vmem>>, vector<16xf32>,
          tpu.vector_store %parallel_loop3A_791[%parallel_loop3A_792], %parallel_loop3A_782 {strides = array<i32>} : memref<16384xf32, #tpu.memory_space<vmem>>, vector<16xf32>,
          %parallel_loop3A_794 = arith.constant 112 : i32
          %parallel_loop3A_795 = arith.addi %parallel_loop3A_682, %parallel_loop3A_794 : i32
          %parallel_loop3A_796 = arith.index_cast %parallel_loop3A_795 : i32 to index
          %parallel_loop3A_797 = tpu.vector_load %arg5[%parallel_loop3A_796] {strides = array<i32>} : memref<12800xf32, #tpu.memory_space<vmem>>, vector<16xf32>,
          %parallel_loop3A_798 = arith.constant 112 : i32
          %parallel_loop3A_799 = arith.addi %parallel_loop3A_688, %parallel_loop3A_798 : i32
          %parallel_loop3A_800 = arith.constant 0 : i32
          %parallel_loop3A_801 = arith.constant 0 : i32
          %parallel_loop3A_802 = tpu.memref_slice %arg7[%select_n3A_119, %parallel_loop3A_800, %parallel_loop3A_801] : memref<6x1x16384xf32, #tpu.memory_space<vmem>> -> memref<1x1x16384xf32, #tpu.memory_space<vmem>>
          %parallel_loop3A_803 = tpu.memref_squeeze %parallel_loop3A_802 : memref<1x1x16384xf32, #tpu.memory_space<vmem>> -> memref<1x16384xf32, #tpu.memory_space<vmem>>
          %parallel_loop3A_804 = arith.constant 0 : i32
          %parallel_loop3A_805 = tpu.memref_slice %parallel_loop3A_803[%parallel_loop3A_137, %parallel_loop3A_804] : memref<1x16384xf32, #tpu.memory_space<vmem>> -> memref<1x16384xf32, #tpu.memory_space<vmem>>
          %parallel_loop3A_806 = tpu.memref_squeeze %parallel_loop3A_805 : memref<1x16384xf32, #tpu.memory_space<vmem>> -> memref<16384xf32, #tpu.memory_space<vmem>>
          %parallel_loop3A_807 = arith.index_cast %parallel_loop3A_799 : i32 to index
          %parallel_loop3A_808 = tpu.vector_load %parallel_loop3A_806[%parallel_loop3A_807] {strides = array<i32>} : memref<16384xf32, #tpu.memory_space<vmem>>, vector<16xf32>,
          tpu.vector_store %parallel_loop3A_806[%parallel_loop3A_807], %parallel_loop3A_797 {strides = array<i32>} : memref<16384xf32, #tpu.memory_space<vmem>>, vector<16xf32>,
          %parallel_loop3A_809 = vector.extract_strided_slice %parallel_loop3A_168 {offsets = [5], sizes = [1], strides = [1]} : vector<16xi32> to vector<1xi32>
          %parallel_loop3A_810 = vector.extract %parallel_loop3A_809[0] : i32 from vector<1xi32>
          %parallel_loop3A_811 = arith.constant 16 : i32
          %parallel_loop3A_812 = arith.muli %parallel_loop3A_156, %parallel_loop3A_811 : i32
          %parallel_loop3A_813 = arith.constant 128 : i32
          %parallel_loop3A_814 = arith.muli %parallel_loop3A_812, %parallel_loop3A_813 : i32
          %parallel_loop3A_815 = arith.constant 640 : i32
          %parallel_loop3A_816 = arith.addi %parallel_loop3A_814, %parallel_loop3A_815 : i32
          %parallel_loop3A_817 = arith.constant 0 : i32
          %parallel_loop3A_818 = arith.addi %parallel_loop3A_810, %parallel_loop3A_817 : i32
          %parallel_loop3A_819 = arith.index_cast %parallel_loop3A_818 : i32 to index
          %parallel_loop3A_820 = tpu.vector_load %arg5[%parallel_loop3A_819] {strides = array<i32>} : memref<12800xf32, #tpu.memory_space<vmem>>, vector<16xf32>,
          %parallel_loop3A_821 = arith.constant 0 : i32
          %parallel_loop3A_822 = arith.addi %parallel_loop3A_816, %parallel_loop3A_821 : i32
          %parallel_loop3A_823 = arith.constant 0 : i32
          %parallel_loop3A_824 = arith.constant 0 : i32
          %parallel_loop3A_825 = tpu.memref_slice %arg7[%select_n3A_119, %parallel_loop3A_823, %parallel_loop3A_824] : memref<6x1x16384xf32, #tpu.memory_space<vmem>> -> memref<1x1x16384xf32, #tpu.memory_space<vmem>>
          %parallel_loop3A_826 = tpu.memref_squeeze %parallel_loop3A_825 : memref<1x1x16384xf32, #tpu.memory_space<vmem>> -> memref<1x16384xf32, #tpu.memory_space<vmem>>
          %parallel_loop3A_827 = arith.constant 0 : i32
          %parallel_loop3A_828 = tpu.memref_slice %parallel_loop3A_826[%parallel_loop3A_137, %parallel_loop3A_827] : memref<1x16384xf32, #tpu.memory_space<vmem>> -> memref<1x16384xf32, #tpu.memory_space<vmem>>
          %parallel_loop3A_829 = tpu.memref_squeeze %parallel_loop3A_828 : memref<1x16384xf32, #tpu.memory_space<vmem>> -> memref<16384xf32, #tpu.memory_space<vmem>>
          %parallel_loop3A_830 = arith.index_cast %parallel_loop3A_822 : i32 to index
          %parallel_loop3A_831 = tpu.vector_load %parallel_loop3A_829[%parallel_loop3A_830] {strides = array<i32>} : memref<16384xf32, #tpu.memory_space<vmem>>, vector<16xf32>,
          tpu.vector_store %parallel_loop3A_829[%parallel_loop3A_830], %parallel_loop3A_820 {strides = array<i32>} : memref<16384xf32, #tpu.memory_space<vmem>>, vector<16xf32>,
          %parallel_loop3A_832 = arith.constant 16 : i32
          %parallel_loop3A_833 = arith.addi %parallel_loop3A_810, %parallel_loop3A_832 : i32
          %parallel_loop3A_834 = arith.index_cast %parallel_loop3A_833 : i32 to index
          %parallel_loop3A_835 = tpu.vector_load %arg5[%parallel_loop3A_834] {strides = array<i32>} : memref<12800xf32, #tpu.memory_space<vmem>>, vector<16xf32>,
          %parallel_loop3A_836 = arith.constant 16 : i32
          %parallel_loop3A_837 = arith.addi %parallel_loop3A_816, %parallel_loop3A_836 : i32
          %parallel_loop3A_838 = arith.constant 0 : i32
          %parallel_loop3A_839 = arith.constant 0 : i32
          %parallel_loop3A_840 = tpu.memref_slice %arg7[%select_n3A_119, %parallel_loop3A_838, %parallel_loop3A_839] : memref<6x1x16384xf32, #tpu.memory_space<vmem>> -> memref<1x1x16384xf32, #tpu.memory_space<vmem>>
          %parallel_loop3A_841 = tpu.memref_squeeze %parallel_loop3A_840 : memref<1x1x16384xf32, #tpu.memory_space<vmem>> -> memref<1x16384xf32, #tpu.memory_space<vmem>>
          %parallel_loop3A_842 = arith.constant 0 : i32
          %parallel_loop3A_843 = tpu.memref_slice %parallel_loop3A_841[%parallel_loop3A_137, %parallel_loop3A_842] : memref<1x16384xf32, #tpu.memory_space<vmem>> -> memref<1x16384xf32, #tpu.memory_space<vmem>>
          %parallel_loop3A_844 = tpu.memref_squeeze %parallel_loop3A_843 : memref<1x16384xf32, #tpu.memory_space<vmem>> -> memref<16384xf32, #tpu.memory_space<vmem>>
          %parallel_loop3A_845 = arith.index_cast %parallel_loop3A_837 : i32 to index
          %parallel_loop3A_846 = tpu.vector_load %parallel_loop3A_844[%parallel_loop3A_845] {strides = array<i32>} : memref<16384xf32, #tpu.memory_space<vmem>>, vector<16xf32>,
          tpu.vector_store %parallel_loop3A_844[%parallel_loop3A_845], %parallel_loop3A_835 {strides = array<i32>} : memref<16384xf32, #tpu.memory_space<vmem>>, vector<16xf32>,
          %parallel_loop3A_847 = arith.constant 32 : i32
          %parallel_loop3A_848 = arith.addi %parallel_loop3A_810, %parallel_loop3A_847 : i32
          %parallel_loop3A_849 = arith.index_cast %parallel_loop3A_848 : i32 to index
          %parallel_loop3A_850 = tpu.vector_load %arg5[%parallel_loop3A_849] {strides = array<i32>} : memref<12800xf32, #tpu.memory_space<vmem>>, vector<16xf32>,
          %parallel_loop3A_851 = arith.constant 32 : i32
          %parallel_loop3A_852 = arith.addi %parallel_loop3A_816, %parallel_loop3A_851 : i32
          %parallel_loop3A_853 = arith.constant 0 : i32
          %parallel_loop3A_854 = arith.constant 0 : i32
          %parallel_loop3A_855 = tpu.memref_slice %arg7[%select_n3A_119, %parallel_loop3A_853, %parallel_loop3A_854] : memref<6x1x16384xf32, #tpu.memory_space<vmem>> -> memref<1x1x16384xf32, #tpu.memory_space<vmem>>
          %parallel_loop3A_856 = tpu.memref_squeeze %parallel_loop3A_855 : memref<1x1x16384xf32, #tpu.memory_space<vmem>> -> memref<1x16384xf32, #tpu.memory_space<vmem>>
          %parallel_loop3A_857 = arith.constant 0 : i32
          %parallel_loop3A_858 = tpu.memref_slice %parallel_loop3A_856[%parallel_loop3A_137, %parallel_loop3A_857] : memref<1x16384xf32, #tpu.memory_space<vmem>> -> memref<1x16384xf32, #tpu.memory_space<vmem>>
          %parallel_loop3A_859 = tpu.memref_squeeze %parallel_loop3A_858 : memref<1x16384xf32, #tpu.memory_space<vmem>> -> memref<16384xf32, #tpu.memory_space<vmem>>
          %parallel_loop3A_860 = arith.index_cast %parallel_loop3A_852 : i32 to index
          %parallel_loop3A_861 = tpu.vector_load %parallel_loop3A_859[%parallel_loop3A_860] {strides = array<i32>} : memref<16384xf32, #tpu.memory_space<vmem>>, vector<16xf32>,
          tpu.vector_store %parallel_loop3A_859[%parallel_loop3A_860], %parallel_loop3A_850 {strides = array<i32>} : memref<16384xf32, #tpu.memory_space<vmem>>, vector<16xf32>,
          %parallel_loop3A_862 = arith.constant 48 : i32
          %parallel_loop3A_863 = arith.addi %parallel_loop3A_810, %parallel_loop3A_862 : i32
          %parallel_loop3A_864 = arith.index_cast %parallel_loop3A_863 : i32 to index
          %parallel_loop3A_865 = tpu.vector_load %arg5[%parallel_loop3A_864] {strides = array<i32>} : memref<12800xf32, #tpu.memory_space<vmem>>, vector<16xf32>,
          %parallel_loop3A_866 = arith.constant 48 : i32
          %parallel_loop3A_867 = arith.addi %parallel_loop3A_816, %parallel_loop3A_866 : i32
          %parallel_loop3A_868 = arith.constant 0 : i32
          %parallel_loop3A_869 = arith.constant 0 : i32
          %parallel_loop3A_870 = tpu.memref_slice %arg7[%select_n3A_119, %parallel_loop3A_868, %parallel_loop3A_869] : memref<6x1x16384xf32, #tpu.memory_space<vmem>> -> memref<1x1x16384xf32, #tpu.memory_space<vmem>>
          %parallel_loop3A_871 = tpu.memref_squeeze %parallel_loop3A_870 : memref<1x1x16384xf32, #tpu.memory_space<vmem>> -> memref<1x16384xf32, #tpu.memory_space<vmem>>
          %parallel_loop3A_872 = arith.constant 0 : i32
          %parallel_loop3A_873 = tpu.memref_slice %parallel_loop3A_871[%parallel_loop3A_137, %parallel_loop3A_872] : memref<1x16384xf32, #tpu.memory_space<vmem>> -> memref<1x16384xf32, #tpu.memory_space<vmem>>
          %parallel_loop3A_874 = tpu.memref_squeeze %parallel_loop3A_873 : memref<1x16384xf32, #tpu.memory_space<vmem>> -> memref<16384xf32, #tpu.memory_space<vmem>>
          %parallel_loop3A_875 = arith.index_cast %parallel_loop3A_867 : i32 to index
          %parallel_loop3A_876 = tpu.vector_load %parallel_loop3A_874[%parallel_loop3A_875] {strides = array<i32>} : memref<16384xf32, #tpu.memory_space<vmem>>, vector<16xf32>,
          tpu.vector_store %parallel_loop3A_874[%parallel_loop3A_875], %parallel_loop3A_865 {strides = array<i32>} : memref<16384xf32, #tpu.memory_space<vmem>>, vector<16xf32>,
          %parallel_loop3A_877 = arith.constant 64 : i32
          %parallel_loop3A_878 = arith.addi %parallel_loop3A_810, %parallel_loop3A_877 : i32
          %parallel_loop3A_879 = arith.index_cast %parallel_loop3A_878 : i32 to index
          %parallel_loop3A_880 = tpu.vector_load %arg5[%parallel_loop3A_879] {strides = array<i32>} : memref<12800xf32, #tpu.memory_space<vmem>>, vector<16xf32>,
          %parallel_loop3A_881 = arith.constant 64 : i32
          %parallel_loop3A_882 = arith.addi %parallel_loop3A_816, %parallel_loop3A_881 : i32
          %parallel_loop3A_883 = arith.constant 0 : i32
          %parallel_loop3A_884 = arith.constant 0 : i32
          %parallel_loop3A_885 = tpu.memref_slice %arg7[%select_n3A_119, %parallel_loop3A_883, %parallel_loop3A_884] : memref<6x1x16384xf32, #tpu.memory_space<vmem>> -> memref<1x1x16384xf32, #tpu.memory_space<vmem>>
          %parallel_loop3A_886 = tpu.memref_squeeze %parallel_loop3A_885 : memref<1x1x16384xf32, #tpu.memory_space<vmem>> -> memref<1x16384xf32, #tpu.memory_space<vmem>>
          %parallel_loop3A_887 = arith.constant 0 : i32
          %parallel_loop3A_888 = tpu.memref_slice %parallel_loop3A_886[%parallel_loop3A_137, %parallel_loop3A_887] : memref<1x16384xf32, #tpu.memory_space<vmem>> -> memref<1x16384xf32, #tpu.memory_space<vmem>>
          %parallel_loop3A_889 = tpu.memref_squeeze %parallel_loop3A_888 : memref<1x16384xf32, #tpu.memory_space<vmem>> -> memref<16384xf32, #tpu.memory_space<vmem>>
          %parallel_loop3A_890 = arith.index_cast %parallel_loop3A_882 : i32 to index
          %parallel_loop3A_891 = tpu.vector_load %parallel_loop3A_889[%parallel_loop3A_890] {strides = array<i32>} : memref<16384xf32, #tpu.memory_space<vmem>>, vector<16xf32>,
          tpu.vector_store %parallel_loop3A_889[%parallel_loop3A_890], %parallel_loop3A_880 {strides = array<i32>} : memref<16384xf32, #tpu.memory_space<vmem>>, vector<16xf32>,
          %parallel_loop3A_892 = arith.constant 80 : i32
          %parallel_loop3A_893 = arith.addi %parallel_loop3A_810, %parallel_loop3A_892 : i32
          %parallel_loop3A_894 = arith.index_cast %parallel_loop3A_893 : i32 to index
          %parallel_loop3A_895 = tpu.vector_load %arg5[%parallel_loop3A_894] {strides = array<i32>} : memref<12800xf32, #tpu.memory_space<vmem>>, vector<16xf32>,
          %parallel_loop3A_896 = arith.constant 80 : i32
          %parallel_loop3A_897 = arith.addi %parallel_loop3A_816, %parallel_loop3A_896 : i32
          %parallel_loop3A_898 = arith.constant 0 : i32
          %parallel_loop3A_899 = arith.constant 0 : i32
          %parallel_loop3A_900 = tpu.memref_slice %arg7[%select_n3A_119, %parallel_loop3A_898, %parallel_loop3A_899] : memref<6x1x16384xf32, #tpu.memory_space<vmem>> -> memref<1x1x16384xf32, #tpu.memory_space<vmem>>
          %parallel_loop3A_901 = tpu.memref_squeeze %parallel_loop3A_900 : memref<1x1x16384xf32, #tpu.memory_space<vmem>> -> memref<1x16384xf32, #tpu.memory_space<vmem>>
          %parallel_loop3A_902 = arith.constant 0 : i32
          %parallel_loop3A_903 = tpu.memref_slice %parallel_loop3A_901[%parallel_loop3A_137, %parallel_loop3A_902] : memref<1x16384xf32, #tpu.memory_space<vmem>> -> memref<1x16384xf32, #tpu.memory_space<vmem>>
          %parallel_loop3A_904 = tpu.memref_squeeze %parallel_loop3A_903 : memref<1x16384xf32, #tpu.memory_space<vmem>> -> memref<16384xf32, #tpu.memory_space<vmem>>
          %parallel_loop3A_905 = arith.index_cast %parallel_loop3A_897 : i32 to index
          %parallel_loop3A_906 = tpu.vector_load %parallel_loop3A_904[%parallel_loop3A_905] {strides = array<i32>} : memref<16384xf32, #tpu.memory_space<vmem>>, vector<16xf32>,
          tpu.vector_store %parallel_loop3A_904[%parallel_loop3A_905], %parallel_loop3A_895 {strides = array<i32>} : memref<16384xf32, #tpu.memory_space<vmem>>, vector<16xf32>,
          %parallel_loop3A_907 = arith.constant 96 : i32
          %parallel_loop3A_908 = arith.addi %parallel_loop3A_810, %parallel_loop3A_907 : i32
          %parallel_loop3A_909 = arith.index_cast %parallel_loop3A_908 : i32 to index
          %parallel_loop3A_910 = tpu.vector_load %arg5[%parallel_loop3A_909] {strides = array<i32>} : memref<12800xf32, #tpu.memory_space<vmem>>, vector<16xf32>,
          %parallel_loop3A_911 = arith.constant 96 : i32
          %parallel_loop3A_912 = arith.addi %parallel_loop3A_816, %parallel_loop3A_911 : i32
          %parallel_loop3A_913 = arith.constant 0 : i32
          %parallel_loop3A_914 = arith.constant 0 : i32
          %parallel_loop3A_915 = tpu.memref_slice %arg7[%select_n3A_119, %parallel_loop3A_913, %parallel_loop3A_914] : memref<6x1x16384xf32, #tpu.memory_space<vmem>> -> memref<1x1x16384xf32, #tpu.memory_space<vmem>>
          %parallel_loop3A_916 = tpu.memref_squeeze %parallel_loop3A_915 : memref<1x1x16384xf32, #tpu.memory_space<vmem>> -> memref<1x16384xf32, #tpu.memory_space<vmem>>
          %parallel_loop3A_917 = arith.constant 0 : i32
          %parallel_loop3A_918 = tpu.memref_slice %parallel_loop3A_916[%parallel_loop3A_137, %parallel_loop3A_917] : memref<1x16384xf32, #tpu.memory_space<vmem>> -> memref<1x16384xf32, #tpu.memory_space<vmem>>
          %parallel_loop3A_919 = tpu.memref_squeeze %parallel_loop3A_918 : memref<1x16384xf32, #tpu.memory_space<vmem>> -> memref<16384xf32, #tpu.memory_space<vmem>>
          %parallel_loop3A_920 = arith.index_cast %parallel_loop3A_912 : i32 to index
          %parallel_loop3A_921 = tpu.vector_load %parallel_loop3A_919[%parallel_loop3A_920] {strides = array<i32>} : memref<16384xf32, #tpu.memory_space<vmem>>, vector<16xf32>,
          tpu.vector_store %parallel_loop3A_919[%parallel_loop3A_920], %parallel_loop3A_910 {strides = array<i32>} : memref<16384xf32, #tpu.memory_space<vmem>>, vector<16xf32>,
          %parallel_loop3A_922 = arith.constant 112 : i32
          %parallel_loop3A_923 = arith.addi %parallel_loop3A_810, %parallel_loop3A_922 : i32
          %parallel_loop3A_924 = arith.index_cast %parallel_loop3A_923 : i32 to index
          %parallel_loop3A_925 = tpu.vector_load %arg5[%parallel_loop3A_924] {strides = array<i32>} : memref<12800xf32, #tpu.memory_space<vmem>>, vector<16xf32>,
          %parallel_loop3A_926 = arith.constant 112 : i32
          %parallel_loop3A_927 = arith.addi %parallel_loop3A_816, %parallel_loop3A_926 : i32
          %parallel_loop3A_928 = arith.constant 0 : i32
          %parallel_loop3A_929 = arith.constant 0 : i32
          %parallel_loop3A_930 = tpu.memref_slice %arg7[%select_n3A_119, %parallel_loop3A_928, %parallel_loop3A_929] : memref<6x1x16384xf32, #tpu.memory_space<vmem>> -> memref<1x1x16384xf32, #tpu.memory_space<vmem>>
          %parallel_loop3A_931 = tpu.memref_squeeze %parallel_loop3A_930 : memref<1x1x16384xf32, #tpu.memory_space<vmem>> -> memref<1x16384xf32, #tpu.memory_space<vmem>>
          %parallel_loop3A_932 = arith.constant 0 : i32
          %parallel_loop3A_933 = tpu.memref_slice %parallel_loop3A_931[%parallel_loop3A_137, %parallel_loop3A_932] : memref<1x16384xf32, #tpu.memory_space<vmem>> -> memref<1x16384xf32, #tpu.memory_space<vmem>>
          %parallel_loop3A_934 = tpu.memref_squeeze %parallel_loop3A_933 : memref<1x16384xf32, #tpu.memory_space<vmem>> -> memref<16384xf32, #tpu.memory_space<vmem>>
          %parallel_loop3A_935 = arith.index_cast %parallel_loop3A_927 : i32 to index
          %parallel_loop3A_936 = tpu.vector_load %parallel_loop3A_934[%parallel_loop3A_935] {strides = array<i32>} : memref<16384xf32, #tpu.memory_space<vmem>>, vector<16xf32>,
          tpu.vector_store %parallel_loop3A_934[%parallel_loop3A_935], %parallel_loop3A_925 {strides = array<i32>} : memref<16384xf32, #tpu.memory_space<vmem>>, vector<16xf32>,
          %parallel_loop3A_937 = vector.extract_strided_slice %parallel_loop3A_168 {offsets = [6], sizes = [1], strides = [1]} : vector<16xi32> to vector<1xi32>
          %parallel_loop3A_938 = vector.extract %parallel_loop3A_937[0] : i32 from vector<1xi32>
          %parallel_loop3A_939 = arith.constant 16 : i32
          %parallel_loop3A_940 = arith.muli %parallel_loop3A_156, %parallel_loop3A_939 : i32
          %parallel_loop3A_941 = arith.constant 128 : i32
          %parallel_loop3A_942 = arith.muli %parallel_loop3A_940, %parallel_loop3A_941 : i32
          %parallel_loop3A_943 = arith.constant 768 : i32
          %parallel_loop3A_944 = arith.addi %parallel_loop3A_942, %parallel_loop3A_943 : i32
          %parallel_loop3A_945 = arith.constant 0 : i32
          %parallel_loop3A_946 = arith.addi %parallel_loop3A_938, %parallel_loop3A_945 : i32
          %parallel_loop3A_947 = arith.index_cast %parallel_loop3A_946 : i32 to index
          %parallel_loop3A_948 = tpu.vector_load %arg5[%parallel_loop3A_947] {strides = array<i32>} : memref<12800xf32, #tpu.memory_space<vmem>>, vector<16xf32>,
          %parallel_loop3A_949 = arith.constant 0 : i32
          %parallel_loop3A_950 = arith.addi %parallel_loop3A_944, %parallel_loop3A_949 : i32
          %parallel_loop3A_951 = arith.constant 0 : i32
          %parallel_loop3A_952 = arith.constant 0 : i32
          %parallel_loop3A_953 = tpu.memref_slice %arg7[%select_n3A_119, %parallel_loop3A_951, %parallel_loop3A_952] : memref<6x1x16384xf32, #tpu.memory_space<vmem>> -> memref<1x1x16384xf32, #tpu.memory_space<vmem>>
          %parallel_loop3A_954 = tpu.memref_squeeze %parallel_loop3A_953 : memref<1x1x16384xf32, #tpu.memory_space<vmem>> -> memref<1x16384xf32, #tpu.memory_space<vmem>>
          %parallel_loop3A_955 = arith.constant 0 : i32
          %parallel_loop3A_956 = tpu.memref_slice %parallel_loop3A_954[%parallel_loop3A_137, %parallel_loop3A_955] : memref<1x16384xf32, #tpu.memory_space<vmem>> -> memref<1x16384xf32, #tpu.memory_space<vmem>>
          %parallel_loop3A_957 = tpu.memref_squeeze %parallel_loop3A_956 : memref<1x16384xf32, #tpu.memory_space<vmem>> -> memref<16384xf32, #tpu.memory_space<vmem>>
          %parallel_loop3A_958 = arith.index_cast %parallel_loop3A_950 : i32 to index
          %parallel_loop3A_959 = tpu.vector_load %parallel_loop3A_957[%parallel_loop3A_958] {strides = array<i32>} : memref<16384xf32, #tpu.memory_space<vmem>>, vector<16xf32>,
          tpu.vector_store %parallel_loop3A_957[%parallel_loop3A_958], %parallel_loop3A_948 {strides = array<i32>} : memref<16384xf32, #tpu.memory_space<vmem>>, vector<16xf32>,
          %parallel_loop3A_960 = arith.constant 16 : i32
          %parallel_loop3A_961 = arith.addi %parallel_loop3A_938, %parallel_loop3A_960 : i32
          %parallel_loop3A_962 = arith.index_cast %parallel_loop3A_961 : i32 to index
          %parallel_loop3A_963 = tpu.vector_load %arg5[%parallel_loop3A_962] {strides = array<i32>} : memref<12800xf32, #tpu.memory_space<vmem>>, vector<16xf32>,
          %parallel_loop3A_964 = arith.constant 16 : i32
          %parallel_loop3A_965 = arith.addi %parallel_loop3A_944, %parallel_loop3A_964 : i32
          %parallel_loop3A_966 = arith.constant 0 : i32
          %parallel_loop3A_967 = arith.constant 0 : i32
          %parallel_loop3A_968 = tpu.memref_slice %arg7[%select_n3A_119, %parallel_loop3A_966, %parallel_loop3A_967] : memref<6x1x16384xf32, #tpu.memory_space<vmem>> -> memref<1x1x16384xf32, #tpu.memory_space<vmem>>
          %parallel_loop3A_969 = tpu.memref_squeeze %parallel_loop3A_968 : memref<1x1x16384xf32, #tpu.memory_space<vmem>> -> memref<1x16384xf32, #tpu.memory_space<vmem>>
          %parallel_loop3A_970 = arith.constant 0 : i32
          %parallel_loop3A_971 = tpu.memref_slice %parallel_loop3A_969[%parallel_loop3A_137, %parallel_loop3A_970] : memref<1x16384xf32, #tpu.memory_space<vmem>> -> memref<1x16384xf32, #tpu.memory_space<vmem>>
          %parallel_loop3A_972 = tpu.memref_squeeze %parallel_loop3A_971 : memref<1x16384xf32, #tpu.memory_space<vmem>> -> memref<16384xf32, #tpu.memory_space<vmem>>
          %parallel_loop3A_973 = arith.index_cast %parallel_loop3A_965 : i32 to index
          %parallel_loop3A_974 = tpu.vector_load %parallel_loop3A_972[%parallel_loop3A_973] {strides = array<i32>} : memref<16384xf32, #tpu.memory_space<vmem>>, vector<16xf32>,
          tpu.vector_store %parallel_loop3A_972[%parallel_loop3A_973], %parallel_loop3A_963 {strides = array<i32>} : memref<16384xf32, #tpu.memory_space<vmem>>, vector<16xf32>,
          %parallel_loop3A_975 = arith.constant 32 : i32
          %parallel_loop3A_976 = arith.addi %parallel_loop3A_938, %parallel_loop3A_975 : i32
          %parallel_loop3A_977 = arith.index_cast %parallel_loop3A_976 : i32 to index
          %parallel_loop3A_978 = tpu.vector_load %arg5[%parallel_loop3A_977] {strides = array<i32>} : memref<12800xf32, #tpu.memory_space<vmem>>, vector<16xf32>,
          %parallel_loop3A_979 = arith.constant 32 : i32
          %parallel_loop3A_980 = arith.addi %parallel_loop3A_944, %parallel_loop3A_979 : i32
          %parallel_loop3A_981 = arith.constant 0 : i32
          %parallel_loop3A_982 = arith.constant 0 : i32
          %parallel_loop3A_983 = tpu.memref_slice %arg7[%select_n3A_119, %parallel_loop3A_981, %parallel_loop3A_982] : memref<6x1x16384xf32, #tpu.memory_space<vmem>> -> memref<1x1x16384xf32, #tpu.memory_space<vmem>>
          %parallel_loop3A_984 = tpu.memref_squeeze %parallel_loop3A_983 : memref<1x1x16384xf32, #tpu.memory_space<vmem>> -> memref<1x16384xf32, #tpu.memory_space<vmem>>
          %parallel_loop3A_985 = arith.constant 0 : i32
          %parallel_loop3A_986 = tpu.memref_slice %parallel_loop3A_984[%parallel_loop3A_137, %parallel_loop3A_985] : memref<1x16384xf32, #tpu.memory_space<vmem>> -> memref<1x16384xf32, #tpu.memory_space<vmem>>
          %parallel_loop3A_987 = tpu.memref_squeeze %parallel_loop3A_986 : memref<1x16384xf32, #tpu.memory_space<vmem>> -> memref<16384xf32, #tpu.memory_space<vmem>>
          %parallel_loop3A_988 = arith.index_cast %parallel_loop3A_980 : i32 to index
          %parallel_loop3A_989 = tpu.vector_load %parallel_loop3A_987[%parallel_loop3A_988] {strides = array<i32>} : memref<16384xf32, #tpu.memory_space<vmem>>, vector<16xf32>,
          tpu.vector_store %parallel_loop3A_987[%parallel_loop3A_988], %parallel_loop3A_978 {strides = array<i32>} : memref<16384xf32, #tpu.memory_space<vmem>>, vector<16xf32>,
          %parallel_loop3A_990 = arith.constant 48 : i32
          %parallel_loop3A_991 = arith.addi %parallel_loop3A_938, %parallel_loop3A_990 : i32
          %parallel_loop3A_992 = arith.index_cast %parallel_loop3A_991 : i32 to index
          %parallel_loop3A_993 = tpu.vector_load %arg5[%parallel_loop3A_992] {strides = array<i32>} : memref<12800xf32, #tpu.memory_space<vmem>>, vector<16xf32>,
          %parallel_loop3A_994 = arith.constant 48 : i32
          %parallel_loop3A_995 = arith.addi %parallel_loop3A_944, %parallel_loop3A_994 : i32
          %parallel_loop3A_996 = arith.constant 0 : i32
          %parallel_loop3A_997 = arith.constant 0 : i32
          %parallel_loop3A_998 = tpu.memref_slice %arg7[%select_n3A_119, %parallel_loop3A_996, %parallel_loop3A_997] : memref<6x1x16384xf32, #tpu.memory_space<vmem>> -> memref<1x1x16384xf32, #tpu.memory_space<vmem>>
          %parallel_loop3A_999 = tpu.memref_squeeze %parallel_loop3A_998 : memref<1x1x16384xf32, #tpu.memory_space<vmem>> -> memref<1x16384xf32, #tpu.memory_space<vmem>>
          %parallel_loop3A_1000 = arith.constant 0 : i32
          %parallel_loop3A_1001 = tpu.memref_slice %parallel_loop3A_999[%parallel_loop3A_137, %parallel_loop3A_1000] : memref<1x16384xf32, #tpu.memory_space<vmem>> -> memref<1x16384xf32, #tpu.memory_space<vmem>>
          %parallel_loop3A_1002 = tpu.memref_squeeze %parallel_loop3A_1001 : memref<1x16384xf32, #tpu.memory_space<vmem>> -> memref<16384xf32, #tpu.memory_space<vmem>>
          %parallel_loop3A_1003 = arith.index_cast %parallel_loop3A_995 : i32 to index
          %parallel_loop3A_1004 = tpu.vector_load %parallel_loop3A_1002[%parallel_loop3A_1003] {strides = array<i32>} : memref<16384xf32, #tpu.memory_space<vmem>>, vector<16xf32>,
          tpu.vector_store %parallel_loop3A_1002[%parallel_loop3A_1003], %parallel_loop3A_993 {strides = array<i32>} : memref<16384xf32, #tpu.memory_space<vmem>>, vector<16xf32>,
          %parallel_loop3A_1005 = arith.constant 64 : i32
          %parallel_loop3A_1006 = arith.addi %parallel_loop3A_938, %parallel_loop3A_1005 : i32
          %parallel_loop3A_1007 = arith.index_cast %parallel_loop3A_1006 : i32 to index
          %parallel_loop3A_1008 = tpu.vector_load %arg5[%parallel_loop3A_1007] {strides = array<i32>} : memref<12800xf32, #tpu.memory_space<vmem>>, vector<16xf32>,
          %parallel_loop3A_1009 = arith.constant 64 : i32
          %parallel_loop3A_1010 = arith.addi %parallel_loop3A_944, %parallel_loop3A_1009 : i32
          %parallel_loop3A_1011 = arith.constant 0 : i32
          %parallel_loop3A_1012 = arith.constant 0 : i32
          %parallel_loop3A_1013 = tpu.memref_slice %arg7[%select_n3A_119, %parallel_loop3A_1011, %parallel_loop3A_1012] : memref<6x1x16384xf32, #tpu.memory_space<vmem>> -> memref<1x1x16384xf32, #tpu.memory_space<vmem>>
          %parallel_loop3A_1014 = tpu.memref_squeeze %parallel_loop3A_1013 : memref<1x1x16384xf32, #tpu.memory_space<vmem>> -> memref<1x16384xf32, #tpu.memory_space<vmem>>
          %parallel_loop3A_1015 = arith.constant 0 : i32
          %parallel_loop3A_1016 = tpu.memref_slice %parallel_loop3A_1014[%parallel_loop3A_137, %parallel_loop3A_1015] : memref<1x16384xf32, #tpu.memory_space<vmem>> -> memref<1x16384xf32, #tpu.memory_space<vmem>>
          %parallel_loop3A_1017 = tpu.memref_squeeze %parallel_loop3A_1016 : memref<1x16384xf32, #tpu.memory_space<vmem>> -> memref<16384xf32, #tpu.memory_space<vmem>>
          %parallel_loop3A_1018 = arith.index_cast %parallel_loop3A_1010 : i32 to index
          %parallel_loop3A_1019 = tpu.vector_load %parallel_loop3A_1017[%parallel_loop3A_1018] {strides = array<i32>} : memref<16384xf32, #tpu.memory_space<vmem>>, vector<16xf32>,
          tpu.vector_store %parallel_loop3A_1017[%parallel_loop3A_1018], %parallel_loop3A_1008 {strides = array<i32>} : memref<16384xf32, #tpu.memory_space<vmem>>, vector<16xf32>,
          %parallel_loop3A_1020 = arith.constant 80 : i32
          %parallel_loop3A_1021 = arith.addi %parallel_loop3A_938, %parallel_loop3A_1020 : i32
          %parallel_loop3A_1022 = arith.index_cast %parallel_loop3A_1021 : i32 to index
          %parallel_loop3A_1023 = tpu.vector_load %arg5[%parallel_loop3A_1022] {strides = array<i32>} : memref<12800xf32, #tpu.memory_space<vmem>>, vector<16xf32>,
          %parallel_loop3A_1024 = arith.constant 80 : i32
          %parallel_loop3A_1025 = arith.addi %parallel_loop3A_944, %parallel_loop3A_1024 : i32
          %parallel_loop3A_1026 = arith.constant 0 : i32
          %parallel_loop3A_1027 = arith.constant 0 : i32
          %parallel_loop3A_1028 = tpu.memref_slice %arg7[%select_n3A_119, %parallel_loop3A_1026, %parallel_loop3A_1027] : memref<6x1x16384xf32, #tpu.memory_space<vmem>> -> memref<1x1x16384xf32, #tpu.memory_space<vmem>>
          %parallel_loop3A_1029 = tpu.memref_squeeze %parallel_loop3A_1028 : memref<1x1x16384xf32, #tpu.memory_space<vmem>> -> memref<1x16384xf32, #tpu.memory_space<vmem>>
          %parallel_loop3A_1030 = arith.constant 0 : i32
          %parallel_loop3A_1031 = tpu.memref_slice %parallel_loop3A_1029[%parallel_loop3A_137, %parallel_loop3A_1030] : memref<1x16384xf32, #tpu.memory_space<vmem>> -> memref<1x16384xf32, #tpu.memory_space<vmem>>
          %parallel_loop3A_1032 = tpu.memref_squeeze %parallel_loop3A_1031 : memref<1x16384xf32, #tpu.memory_space<vmem>> -> memref<16384xf32, #tpu.memory_space<vmem>>
          %parallel_loop3A_1033 = arith.index_cast %parallel_loop3A_1025 : i32 to index
          %parallel_loop3A_1034 = tpu.vector_load %parallel_loop3A_1032[%parallel_loop3A_1033] {strides = array<i32>} : memref<16384xf32, #tpu.memory_space<vmem>>, vector<16xf32>,
          tpu.vector_store %parallel_loop3A_1032[%parallel_loop3A_1033], %parallel_loop3A_1023 {strides = array<i32>} : memref<16384xf32, #tpu.memory_space<vmem>>, vector<16xf32>,
          %parallel_loop3A_1035 = arith.constant 96 : i32
          %parallel_loop3A_1036 = arith.addi %parallel_loop3A_938, %parallel_loop3A_1035 : i32
          %parallel_loop3A_1037 = arith.index_cast %parallel_loop3A_1036 : i32 to index
          %parallel_loop3A_1038 = tpu.vector_load %arg5[%parallel_loop3A_1037] {strides = array<i32>} : memref<12800xf32, #tpu.memory_space<vmem>>, vector<16xf32>,
          %parallel_loop3A_1039 = arith.constant 96 : i32
          %parallel_loop3A_1040 = arith.addi %parallel_loop3A_944, %parallel_loop3A_1039 : i32
          %parallel_loop3A_1041 = arith.constant 0 : i32
          %parallel_loop3A_1042 = arith.constant 0 : i32
          %parallel_loop3A_1043 = tpu.memref_slice %arg7[%select_n3A_119, %parallel_loop3A_1041, %parallel_loop3A_1042] : memref<6x1x16384xf32, #tpu.memory_space<vmem>> -> memref<1x1x16384xf32, #tpu.memory_space<vmem>>
          %parallel_loop3A_1044 = tpu.memref_squeeze %parallel_loop3A_1043 : memref<1x1x16384xf32, #tpu.memory_space<vmem>> -> memref<1x16384xf32, #tpu.memory_space<vmem>>
          %parallel_loop3A_1045 = arith.constant 0 : i32
          %parallel_loop3A_1046 = tpu.memref_slice %parallel_loop3A_1044[%parallel_loop3A_137, %parallel_loop3A_1045] : memref<1x16384xf32, #tpu.memory_space<vmem>> -> memref<1x16384xf32, #tpu.memory_space<vmem>>
          %parallel_loop3A_1047 = tpu.memref_squeeze %parallel_loop3A_1046 : memref<1x16384xf32, #tpu.memory_space<vmem>> -> memref<16384xf32, #tpu.memory_space<vmem>>
          %parallel_loop3A_1048 = arith.index_cast %parallel_loop3A_1040 : i32 to index
          %parallel_loop3A_1049 = tpu.vector_load %parallel_loop3A_1047[%parallel_loop3A_1048] {strides = array<i32>} : memref<16384xf32, #tpu.memory_space<vmem>>, vector<16xf32>,
          tpu.vector_store %parallel_loop3A_1047[%parallel_loop3A_1048], %parallel_loop3A_1038 {strides = array<i32>} : memref<16384xf32, #tpu.memory_space<vmem>>, vector<16xf32>,
          %parallel_loop3A_1050 = arith.constant 112 : i32
          %parallel_loop3A_1051 = arith.addi %parallel_loop3A_938, %parallel_loop3A_1050 : i32
          %parallel_loop3A_1052 = arith.index_cast %parallel_loop3A_1051 : i32 to index
          %parallel_loop3A_1053 = tpu.vector_load %arg5[%parallel_loop3A_1052] {strides = array<i32>} : memref<12800xf32, #tpu.memory_space<vmem>>, vector<16xf32>,
          %parallel_loop3A_1054 = arith.constant 112 : i32
          %parallel_loop3A_1055 = arith.addi %parallel_loop3A_944, %parallel_loop3A_1054 : i32
          %parallel_loop3A_1056 = arith.constant 0 : i32
          %parallel_loop3A_1057 = arith.constant 0 : i32
          %parallel_loop3A_1058 = tpu.memref_slice %arg7[%select_n3A_119, %parallel_loop3A_1056, %parallel_loop3A_1057] : memref<6x1x16384xf32, #tpu.memory_space<vmem>> -> memref<1x1x16384xf32, #tpu.memory_space<vmem>>
          %parallel_loop3A_1059 = tpu.memref_squeeze %parallel_loop3A_1058 : memref<1x1x16384xf32, #tpu.memory_space<vmem>> -> memref<1x16384xf32, #tpu.memory_space<vmem>>
          %parallel_loop3A_1060 = arith.constant 0 : i32
          %parallel_loop3A_1061 = tpu.memref_slice %parallel_loop3A_1059[%parallel_loop3A_137, %parallel_loop3A_1060] : memref<1x16384xf32, #tpu.memory_space<vmem>> -> memref<1x16384xf32, #tpu.memory_space<vmem>>
          %parallel_loop3A_1062 = tpu.memref_squeeze %parallel_loop3A_1061 : memref<1x16384xf32, #tpu.memory_space<vmem>> -> memref<16384xf32, #tpu.memory_space<vmem>>
          %parallel_loop3A_1063 = arith.index_cast %parallel_loop3A_1055 : i32 to index
          %parallel_loop3A_1064 = tpu.vector_load %parallel_loop3A_1062[%parallel_loop3A_1063] {strides = array<i32>} : memref<16384xf32, #tpu.memory_space<vmem>>, vector<16xf32>,
          tpu.vector_store %parallel_loop3A_1062[%parallel_loop3A_1063], %parallel_loop3A_1053 {strides = array<i32>} : memref<16384xf32, #tpu.memory_space<vmem>>, vector<16xf32>,
          %parallel_loop3A_1065 = vector.extract_strided_slice %parallel_loop3A_168 {offsets = [7], sizes = [1], strides = [1]} : vector<16xi32> to vector<1xi32>
          %parallel_loop3A_1066 = vector.extract %parallel_loop3A_1065[0] : i32 from vector<1xi32>
          %parallel_loop3A_1067 = arith.constant 16 : i32
          %parallel_loop3A_1068 = arith.muli %parallel_loop3A_156, %parallel_loop3A_1067 : i32
          %parallel_loop3A_1069 = arith.constant 128 : i32
          %parallel_loop3A_1070 = arith.muli %parallel_loop3A_1068, %parallel_loop3A_1069 : i32
          %parallel_loop3A_1071 = arith.constant 896 : i32
          %parallel_loop3A_1072 = arith.addi %parallel_loop3A_1070, %parallel_loop3A_1071 : i32
          %parallel_loop3A_1073 = arith.constant 0 : i32
          %parallel_loop3A_1074 = arith.addi %parallel_loop3A_1066, %parallel_loop3A_1073 : i32
          %parallel_loop3A_1075 = arith.index_cast %parallel_loop3A_1074 : i32 to index
          %parallel_loop3A_1076 = tpu.vector_load %arg5[%parallel_loop3A_1075] {strides = array<i32>} : memref<12800xf32, #tpu.memory_space<vmem>>, vector<16xf32>,
          %parallel_loop3A_1077 = arith.constant 0 : i32
          %parallel_loop3A_1078 = arith.addi %parallel_loop3A_1072, %parallel_loop3A_1077 : i32
          %parallel_loop3A_1079 = arith.constant 0 : i32
          %parallel_loop3A_1080 = arith.constant 0 : i32
          %parallel_loop3A_1081 = tpu.memref_slice %arg7[%select_n3A_119, %parallel_loop3A_1079, %parallel_loop3A_1080] : memref<6x1x16384xf32, #tpu.memory_space<vmem>> -> memref<1x1x16384xf32, #tpu.memory_space<vmem>>
          %parallel_loop3A_1082 = tpu.memref_squeeze %parallel_loop3A_1081 : memref<1x1x16384xf32, #tpu.memory_space<vmem>> -> memref<1x16384xf32, #tpu.memory_space<vmem>>
          %parallel_loop3A_1083 = arith.constant 0 : i32
          %parallel_loop3A_1084 = tpu.memref_slice %parallel_loop3A_1082[%parallel_loop3A_137, %parallel_loop3A_1083] : memref<1x16384xf32, #tpu.memory_space<vmem>> -> memref<1x16384xf32, #tpu.memory_space<vmem>>
          %parallel_loop3A_1085 = tpu.memref_squeeze %parallel_loop3A_1084 : memref<1x16384xf32, #tpu.memory_space<vmem>> -> memref<16384xf32, #tpu.memory_space<vmem>>
          %parallel_loop3A_1086 = arith.index_cast %parallel_loop3A_1078 : i32 to index
          %parallel_loop3A_1087 = tpu.vector_load %parallel_loop3A_1085[%parallel_loop3A_1086] {strides = array<i32>} : memref<16384xf32, #tpu.memory_space<vmem>>, vector<16xf32>,
          tpu.vector_store %parallel_loop3A_1085[%parallel_loop3A_1086], %parallel_loop3A_1076 {strides = array<i32>} : memref<16384xf32, #tpu.memory_space<vmem>>, vector<16xf32>,
          %parallel_loop3A_1088 = arith.constant 16 : i32
          %parallel_loop3A_1089 = arith.addi %parallel_loop3A_1066, %parallel_loop3A_1088 : i32
          %parallel_loop3A_1090 = arith.index_cast %parallel_loop3A_1089 : i32 to index
          %parallel_loop3A_1091 = tpu.vector_load %arg5[%parallel_loop3A_1090] {strides = array<i32>} : memref<12800xf32, #tpu.memory_space<vmem>>, vector<16xf32>,
          %parallel_loop3A_1092 = arith.constant 16 : i32
          %parallel_loop3A_1093 = arith.addi %parallel_loop3A_1072, %parallel_loop3A_1092 : i32
          %parallel_loop3A_1094 = arith.constant 0 : i32
          %parallel_loop3A_1095 = arith.constant 0 : i32
          %parallel_loop3A_1096 = tpu.memref_slice %arg7[%select_n3A_119, %parallel_loop3A_1094, %parallel_loop3A_1095] : memref<6x1x16384xf32, #tpu.memory_space<vmem>> -> memref<1x1x16384xf32, #tpu.memory_space<vmem>>
          %parallel_loop3A_1097 = tpu.memref_squeeze %parallel_loop3A_1096 : memref<1x1x16384xf32, #tpu.memory_space<vmem>> -> memref<1x16384xf32, #tpu.memory_space<vmem>>
          %parallel_loop3A_1098 = arith.constant 0 : i32
          %parallel_loop3A_1099 = tpu.memref_slice %parallel_loop3A_1097[%parallel_loop3A_137, %parallel_loop3A_1098] : memref<1x16384xf32, #tpu.memory_space<vmem>> -> memref<1x16384xf32, #tpu.memory_space<vmem>>
          %parallel_loop3A_1100 = tpu.memref_squeeze %parallel_loop3A_1099 : memref<1x16384xf32, #tpu.memory_space<vmem>> -> memref<16384xf32, #tpu.memory_space<vmem>>
          %parallel_loop3A_1101 = arith.index_cast %parallel_loop3A_1093 : i32 to index
          %parallel_loop3A_1102 = tpu.vector_load %parallel_loop3A_1100[%parallel_loop3A_1101] {strides = array<i32>} : memref<16384xf32, #tpu.memory_space<vmem>>, vector<16xf32>,
          tpu.vector_store %parallel_loop3A_1100[%parallel_loop3A_1101], %parallel_loop3A_1091 {strides = array<i32>} : memref<16384xf32, #tpu.memory_space<vmem>>, vector<16xf32>,
          %parallel_loop3A_1103 = arith.constant 32 : i32
          %parallel_loop3A_1104 = arith.addi %parallel_loop3A_1066, %parallel_loop3A_1103 : i32
          %parallel_loop3A_1105 = arith.index_cast %parallel_loop3A_1104 : i32 to index
          %parallel_loop3A_1106 = tpu.vector_load %arg5[%parallel_loop3A_1105] {strides = array<i32>} : memref<12800xf32, #tpu.memory_space<vmem>>, vector<16xf32>,
          %parallel_loop3A_1107 = arith.constant 32 : i32
          %parallel_loop3A_1108 = arith.addi %parallel_loop3A_1072, %parallel_loop3A_1107 : i32
          %parallel_loop3A_1109 = arith.constant 0 : i32
          %parallel_loop3A_1110 = arith.constant 0 : i32
          %parallel_loop3A_1111 = tpu.memref_slice %arg7[%select_n3A_119, %parallel_loop3A_1109, %parallel_loop3A_1110] : memref<6x1x16384xf32, #tpu.memory_space<vmem>> -> memref<1x1x16384xf32, #tpu.memory_space<vmem>>
          %parallel_loop3A_1112 = tpu.memref_squeeze %parallel_loop3A_1111 : memref<1x1x16384xf32, #tpu.memory_space<vmem>> -> memref<1x16384xf32, #tpu.memory_space<vmem>>
          %parallel_loop3A_1113 = arith.constant 0 : i32
          %parallel_loop3A_1114 = tpu.memref_slice %parallel_loop3A_1112[%parallel_loop3A_137, %parallel_loop3A_1113] : memref<1x16384xf32, #tpu.memory_space<vmem>> -> memref<1x16384xf32, #tpu.memory_space<vmem>>
          %parallel_loop3A_1115 = tpu.memref_squeeze %parallel_loop3A_1114 : memref<1x16384xf32, #tpu.memory_space<vmem>> -> memref<16384xf32, #tpu.memory_space<vmem>>
          %parallel_loop3A_1116 = arith.index_cast %parallel_loop3A_1108 : i32 to index
          %parallel_loop3A_1117 = tpu.vector_load %parallel_loop3A_1115[%parallel_loop3A_1116] {strides = array<i32>} : memref<16384xf32, #tpu.memory_space<vmem>>, vector<16xf32>,
          tpu.vector_store %parallel_loop3A_1115[%parallel_loop3A_1116], %parallel_loop3A_1106 {strides = array<i32>} : memref<16384xf32, #tpu.memory_space<vmem>>, vector<16xf32>,
          %parallel_loop3A_1118 = arith.constant 48 : i32
          %parallel_loop3A_1119 = arith.addi %parallel_loop3A_1066, %parallel_loop3A_1118 : i32
          %parallel_loop3A_1120 = arith.index_cast %parallel_loop3A_1119 : i32 to index
          %parallel_loop3A_1121 = tpu.vector_load %arg5[%parallel_loop3A_1120] {strides = array<i32>} : memref<12800xf32, #tpu.memory_space<vmem>>, vector<16xf32>,
          %parallel_loop3A_1122 = arith.constant 48 : i32
          %parallel_loop3A_1123 = arith.addi %parallel_loop3A_1072, %parallel_loop3A_1122 : i32
          %parallel_loop3A_1124 = arith.constant 0 : i32
          %parallel_loop3A_1125 = arith.constant 0 : i32
          %parallel_loop3A_1126 = tpu.memref_slice %arg7[%select_n3A_119, %parallel_loop3A_1124, %parallel_loop3A_1125] : memref<6x1x16384xf32, #tpu.memory_space<vmem>> -> memref<1x1x16384xf32, #tpu.memory_space<vmem>>
          %parallel_loop3A_1127 = tpu.memref_squeeze %parallel_loop3A_1126 : memref<1x1x16384xf32, #tpu.memory_space<vmem>> -> memref<1x16384xf32, #tpu.memory_space<vmem>>
          %parallel_loop3A_1128 = arith.constant 0 : i32
          %parallel_loop3A_1129 = tpu.memref_slice %parallel_loop3A_1127[%parallel_loop3A_137, %parallel_loop3A_1128] : memref<1x16384xf32, #tpu.memory_space<vmem>> -> memref<1x16384xf32, #tpu.memory_space<vmem>>
          %parallel_loop3A_1130 = tpu.memref_squeeze %parallel_loop3A_1129 : memref<1x16384xf32, #tpu.memory_space<vmem>> -> memref<16384xf32, #tpu.memory_space<vmem>>
          %parallel_loop3A_1131 = arith.index_cast %parallel_loop3A_1123 : i32 to index
          %parallel_loop3A_1132 = tpu.vector_load %parallel_loop3A_1130[%parallel_loop3A_1131] {strides = array<i32>} : memref<16384xf32, #tpu.memory_space<vmem>>, vector<16xf32>,
          tpu.vector_store %parallel_loop3A_1130[%parallel_loop3A_1131], %parallel_loop3A_1121 {strides = array<i32>} : memref<16384xf32, #tpu.memory_space<vmem>>, vector<16xf32>,
          %parallel_loop3A_1133 = arith.constant 64 : i32
          %parallel_loop3A_1134 = arith.addi %parallel_loop3A_1066, %parallel_loop3A_1133 : i32
          %parallel_loop3A_1135 = arith.index_cast %parallel_loop3A_1134 : i32 to index
          %parallel_loop3A_1136 = tpu.vector_load %arg5[%parallel_loop3A_1135] {strides = array<i32>} : memref<12800xf32, #tpu.memory_space<vmem>>, vector<16xf32>,
          %parallel_loop3A_1137 = arith.constant 64 : i32
          %parallel_loop3A_1138 = arith.addi %parallel_loop3A_1072, %parallel_loop3A_1137 : i32
          %parallel_loop3A_1139 = arith.constant 0 : i32
          %parallel_loop3A_1140 = arith.constant 0 : i32
          %parallel_loop3A_1141 = tpu.memref_slice %arg7[%select_n3A_119, %parallel_loop3A_1139, %parallel_loop3A_1140] : memref<6x1x16384xf32, #tpu.memory_space<vmem>> -> memref<1x1x16384xf32, #tpu.memory_space<vmem>>
          %parallel_loop3A_1142 = tpu.memref_squeeze %parallel_loop3A_1141 : memref<1x1x16384xf32, #tpu.memory_space<vmem>> -> memref<1x16384xf32, #tpu.memory_space<vmem>>
          %parallel_loop3A_1143 = arith.constant 0 : i32
          %parallel_loop3A_1144 = tpu.memref_slice %parallel_loop3A_1142[%parallel_loop3A_137, %parallel_loop3A_1143] : memref<1x16384xf32, #tpu.memory_space<vmem>> -> memref<1x16384xf32, #tpu.memory_space<vmem>>
          %parallel_loop3A_1145 = tpu.memref_squeeze %parallel_loop3A_1144 : memref<1x16384xf32, #tpu.memory_space<vmem>> -> memref<16384xf32, #tpu.memory_space<vmem>>
          %parallel_loop3A_1146 = arith.index_cast %parallel_loop3A_1138 : i32 to index
          %parallel_loop3A_1147 = tpu.vector_load %parallel_loop3A_1145[%parallel_loop3A_1146] {strides = array<i32>} : memref<16384xf32, #tpu.memory_space<vmem>>, vector<16xf32>,
          tpu.vector_store %parallel_loop3A_1145[%parallel_loop3A_1146], %parallel_loop3A_1136 {strides = array<i32>} : memref<16384xf32, #tpu.memory_space<vmem>>, vector<16xf32>,
          %parallel_loop3A_1148 = arith.constant 80 : i32
          %parallel_loop3A_1149 = arith.addi %parallel_loop3A_1066, %parallel_loop3A_1148 : i32
          %parallel_loop3A_1150 = arith.index_cast %parallel_loop3A_1149 : i32 to index
          %parallel_loop3A_1151 = tpu.vector_load %arg5[%parallel_loop3A_1150] {strides = array<i32>} : memref<12800xf32, #tpu.memory_space<vmem>>, vector<16xf32>,
          %parallel_loop3A_1152 = arith.constant 80 : i32
          %parallel_loop3A_1153 = arith.addi %parallel_loop3A_1072, %parallel_loop3A_1152 : i32
          %parallel_loop3A_1154 = arith.constant 0 : i32
          %parallel_loop3A_1155 = arith.constant 0 : i32
          %parallel_loop3A_1156 = tpu.memref_slice %arg7[%select_n3A_119, %parallel_loop3A_1154, %parallel_loop3A_1155] : memref<6x1x16384xf32, #tpu.memory_space<vmem>> -> memref<1x1x16384xf32, #tpu.memory_space<vmem>>
          %parallel_loop3A_1157 = tpu.memref_squeeze %parallel_loop3A_1156 : memref<1x1x16384xf32, #tpu.memory_space<vmem>> -> memref<1x16384xf32, #tpu.memory_space<vmem>>
          %parallel_loop3A_1158 = arith.constant 0 : i32
          %parallel_loop3A_1159 = tpu.memref_slice %parallel_loop3A_1157[%parallel_loop3A_137, %parallel_loop3A_1158] : memref<1x16384xf32, #tpu.memory_space<vmem>> -> memref<1x16384xf32, #tpu.memory_space<vmem>>
          %parallel_loop3A_1160 = tpu.memref_squeeze %parallel_loop3A_1159 : memref<1x16384xf32, #tpu.memory_space<vmem>> -> memref<16384xf32, #tpu.memory_space<vmem>>
          %parallel_loop3A_1161 = arith.index_cast %parallel_loop3A_1153 : i32 to index
          %parallel_loop3A_1162 = tpu.vector_load %parallel_loop3A_1160[%parallel_loop3A_1161] {strides = array<i32>} : memref<16384xf32, #tpu.memory_space<vmem>>, vector<16xf32>,
          tpu.vector_store %parallel_loop3A_1160[%parallel_loop3A_1161], %parallel_loop3A_1151 {strides = array<i32>} : memref<16384xf32, #tpu.memory_space<vmem>>, vector<16xf32>,
          %parallel_loop3A_1163 = arith.constant 96 : i32
          %parallel_loop3A_1164 = arith.addi %parallel_loop3A_1066, %parallel_loop3A_1163 : i32
          %parallel_loop3A_1165 = arith.index_cast %parallel_loop3A_1164 : i32 to index
          %parallel_loop3A_1166 = tpu.vector_load %arg5[%parallel_loop3A_1165] {strides = array<i32>} : memref<12800xf32, #tpu.memory_space<vmem>>, vector<16xf32>,
          %parallel_loop3A_1167 = arith.constant 96 : i32
          %parallel_loop3A_1168 = arith.addi %parallel_loop3A_1072, %parallel_loop3A_1167 : i32
          %parallel_loop3A_1169 = arith.constant 0 : i32
          %parallel_loop3A_1170 = arith.constant 0 : i32
          %parallel_loop3A_1171 = tpu.memref_slice %arg7[%select_n3A_119, %parallel_loop3A_1169, %parallel_loop3A_1170] : memref<6x1x16384xf32, #tpu.memory_space<vmem>> -> memref<1x1x16384xf32, #tpu.memory_space<vmem>>
          %parallel_loop3A_1172 = tpu.memref_squeeze %parallel_loop3A_1171 : memref<1x1x16384xf32, #tpu.memory_space<vmem>> -> memref<1x16384xf32, #tpu.memory_space<vmem>>
          %parallel_loop3A_1173 = arith.constant 0 : i32
          %parallel_loop3A_1174 = tpu.memref_slice %parallel_loop3A_1172[%parallel_loop3A_137, %parallel_loop3A_1173] : memref<1x16384xf32, #tpu.memory_space<vmem>> -> memref<1x16384xf32, #tpu.memory_space<vmem>>
          %parallel_loop3A_1175 = tpu.memref_squeeze %parallel_loop3A_1174 : memref<1x16384xf32, #tpu.memory_space<vmem>> -> memref<16384xf32, #tpu.memory_space<vmem>>
          %parallel_loop3A_1176 = arith.index_cast %parallel_loop3A_1168 : i32 to index
          %parallel_loop3A_1177 = tpu.vector_load %parallel_loop3A_1175[%parallel_loop3A_1176] {strides = array<i32>} : memref<16384xf32, #tpu.memory_space<vmem>>, vector<16xf32>,
          tpu.vector_store %parallel_loop3A_1175[%parallel_loop3A_1176], %parallel_loop3A_1166 {strides = array<i32>} : memref<16384xf32, #tpu.memory_space<vmem>>, vector<16xf32>,
          %parallel_loop3A_1178 = arith.constant 112 : i32
          %parallel_loop3A_1179 = arith.addi %parallel_loop3A_1066, %parallel_loop3A_1178 : i32
          %parallel_loop3A_1180 = arith.index_cast %parallel_loop3A_1179 : i32 to index
          %parallel_loop3A_1181 = tpu.vector_load %arg5[%parallel_loop3A_1180] {strides = array<i32>} : memref<12800xf32, #tpu.memory_space<vmem>>, vector<16xf32>,
          %parallel_loop3A_1182 = arith.constant 112 : i32
          %parallel_loop3A_1183 = arith.addi %parallel_loop3A_1072, %parallel_loop3A_1182 : i32
          %parallel_loop3A_1184 = arith.constant 0 : i32
          %parallel_loop3A_1185 = arith.constant 0 : i32
          %parallel_loop3A_1186 = tpu.memref_slice %arg7[%select_n3A_119, %parallel_loop3A_1184, %parallel_loop3A_1185] : memref<6x1x16384xf32, #tpu.memory_space<vmem>> -> memref<1x1x16384xf32, #tpu.memory_space<vmem>>
          %parallel_loop3A_1187 = tpu.memref_squeeze %parallel_loop3A_1186 : memref<1x1x16384xf32, #tpu.memory_space<vmem>> -> memref<1x16384xf32, #tpu.memory_space<vmem>>
          %parallel_loop3A_1188 = arith.constant 0 : i32
          %parallel_loop3A_1189 = tpu.memref_slice %parallel_loop3A_1187[%parallel_loop3A_137, %parallel_loop3A_1188] : memref<1x16384xf32, #tpu.memory_space<vmem>> -> memref<1x16384xf32, #tpu.memory_space<vmem>>
          %parallel_loop3A_1190 = tpu.memref_squeeze %parallel_loop3A_1189 : memref<1x16384xf32, #tpu.memory_space<vmem>> -> memref<16384xf32, #tpu.memory_space<vmem>>
          %parallel_loop3A_1191 = arith.index_cast %parallel_loop3A_1183 : i32 to index
          %parallel_loop3A_1192 = tpu.vector_load %parallel_loop3A_1190[%parallel_loop3A_1191] {strides = array<i32>} : memref<16384xf32, #tpu.memory_space<vmem>>, vector<16xf32>,
          tpu.vector_store %parallel_loop3A_1190[%parallel_loop3A_1191], %parallel_loop3A_1181 {strides = array<i32>} : memref<16384xf32, #tpu.memory_space<vmem>>, vector<16xf32>,
          %parallel_loop3A_1193 = vector.extract_strided_slice %parallel_loop3A_168 {offsets = [8], sizes = [1], strides = [1]} : vector<16xi32> to vector<1xi32>
          %parallel_loop3A_1194 = vector.extract %parallel_loop3A_1193[0] : i32 from vector<1xi32>
          %parallel_loop3A_1195 = arith.constant 16 : i32
          %parallel_loop3A_1196 = arith.muli %parallel_loop3A_156, %parallel_loop3A_1195 : i32
          %parallel_loop3A_1197 = arith.constant 128 : i32
          %parallel_loop3A_1198 = arith.muli %parallel_loop3A_1196, %parallel_loop3A_1197 : i32
          %parallel_loop3A_1199 = arith.constant 1024 : i32
          %parallel_loop3A_1200 = arith.addi %parallel_loop3A_1198, %parallel_loop3A_1199 : i32
          %parallel_loop3A_1201 = arith.constant 0 : i32
          %parallel_loop3A_1202 = arith.addi %parallel_loop3A_1194, %parallel_loop3A_1201 : i32
          %parallel_loop3A_1203 = arith.index_cast %parallel_loop3A_1202 : i32 to index
          %parallel_loop3A_1204 = tpu.vector_load %arg5[%parallel_loop3A_1203] {strides = array<i32>} : memref<12800xf32, #tpu.memory_space<vmem>>, vector<16xf32>,
          %parallel_loop3A_1205 = arith.constant 0 : i32
          %parallel_loop3A_1206 = arith.addi %parallel_loop3A_1200, %parallel_loop3A_1205 : i32
          %parallel_loop3A_1207 = arith.constant 0 : i32
          %parallel_loop3A_1208 = arith.constant 0 : i32
          %parallel_loop3A_1209 = tpu.memref_slice %arg7[%select_n3A_119, %parallel_loop3A_1207, %parallel_loop3A_1208] : memref<6x1x16384xf32, #tpu.memory_space<vmem>> -> memref<1x1x16384xf32, #tpu.memory_space<vmem>>
          %parallel_loop3A_1210 = tpu.memref_squeeze %parallel_loop3A_1209 : memref<1x1x16384xf32, #tpu.memory_space<vmem>> -> memref<1x16384xf32, #tpu.memory_space<vmem>>
          %parallel_loop3A_1211 = arith.constant 0 : i32
          %parallel_loop3A_1212 = tpu.memref_slice %parallel_loop3A_1210[%parallel_loop3A_137, %parallel_loop3A_1211] : memref<1x16384xf32, #tpu.memory_space<vmem>> -> memref<1x16384xf32, #tpu.memory_space<vmem>>
          %parallel_loop3A_1213 = tpu.memref_squeeze %parallel_loop3A_1212 : memref<1x16384xf32, #tpu.memory_space<vmem>> -> memref<16384xf32, #tpu.memory_space<vmem>>
          %parallel_loop3A_1214 = arith.index_cast %parallel_loop3A_1206 : i32 to index
          %parallel_loop3A_1215 = tpu.vector_load %parallel_loop3A_1213[%parallel_loop3A_1214] {strides = array<i32>} : memref<16384xf32, #tpu.memory_space<vmem>>, vector<16xf32>,
          tpu.vector_store %parallel_loop3A_1213[%parallel_loop3A_1214], %parallel_loop3A_1204 {strides = array<i32>} : memref<16384xf32, #tpu.memory_space<vmem>>, vector<16xf32>,
          %parallel_loop3A_1216 = arith.constant 16 : i32
          %parallel_loop3A_1217 = arith.addi %parallel_loop3A_1194, %parallel_loop3A_1216 : i32
          %parallel_loop3A_1218 = arith.index_cast %parallel_loop3A_1217 : i32 to index
          %parallel_loop3A_1219 = tpu.vector_load %arg5[%parallel_loop3A_1218] {strides = array<i32>} : memref<12800xf32, #tpu.memory_space<vmem>>, vector<16xf32>,
          %parallel_loop3A_1220 = arith.constant 16 : i32
          %parallel_loop3A_1221 = arith.addi %parallel_loop3A_1200, %parallel_loop3A_1220 : i32
          %parallel_loop3A_1222 = arith.constant 0 : i32
          %parallel_loop3A_1223 = arith.constant 0 : i32
          %parallel_loop3A_1224 = tpu.memref_slice %arg7[%select_n3A_119, %parallel_loop3A_1222, %parallel_loop3A_1223] : memref<6x1x16384xf32, #tpu.memory_space<vmem>> -> memref<1x1x16384xf32, #tpu.memory_space<vmem>>
          %parallel_loop3A_1225 = tpu.memref_squeeze %parallel_loop3A_1224 : memref<1x1x16384xf32, #tpu.memory_space<vmem>> -> memref<1x16384xf32, #tpu.memory_space<vmem>>
          %parallel_loop3A_1226 = arith.constant 0 : i32
          %parallel_loop3A_1227 = tpu.memref_slice %parallel_loop3A_1225[%parallel_loop3A_137, %parallel_loop3A_1226] : memref<1x16384xf32, #tpu.memory_space<vmem>> -> memref<1x16384xf32, #tpu.memory_space<vmem>>
          %parallel_loop3A_1228 = tpu.memref_squeeze %parallel_loop3A_1227 : memref<1x16384xf32, #tpu.memory_space<vmem>> -> memref<16384xf32, #tpu.memory_space<vmem>>
          %parallel_loop3A_1229 = arith.index_cast %parallel_loop3A_1221 : i32 to index
          %parallel_loop3A_1230 = tpu.vector_load %parallel_loop3A_1228[%parallel_loop3A_1229] {strides = array<i32>} : memref<16384xf32, #tpu.memory_space<vmem>>, vector<16xf32>,
          tpu.vector_store %parallel_loop3A_1228[%parallel_loop3A_1229], %parallel_loop3A_1219 {strides = array<i32>} : memref<16384xf32, #tpu.memory_space<vmem>>, vector<16xf32>,
          %parallel_loop3A_1231 = arith.constant 32 : i32
          %parallel_loop3A_1232 = arith.addi %parallel_loop3A_1194, %parallel_loop3A_1231 : i32
          %parallel_loop3A_1233 = arith.index_cast %parallel_loop3A_1232 : i32 to index
          %parallel_loop3A_1234 = tpu.vector_load %arg5[%parallel_loop3A_1233] {strides = array<i32>} : memref<12800xf32, #tpu.memory_space<vmem>>, vector<16xf32>,
          %parallel_loop3A_1235 = arith.constant 32 : i32
          %parallel_loop3A_1236 = arith.addi %parallel_loop3A_1200, %parallel_loop3A_1235 : i32
          %parallel_loop3A_1237 = arith.constant 0 : i32
          %parallel_loop3A_1238 = arith.constant 0 : i32
          %parallel_loop3A_1239 = tpu.memref_slice %arg7[%select_n3A_119, %parallel_loop3A_1237, %parallel_loop3A_1238] : memref<6x1x16384xf32, #tpu.memory_space<vmem>> -> memref<1x1x16384xf32, #tpu.memory_space<vmem>>
          %parallel_loop3A_1240 = tpu.memref_squeeze %parallel_loop3A_1239 : memref<1x1x16384xf32, #tpu.memory_space<vmem>> -> memref<1x16384xf32, #tpu.memory_space<vmem>>
          %parallel_loop3A_1241 = arith.constant 0 : i32
          %parallel_loop3A_1242 = tpu.memref_slice %parallel_loop3A_1240[%parallel_loop3A_137, %parallel_loop3A_1241] : memref<1x16384xf32, #tpu.memory_space<vmem>> -> memref<1x16384xf32, #tpu.memory_space<vmem>>
          %parallel_loop3A_1243 = tpu.memref_squeeze %parallel_loop3A_1242 : memref<1x16384xf32, #tpu.memory_space<vmem>> -> memref<16384xf32, #tpu.memory_space<vmem>>
          %parallel_loop3A_1244 = arith.index_cast %parallel_loop3A_1236 : i32 to index
          %parallel_loop3A_1245 = tpu.vector_load %parallel_loop3A_1243[%parallel_loop3A_1244] {strides = array<i32>} : memref<16384xf32, #tpu.memory_space<vmem>>, vector<16xf32>,
          tpu.vector_store %parallel_loop3A_1243[%parallel_loop3A_1244], %parallel_loop3A_1234 {strides = array<i32>} : memref<16384xf32, #tpu.memory_space<vmem>>, vector<16xf32>,
          %parallel_loop3A_1246 = arith.constant 48 : i32
          %parallel_loop3A_1247 = arith.addi %parallel_loop3A_1194, %parallel_loop3A_1246 : i32
          %parallel_loop3A_1248 = arith.index_cast %parallel_loop3A_1247 : i32 to index
          %parallel_loop3A_1249 = tpu.vector_load %arg5[%parallel_loop3A_1248] {strides = array<i32>} : memref<12800xf32, #tpu.memory_space<vmem>>, vector<16xf32>,
          %parallel_loop3A_1250 = arith.constant 48 : i32
          %parallel_loop3A_1251 = arith.addi %parallel_loop3A_1200, %parallel_loop3A_1250 : i32
          %parallel_loop3A_1252 = arith.constant 0 : i32
          %parallel_loop3A_1253 = arith.constant 0 : i32
          %parallel_loop3A_1254 = tpu.memref_slice %arg7[%select_n3A_119, %parallel_loop3A_1252, %parallel_loop3A_1253] : memref<6x1x16384xf32, #tpu.memory_space<vmem>> -> memref<1x1x16384xf32, #tpu.memory_space<vmem>>
          %parallel_loop3A_1255 = tpu.memref_squeeze %parallel_loop3A_1254 : memref<1x1x16384xf32, #tpu.memory_space<vmem>> -> memref<1x16384xf32, #tpu.memory_space<vmem>>
          %parallel_loop3A_1256 = arith.constant 0 : i32
          %parallel_loop3A_1257 = tpu.memref_slice %parallel_loop3A_1255[%parallel_loop3A_137, %parallel_loop3A_1256] : memref<1x16384xf32, #tpu.memory_space<vmem>> -> memref<1x16384xf32, #tpu.memory_space<vmem>>
          %parallel_loop3A_1258 = tpu.memref_squeeze %parallel_loop3A_1257 : memref<1x16384xf32, #tpu.memory_space<vmem>> -> memref<16384xf32, #tpu.memory_space<vmem>>
          %parallel_loop3A_1259 = arith.index_cast %parallel_loop3A_1251 : i32 to index
          %parallel_loop3A_1260 = tpu.vector_load %parallel_loop3A_1258[%parallel_loop3A_1259] {strides = array<i32>} : memref<16384xf32, #tpu.memory_space<vmem>>, vector<16xf32>,
          tpu.vector_store %parallel_loop3A_1258[%parallel_loop3A_1259], %parallel_loop3A_1249 {strides = array<i32>} : memref<16384xf32, #tpu.memory_space<vmem>>, vector<16xf32>,
          %parallel_loop3A_1261 = arith.constant 64 : i32
          %parallel_loop3A_1262 = arith.addi %parallel_loop3A_1194, %parallel_loop3A_1261 : i32
          %parallel_loop3A_1263 = arith.index_cast %parallel_loop3A_1262 : i32 to index
          %parallel_loop3A_1264 = tpu.vector_load %arg5[%parallel_loop3A_1263] {strides = array<i32>} : memref<12800xf32, #tpu.memory_space<vmem>>, vector<16xf32>,
          %parallel_loop3A_1265 = arith.constant 64 : i32
          %parallel_loop3A_1266 = arith.addi %parallel_loop3A_1200, %parallel_loop3A_1265 : i32
          %parallel_loop3A_1267 = arith.constant 0 : i32
          %parallel_loop3A_1268 = arith.constant 0 : i32
          %parallel_loop3A_1269 = tpu.memref_slice %arg7[%select_n3A_119, %parallel_loop3A_1267, %parallel_loop3A_1268] : memref<6x1x16384xf32, #tpu.memory_space<vmem>> -> memref<1x1x16384xf32, #tpu.memory_space<vmem>>
          %parallel_loop3A_1270 = tpu.memref_squeeze %parallel_loop3A_1269 : memref<1x1x16384xf32, #tpu.memory_space<vmem>> -> memref<1x16384xf32, #tpu.memory_space<vmem>>
          %parallel_loop3A_1271 = arith.constant 0 : i32
          %parallel_loop3A_1272 = tpu.memref_slice %parallel_loop3A_1270[%parallel_loop3A_137, %parallel_loop3A_1271] : memref<1x16384xf32, #tpu.memory_space<vmem>> -> memref<1x16384xf32, #tpu.memory_space<vmem>>
          %parallel_loop3A_1273 = tpu.memref_squeeze %parallel_loop3A_1272 : memref<1x16384xf32, #tpu.memory_space<vmem>> -> memref<16384xf32, #tpu.memory_space<vmem>>
          %parallel_loop3A_1274 = arith.index_cast %parallel_loop3A_1266 : i32 to index
          %parallel_loop3A_1275 = tpu.vector_load %parallel_loop3A_1273[%parallel_loop3A_1274] {strides = array<i32>} : memref<16384xf32, #tpu.memory_space<vmem>>, vector<16xf32>,
          tpu.vector_store %parallel_loop3A_1273[%parallel_loop3A_1274], %parallel_loop3A_1264 {strides = array<i32>} : memref<16384xf32, #tpu.memory_space<vmem>>, vector<16xf32>,
          %parallel_loop3A_1276 = arith.constant 80 : i32
          %parallel_loop3A_1277 = arith.addi %parallel_loop3A_1194, %parallel_loop3A_1276 : i32
          %parallel_loop3A_1278 = arith.index_cast %parallel_loop3A_1277 : i32 to index
          %parallel_loop3A_1279 = tpu.vector_load %arg5[%parallel_loop3A_1278] {strides = array<i32>} : memref<12800xf32, #tpu.memory_space<vmem>>, vector<16xf32>,
          %parallel_loop3A_1280 = arith.constant 80 : i32
          %parallel_loop3A_1281 = arith.addi %parallel_loop3A_1200, %parallel_loop3A_1280 : i32
          %parallel_loop3A_1282 = arith.constant 0 : i32
          %parallel_loop3A_1283 = arith.constant 0 : i32
          %parallel_loop3A_1284 = tpu.memref_slice %arg7[%select_n3A_119, %parallel_loop3A_1282, %parallel_loop3A_1283] : memref<6x1x16384xf32, #tpu.memory_space<vmem>> -> memref<1x1x16384xf32, #tpu.memory_space<vmem>>
          %parallel_loop3A_1285 = tpu.memref_squeeze %parallel_loop3A_1284 : memref<1x1x16384xf32, #tpu.memory_space<vmem>> -> memref<1x16384xf32, #tpu.memory_space<vmem>>
          %parallel_loop3A_1286 = arith.constant 0 : i32
          %parallel_loop3A_1287 = tpu.memref_slice %parallel_loop3A_1285[%parallel_loop3A_137, %parallel_loop3A_1286] : memref<1x16384xf32, #tpu.memory_space<vmem>> -> memref<1x16384xf32, #tpu.memory_space<vmem>>
          %parallel_loop3A_1288 = tpu.memref_squeeze %parallel_loop3A_1287 : memref<1x16384xf32, #tpu.memory_space<vmem>> -> memref<16384xf32, #tpu.memory_space<vmem>>
          %parallel_loop3A_1289 = arith.index_cast %parallel_loop3A_1281 : i32 to index
          %parallel_loop3A_1290 = tpu.vector_load %parallel_loop3A_1288[%parallel_loop3A_1289] {strides = array<i32>} : memref<16384xf32, #tpu.memory_space<vmem>>, vector<16xf32>,
          tpu.vector_store %parallel_loop3A_1288[%parallel_loop3A_1289], %parallel_loop3A_1279 {strides = array<i32>} : memref<16384xf32, #tpu.memory_space<vmem>>, vector<16xf32>,
          %parallel_loop3A_1291 = arith.constant 96 : i32
          %parallel_loop3A_1292 = arith.addi %parallel_loop3A_1194, %parallel_loop3A_1291 : i32
          %parallel_loop3A_1293 = arith.index_cast %parallel_loop3A_1292 : i32 to index
          %parallel_loop3A_1294 = tpu.vector_load %arg5[%parallel_loop3A_1293] {strides = array<i32>} : memref<12800xf32, #tpu.memory_space<vmem>>, vector<16xf32>,
          %parallel_loop3A_1295 = arith.constant 96 : i32
          %parallel_loop3A_1296 = arith.addi %parallel_loop3A_1200, %parallel_loop3A_1295 : i32
          %parallel_loop3A_1297 = arith.constant 0 : i32
          %parallel_loop3A_1298 = arith.constant 0 : i32
          %parallel_loop3A_1299 = tpu.memref_slice %arg7[%select_n3A_119, %parallel_loop3A_1297, %parallel_loop3A_1298] : memref<6x1x16384xf32, #tpu.memory_space<vmem>> -> memref<1x1x16384xf32, #tpu.memory_space<vmem>>
          %parallel_loop3A_1300 = tpu.memref_squeeze %parallel_loop3A_1299 : memref<1x1x16384xf32, #tpu.memory_space<vmem>> -> memref<1x16384xf32, #tpu.memory_space<vmem>>
          %parallel_loop3A_1301 = arith.constant 0 : i32
          %parallel_loop3A_1302 = tpu.memref_slice %parallel_loop3A_1300[%parallel_loop3A_137, %parallel_loop3A_1301] : memref<1x16384xf32, #tpu.memory_space<vmem>> -> memref<1x16384xf32, #tpu.memory_space<vmem>>
          %parallel_loop3A_1303 = tpu.memref_squeeze %parallel_loop3A_1302 : memref<1x16384xf32, #tpu.memory_space<vmem>> -> memref<16384xf32, #tpu.memory_space<vmem>>
          %parallel_loop3A_1304 = arith.index_cast %parallel_loop3A_1296 : i32 to index
          %parallel_loop3A_1305 = tpu.vector_load %parallel_loop3A_1303[%parallel_loop3A_1304] {strides = array<i32>} : memref<16384xf32, #tpu.memory_space<vmem>>, vector<16xf32>,
          tpu.vector_store %parallel_loop3A_1303[%parallel_loop3A_1304], %parallel_loop3A_1294 {strides = array<i32>} : memref<16384xf32, #tpu.memory_space<vmem>>, vector<16xf32>,
          %parallel_loop3A_1306 = arith.constant 112 : i32
          %parallel_loop3A_1307 = arith.addi %parallel_loop3A_1194, %parallel_loop3A_1306 : i32
          %parallel_loop3A_1308 = arith.index_cast %parallel_loop3A_1307 : i32 to index
          %parallel_loop3A_1309 = tpu.vector_load %arg5[%parallel_loop3A_1308] {strides = array<i32>} : memref<12800xf32, #tpu.memory_space<vmem>>, vector<16xf32>,
          %parallel_loop3A_1310 = arith.constant 112 : i32
          %parallel_loop3A_1311 = arith.addi %parallel_loop3A_1200, %parallel_loop3A_1310 : i32
          %parallel_loop3A_1312 = arith.constant 0 : i32
          %parallel_loop3A_1313 = arith.constant 0 : i32
          %parallel_loop3A_1314 = tpu.memref_slice %arg7[%select_n3A_119, %parallel_loop3A_1312, %parallel_loop3A_1313] : memref<6x1x16384xf32, #tpu.memory_space<vmem>> -> memref<1x1x16384xf32, #tpu.memory_space<vmem>>
          %parallel_loop3A_1315 = tpu.memref_squeeze %parallel_loop3A_1314 : memref<1x1x16384xf32, #tpu.memory_space<vmem>> -> memref<1x16384xf32, #tpu.memory_space<vmem>>
          %parallel_loop3A_1316 = arith.constant 0 : i32
          %parallel_loop3A_1317 = tpu.memref_slice %parallel_loop3A_1315[%parallel_loop3A_137, %parallel_loop3A_1316] : memref<1x16384xf32, #tpu.memory_space<vmem>> -> memref<1x16384xf32, #tpu.memory_space<vmem>>
          %parallel_loop3A_1318 = tpu.memref_squeeze %parallel_loop3A_1317 : memref<1x16384xf32, #tpu.memory_space<vmem>> -> memref<16384xf32, #tpu.memory_space<vmem>>
          %parallel_loop3A_1319 = arith.index_cast %parallel_loop3A_1311 : i32 to index
          %parallel_loop3A_1320 = tpu.vector_load %parallel_loop3A_1318[%parallel_loop3A_1319] {strides = array<i32>} : memref<16384xf32, #tpu.memory_space<vmem>>, vector<16xf32>,
          tpu.vector_store %parallel_loop3A_1318[%parallel_loop3A_1319], %parallel_loop3A_1309 {strides = array<i32>} : memref<16384xf32, #tpu.memory_space<vmem>>, vector<16xf32>,
          %parallel_loop3A_1321 = vector.extract_strided_slice %parallel_loop3A_168 {offsets = [9], sizes = [1], strides = [1]} : vector<16xi32> to vector<1xi32>
          %parallel_loop3A_1322 = vector.extract %parallel_loop3A_1321[0] : i32 from vector<1xi32>
          %parallel_loop3A_1323 = arith.constant 16 : i32
          %parallel_loop3A_1324 = arith.muli %parallel_loop3A_156, %parallel_loop3A_1323 : i32
          %parallel_loop3A_1325 = arith.constant 128 : i32
          %parallel_loop3A_1326 = arith.muli %parallel_loop3A_1324, %parallel_loop3A_1325 : i32
          %parallel_loop3A_1327 = arith.constant 1152 : i32
          %parallel_loop3A_1328 = arith.addi %parallel_loop3A_1326, %parallel_loop3A_1327 : i32
          %parallel_loop3A_1329 = arith.constant 0 : i32
          %parallel_loop3A_1330 = arith.addi %parallel_loop3A_1322, %parallel_loop3A_1329 : i32
          %parallel_loop3A_1331 = arith.index_cast %parallel_loop3A_1330 : i32 to index
          %parallel_loop3A_1332 = tpu.vector_load %arg5[%parallel_loop3A_1331] {strides = array<i32>} : memref<12800xf32, #tpu.memory_space<vmem>>, vector<16xf32>,
          %parallel_loop3A_1333 = arith.constant 0 : i32
          %parallel_loop3A_1334 = arith.addi %parallel_loop3A_1328, %parallel_loop3A_1333 : i32
          %parallel_loop3A_1335 = arith.constant 0 : i32
          %parallel_loop3A_1336 = arith.constant 0 : i32
          %parallel_loop3A_1337 = tpu.memref_slice %arg7[%select_n3A_119, %parallel_loop3A_1335, %parallel_loop3A_1336] : memref<6x1x16384xf32, #tpu.memory_space<vmem>> -> memref<1x1x16384xf32, #tpu.memory_space<vmem>>
          %parallel_loop3A_1338 = tpu.memref_squeeze %parallel_loop3A_1337 : memref<1x1x16384xf32, #tpu.memory_space<vmem>> -> memref<1x16384xf32, #tpu.memory_space<vmem>>
          %parallel_loop3A_1339 = arith.constant 0 : i32
          %parallel_loop3A_1340 = tpu.memref_slice %parallel_loop3A_1338[%parallel_loop3A_137, %parallel_loop3A_1339] : memref<1x16384xf32, #tpu.memory_space<vmem>> -> memref<1x16384xf32, #tpu.memory_space<vmem>>
          %parallel_loop3A_1341 = tpu.memref_squeeze %parallel_loop3A_1340 : memref<1x16384xf32, #tpu.memory_space<vmem>> -> memref<16384xf32, #tpu.memory_space<vmem>>
          %parallel_loop3A_1342 = arith.index_cast %parallel_loop3A_1334 : i32 to index
          %parallel_loop3A_1343 = tpu.vector_load %parallel_loop3A_1341[%parallel_loop3A_1342] {strides = array<i32>} : memref<16384xf32, #tpu.memory_space<vmem>>, vector<16xf32>,
          tpu.vector_store %parallel_loop3A_1341[%parallel_loop3A_1342], %parallel_loop3A_1332 {strides = array<i32>} : memref<16384xf32, #tpu.memory_space<vmem>>, vector<16xf32>,
          %parallel_loop3A_1344 = arith.constant 16 : i32
          %parallel_loop3A_1345 = arith.addi %parallel_loop3A_1322, %parallel_loop3A_1344 : i32
          %parallel_loop3A_1346 = arith.index_cast %parallel_loop3A_1345 : i32 to index
          %parallel_loop3A_1347 = tpu.vector_load %arg5[%parallel_loop3A_1346] {strides = array<i32>} : memref<12800xf32, #tpu.memory_space<vmem>>, vector<16xf32>,
          %parallel_loop3A_1348 = arith.constant 16 : i32
          %parallel_loop3A_1349 = arith.addi %parallel_loop3A_1328, %parallel_loop3A_1348 : i32
          %parallel_loop3A_1350 = arith.constant 0 : i32
          %parallel_loop3A_1351 = arith.constant 0 : i32
          %parallel_loop3A_1352 = tpu.memref_slice %arg7[%select_n3A_119, %parallel_loop3A_1350, %parallel_loop3A_1351] : memref<6x1x16384xf32, #tpu.memory_space<vmem>> -> memref<1x1x16384xf32, #tpu.memory_space<vmem>>
          %parallel_loop3A_1353 = tpu.memref_squeeze %parallel_loop3A_1352 : memref<1x1x16384xf32, #tpu.memory_space<vmem>> -> memref<1x16384xf32, #tpu.memory_space<vmem>>
          %parallel_loop3A_1354 = arith.constant 0 : i32
          %parallel_loop3A_1355 = tpu.memref_slice %parallel_loop3A_1353[%parallel_loop3A_137, %parallel_loop3A_1354] : memref<1x16384xf32, #tpu.memory_space<vmem>> -> memref<1x16384xf32, #tpu.memory_space<vmem>>
          %parallel_loop3A_1356 = tpu.memref_squeeze %parallel_loop3A_1355 : memref<1x16384xf32, #tpu.memory_space<vmem>> -> memref<16384xf32, #tpu.memory_space<vmem>>
          %parallel_loop3A_1357 = arith.index_cast %parallel_loop3A_1349 : i32 to index
          %parallel_loop3A_1358 = tpu.vector_load %parallel_loop3A_1356[%parallel_loop3A_1357] {strides = array<i32>} : memref<16384xf32, #tpu.memory_space<vmem>>, vector<16xf32>,
          tpu.vector_store %parallel_loop3A_1356[%parallel_loop3A_1357], %parallel_loop3A_1347 {strides = array<i32>} : memref<16384xf32, #tpu.memory_space<vmem>>, vector<16xf32>,
          %parallel_loop3A_1359 = arith.constant 32 : i32
          %parallel_loop3A_1360 = arith.addi %parallel_loop3A_1322, %parallel_loop3A_1359 : i32
          %parallel_loop3A_1361 = arith.index_cast %parallel_loop3A_1360 : i32 to index
          %parallel_loop3A_1362 = tpu.vector_load %arg5[%parallel_loop3A_1361] {strides = array<i32>} : memref<12800xf32, #tpu.memory_space<vmem>>, vector<16xf32>,
          %parallel_loop3A_1363 = arith.constant 32 : i32
          %parallel_loop3A_1364 = arith.addi %parallel_loop3A_1328, %parallel_loop3A_1363 : i32
          %parallel_loop3A_1365 = arith.constant 0 : i32
          %parallel_loop3A_1366 = arith.constant 0 : i32
          %parallel_loop3A_1367 = tpu.memref_slice %arg7[%select_n3A_119, %parallel_loop3A_1365, %parallel_loop3A_1366] : memref<6x1x16384xf32, #tpu.memory_space<vmem>> -> memref<1x1x16384xf32, #tpu.memory_space<vmem>>
          %parallel_loop3A_1368 = tpu.memref_squeeze %parallel_loop3A_1367 : memref<1x1x16384xf32, #tpu.memory_space<vmem>> -> memref<1x16384xf32, #tpu.memory_space<vmem>>
          %parallel_loop3A_1369 = arith.constant 0 : i32
          %parallel_loop3A_1370 = tpu.memref_slice %parallel_loop3A_1368[%parallel_loop3A_137, %parallel_loop3A_1369] : memref<1x16384xf32, #tpu.memory_space<vmem>> -> memref<1x16384xf32, #tpu.memory_space<vmem>>
          %parallel_loop3A_1371 = tpu.memref_squeeze %parallel_loop3A_1370 : memref<1x16384xf32, #tpu.memory_space<vmem>> -> memref<16384xf32, #tpu.memory_space<vmem>>
          %parallel_loop3A_1372 = arith.index_cast %parallel_loop3A_1364 : i32 to index
          %parallel_loop3A_1373 = tpu.vector_load %parallel_loop3A_1371[%parallel_loop3A_1372] {strides = array<i32>} : memref<16384xf32, #tpu.memory_space<vmem>>, vector<16xf32>,
          tpu.vector_store %parallel_loop3A_1371[%parallel_loop3A_1372], %parallel_loop3A_1362 {strides = array<i32>} : memref<16384xf32, #tpu.memory_space<vmem>>, vector<16xf32>,
          %parallel_loop3A_1374 = arith.constant 48 : i32
          %parallel_loop3A_1375 = arith.addi %parallel_loop3A_1322, %parallel_loop3A_1374 : i32
          %parallel_loop3A_1376 = arith.index_cast %parallel_loop3A_1375 : i32 to index
          %parallel_loop3A_1377 = tpu.vector_load %arg5[%parallel_loop3A_1376] {strides = array<i32>} : memref<12800xf32, #tpu.memory_space<vmem>>, vector<16xf32>,
          %parallel_loop3A_1378 = arith.constant 48 : i32
          %parallel_loop3A_1379 = arith.addi %parallel_loop3A_1328, %parallel_loop3A_1378 : i32
          %parallel_loop3A_1380 = arith.constant 0 : i32
          %parallel_loop3A_1381 = arith.constant 0 : i32
          %parallel_loop3A_1382 = tpu.memref_slice %arg7[%select_n3A_119, %parallel_loop3A_1380, %parallel_loop3A_1381] : memref<6x1x16384xf32, #tpu.memory_space<vmem>> -> memref<1x1x16384xf32, #tpu.memory_space<vmem>>
          %parallel_loop3A_1383 = tpu.memref_squeeze %parallel_loop3A_1382 : memref<1x1x16384xf32, #tpu.memory_space<vmem>> -> memref<1x16384xf32, #tpu.memory_space<vmem>>
          %parallel_loop3A_1384 = arith.constant 0 : i32
          %parallel_loop3A_1385 = tpu.memref_slice %parallel_loop3A_1383[%parallel_loop3A_137, %parallel_loop3A_1384] : memref<1x16384xf32, #tpu.memory_space<vmem>> -> memref<1x16384xf32, #tpu.memory_space<vmem>>
          %parallel_loop3A_1386 = tpu.memref_squeeze %parallel_loop3A_1385 : memref<1x16384xf32, #tpu.memory_space<vmem>> -> memref<16384xf32, #tpu.memory_space<vmem>>
          %parallel_loop3A_1387 = arith.index_cast %parallel_loop3A_1379 : i32 to index
          %parallel_loop3A_1388 = tpu.vector_load %parallel_loop3A_1386[%parallel_loop3A_1387] {strides = array<i32>} : memref<16384xf32, #tpu.memory_space<vmem>>, vector<16xf32>,
          tpu.vector_store %parallel_loop3A_1386[%parallel_loop3A_1387], %parallel_loop3A_1377 {strides = array<i32>} : memref<16384xf32, #tpu.memory_space<vmem>>, vector<16xf32>,
          %parallel_loop3A_1389 = arith.constant 64 : i32
          %parallel_loop3A_1390 = arith.addi %parallel_loop3A_1322, %parallel_loop3A_1389 : i32
          %parallel_loop3A_1391 = arith.index_cast %parallel_loop3A_1390 : i32 to index
          %parallel_loop3A_1392 = tpu.vector_load %arg5[%parallel_loop3A_1391] {strides = array<i32>} : memref<12800xf32, #tpu.memory_space<vmem>>, vector<16xf32>,
          %parallel_loop3A_1393 = arith.constant 64 : i32
          %parallel_loop3A_1394 = arith.addi %parallel_loop3A_1328, %parallel_loop3A_1393 : i32
          %parallel_loop3A_1395 = arith.constant 0 : i32
          %parallel_loop3A_1396 = arith.constant 0 : i32
          %parallel_loop3A_1397 = tpu.memref_slice %arg7[%select_n3A_119, %parallel_loop3A_1395, %parallel_loop3A_1396] : memref<6x1x16384xf32, #tpu.memory_space<vmem>> -> memref<1x1x16384xf32, #tpu.memory_space<vmem>>
          %parallel_loop3A_1398 = tpu.memref_squeeze %parallel_loop3A_1397 : memref<1x1x16384xf32, #tpu.memory_space<vmem>> -> memref<1x16384xf32, #tpu.memory_space<vmem>>
          %parallel_loop3A_1399 = arith.constant 0 : i32
          %parallel_loop3A_1400 = tpu.memref_slice %parallel_loop3A_1398[%parallel_loop3A_137, %parallel_loop3A_1399] : memref<1x16384xf32, #tpu.memory_space<vmem>> -> memref<1x16384xf32, #tpu.memory_space<vmem>>
          %parallel_loop3A_1401 = tpu.memref_squeeze %parallel_loop3A_1400 : memref<1x16384xf32, #tpu.memory_space<vmem>> -> memref<16384xf32, #tpu.memory_space<vmem>>
          %parallel_loop3A_1402 = arith.index_cast %parallel_loop3A_1394 : i32 to index
          %parallel_loop3A_1403 = tpu.vector_load %parallel_loop3A_1401[%parallel_loop3A_1402] {strides = array<i32>} : memref<16384xf32, #tpu.memory_space<vmem>>, vector<16xf32>,
          tpu.vector_store %parallel_loop3A_1401[%parallel_loop3A_1402], %parallel_loop3A_1392 {strides = array<i32>} : memref<16384xf32, #tpu.memory_space<vmem>>, vector<16xf32>,
          %parallel_loop3A_1404 = arith.constant 80 : i32
          %parallel_loop3A_1405 = arith.addi %parallel_loop3A_1322, %parallel_loop3A_1404 : i32
          %parallel_loop3A_1406 = arith.index_cast %parallel_loop3A_1405 : i32 to index
          %parallel_loop3A_1407 = tpu.vector_load %arg5[%parallel_loop3A_1406] {strides = array<i32>} : memref<12800xf32, #tpu.memory_space<vmem>>, vector<16xf32>,
          %parallel_loop3A_1408 = arith.constant 80 : i32
          %parallel_loop3A_1409 = arith.addi %parallel_loop3A_1328, %parallel_loop3A_1408 : i32
          %parallel_loop3A_1410 = arith.constant 0 : i32
          %parallel_loop3A_1411 = arith.constant 0 : i32
          %parallel_loop3A_1412 = tpu.memref_slice %arg7[%select_n3A_119, %parallel_loop3A_1410, %parallel_loop3A_1411] : memref<6x1x16384xf32, #tpu.memory_space<vmem>> -> memref<1x1x16384xf32, #tpu.memory_space<vmem>>
          %parallel_loop3A_1413 = tpu.memref_squeeze %parallel_loop3A_1412 : memref<1x1x16384xf32, #tpu.memory_space<vmem>> -> memref<1x16384xf32, #tpu.memory_space<vmem>>
          %parallel_loop3A_1414 = arith.constant 0 : i32
          %parallel_loop3A_1415 = tpu.memref_slice %parallel_loop3A_1413[%parallel_loop3A_137, %parallel_loop3A_1414] : memref<1x16384xf32, #tpu.memory_space<vmem>> -> memref<1x16384xf32, #tpu.memory_space<vmem>>
          %parallel_loop3A_1416 = tpu.memref_squeeze %parallel_loop3A_1415 : memref<1x16384xf32, #tpu.memory_space<vmem>> -> memref<16384xf32, #tpu.memory_space<vmem>>
          %parallel_loop3A_1417 = arith.index_cast %parallel_loop3A_1409 : i32 to index
          %parallel_loop3A_1418 = tpu.vector_load %parallel_loop3A_1416[%parallel_loop3A_1417] {strides = array<i32>} : memref<16384xf32, #tpu.memory_space<vmem>>, vector<16xf32>,
          tpu.vector_store %parallel_loop3A_1416[%parallel_loop3A_1417], %parallel_loop3A_1407 {strides = array<i32>} : memref<16384xf32, #tpu.memory_space<vmem>>, vector<16xf32>,
          %parallel_loop3A_1419 = arith.constant 96 : i32
          %parallel_loop3A_1420 = arith.addi %parallel_loop3A_1322, %parallel_loop3A_1419 : i32
          %parallel_loop3A_1421 = arith.index_cast %parallel_loop3A_1420 : i32 to index
          %parallel_loop3A_1422 = tpu.vector_load %arg5[%parallel_loop3A_1421] {strides = array<i32>} : memref<12800xf32, #tpu.memory_space<vmem>>, vector<16xf32>,
          %parallel_loop3A_1423 = arith.constant 96 : i32
          %parallel_loop3A_1424 = arith.addi %parallel_loop3A_1328, %parallel_loop3A_1423 : i32
          %parallel_loop3A_1425 = arith.constant 0 : i32
          %parallel_loop3A_1426 = arith.constant 0 : i32
          %parallel_loop3A_1427 = tpu.memref_slice %arg7[%select_n3A_119, %parallel_loop3A_1425, %parallel_loop3A_1426] : memref<6x1x16384xf32, #tpu.memory_space<vmem>> -> memref<1x1x16384xf32, #tpu.memory_space<vmem>>
          %parallel_loop3A_1428 = tpu.memref_squeeze %parallel_loop3A_1427 : memref<1x1x16384xf32, #tpu.memory_space<vmem>> -> memref<1x16384xf32, #tpu.memory_space<vmem>>
          %parallel_loop3A_1429 = arith.constant 0 : i32
          %parallel_loop3A_1430 = tpu.memref_slice %parallel_loop3A_1428[%parallel_loop3A_137, %parallel_loop3A_1429] : memref<1x16384xf32, #tpu.memory_space<vmem>> -> memref<1x16384xf32, #tpu.memory_space<vmem>>
          %parallel_loop3A_1431 = tpu.memref_squeeze %parallel_loop3A_1430 : memref<1x16384xf32, #tpu.memory_space<vmem>> -> memref<16384xf32, #tpu.memory_space<vmem>>
          %parallel_loop3A_1432 = arith.index_cast %parallel_loop3A_1424 : i32 to index
          %parallel_loop3A_1433 = tpu.vector_load %parallel_loop3A_1431[%parallel_loop3A_1432] {strides = array<i32>} : memref<16384xf32, #tpu.memory_space<vmem>>, vector<16xf32>,
          tpu.vector_store %parallel_loop3A_1431[%parallel_loop3A_1432], %parallel_loop3A_1422 {strides = array<i32>} : memref<16384xf32, #tpu.memory_space<vmem>>, vector<16xf32>,
          %parallel_loop3A_1434 = arith.constant 112 : i32
          %parallel_loop3A_1435 = arith.addi %parallel_loop3A_1322, %parallel_loop3A_1434 : i32
          %parallel_loop3A_1436 = arith.index_cast %parallel_loop3A_1435 : i32 to index
          %parallel_loop3A_1437 = tpu.vector_load %arg5[%parallel_loop3A_1436] {strides = array<i32>} : memref<12800xf32, #tpu.memory_space<vmem>>, vector<16xf32>,
          %parallel_loop3A_1438 = arith.constant 112 : i32
          %parallel_loop3A_1439 = arith.addi %parallel_loop3A_1328, %parallel_loop3A_1438 : i32
          %parallel_loop3A_1440 = arith.constant 0 : i32
          %parallel_loop3A_1441 = arith.constant 0 : i32
          %parallel_loop3A_1442 = tpu.memref_slice %arg7[%select_n3A_119, %parallel_loop3A_1440, %parallel_loop3A_1441] : memref<6x1x16384xf32, #tpu.memory_space<vmem>> -> memref<1x1x16384xf32, #tpu.memory_space<vmem>>
          %parallel_loop3A_1443 = tpu.memref_squeeze %parallel_loop3A_1442 : memref<1x1x16384xf32, #tpu.memory_space<vmem>> -> memref<1x16384xf32, #tpu.memory_space<vmem>>
          %parallel_loop3A_1444 = arith.constant 0 : i32
          %parallel_loop3A_1445 = tpu.memref_slice %parallel_loop3A_1443[%parallel_loop3A_137, %parallel_loop3A_1444] : memref<1x16384xf32, #tpu.memory_space<vmem>> -> memref<1x16384xf32, #tpu.memory_space<vmem>>
          %parallel_loop3A_1446 = tpu.memref_squeeze %parallel_loop3A_1445 : memref<1x16384xf32, #tpu.memory_space<vmem>> -> memref<16384xf32, #tpu.memory_space<vmem>>
          %parallel_loop3A_1447 = arith.index_cast %parallel_loop3A_1439 : i32 to index
          %parallel_loop3A_1448 = tpu.vector_load %parallel_loop3A_1446[%parallel_loop3A_1447] {strides = array<i32>} : memref<16384xf32, #tpu.memory_space<vmem>>, vector<16xf32>,
          tpu.vector_store %parallel_loop3A_1446[%parallel_loop3A_1447], %parallel_loop3A_1437 {strides = array<i32>} : memref<16384xf32, #tpu.memory_space<vmem>>, vector<16xf32>,
          %parallel_loop3A_1449 = vector.extract_strided_slice %parallel_loop3A_168 {offsets = [10], sizes = [1], strides = [1]} : vector<16xi32> to vector<1xi32>
          %parallel_loop3A_1450 = vector.extract %parallel_loop3A_1449[0] : i32 from vector<1xi32>
          %parallel_loop3A_1451 = arith.constant 16 : i32
          %parallel_loop3A_1452 = arith.muli %parallel_loop3A_156, %parallel_loop3A_1451 : i32
          %parallel_loop3A_1453 = arith.constant 128 : i32
          %parallel_loop3A_1454 = arith.muli %parallel_loop3A_1452, %parallel_loop3A_1453 : i32
          %parallel_loop3A_1455 = arith.constant 1280 : i32
          %parallel_loop3A_1456 = arith.addi %parallel_loop3A_1454, %parallel_loop3A_1455 : i32
          %parallel_loop3A_1457 = arith.constant 0 : i32
          %parallel_loop3A_1458 = arith.addi %parallel_loop3A_1450, %parallel_loop3A_1457 : i32
          %parallel_loop3A_1459 = arith.index_cast %parallel_loop3A_1458 : i32 to index
          %parallel_loop3A_1460 = tpu.vector_load %arg5[%parallel_loop3A_1459] {strides = array<i32>} : memref<12800xf32, #tpu.memory_space<vmem>>, vector<16xf32>,
          %parallel_loop3A_1461 = arith.constant 0 : i32
          %parallel_loop3A_1462 = arith.addi %parallel_loop3A_1456, %parallel_loop3A_1461 : i32
          %parallel_loop3A_1463 = arith.constant 0 : i32
          %parallel_loop3A_1464 = arith.constant 0 : i32
          %parallel_loop3A_1465 = tpu.memref_slice %arg7[%select_n3A_119, %parallel_loop3A_1463, %parallel_loop3A_1464] : memref<6x1x16384xf32, #tpu.memory_space<vmem>> -> memref<1x1x16384xf32, #tpu.memory_space<vmem>>
          %parallel_loop3A_1466 = tpu.memref_squeeze %parallel_loop3A_1465 : memref<1x1x16384xf32, #tpu.memory_space<vmem>> -> memref<1x16384xf32, #tpu.memory_space<vmem>>
          %parallel_loop3A_1467 = arith.constant 0 : i32
          %parallel_loop3A_1468 = tpu.memref_slice %parallel_loop3A_1466[%parallel_loop3A_137, %parallel_loop3A_1467] : memref<1x16384xf32, #tpu.memory_space<vmem>> -> memref<1x16384xf32, #tpu.memory_space<vmem>>
          %parallel_loop3A_1469 = tpu.memref_squeeze %parallel_loop3A_1468 : memref<1x16384xf32, #tpu.memory_space<vmem>> -> memref<16384xf32, #tpu.memory_space<vmem>>
          %parallel_loop3A_1470 = arith.index_cast %parallel_loop3A_1462 : i32 to index
          %parallel_loop3A_1471 = tpu.vector_load %parallel_loop3A_1469[%parallel_loop3A_1470] {strides = array<i32>} : memref<16384xf32, #tpu.memory_space<vmem>>, vector<16xf32>,
          tpu.vector_store %parallel_loop3A_1469[%parallel_loop3A_1470], %parallel_loop3A_1460 {strides = array<i32>} : memref<16384xf32, #tpu.memory_space<vmem>>, vector<16xf32>,
          %parallel_loop3A_1472 = arith.constant 16 : i32
          %parallel_loop3A_1473 = arith.addi %parallel_loop3A_1450, %parallel_loop3A_1472 : i32
          %parallel_loop3A_1474 = arith.index_cast %parallel_loop3A_1473 : i32 to index
          %parallel_loop3A_1475 = tpu.vector_load %arg5[%parallel_loop3A_1474] {strides = array<i32>} : memref<12800xf32, #tpu.memory_space<vmem>>, vector<16xf32>,
          %parallel_loop3A_1476 = arith.constant 16 : i32
          %parallel_loop3A_1477 = arith.addi %parallel_loop3A_1456, %parallel_loop3A_1476 : i32
          %parallel_loop3A_1478 = arith.constant 0 : i32
          %parallel_loop3A_1479 = arith.constant 0 : i32
          %parallel_loop3A_1480 = tpu.memref_slice %arg7[%select_n3A_119, %parallel_loop3A_1478, %parallel_loop3A_1479] : memref<6x1x16384xf32, #tpu.memory_space<vmem>> -> memref<1x1x16384xf32, #tpu.memory_space<vmem>>
          %parallel_loop3A_1481 = tpu.memref_squeeze %parallel_loop3A_1480 : memref<1x1x16384xf32, #tpu.memory_space<vmem>> -> memref<1x16384xf32, #tpu.memory_space<vmem>>
          %parallel_loop3A_1482 = arith.constant 0 : i32
          %parallel_loop3A_1483 = tpu.memref_slice %parallel_loop3A_1481[%parallel_loop3A_137, %parallel_loop3A_1482] : memref<1x16384xf32, #tpu.memory_space<vmem>> -> memref<1x16384xf32, #tpu.memory_space<vmem>>
          %parallel_loop3A_1484 = tpu.memref_squeeze %parallel_loop3A_1483 : memref<1x16384xf32, #tpu.memory_space<vmem>> -> memref<16384xf32, #tpu.memory_space<vmem>>
          %parallel_loop3A_1485 = arith.index_cast %parallel_loop3A_1477 : i32 to index
          %parallel_loop3A_1486 = tpu.vector_load %parallel_loop3A_1484[%parallel_loop3A_1485] {strides = array<i32>} : memref<16384xf32, #tpu.memory_space<vmem>>, vector<16xf32>,
          tpu.vector_store %parallel_loop3A_1484[%parallel_loop3A_1485], %parallel_loop3A_1475 {strides = array<i32>} : memref<16384xf32, #tpu.memory_space<vmem>>, vector<16xf32>,
          %parallel_loop3A_1487 = arith.constant 32 : i32
          %parallel_loop3A_1488 = arith.addi %parallel_loop3A_1450, %parallel_loop3A_1487 : i32
          %parallel_loop3A_1489 = arith.index_cast %parallel_loop3A_1488 : i32 to index
          %parallel_loop3A_1490 = tpu.vector_load %arg5[%parallel_loop3A_1489] {strides = array<i32>} : memref<12800xf32, #tpu.memory_space<vmem>>, vector<16xf32>,
          %parallel_loop3A_1491 = arith.constant 32 : i32
          %parallel_loop3A_1492 = arith.addi %parallel_loop3A_1456, %parallel_loop3A_1491 : i32
          %parallel_loop3A_1493 = arith.constant 0 : i32
          %parallel_loop3A_1494 = arith.constant 0 : i32
          %parallel_loop3A_1495 = tpu.memref_slice %arg7[%select_n3A_119, %parallel_loop3A_1493, %parallel_loop3A_1494] : memref<6x1x16384xf32, #tpu.memory_space<vmem>> -> memref<1x1x16384xf32, #tpu.memory_space<vmem>>
          %parallel_loop3A_1496 = tpu.memref_squeeze %parallel_loop3A_1495 : memref<1x1x16384xf32, #tpu.memory_space<vmem>> -> memref<1x16384xf32, #tpu.memory_space<vmem>>
          %parallel_loop3A_1497 = arith.constant 0 : i32
          %parallel_loop3A_1498 = tpu.memref_slice %parallel_loop3A_1496[%parallel_loop3A_137, %parallel_loop3A_1497] : memref<1x16384xf32, #tpu.memory_space<vmem>> -> memref<1x16384xf32, #tpu.memory_space<vmem>>
          %parallel_loop3A_1499 = tpu.memref_squeeze %parallel_loop3A_1498 : memref<1x16384xf32, #tpu.memory_space<vmem>> -> memref<16384xf32, #tpu.memory_space<vmem>>
          %parallel_loop3A_1500 = arith.index_cast %parallel_loop3A_1492 : i32 to index
          %parallel_loop3A_1501 = tpu.vector_load %parallel_loop3A_1499[%parallel_loop3A_1500] {strides = array<i32>} : memref<16384xf32, #tpu.memory_space<vmem>>, vector<16xf32>,
          tpu.vector_store %parallel_loop3A_1499[%parallel_loop3A_1500], %parallel_loop3A_1490 {strides = array<i32>} : memref<16384xf32, #tpu.memory_space<vmem>>, vector<16xf32>,
          %parallel_loop3A_1502 = arith.constant 48 : i32
          %parallel_loop3A_1503 = arith.addi %parallel_loop3A_1450, %parallel_loop3A_1502 : i32
          %parallel_loop3A_1504 = arith.index_cast %parallel_loop3A_1503 : i32 to index
          %parallel_loop3A_1505 = tpu.vector_load %arg5[%parallel_loop3A_1504] {strides = array<i32>} : memref<12800xf32, #tpu.memory_space<vmem>>, vector<16xf32>,
          %parallel_loop3A_1506 = arith.constant 48 : i32
          %parallel_loop3A_1507 = arith.addi %parallel_loop3A_1456, %parallel_loop3A_1506 : i32
          %parallel_loop3A_1508 = arith.constant 0 : i32
          %parallel_loop3A_1509 = arith.constant 0 : i32
          %parallel_loop3A_1510 = tpu.memref_slice %arg7[%select_n3A_119, %parallel_loop3A_1508, %parallel_loop3A_1509] : memref<6x1x16384xf32, #tpu.memory_space<vmem>> -> memref<1x1x16384xf32, #tpu.memory_space<vmem>>
          %parallel_loop3A_1511 = tpu.memref_squeeze %parallel_loop3A_1510 : memref<1x1x16384xf32, #tpu.memory_space<vmem>> -> memref<1x16384xf32, #tpu.memory_space<vmem>>
          %parallel_loop3A_1512 = arith.constant 0 : i32
          %parallel_loop3A_1513 = tpu.memref_slice %parallel_loop3A_1511[%parallel_loop3A_137, %parallel_loop3A_1512] : memref<1x16384xf32, #tpu.memory_space<vmem>> -> memref<1x16384xf32, #tpu.memory_space<vmem>>
          %parallel_loop3A_1514 = tpu.memref_squeeze %parallel_loop3A_1513 : memref<1x16384xf32, #tpu.memory_space<vmem>> -> memref<16384xf32, #tpu.memory_space<vmem>>
          %parallel_loop3A_1515 = arith.index_cast %parallel_loop3A_1507 : i32 to index
          %parallel_loop3A_1516 = tpu.vector_load %parallel_loop3A_1514[%parallel_loop3A_1515] {strides = array<i32>} : memref<16384xf32, #tpu.memory_space<vmem>>, vector<16xf32>,
          tpu.vector_store %parallel_loop3A_1514[%parallel_loop3A_1515], %parallel_loop3A_1505 {strides = array<i32>} : memref<16384xf32, #tpu.memory_space<vmem>>, vector<16xf32>,
          %parallel_loop3A_1517 = arith.constant 64 : i32
          %parallel_loop3A_1518 = arith.addi %parallel_loop3A_1450, %parallel_loop3A_1517 : i32
          %parallel_loop3A_1519 = arith.index_cast %parallel_loop3A_1518 : i32 to index
          %parallel_loop3A_1520 = tpu.vector_load %arg5[%parallel_loop3A_1519] {strides = array<i32>} : memref<12800xf32, #tpu.memory_space<vmem>>, vector<16xf32>,
          %parallel_loop3A_1521 = arith.constant 64 : i32
          %parallel_loop3A_1522 = arith.addi %parallel_loop3A_1456, %parallel_loop3A_1521 : i32
          %parallel_loop3A_1523 = arith.constant 0 : i32
          %parallel_loop3A_1524 = arith.constant 0 : i32
          %parallel_loop3A_1525 = tpu.memref_slice %arg7[%select_n3A_119, %parallel_loop3A_1523, %parallel_loop3A_1524] : memref<6x1x16384xf32, #tpu.memory_space<vmem>> -> memref<1x1x16384xf32, #tpu.memory_space<vmem>>
          %parallel_loop3A_1526 = tpu.memref_squeeze %parallel_loop3A_1525 : memref<1x1x16384xf32, #tpu.memory_space<vmem>> -> memref<1x16384xf32, #tpu.memory_space<vmem>>
          %parallel_loop3A_1527 = arith.constant 0 : i32
          %parallel_loop3A_1528 = tpu.memref_slice %parallel_loop3A_1526[%parallel_loop3A_137, %parallel_loop3A_1527] : memref<1x16384xf32, #tpu.memory_space<vmem>> -> memref<1x16384xf32, #tpu.memory_space<vmem>>
          %parallel_loop3A_1529 = tpu.memref_squeeze %parallel_loop3A_1528 : memref<1x16384xf32, #tpu.memory_space<vmem>> -> memref<16384xf32, #tpu.memory_space<vmem>>
          %parallel_loop3A_1530 = arith.index_cast %parallel_loop3A_1522 : i32 to index
          %parallel_loop3A_1531 = tpu.vector_load %parallel_loop3A_1529[%parallel_loop3A_1530] {strides = array<i32>} : memref<16384xf32, #tpu.memory_space<vmem>>, vector<16xf32>,
          tpu.vector_store %parallel_loop3A_1529[%parallel_loop3A_1530], %parallel_loop3A_1520 {strides = array<i32>} : memref<16384xf32, #tpu.memory_space<vmem>>, vector<16xf32>,
          %parallel_loop3A_1532 = arith.constant 80 : i32
          %parallel_loop3A_1533 = arith.addi %parallel_loop3A_1450, %parallel_loop3A_1532 : i32
          %parallel_loop3A_1534 = arith.index_cast %parallel_loop3A_1533 : i32 to index
          %parallel_loop3A_1535 = tpu.vector_load %arg5[%parallel_loop3A_1534] {strides = array<i32>} : memref<12800xf32, #tpu.memory_space<vmem>>, vector<16xf32>,
          %parallel_loop3A_1536 = arith.constant 80 : i32
          %parallel_loop3A_1537 = arith.addi %parallel_loop3A_1456, %parallel_loop3A_1536 : i32
          %parallel_loop3A_1538 = arith.constant 0 : i32
          %parallel_loop3A_1539 = arith.constant 0 : i32
          %parallel_loop3A_1540 = tpu.memref_slice %arg7[%select_n3A_119, %parallel_loop3A_1538, %parallel_loop3A_1539] : memref<6x1x16384xf32, #tpu.memory_space<vmem>> -> memref<1x1x16384xf32, #tpu.memory_space<vmem>>
          %parallel_loop3A_1541 = tpu.memref_squeeze %parallel_loop3A_1540 : memref<1x1x16384xf32, #tpu.memory_space<vmem>> -> memref<1x16384xf32, #tpu.memory_space<vmem>>
          %parallel_loop3A_1542 = arith.constant 0 : i32
          %parallel_loop3A_1543 = tpu.memref_slice %parallel_loop3A_1541[%parallel_loop3A_137, %parallel_loop3A_1542] : memref<1x16384xf32, #tpu.memory_space<vmem>> -> memref<1x16384xf32, #tpu.memory_space<vmem>>
          %parallel_loop3A_1544 = tpu.memref_squeeze %parallel_loop3A_1543 : memref<1x16384xf32, #tpu.memory_space<vmem>> -> memref<16384xf32, #tpu.memory_space<vmem>>
          %parallel_loop3A_1545 = arith.index_cast %parallel_loop3A_1537 : i32 to index
          %parallel_loop3A_1546 = tpu.vector_load %parallel_loop3A_1544[%parallel_loop3A_1545] {strides = array<i32>} : memref<16384xf32, #tpu.memory_space<vmem>>, vector<16xf32>,
          tpu.vector_store %parallel_loop3A_1544[%parallel_loop3A_1545], %parallel_loop3A_1535 {strides = array<i32>} : memref<16384xf32, #tpu.memory_space<vmem>>, vector<16xf32>,
          %parallel_loop3A_1547 = arith.constant 96 : i32
          %parallel_loop3A_1548 = arith.addi %parallel_loop3A_1450, %parallel_loop3A_1547 : i32
          %parallel_loop3A_1549 = arith.index_cast %parallel_loop3A_1548 : i32 to index
          %parallel_loop3A_1550 = tpu.vector_load %arg5[%parallel_loop3A_1549] {strides = array<i32>} : memref<12800xf32, #tpu.memory_space<vmem>>, vector<16xf32>,
          %parallel_loop3A_1551 = arith.constant 96 : i32
          %parallel_loop3A_1552 = arith.addi %parallel_loop3A_1456, %parallel_loop3A_1551 : i32
          %parallel_loop3A_1553 = arith.constant 0 : i32
          %parallel_loop3A_1554 = arith.constant 0 : i32
          %parallel_loop3A_1555 = tpu.memref_slice %arg7[%select_n3A_119, %parallel_loop3A_1553, %parallel_loop3A_1554] : memref<6x1x16384xf32, #tpu.memory_space<vmem>> -> memref<1x1x16384xf32, #tpu.memory_space<vmem>>
          %parallel_loop3A_1556 = tpu.memref_squeeze %parallel_loop3A_1555 : memref<1x1x16384xf32, #tpu.memory_space<vmem>> -> memref<1x16384xf32, #tpu.memory_space<vmem>>
          %parallel_loop3A_1557 = arith.constant 0 : i32
          %parallel_loop3A_1558 = tpu.memref_slice %parallel_loop3A_1556[%parallel_loop3A_137, %parallel_loop3A_1557] : memref<1x16384xf32, #tpu.memory_space<vmem>> -> memref<1x16384xf32, #tpu.memory_space<vmem>>
          %parallel_loop3A_1559 = tpu.memref_squeeze %parallel_loop3A_1558 : memref<1x16384xf32, #tpu.memory_space<vmem>> -> memref<16384xf32, #tpu.memory_space<vmem>>
          %parallel_loop3A_1560 = arith.index_cast %parallel_loop3A_1552 : i32 to index
          %parallel_loop3A_1561 = tpu.vector_load %parallel_loop3A_1559[%parallel_loop3A_1560] {strides = array<i32>} : memref<16384xf32, #tpu.memory_space<vmem>>, vector<16xf32>,
          tpu.vector_store %parallel_loop3A_1559[%parallel_loop3A_1560], %parallel_loop3A_1550 {strides = array<i32>} : memref<16384xf32, #tpu.memory_space<vmem>>, vector<16xf32>,
          %parallel_loop3A_1562 = arith.constant 112 : i32
          %parallel_loop3A_1563 = arith.addi %parallel_loop3A_1450, %parallel_loop3A_1562 : i32
          %parallel_loop3A_1564 = arith.index_cast %parallel_loop3A_1563 : i32 to index
          %parallel_loop3A_1565 = tpu.vector_load %arg5[%parallel_loop3A_1564] {strides = array<i32>} : memref<12800xf32, #tpu.memory_space<vmem>>, vector<16xf32>,
          %parallel_loop3A_1566 = arith.constant 112 : i32
          %parallel_loop3A_1567 = arith.addi %parallel_loop3A_1456, %parallel_loop3A_1566 : i32
          %parallel_loop3A_1568 = arith.constant 0 : i32
          %parallel_loop3A_1569 = arith.constant 0 : i32
          %parallel_loop3A_1570 = tpu.memref_slice %arg7[%select_n3A_119, %parallel_loop3A_1568, %parallel_loop3A_1569] : memref<6x1x16384xf32, #tpu.memory_space<vmem>> -> memref<1x1x16384xf32, #tpu.memory_space<vmem>>
          %parallel_loop3A_1571 = tpu.memref_squeeze %parallel_loop3A_1570 : memref<1x1x16384xf32, #tpu.memory_space<vmem>> -> memref<1x16384xf32, #tpu.memory_space<vmem>>
          %parallel_loop3A_1572 = arith.constant 0 : i32
          %parallel_loop3A_1573 = tpu.memref_slice %parallel_loop3A_1571[%parallel_loop3A_137, %parallel_loop3A_1572] : memref<1x16384xf32, #tpu.memory_space<vmem>> -> memref<1x16384xf32, #tpu.memory_space<vmem>>
          %parallel_loop3A_1574 = tpu.memref_squeeze %parallel_loop3A_1573 : memref<1x16384xf32, #tpu.memory_space<vmem>> -> memref<16384xf32, #tpu.memory_space<vmem>>
          %parallel_loop3A_1575 = arith.index_cast %parallel_loop3A_1567 : i32 to index
          %parallel_loop3A_1576 = tpu.vector_load %parallel_loop3A_1574[%parallel_loop3A_1575] {strides = array<i32>} : memref<16384xf32, #tpu.memory_space<vmem>>, vector<16xf32>,
          tpu.vector_store %parallel_loop3A_1574[%parallel_loop3A_1575], %parallel_loop3A_1565 {strides = array<i32>} : memref<16384xf32, #tpu.memory_space<vmem>>, vector<16xf32>,
          %parallel_loop3A_1577 = vector.extract_strided_slice %parallel_loop3A_168 {offsets = [11], sizes = [1], strides = [1]} : vector<16xi32> to vector<1xi32>
          %parallel_loop3A_1578 = vector.extract %parallel_loop3A_1577[0] : i32 from vector<1xi32>
          %parallel_loop3A_1579 = arith.constant 16 : i32
          %parallel_loop3A_1580 = arith.muli %parallel_loop3A_156, %parallel_loop3A_1579 : i32
          %parallel_loop3A_1581 = arith.constant 128 : i32
          %parallel_loop3A_1582 = arith.muli %parallel_loop3A_1580, %parallel_loop3A_1581 : i32
          %parallel_loop3A_1583 = arith.constant 1408 : i32
          %parallel_loop3A_1584 = arith.addi %parallel_loop3A_1582, %parallel_loop3A_1583 : i32
          %parallel_loop3A_1585 = arith.constant 0 : i32
          %parallel_loop3A_1586 = arith.addi %parallel_loop3A_1578, %parallel_loop3A_1585 : i32
          %parallel_loop3A_1587 = arith.index_cast %parallel_loop3A_1586 : i32 to index
          %parallel_loop3A_1588 = tpu.vector_load %arg5[%parallel_loop3A_1587] {strides = array<i32>} : memref<12800xf32, #tpu.memory_space<vmem>>, vector<16xf32>,
          %parallel_loop3A_1589 = arith.constant 0 : i32
          %parallel_loop3A_1590 = arith.addi %parallel_loop3A_1584, %parallel_loop3A_1589 : i32
          %parallel_loop3A_1591 = arith.constant 0 : i32
          %parallel_loop3A_1592 = arith.constant 0 : i32
          %parallel_loop3A_1593 = tpu.memref_slice %arg7[%select_n3A_119, %parallel_loop3A_1591, %parallel_loop3A_1592] : memref<6x1x16384xf32, #tpu.memory_space<vmem>> -> memref<1x1x16384xf32, #tpu.memory_space<vmem>>
          %parallel_loop3A_1594 = tpu.memref_squeeze %parallel_loop3A_1593 : memref<1x1x16384xf32, #tpu.memory_space<vmem>> -> memref<1x16384xf32, #tpu.memory_space<vmem>>
          %parallel_loop3A_1595 = arith.constant 0 : i32
          %parallel_loop3A_1596 = tpu.memref_slice %parallel_loop3A_1594[%parallel_loop3A_137, %parallel_loop3A_1595] : memref<1x16384xf32, #tpu.memory_space<vmem>> -> memref<1x16384xf32, #tpu.memory_space<vmem>>
          %parallel_loop3A_1597 = tpu.memref_squeeze %parallel_loop3A_1596 : memref<1x16384xf32, #tpu.memory_space<vmem>> -> memref<16384xf32, #tpu.memory_space<vmem>>
          %parallel_loop3A_1598 = arith.index_cast %parallel_loop3A_1590 : i32 to index
          %parallel_loop3A_1599 = tpu.vector_load %parallel_loop3A_1597[%parallel_loop3A_1598] {strides = array<i32>} : memref<16384xf32, #tpu.memory_space<vmem>>, vector<16xf32>,
          tpu.vector_store %parallel_loop3A_1597[%parallel_loop3A_1598], %parallel_loop3A_1588 {strides = array<i32>} : memref<16384xf32, #tpu.memory_space<vmem>>, vector<16xf32>,
          %parallel_loop3A_1600 = arith.constant 16 : i32
          %parallel_loop3A_1601 = arith.addi %parallel_loop3A_1578, %parallel_loop3A_1600 : i32
          %parallel_loop3A_1602 = arith.index_cast %parallel_loop3A_1601 : i32 to index
          %parallel_loop3A_1603 = tpu.vector_load %arg5[%parallel_loop3A_1602] {strides = array<i32>} : memref<12800xf32, #tpu.memory_space<vmem>>, vector<16xf32>,
          %parallel_loop3A_1604 = arith.constant 16 : i32
          %parallel_loop3A_1605 = arith.addi %parallel_loop3A_1584, %parallel_loop3A_1604 : i32
          %parallel_loop3A_1606 = arith.constant 0 : i32
          %parallel_loop3A_1607 = arith.constant 0 : i32
          %parallel_loop3A_1608 = tpu.memref_slice %arg7[%select_n3A_119, %parallel_loop3A_1606, %parallel_loop3A_1607] : memref<6x1x16384xf32, #tpu.memory_space<vmem>> -> memref<1x1x16384xf32, #tpu.memory_space<vmem>>
          %parallel_loop3A_1609 = tpu.memref_squeeze %parallel_loop3A_1608 : memref<1x1x16384xf32, #tpu.memory_space<vmem>> -> memref<1x16384xf32, #tpu.memory_space<vmem>>
          %parallel_loop3A_1610 = arith.constant 0 : i32
          %parallel_loop3A_1611 = tpu.memref_slice %parallel_loop3A_1609[%parallel_loop3A_137, %parallel_loop3A_1610] : memref<1x16384xf32, #tpu.memory_space<vmem>> -> memref<1x16384xf32, #tpu.memory_space<vmem>>
          %parallel_loop3A_1612 = tpu.memref_squeeze %parallel_loop3A_1611 : memref<1x16384xf32, #tpu.memory_space<vmem>> -> memref<16384xf32, #tpu.memory_space<vmem>>
          %parallel_loop3A_1613 = arith.index_cast %parallel_loop3A_1605 : i32 to index
          %parallel_loop3A_1614 = tpu.vector_load %parallel_loop3A_1612[%parallel_loop3A_1613] {strides = array<i32>} : memref<16384xf32, #tpu.memory_space<vmem>>, vector<16xf32>,
          tpu.vector_store %parallel_loop3A_1612[%parallel_loop3A_1613], %parallel_loop3A_1603 {strides = array<i32>} : memref<16384xf32, #tpu.memory_space<vmem>>, vector<16xf32>,
          %parallel_loop3A_1615 = arith.constant 32 : i32
          %parallel_loop3A_1616 = arith.addi %parallel_loop3A_1578, %parallel_loop3A_1615 : i32
          %parallel_loop3A_1617 = arith.index_cast %parallel_loop3A_1616 : i32 to index
          %parallel_loop3A_1618 = tpu.vector_load %arg5[%parallel_loop3A_1617] {strides = array<i32>} : memref<12800xf32, #tpu.memory_space<vmem>>, vector<16xf32>,
          %parallel_loop3A_1619 = arith.constant 32 : i32
          %parallel_loop3A_1620 = arith.addi %parallel_loop3A_1584, %parallel_loop3A_1619 : i32
          %parallel_loop3A_1621 = arith.constant 0 : i32
          %parallel_loop3A_1622 = arith.constant 0 : i32
          %parallel_loop3A_1623 = tpu.memref_slice %arg7[%select_n3A_119, %parallel_loop3A_1621, %parallel_loop3A_1622] : memref<6x1x16384xf32, #tpu.memory_space<vmem>> -> memref<1x1x16384xf32, #tpu.memory_space<vmem>>
          %parallel_loop3A_1624 = tpu.memref_squeeze %parallel_loop3A_1623 : memref<1x1x16384xf32, #tpu.memory_space<vmem>> -> memref<1x16384xf32, #tpu.memory_space<vmem>>
          %parallel_loop3A_1625 = arith.constant 0 : i32
          %parallel_loop3A_1626 = tpu.memref_slice %parallel_loop3A_1624[%parallel_loop3A_137, %parallel_loop3A_1625] : memref<1x16384xf32, #tpu.memory_space<vmem>> -> memref<1x16384xf32, #tpu.memory_space<vmem>>
          %parallel_loop3A_1627 = tpu.memref_squeeze %parallel_loop3A_1626 : memref<1x16384xf32, #tpu.memory_space<vmem>> -> memref<16384xf32, #tpu.memory_space<vmem>>
          %parallel_loop3A_1628 = arith.index_cast %parallel_loop3A_1620 : i32 to index
          %parallel_loop3A_1629 = tpu.vector_load %parallel_loop3A_1627[%parallel_loop3A_1628] {strides = array<i32>} : memref<16384xf32, #tpu.memory_space<vmem>>, vector<16xf32>,
          tpu.vector_store %parallel_loop3A_1627[%parallel_loop3A_1628], %parallel_loop3A_1618 {strides = array<i32>} : memref<16384xf32, #tpu.memory_space<vmem>>, vector<16xf32>,
          %parallel_loop3A_1630 = arith.constant 48 : i32
          %parallel_loop3A_1631 = arith.addi %parallel_loop3A_1578, %parallel_loop3A_1630 : i32
          %parallel_loop3A_1632 = arith.index_cast %parallel_loop3A_1631 : i32 to index
          %parallel_loop3A_1633 = tpu.vector_load %arg5[%parallel_loop3A_1632] {strides = array<i32>} : memref<12800xf32, #tpu.memory_space<vmem>>, vector<16xf32>,
          %parallel_loop3A_1634 = arith.constant 48 : i32
          %parallel_loop3A_1635 = arith.addi %parallel_loop3A_1584, %parallel_loop3A_1634 : i32
          %parallel_loop3A_1636 = arith.constant 0 : i32
          %parallel_loop3A_1637 = arith.constant 0 : i32
          %parallel_loop3A_1638 = tpu.memref_slice %arg7[%select_n3A_119, %parallel_loop3A_1636, %parallel_loop3A_1637] : memref<6x1x16384xf32, #tpu.memory_space<vmem>> -> memref<1x1x16384xf32, #tpu.memory_space<vmem>>
          %parallel_loop3A_1639 = tpu.memref_squeeze %parallel_loop3A_1638 : memref<1x1x16384xf32, #tpu.memory_space<vmem>> -> memref<1x16384xf32, #tpu.memory_space<vmem>>
          %parallel_loop3A_1640 = arith.constant 0 : i32
          %parallel_loop3A_1641 = tpu.memref_slice %parallel_loop3A_1639[%parallel_loop3A_137, %parallel_loop3A_1640] : memref<1x16384xf32, #tpu.memory_space<vmem>> -> memref<1x16384xf32, #tpu.memory_space<vmem>>
          %parallel_loop3A_1642 = tpu.memref_squeeze %parallel_loop3A_1641 : memref<1x16384xf32, #tpu.memory_space<vmem>> -> memref<16384xf32, #tpu.memory_space<vmem>>
          %parallel_loop3A_1643 = arith.index_cast %parallel_loop3A_1635 : i32 to index
          %parallel_loop3A_1644 = tpu.vector_load %parallel_loop3A_1642[%parallel_loop3A_1643] {strides = array<i32>} : memref<16384xf32, #tpu.memory_space<vmem>>, vector<16xf32>,
          tpu.vector_store %parallel_loop3A_1642[%parallel_loop3A_1643], %parallel_loop3A_1633 {strides = array<i32>} : memref<16384xf32, #tpu.memory_space<vmem>>, vector<16xf32>,
          %parallel_loop3A_1645 = arith.constant 64 : i32
          %parallel_loop3A_1646 = arith.addi %parallel_loop3A_1578, %parallel_loop3A_1645 : i32
          %parallel_loop3A_1647 = arith.index_cast %parallel_loop3A_1646 : i32 to index
          %parallel_loop3A_1648 = tpu.vector_load %arg5[%parallel_loop3A_1647] {strides = array<i32>} : memref<12800xf32, #tpu.memory_space<vmem>>, vector<16xf32>,
          %parallel_loop3A_1649 = arith.constant 64 : i32
          %parallel_loop3A_1650 = arith.addi %parallel_loop3A_1584, %parallel_loop3A_1649 : i32
          %parallel_loop3A_1651 = arith.constant 0 : i32
          %parallel_loop3A_1652 = arith.constant 0 : i32
          %parallel_loop3A_1653 = tpu.memref_slice %arg7[%select_n3A_119, %parallel_loop3A_1651, %parallel_loop3A_1652] : memref<6x1x16384xf32, #tpu.memory_space<vmem>> -> memref<1x1x16384xf32, #tpu.memory_space<vmem>>
          %parallel_loop3A_1654 = tpu.memref_squeeze %parallel_loop3A_1653 : memref<1x1x16384xf32, #tpu.memory_space<vmem>> -> memref<1x16384xf32, #tpu.memory_space<vmem>>
          %parallel_loop3A_1655 = arith.constant 0 : i32
          %parallel_loop3A_1656 = tpu.memref_slice %parallel_loop3A_1654[%parallel_loop3A_137, %parallel_loop3A_1655] : memref<1x16384xf32, #tpu.memory_space<vmem>> -> memref<1x16384xf32, #tpu.memory_space<vmem>>
          %parallel_loop3A_1657 = tpu.memref_squeeze %parallel_loop3A_1656 : memref<1x16384xf32, #tpu.memory_space<vmem>> -> memref<16384xf32, #tpu.memory_space<vmem>>
          %parallel_loop3A_1658 = arith.index_cast %parallel_loop3A_1650 : i32 to index
          %parallel_loop3A_1659 = tpu.vector_load %parallel_loop3A_1657[%parallel_loop3A_1658] {strides = array<i32>} : memref<16384xf32, #tpu.memory_space<vmem>>, vector<16xf32>,
          tpu.vector_store %parallel_loop3A_1657[%parallel_loop3A_1658], %parallel_loop3A_1648 {strides = array<i32>} : memref<16384xf32, #tpu.memory_space<vmem>>, vector<16xf32>,
          %parallel_loop3A_1660 = arith.constant 80 : i32
          %parallel_loop3A_1661 = arith.addi %parallel_loop3A_1578, %parallel_loop3A_1660 : i32
          %parallel_loop3A_1662 = arith.index_cast %parallel_loop3A_1661 : i32 to index
          %parallel_loop3A_1663 = tpu.vector_load %arg5[%parallel_loop3A_1662] {strides = array<i32>} : memref<12800xf32, #tpu.memory_space<vmem>>, vector<16xf32>,
          %parallel_loop3A_1664 = arith.constant 80 : i32
          %parallel_loop3A_1665 = arith.addi %parallel_loop3A_1584, %parallel_loop3A_1664 : i32
          %parallel_loop3A_1666 = arith.constant 0 : i32
          %parallel_loop3A_1667 = arith.constant 0 : i32
          %parallel_loop3A_1668 = tpu.memref_slice %arg7[%select_n3A_119, %parallel_loop3A_1666, %parallel_loop3A_1667] : memref<6x1x16384xf32, #tpu.memory_space<vmem>> -> memref<1x1x16384xf32, #tpu.memory_space<vmem>>
          %parallel_loop3A_1669 = tpu.memref_squeeze %parallel_loop3A_1668 : memref<1x1x16384xf32, #tpu.memory_space<vmem>> -> memref<1x16384xf32, #tpu.memory_space<vmem>>
          %parallel_loop3A_1670 = arith.constant 0 : i32
          %parallel_loop3A_1671 = tpu.memref_slice %parallel_loop3A_1669[%parallel_loop3A_137, %parallel_loop3A_1670] : memref<1x16384xf32, #tpu.memory_space<vmem>> -> memref<1x16384xf32, #tpu.memory_space<vmem>>
          %parallel_loop3A_1672 = tpu.memref_squeeze %parallel_loop3A_1671 : memref<1x16384xf32, #tpu.memory_space<vmem>> -> memref<16384xf32, #tpu.memory_space<vmem>>
          %parallel_loop3A_1673 = arith.index_cast %parallel_loop3A_1665 : i32 to index
          %parallel_loop3A_1674 = tpu.vector_load %parallel_loop3A_1672[%parallel_loop3A_1673] {strides = array<i32>} : memref<16384xf32, #tpu.memory_space<vmem>>, vector<16xf32>,
          tpu.vector_store %parallel_loop3A_1672[%parallel_loop3A_1673], %parallel_loop3A_1663 {strides = array<i32>} : memref<16384xf32, #tpu.memory_space<vmem>>, vector<16xf32>,
          %parallel_loop3A_1675 = arith.constant 96 : i32
          %parallel_loop3A_1676 = arith.addi %parallel_loop3A_1578, %parallel_loop3A_1675 : i32
          %parallel_loop3A_1677 = arith.index_cast %parallel_loop3A_1676 : i32 to index
          %parallel_loop3A_1678 = tpu.vector_load %arg5[%parallel_loop3A_1677] {strides = array<i32>} : memref<12800xf32, #tpu.memory_space<vmem>>, vector<16xf32>,
          %parallel_loop3A_1679 = arith.constant 96 : i32
          %parallel_loop3A_1680 = arith.addi %parallel_loop3A_1584, %parallel_loop3A_1679 : i32
          %parallel_loop3A_1681 = arith.constant 0 : i32
          %parallel_loop3A_1682 = arith.constant 0 : i32
          %parallel_loop3A_1683 = tpu.memref_slice %arg7[%select_n3A_119, %parallel_loop3A_1681, %parallel_loop3A_1682] : memref<6x1x16384xf32, #tpu.memory_space<vmem>> -> memref<1x1x16384xf32, #tpu.memory_space<vmem>>
          %parallel_loop3A_1684 = tpu.memref_squeeze %parallel_loop3A_1683 : memref<1x1x16384xf32, #tpu.memory_space<vmem>> -> memref<1x16384xf32, #tpu.memory_space<vmem>>
          %parallel_loop3A_1685 = arith.constant 0 : i32
          %parallel_loop3A_1686 = tpu.memref_slice %parallel_loop3A_1684[%parallel_loop3A_137, %parallel_loop3A_1685] : memref<1x16384xf32, #tpu.memory_space<vmem>> -> memref<1x16384xf32, #tpu.memory_space<vmem>>
          %parallel_loop3A_1687 = tpu.memref_squeeze %parallel_loop3A_1686 : memref<1x16384xf32, #tpu.memory_space<vmem>> -> memref<16384xf32, #tpu.memory_space<vmem>>
          %parallel_loop3A_1688 = arith.index_cast %parallel_loop3A_1680 : i32 to index
          %parallel_loop3A_1689 = tpu.vector_load %parallel_loop3A_1687[%parallel_loop3A_1688] {strides = array<i32>} : memref<16384xf32, #tpu.memory_space<vmem>>, vector<16xf32>,
          tpu.vector_store %parallel_loop3A_1687[%parallel_loop3A_1688], %parallel_loop3A_1678 {strides = array<i32>} : memref<16384xf32, #tpu.memory_space<vmem>>, vector<16xf32>,
          %parallel_loop3A_1690 = arith.constant 112 : i32
          %parallel_loop3A_1691 = arith.addi %parallel_loop3A_1578, %parallel_loop3A_1690 : i32
          %parallel_loop3A_1692 = arith.index_cast %parallel_loop3A_1691 : i32 to index
          %parallel_loop3A_1693 = tpu.vector_load %arg5[%parallel_loop3A_1692] {strides = array<i32>} : memref<12800xf32, #tpu.memory_space<vmem>>, vector<16xf32>,
          %parallel_loop3A_1694 = arith.constant 112 : i32
          %parallel_loop3A_1695 = arith.addi %parallel_loop3A_1584, %parallel_loop3A_1694 : i32
          %parallel_loop3A_1696 = arith.constant 0 : i32
          %parallel_loop3A_1697 = arith.constant 0 : i32
          %parallel_loop3A_1698 = tpu.memref_slice %arg7[%select_n3A_119, %parallel_loop3A_1696, %parallel_loop3A_1697] : memref<6x1x16384xf32, #tpu.memory_space<vmem>> -> memref<1x1x16384xf32, #tpu.memory_space<vmem>>
          %parallel_loop3A_1699 = tpu.memref_squeeze %parallel_loop3A_1698 : memref<1x1x16384xf32, #tpu.memory_space<vmem>> -> memref<1x16384xf32, #tpu.memory_space<vmem>>
          %parallel_loop3A_1700 = arith.constant 0 : i32
          %parallel_loop3A_1701 = tpu.memref_slice %parallel_loop3A_1699[%parallel_loop3A_137, %parallel_loop3A_1700] : memref<1x16384xf32, #tpu.memory_space<vmem>> -> memref<1x16384xf32, #tpu.memory_space<vmem>>
          %parallel_loop3A_1702 = tpu.memref_squeeze %parallel_loop3A_1701 : memref<1x16384xf32, #tpu.memory_space<vmem>> -> memref<16384xf32, #tpu.memory_space<vmem>>
          %parallel_loop3A_1703 = arith.index_cast %parallel_loop3A_1695 : i32 to index
          %parallel_loop3A_1704 = tpu.vector_load %parallel_loop3A_1702[%parallel_loop3A_1703] {strides = array<i32>} : memref<16384xf32, #tpu.memory_space<vmem>>, vector<16xf32>,
          tpu.vector_store %parallel_loop3A_1702[%parallel_loop3A_1703], %parallel_loop3A_1693 {strides = array<i32>} : memref<16384xf32, #tpu.memory_space<vmem>>, vector<16xf32>,
          %parallel_loop3A_1705 = vector.extract_strided_slice %parallel_loop3A_168 {offsets = [12], sizes = [1], strides = [1]} : vector<16xi32> to vector<1xi32>
          %parallel_loop3A_1706 = vector.extract %parallel_loop3A_1705[0] : i32 from vector<1xi32>
          %parallel_loop3A_1707 = arith.constant 16 : i32
          %parallel_loop3A_1708 = arith.muli %parallel_loop3A_156, %parallel_loop3A_1707 : i32
          %parallel_loop3A_1709 = arith.constant 128 : i32
          %parallel_loop3A_1710 = arith.muli %parallel_loop3A_1708, %parallel_loop3A_1709 : i32
          %parallel_loop3A_1711 = arith.constant 1536 : i32
          %parallel_loop3A_1712 = arith.addi %parallel_loop3A_1710, %parallel_loop3A_1711 : i32
          %parallel_loop3A_1713 = arith.constant 0 : i32
          %parallel_loop3A_1714 = arith.addi %parallel_loop3A_1706, %parallel_loop3A_1713 : i32
          %parallel_loop3A_1715 = arith.index_cast %parallel_loop3A_1714 : i32 to index
          %parallel_loop3A_1716 = tpu.vector_load %arg5[%parallel_loop3A_1715] {strides = array<i32>} : memref<12800xf32, #tpu.memory_space<vmem>>, vector<16xf32>,
          %parallel_loop3A_1717 = arith.constant 0 : i32
          %parallel_loop3A_1718 = arith.addi %parallel_loop3A_1712, %parallel_loop3A_1717 : i32
          %parallel_loop3A_1719 = arith.constant 0 : i32
          %parallel_loop3A_1720 = arith.constant 0 : i32
          %parallel_loop3A_1721 = tpu.memref_slice %arg7[%select_n3A_119, %parallel_loop3A_1719, %parallel_loop3A_1720] : memref<6x1x16384xf32, #tpu.memory_space<vmem>> -> memref<1x1x16384xf32, #tpu.memory_space<vmem>>
          %parallel_loop3A_1722 = tpu.memref_squeeze %parallel_loop3A_1721 : memref<1x1x16384xf32, #tpu.memory_space<vmem>> -> memref<1x16384xf32, #tpu.memory_space<vmem>>
          %parallel_loop3A_1723 = arith.constant 0 : i32
          %parallel_loop3A_1724 = tpu.memref_slice %parallel_loop3A_1722[%parallel_loop3A_137, %parallel_loop3A_1723] : memref<1x16384xf32, #tpu.memory_space<vmem>> -> memref<1x16384xf32, #tpu.memory_space<vmem>>
          %parallel_loop3A_1725 = tpu.memref_squeeze %parallel_loop3A_1724 : memref<1x16384xf32, #tpu.memory_space<vmem>> -> memref<16384xf32, #tpu.memory_space<vmem>>
          %parallel_loop3A_1726 = arith.index_cast %parallel_loop3A_1718 : i32 to index
          %parallel_loop3A_1727 = tpu.vector_load %parallel_loop3A_1725[%parallel_loop3A_1726] {strides = array<i32>} : memref<16384xf32, #tpu.memory_space<vmem>>, vector<16xf32>,
          tpu.vector_store %parallel_loop3A_1725[%parallel_loop3A_1726], %parallel_loop3A_1716 {strides = array<i32>} : memref<16384xf32, #tpu.memory_space<vmem>>, vector<16xf32>,
          %parallel_loop3A_1728 = arith.constant 16 : i32
          %parallel_loop3A_1729 = arith.addi %parallel_loop3A_1706, %parallel_loop3A_1728 : i32
          %parallel_loop3A_1730 = arith.index_cast %parallel_loop3A_1729 : i32 to index
          %parallel_loop3A_1731 = tpu.vector_load %arg5[%parallel_loop3A_1730] {strides = array<i32>} : memref<12800xf32, #tpu.memory_space<vmem>>, vector<16xf32>,
          %parallel_loop3A_1732 = arith.constant 16 : i32
          %parallel_loop3A_1733 = arith.addi %parallel_loop3A_1712, %parallel_loop3A_1732 : i32
          %parallel_loop3A_1734 = arith.constant 0 : i32
          %parallel_loop3A_1735 = arith.constant 0 : i32
          %parallel_loop3A_1736 = tpu.memref_slice %arg7[%select_n3A_119, %parallel_loop3A_1734, %parallel_loop3A_1735] : memref<6x1x16384xf32, #tpu.memory_space<vmem>> -> memref<1x1x16384xf32, #tpu.memory_space<vmem>>
          %parallel_loop3A_1737 = tpu.memref_squeeze %parallel_loop3A_1736 : memref<1x1x16384xf32, #tpu.memory_space<vmem>> -> memref<1x16384xf32, #tpu.memory_space<vmem>>
          %parallel_loop3A_1738 = arith.constant 0 : i32
          %parallel_loop3A_1739 = tpu.memref_slice %parallel_loop3A_1737[%parallel_loop3A_137, %parallel_loop3A_1738] : memref<1x16384xf32, #tpu.memory_space<vmem>> -> memref<1x16384xf32, #tpu.memory_space<vmem>>
          %parallel_loop3A_1740 = tpu.memref_squeeze %parallel_loop3A_1739 : memref<1x16384xf32, #tpu.memory_space<vmem>> -> memref<16384xf32, #tpu.memory_space<vmem>>
          %parallel_loop3A_1741 = arith.index_cast %parallel_loop3A_1733 : i32 to index
          %parallel_loop3A_1742 = tpu.vector_load %parallel_loop3A_1740[%parallel_loop3A_1741] {strides = array<i32>} : memref<16384xf32, #tpu.memory_space<vmem>>, vector<16xf32>,
          tpu.vector_store %parallel_loop3A_1740[%parallel_loop3A_1741], %parallel_loop3A_1731 {strides = array<i32>} : memref<16384xf32, #tpu.memory_space<vmem>>, vector<16xf32>,
          %parallel_loop3A_1743 = arith.constant 32 : i32
          %parallel_loop3A_1744 = arith.addi %parallel_loop3A_1706, %parallel_loop3A_1743 : i32
          %parallel_loop3A_1745 = arith.index_cast %parallel_loop3A_1744 : i32 to index
          %parallel_loop3A_1746 = tpu.vector_load %arg5[%parallel_loop3A_1745] {strides = array<i32>} : memref<12800xf32, #tpu.memory_space<vmem>>, vector<16xf32>,
          %parallel_loop3A_1747 = arith.constant 32 : i32
          %parallel_loop3A_1748 = arith.addi %parallel_loop3A_1712, %parallel_loop3A_1747 : i32
          %parallel_loop3A_1749 = arith.constant 0 : i32
          %parallel_loop3A_1750 = arith.constant 0 : i32
          %parallel_loop3A_1751 = tpu.memref_slice %arg7[%select_n3A_119, %parallel_loop3A_1749, %parallel_loop3A_1750] : memref<6x1x16384xf32, #tpu.memory_space<vmem>> -> memref<1x1x16384xf32, #tpu.memory_space<vmem>>
          %parallel_loop3A_1752 = tpu.memref_squeeze %parallel_loop3A_1751 : memref<1x1x16384xf32, #tpu.memory_space<vmem>> -> memref<1x16384xf32, #tpu.memory_space<vmem>>
          %parallel_loop3A_1753 = arith.constant 0 : i32
          %parallel_loop3A_1754 = tpu.memref_slice %parallel_loop3A_1752[%parallel_loop3A_137, %parallel_loop3A_1753] : memref<1x16384xf32, #tpu.memory_space<vmem>> -> memref<1x16384xf32, #tpu.memory_space<vmem>>
          %parallel_loop3A_1755 = tpu.memref_squeeze %parallel_loop3A_1754 : memref<1x16384xf32, #tpu.memory_space<vmem>> -> memref<16384xf32, #tpu.memory_space<vmem>>
          %parallel_loop3A_1756 = arith.index_cast %parallel_loop3A_1748 : i32 to index
          %parallel_loop3A_1757 = tpu.vector_load %parallel_loop3A_1755[%parallel_loop3A_1756] {strides = array<i32>} : memref<16384xf32, #tpu.memory_space<vmem>>, vector<16xf32>,
          tpu.vector_store %parallel_loop3A_1755[%parallel_loop3A_1756], %parallel_loop3A_1746 {strides = array<i32>} : memref<16384xf32, #tpu.memory_space<vmem>>, vector<16xf32>,
          %parallel_loop3A_1758 = arith.constant 48 : i32
          %parallel_loop3A_1759 = arith.addi %parallel_loop3A_1706, %parallel_loop3A_1758 : i32
          %parallel_loop3A_1760 = arith.index_cast %parallel_loop3A_1759 : i32 to index
          %parallel_loop3A_1761 = tpu.vector_load %arg5[%parallel_loop3A_1760] {strides = array<i32>} : memref<12800xf32, #tpu.memory_space<vmem>>, vector<16xf32>,
          %parallel_loop3A_1762 = arith.constant 48 : i32
          %parallel_loop3A_1763 = arith.addi %parallel_loop3A_1712, %parallel_loop3A_1762 : i32
          %parallel_loop3A_1764 = arith.constant 0 : i32
          %parallel_loop3A_1765 = arith.constant 0 : i32
          %parallel_loop3A_1766 = tpu.memref_slice %arg7[%select_n3A_119, %parallel_loop3A_1764, %parallel_loop3A_1765] : memref<6x1x16384xf32, #tpu.memory_space<vmem>> -> memref<1x1x16384xf32, #tpu.memory_space<vmem>>
          %parallel_loop3A_1767 = tpu.memref_squeeze %parallel_loop3A_1766 : memref<1x1x16384xf32, #tpu.memory_space<vmem>> -> memref<1x16384xf32, #tpu.memory_space<vmem>>
          %parallel_loop3A_1768 = arith.constant 0 : i32
          %parallel_loop3A_1769 = tpu.memref_slice %parallel_loop3A_1767[%parallel_loop3A_137, %parallel_loop3A_1768] : memref<1x16384xf32, #tpu.memory_space<vmem>> -> memref<1x16384xf32, #tpu.memory_space<vmem>>
          %parallel_loop3A_1770 = tpu.memref_squeeze %parallel_loop3A_1769 : memref<1x16384xf32, #tpu.memory_space<vmem>> -> memref<16384xf32, #tpu.memory_space<vmem>>
          %parallel_loop3A_1771 = arith.index_cast %parallel_loop3A_1763 : i32 to index
          %parallel_loop3A_1772 = tpu.vector_load %parallel_loop3A_1770[%parallel_loop3A_1771] {strides = array<i32>} : memref<16384xf32, #tpu.memory_space<vmem>>, vector<16xf32>,
          tpu.vector_store %parallel_loop3A_1770[%parallel_loop3A_1771], %parallel_loop3A_1761 {strides = array<i32>} : memref<16384xf32, #tpu.memory_space<vmem>>, vector<16xf32>,
          %parallel_loop3A_1773 = arith.constant 64 : i32
          %parallel_loop3A_1774 = arith.addi %parallel_loop3A_1706, %parallel_loop3A_1773 : i32
          %parallel_loop3A_1775 = arith.index_cast %parallel_loop3A_1774 : i32 to index
          %parallel_loop3A_1776 = tpu.vector_load %arg5[%parallel_loop3A_1775] {strides = array<i32>} : memref<12800xf32, #tpu.memory_space<vmem>>, vector<16xf32>,
          %parallel_loop3A_1777 = arith.constant 64 : i32
          %parallel_loop3A_1778 = arith.addi %parallel_loop3A_1712, %parallel_loop3A_1777 : i32
          %parallel_loop3A_1779 = arith.constant 0 : i32
          %parallel_loop3A_1780 = arith.constant 0 : i32
          %parallel_loop3A_1781 = tpu.memref_slice %arg7[%select_n3A_119, %parallel_loop3A_1779, %parallel_loop3A_1780] : memref<6x1x16384xf32, #tpu.memory_space<vmem>> -> memref<1x1x16384xf32, #tpu.memory_space<vmem>>
          %parallel_loop3A_1782 = tpu.memref_squeeze %parallel_loop3A_1781 : memref<1x1x16384xf32, #tpu.memory_space<vmem>> -> memref<1x16384xf32, #tpu.memory_space<vmem>>
          %parallel_loop3A_1783 = arith.constant 0 : i32
          %parallel_loop3A_1784 = tpu.memref_slice %parallel_loop3A_1782[%parallel_loop3A_137, %parallel_loop3A_1783] : memref<1x16384xf32, #tpu.memory_space<vmem>> -> memref<1x16384xf32, #tpu.memory_space<vmem>>
          %parallel_loop3A_1785 = tpu.memref_squeeze %parallel_loop3A_1784 : memref<1x16384xf32, #tpu.memory_space<vmem>> -> memref<16384xf32, #tpu.memory_space<vmem>>
          %parallel_loop3A_1786 = arith.index_cast %parallel_loop3A_1778 : i32 to index
          %parallel_loop3A_1787 = tpu.vector_load %parallel_loop3A_1785[%parallel_loop3A_1786] {strides = array<i32>} : memref<16384xf32, #tpu.memory_space<vmem>>, vector<16xf32>,
          tpu.vector_store %parallel_loop3A_1785[%parallel_loop3A_1786], %parallel_loop3A_1776 {strides = array<i32>} : memref<16384xf32, #tpu.memory_space<vmem>>, vector<16xf32>,
          %parallel_loop3A_1788 = arith.constant 80 : i32
          %parallel_loop3A_1789 = arith.addi %parallel_loop3A_1706, %parallel_loop3A_1788 : i32
          %parallel_loop3A_1790 = arith.index_cast %parallel_loop3A_1789 : i32 to index
          %parallel_loop3A_1791 = tpu.vector_load %arg5[%parallel_loop3A_1790] {strides = array<i32>} : memref<12800xf32, #tpu.memory_space<vmem>>, vector<16xf32>,
          %parallel_loop3A_1792 = arith.constant 80 : i32
          %parallel_loop3A_1793 = arith.addi %parallel_loop3A_1712, %parallel_loop3A_1792 : i32
          %parallel_loop3A_1794 = arith.constant 0 : i32
          %parallel_loop3A_1795 = arith.constant 0 : i32
          %parallel_loop3A_1796 = tpu.memref_slice %arg7[%select_n3A_119, %parallel_loop3A_1794, %parallel_loop3A_1795] : memref<6x1x16384xf32, #tpu.memory_space<vmem>> -> memref<1x1x16384xf32, #tpu.memory_space<vmem>>
          %parallel_loop3A_1797 = tpu.memref_squeeze %parallel_loop3A_1796 : memref<1x1x16384xf32, #tpu.memory_space<vmem>> -> memref<1x16384xf32, #tpu.memory_space<vmem>>
          %parallel_loop3A_1798 = arith.constant 0 : i32
          %parallel_loop3A_1799 = tpu.memref_slice %parallel_loop3A_1797[%parallel_loop3A_137, %parallel_loop3A_1798] : memref<1x16384xf32, #tpu.memory_space<vmem>> -> memref<1x16384xf32, #tpu.memory_space<vmem>>
          %parallel_loop3A_1800 = tpu.memref_squeeze %parallel_loop3A_1799 : memref<1x16384xf32, #tpu.memory_space<vmem>> -> memref<16384xf32, #tpu.memory_space<vmem>>
          %parallel_loop3A_1801 = arith.index_cast %parallel_loop3A_1793 : i32 to index
          %parallel_loop3A_1802 = tpu.vector_load %parallel_loop3A_1800[%parallel_loop3A_1801] {strides = array<i32>} : memref<16384xf32, #tpu.memory_space<vmem>>, vector<16xf32>,
          tpu.vector_store %parallel_loop3A_1800[%parallel_loop3A_1801], %parallel_loop3A_1791 {strides = array<i32>} : memref<16384xf32, #tpu.memory_space<vmem>>, vector<16xf32>,
          %parallel_loop3A_1803 = arith.constant 96 : i32
          %parallel_loop3A_1804 = arith.addi %parallel_loop3A_1706, %parallel_loop3A_1803 : i32
          %parallel_loop3A_1805 = arith.index_cast %parallel_loop3A_1804 : i32 to index
          %parallel_loop3A_1806 = tpu.vector_load %arg5[%parallel_loop3A_1805] {strides = array<i32>} : memref<12800xf32, #tpu.memory_space<vmem>>, vector<16xf32>,
          %parallel_loop3A_1807 = arith.constant 96 : i32
          %parallel_loop3A_1808 = arith.addi %parallel_loop3A_1712, %parallel_loop3A_1807 : i32
          %parallel_loop3A_1809 = arith.constant 0 : i32
          %parallel_loop3A_1810 = arith.constant 0 : i32
          %parallel_loop3A_1811 = tpu.memref_slice %arg7[%select_n3A_119, %parallel_loop3A_1809, %parallel_loop3A_1810] : memref<6x1x16384xf32, #tpu.memory_space<vmem>> -> memref<1x1x16384xf32, #tpu.memory_space<vmem>>
          %parallel_loop3A_1812 = tpu.memref_squeeze %parallel_loop3A_1811 : memref<1x1x16384xf32, #tpu.memory_space<vmem>> -> memref<1x16384xf32, #tpu.memory_space<vmem>>
          %parallel_loop3A_1813 = arith.constant 0 : i32
          %parallel_loop3A_1814 = tpu.memref_slice %parallel_loop3A_1812[%parallel_loop3A_137, %parallel_loop3A_1813] : memref<1x16384xf32, #tpu.memory_space<vmem>> -> memref<1x16384xf32, #tpu.memory_space<vmem>>
          %parallel_loop3A_1815 = tpu.memref_squeeze %parallel_loop3A_1814 : memref<1x16384xf32, #tpu.memory_space<vmem>> -> memref<16384xf32, #tpu.memory_space<vmem>>
          %parallel_loop3A_1816 = arith.index_cast %parallel_loop3A_1808 : i32 to index
          %parallel_loop3A_1817 = tpu.vector_load %parallel_loop3A_1815[%parallel_loop3A_1816] {strides = array<i32>} : memref<16384xf32, #tpu.memory_space<vmem>>, vector<16xf32>,
          tpu.vector_store %parallel_loop3A_1815[%parallel_loop3A_1816], %parallel_loop3A_1806 {strides = array<i32>} : memref<16384xf32, #tpu.memory_space<vmem>>, vector<16xf32>,
          %parallel_loop3A_1818 = arith.constant 112 : i32
          %parallel_loop3A_1819 = arith.addi %parallel_loop3A_1706, %parallel_loop3A_1818 : i32
          %parallel_loop3A_1820 = arith.index_cast %parallel_loop3A_1819 : i32 to index
          %parallel_loop3A_1821 = tpu.vector_load %arg5[%parallel_loop3A_1820] {strides = array<i32>} : memref<12800xf32, #tpu.memory_space<vmem>>, vector<16xf32>,
          %parallel_loop3A_1822 = arith.constant 112 : i32
          %parallel_loop3A_1823 = arith.addi %parallel_loop3A_1712, %parallel_loop3A_1822 : i32
          %parallel_loop3A_1824 = arith.constant 0 : i32
          %parallel_loop3A_1825 = arith.constant 0 : i32
          %parallel_loop3A_1826 = tpu.memref_slice %arg7[%select_n3A_119, %parallel_loop3A_1824, %parallel_loop3A_1825] : memref<6x1x16384xf32, #tpu.memory_space<vmem>> -> memref<1x1x16384xf32, #tpu.memory_space<vmem>>
          %parallel_loop3A_1827 = tpu.memref_squeeze %parallel_loop3A_1826 : memref<1x1x16384xf32, #tpu.memory_space<vmem>> -> memref<1x16384xf32, #tpu.memory_space<vmem>>
          %parallel_loop3A_1828 = arith.constant 0 : i32
          %parallel_loop3A_1829 = tpu.memref_slice %parallel_loop3A_1827[%parallel_loop3A_137, %parallel_loop3A_1828] : memref<1x16384xf32, #tpu.memory_space<vmem>> -> memref<1x16384xf32, #tpu.memory_space<vmem>>
          %parallel_loop3A_1830 = tpu.memref_squeeze %parallel_loop3A_1829 : memref<1x16384xf32, #tpu.memory_space<vmem>> -> memref<16384xf32, #tpu.memory_space<vmem>>
          %parallel_loop3A_1831 = arith.index_cast %parallel_loop3A_1823 : i32 to index
          %parallel_loop3A_1832 = tpu.vector_load %parallel_loop3A_1830[%parallel_loop3A_1831] {strides = array<i32>} : memref<16384xf32, #tpu.memory_space<vmem>>, vector<16xf32>,
          tpu.vector_store %parallel_loop3A_1830[%parallel_loop3A_1831], %parallel_loop3A_1821 {strides = array<i32>} : memref<16384xf32, #tpu.memory_space<vmem>>, vector<16xf32>,
          %parallel_loop3A_1833 = vector.extract_strided_slice %parallel_loop3A_168 {offsets = [13], sizes = [1], strides = [1]} : vector<16xi32> to vector<1xi32>
          %parallel_loop3A_1834 = vector.extract %parallel_loop3A_1833[0] : i32 from vector<1xi32>
          %parallel_loop3A_1835 = arith.constant 16 : i32
          %parallel_loop3A_1836 = arith.muli %parallel_loop3A_156, %parallel_loop3A_1835 : i32
          %parallel_loop3A_1837 = arith.constant 128 : i32
          %parallel_loop3A_1838 = arith.muli %parallel_loop3A_1836, %parallel_loop3A_1837 : i32
          %parallel_loop3A_1839 = arith.constant 1664 : i32
          %parallel_loop3A_1840 = arith.addi %parallel_loop3A_1838, %parallel_loop3A_1839 : i32
          %parallel_loop3A_1841 = arith.constant 0 : i32
          %parallel_loop3A_1842 = arith.addi %parallel_loop3A_1834, %parallel_loop3A_1841 : i32
          %parallel_loop3A_1843 = arith.index_cast %parallel_loop3A_1842 : i32 to index
          %parallel_loop3A_1844 = tpu.vector_load %arg5[%parallel_loop3A_1843] {strides = array<i32>} : memref<12800xf32, #tpu.memory_space<vmem>>, vector<16xf32>,
          %parallel_loop3A_1845 = arith.constant 0 : i32
          %parallel_loop3A_1846 = arith.addi %parallel_loop3A_1840, %parallel_loop3A_1845 : i32
          %parallel_loop3A_1847 = arith.constant 0 : i32
          %parallel_loop3A_1848 = arith.constant 0 : i32
          %parallel_loop3A_1849 = tpu.memref_slice %arg7[%select_n3A_119, %parallel_loop3A_1847, %parallel_loop3A_1848] : memref<6x1x16384xf32, #tpu.memory_space<vmem>> -> memref<1x1x16384xf32, #tpu.memory_space<vmem>>
          %parallel_loop3A_1850 = tpu.memref_squeeze %parallel_loop3A_1849 : memref<1x1x16384xf32, #tpu.memory_space<vmem>> -> memref<1x16384xf32, #tpu.memory_space<vmem>>
          %parallel_loop3A_1851 = arith.constant 0 : i32
          %parallel_loop3A_1852 = tpu.memref_slice %parallel_loop3A_1850[%parallel_loop3A_137, %parallel_loop3A_1851] : memref<1x16384xf32, #tpu.memory_space<vmem>> -> memref<1x16384xf32, #tpu.memory_space<vmem>>
          %parallel_loop3A_1853 = tpu.memref_squeeze %parallel_loop3A_1852 : memref<1x16384xf32, #tpu.memory_space<vmem>> -> memref<16384xf32, #tpu.memory_space<vmem>>
          %parallel_loop3A_1854 = arith.index_cast %parallel_loop3A_1846 : i32 to index
          %parallel_loop3A_1855 = tpu.vector_load %parallel_loop3A_1853[%parallel_loop3A_1854] {strides = array<i32>} : memref<16384xf32, #tpu.memory_space<vmem>>, vector<16xf32>,
          tpu.vector_store %parallel_loop3A_1853[%parallel_loop3A_1854], %parallel_loop3A_1844 {strides = array<i32>} : memref<16384xf32, #tpu.memory_space<vmem>>, vector<16xf32>,
          %parallel_loop3A_1856 = arith.constant 16 : i32
          %parallel_loop3A_1857 = arith.addi %parallel_loop3A_1834, %parallel_loop3A_1856 : i32
          %parallel_loop3A_1858 = arith.index_cast %parallel_loop3A_1857 : i32 to index
          %parallel_loop3A_1859 = tpu.vector_load %arg5[%parallel_loop3A_1858] {strides = array<i32>} : memref<12800xf32, #tpu.memory_space<vmem>>, vector<16xf32>,
          %parallel_loop3A_1860 = arith.constant 16 : i32
          %parallel_loop3A_1861 = arith.addi %parallel_loop3A_1840, %parallel_loop3A_1860 : i32
          %parallel_loop3A_1862 = arith.constant 0 : i32
          %parallel_loop3A_1863 = arith.constant 0 : i32
          %parallel_loop3A_1864 = tpu.memref_slice %arg7[%select_n3A_119, %parallel_loop3A_1862, %parallel_loop3A_1863] : memref<6x1x16384xf32, #tpu.memory_space<vmem>> -> memref<1x1x16384xf32, #tpu.memory_space<vmem>>
          %parallel_loop3A_1865 = tpu.memref_squeeze %parallel_loop3A_1864 : memref<1x1x16384xf32, #tpu.memory_space<vmem>> -> memref<1x16384xf32, #tpu.memory_space<vmem>>
          %parallel_loop3A_1866 = arith.constant 0 : i32
          %parallel_loop3A_1867 = tpu.memref_slice %parallel_loop3A_1865[%parallel_loop3A_137, %parallel_loop3A_1866] : memref<1x16384xf32, #tpu.memory_space<vmem>> -> memref<1x16384xf32, #tpu.memory_space<vmem>>
          %parallel_loop3A_1868 = tpu.memref_squeeze %parallel_loop3A_1867 : memref<1x16384xf32, #tpu.memory_space<vmem>> -> memref<16384xf32, #tpu.memory_space<vmem>>
          %parallel_loop3A_1869 = arith.index_cast %parallel_loop3A_1861 : i32 to index
          %parallel_loop3A_1870 = tpu.vector_load %parallel_loop3A_1868[%parallel_loop3A_1869] {strides = array<i32>} : memref<16384xf32, #tpu.memory_space<vmem>>, vector<16xf32>,
          tpu.vector_store %parallel_loop3A_1868[%parallel_loop3A_1869], %parallel_loop3A_1859 {strides = array<i32>} : memref<16384xf32, #tpu.memory_space<vmem>>, vector<16xf32>,
          %parallel_loop3A_1871 = arith.constant 32 : i32
          %parallel_loop3A_1872 = arith.addi %parallel_loop3A_1834, %parallel_loop3A_1871 : i32
          %parallel_loop3A_1873 = arith.index_cast %parallel_loop3A_1872 : i32 to index
          %parallel_loop3A_1874 = tpu.vector_load %arg5[%parallel_loop3A_1873] {strides = array<i32>} : memref<12800xf32, #tpu.memory_space<vmem>>, vector<16xf32>,
          %parallel_loop3A_1875 = arith.constant 32 : i32
          %parallel_loop3A_1876 = arith.addi %parallel_loop3A_1840, %parallel_loop3A_1875 : i32
          %parallel_loop3A_1877 = arith.constant 0 : i32
          %parallel_loop3A_1878 = arith.constant 0 : i32
          %parallel_loop3A_1879 = tpu.memref_slice %arg7[%select_n3A_119, %parallel_loop3A_1877, %parallel_loop3A_1878] : memref<6x1x16384xf32, #tpu.memory_space<vmem>> -> memref<1x1x16384xf32, #tpu.memory_space<vmem>>
          %parallel_loop3A_1880 = tpu.memref_squeeze %parallel_loop3A_1879 : memref<1x1x16384xf32, #tpu.memory_space<vmem>> -> memref<1x16384xf32, #tpu.memory_space<vmem>>
          %parallel_loop3A_1881 = arith.constant 0 : i32
          %parallel_loop3A_1882 = tpu.memref_slice %parallel_loop3A_1880[%parallel_loop3A_137, %parallel_loop3A_1881] : memref<1x16384xf32, #tpu.memory_space<vmem>> -> memref<1x16384xf32, #tpu.memory_space<vmem>>
          %parallel_loop3A_1883 = tpu.memref_squeeze %parallel_loop3A_1882 : memref<1x16384xf32, #tpu.memory_space<vmem>> -> memref<16384xf32, #tpu.memory_space<vmem>>
          %parallel_loop3A_1884 = arith.index_cast %parallel_loop3A_1876 : i32 to index
          %parallel_loop3A_1885 = tpu.vector_load %parallel_loop3A_1883[%parallel_loop3A_1884] {strides = array<i32>} : memref<16384xf32, #tpu.memory_space<vmem>>, vector<16xf32>,
          tpu.vector_store %parallel_loop3A_1883[%parallel_loop3A_1884], %parallel_loop3A_1874 {strides = array<i32>} : memref<16384xf32, #tpu.memory_space<vmem>>, vector<16xf32>,
          %parallel_loop3A_1886 = arith.constant 48 : i32
          %parallel_loop3A_1887 = arith.addi %parallel_loop3A_1834, %parallel_loop3A_1886 : i32
          %parallel_loop3A_1888 = arith.index_cast %parallel_loop3A_1887 : i32 to index
          %parallel_loop3A_1889 = tpu.vector_load %arg5[%parallel_loop3A_1888] {strides = array<i32>} : memref<12800xf32, #tpu.memory_space<vmem>>, vector<16xf32>,
          %parallel_loop3A_1890 = arith.constant 48 : i32
          %parallel_loop3A_1891 = arith.addi %parallel_loop3A_1840, %parallel_loop3A_1890 : i32
          %parallel_loop3A_1892 = arith.constant 0 : i32
          %parallel_loop3A_1893 = arith.constant 0 : i32
          %parallel_loop3A_1894 = tpu.memref_slice %arg7[%select_n3A_119, %parallel_loop3A_1892, %parallel_loop3A_1893] : memref<6x1x16384xf32, #tpu.memory_space<vmem>> -> memref<1x1x16384xf32, #tpu.memory_space<vmem>>
          %parallel_loop3A_1895 = tpu.memref_squeeze %parallel_loop3A_1894 : memref<1x1x16384xf32, #tpu.memory_space<vmem>> -> memref<1x16384xf32, #tpu.memory_space<vmem>>
          %parallel_loop3A_1896 = arith.constant 0 : i32
          %parallel_loop3A_1897 = tpu.memref_slice %parallel_loop3A_1895[%parallel_loop3A_137, %parallel_loop3A_1896] : memref<1x16384xf32, #tpu.memory_space<vmem>> -> memref<1x16384xf32, #tpu.memory_space<vmem>>
          %parallel_loop3A_1898 = tpu.memref_squeeze %parallel_loop3A_1897 : memref<1x16384xf32, #tpu.memory_space<vmem>> -> memref<16384xf32, #tpu.memory_space<vmem>>
          %parallel_loop3A_1899 = arith.index_cast %parallel_loop3A_1891 : i32 to index
          %parallel_loop3A_1900 = tpu.vector_load %parallel_loop3A_1898[%parallel_loop3A_1899] {strides = array<i32>} : memref<16384xf32, #tpu.memory_space<vmem>>, vector<16xf32>,
          tpu.vector_store %parallel_loop3A_1898[%parallel_loop3A_1899], %parallel_loop3A_1889 {strides = array<i32>} : memref<16384xf32, #tpu.memory_space<vmem>>, vector<16xf32>,
          %parallel_loop3A_1901 = arith.constant 64 : i32
          %parallel_loop3A_1902 = arith.addi %parallel_loop3A_1834, %parallel_loop3A_1901 : i32
          %parallel_loop3A_1903 = arith.index_cast %parallel_loop3A_1902 : i32 to index
          %parallel_loop3A_1904 = tpu.vector_load %arg5[%parallel_loop3A_1903] {strides = array<i32>} : memref<12800xf32, #tpu.memory_space<vmem>>, vector<16xf32>,
          %parallel_loop3A_1905 = arith.constant 64 : i32
          %parallel_loop3A_1906 = arith.addi %parallel_loop3A_1840, %parallel_loop3A_1905 : i32
          %parallel_loop3A_1907 = arith.constant 0 : i32
          %parallel_loop3A_1908 = arith.constant 0 : i32
          %parallel_loop3A_1909 = tpu.memref_slice %arg7[%select_n3A_119, %parallel_loop3A_1907, %parallel_loop3A_1908] : memref<6x1x16384xf32, #tpu.memory_space<vmem>> -> memref<1x1x16384xf32, #tpu.memory_space<vmem>>
          %parallel_loop3A_1910 = tpu.memref_squeeze %parallel_loop3A_1909 : memref<1x1x16384xf32, #tpu.memory_space<vmem>> -> memref<1x16384xf32, #tpu.memory_space<vmem>>
          %parallel_loop3A_1911 = arith.constant 0 : i32
          %parallel_loop3A_1912 = tpu.memref_slice %parallel_loop3A_1910[%parallel_loop3A_137, %parallel_loop3A_1911] : memref<1x16384xf32, #tpu.memory_space<vmem>> -> memref<1x16384xf32, #tpu.memory_space<vmem>>
          %parallel_loop3A_1913 = tpu.memref_squeeze %parallel_loop3A_1912 : memref<1x16384xf32, #tpu.memory_space<vmem>> -> memref<16384xf32, #tpu.memory_space<vmem>>
          %parallel_loop3A_1914 = arith.index_cast %parallel_loop3A_1906 : i32 to index
          %parallel_loop3A_1915 = tpu.vector_load %parallel_loop3A_1913[%parallel_loop3A_1914] {strides = array<i32>} : memref<16384xf32, #tpu.memory_space<vmem>>, vector<16xf32>,
          tpu.vector_store %parallel_loop3A_1913[%parallel_loop3A_1914], %parallel_loop3A_1904 {strides = array<i32>} : memref<16384xf32, #tpu.memory_space<vmem>>, vector<16xf32>,
          %parallel_loop3A_1916 = arith.constant 80 : i32
          %parallel_loop3A_1917 = arith.addi %parallel_loop3A_1834, %parallel_loop3A_1916 : i32
          %parallel_loop3A_1918 = arith.index_cast %parallel_loop3A_1917 : i32 to index
          %parallel_loop3A_1919 = tpu.vector_load %arg5[%parallel_loop3A_1918] {strides = array<i32>} : memref<12800xf32, #tpu.memory_space<vmem>>, vector<16xf32>,
          %parallel_loop3A_1920 = arith.constant 80 : i32
          %parallel_loop3A_1921 = arith.addi %parallel_loop3A_1840, %parallel_loop3A_1920 : i32
          %parallel_loop3A_1922 = arith.constant 0 : i32
          %parallel_loop3A_1923 = arith.constant 0 : i32
          %parallel_loop3A_1924 = tpu.memref_slice %arg7[%select_n3A_119, %parallel_loop3A_1922, %parallel_loop3A_1923] : memref<6x1x16384xf32, #tpu.memory_space<vmem>> -> memref<1x1x16384xf32, #tpu.memory_space<vmem>>
          %parallel_loop3A_1925 = tpu.memref_squeeze %parallel_loop3A_1924 : memref<1x1x16384xf32, #tpu.memory_space<vmem>> -> memref<1x16384xf32, #tpu.memory_space<vmem>>
          %parallel_loop3A_1926 = arith.constant 0 : i32
          %parallel_loop3A_1927 = tpu.memref_slice %parallel_loop3A_1925[%parallel_loop3A_137, %parallel_loop3A_1926] : memref<1x16384xf32, #tpu.memory_space<vmem>> -> memref<1x16384xf32, #tpu.memory_space<vmem>>
          %parallel_loop3A_1928 = tpu.memref_squeeze %parallel_loop3A_1927 : memref<1x16384xf32, #tpu.memory_space<vmem>> -> memref<16384xf32, #tpu.memory_space<vmem>>
          %parallel_loop3A_1929 = arith.index_cast %parallel_loop3A_1921 : i32 to index
          %parallel_loop3A_1930 = tpu.vector_load %parallel_loop3A_1928[%parallel_loop3A_1929] {strides = array<i32>} : memref<16384xf32, #tpu.memory_space<vmem>>, vector<16xf32>,
          tpu.vector_store %parallel_loop3A_1928[%parallel_loop3A_1929], %parallel_loop3A_1919 {strides = array<i32>} : memref<16384xf32, #tpu.memory_space<vmem>>, vector<16xf32>,
          %parallel_loop3A_1931 = arith.constant 96 : i32
          %parallel_loop3A_1932 = arith.addi %parallel_loop3A_1834, %parallel_loop3A_1931 : i32
          %parallel_loop3A_1933 = arith.index_cast %parallel_loop3A_1932 : i32 to index
          %parallel_loop3A_1934 = tpu.vector_load %arg5[%parallel_loop3A_1933] {strides = array<i32>} : memref<12800xf32, #tpu.memory_space<vmem>>, vector<16xf32>,
          %parallel_loop3A_1935 = arith.constant 96 : i32
          %parallel_loop3A_1936 = arith.addi %parallel_loop3A_1840, %parallel_loop3A_1935 : i32
          %parallel_loop3A_1937 = arith.constant 0 : i32
          %parallel_loop3A_1938 = arith.constant 0 : i32
          %parallel_loop3A_1939 = tpu.memref_slice %arg7[%select_n3A_119, %parallel_loop3A_1937, %parallel_loop3A_1938] : memref<6x1x16384xf32, #tpu.memory_space<vmem>> -> memref<1x1x16384xf32, #tpu.memory_space<vmem>>
          %parallel_loop3A_1940 = tpu.memref_squeeze %parallel_loop3A_1939 : memref<1x1x16384xf32, #tpu.memory_space<vmem>> -> memref<1x16384xf32, #tpu.memory_space<vmem>>
          %parallel_loop3A_1941 = arith.constant 0 : i32
          %parallel_loop3A_1942 = tpu.memref_slice %parallel_loop3A_1940[%parallel_loop3A_137, %parallel_loop3A_1941] : memref<1x16384xf32, #tpu.memory_space<vmem>> -> memref<1x16384xf32, #tpu.memory_space<vmem>>
          %parallel_loop3A_1943 = tpu.memref_squeeze %parallel_loop3A_1942 : memref<1x16384xf32, #tpu.memory_space<vmem>> -> memref<16384xf32, #tpu.memory_space<vmem>>
          %parallel_loop3A_1944 = arith.index_cast %parallel_loop3A_1936 : i32 to index
          %parallel_loop3A_1945 = tpu.vector_load %parallel_loop3A_1943[%parallel_loop3A_1944] {strides = array<i32>} : memref<16384xf32, #tpu.memory_space<vmem>>, vector<16xf32>,
          tpu.vector_store %parallel_loop3A_1943[%parallel_loop3A_1944], %parallel_loop3A_1934 {strides = array<i32>} : memref<16384xf32, #tpu.memory_space<vmem>>, vector<16xf32>,
          %parallel_loop3A_1946 = arith.constant 112 : i32
          %parallel_loop3A_1947 = arith.addi %parallel_loop3A_1834, %parallel_loop3A_1946 : i32
          %parallel_loop3A_1948 = arith.index_cast %parallel_loop3A_1947 : i32 to index
          %parallel_loop3A_1949 = tpu.vector_load %arg5[%parallel_loop3A_1948] {strides = array<i32>} : memref<12800xf32, #tpu.memory_space<vmem>>, vector<16xf32>,
          %parallel_loop3A_1950 = arith.constant 112 : i32
          %parallel_loop3A_1951 = arith.addi %parallel_loop3A_1840, %parallel_loop3A_1950 : i32
          %parallel_loop3A_1952 = arith.constant 0 : i32
          %parallel_loop3A_1953 = arith.constant 0 : i32
          %parallel_loop3A_1954 = tpu.memref_slice %arg7[%select_n3A_119, %parallel_loop3A_1952, %parallel_loop3A_1953] : memref<6x1x16384xf32, #tpu.memory_space<vmem>> -> memref<1x1x16384xf32, #tpu.memory_space<vmem>>
          %parallel_loop3A_1955 = tpu.memref_squeeze %parallel_loop3A_1954 : memref<1x1x16384xf32, #tpu.memory_space<vmem>> -> memref<1x16384xf32, #tpu.memory_space<vmem>>
          %parallel_loop3A_1956 = arith.constant 0 : i32
          %parallel_loop3A_1957 = tpu.memref_slice %parallel_loop3A_1955[%parallel_loop3A_137, %parallel_loop3A_1956] : memref<1x16384xf32, #tpu.memory_space<vmem>> -> memref<1x16384xf32, #tpu.memory_space<vmem>>
          %parallel_loop3A_1958 = tpu.memref_squeeze %parallel_loop3A_1957 : memref<1x16384xf32, #tpu.memory_space<vmem>> -> memref<16384xf32, #tpu.memory_space<vmem>>
          %parallel_loop3A_1959 = arith.index_cast %parallel_loop3A_1951 : i32 to index
          %parallel_loop3A_1960 = tpu.vector_load %parallel_loop3A_1958[%parallel_loop3A_1959] {strides = array<i32>} : memref<16384xf32, #tpu.memory_space<vmem>>, vector<16xf32>,
          tpu.vector_store %parallel_loop3A_1958[%parallel_loop3A_1959], %parallel_loop3A_1949 {strides = array<i32>} : memref<16384xf32, #tpu.memory_space<vmem>>, vector<16xf32>,
          %parallel_loop3A_1961 = vector.extract_strided_slice %parallel_loop3A_168 {offsets = [14], sizes = [1], strides = [1]} : vector<16xi32> to vector<1xi32>
          %parallel_loop3A_1962 = vector.extract %parallel_loop3A_1961[0] : i32 from vector<1xi32>
          %parallel_loop3A_1963 = arith.constant 16 : i32
          %parallel_loop3A_1964 = arith.muli %parallel_loop3A_156, %parallel_loop3A_1963 : i32
          %parallel_loop3A_1965 = arith.constant 128 : i32
          %parallel_loop3A_1966 = arith.muli %parallel_loop3A_1964, %parallel_loop3A_1965 : i32
          %parallel_loop3A_1967 = arith.constant 1792 : i32
          %parallel_loop3A_1968 = arith.addi %parallel_loop3A_1966, %parallel_loop3A_1967 : i32
          %parallel_loop3A_1969 = arith.constant 0 : i32
          %parallel_loop3A_1970 = arith.addi %parallel_loop3A_1962, %parallel_loop3A_1969 : i32
          %parallel_loop3A_1971 = arith.index_cast %parallel_loop3A_1970 : i32 to index
          %parallel_loop3A_1972 = tpu.vector_load %arg5[%parallel_loop3A_1971] {strides = array<i32>} : memref<12800xf32, #tpu.memory_space<vmem>>, vector<16xf32>,
          %parallel_loop3A_1973 = arith.constant 0 : i32
          %parallel_loop3A_1974 = arith.addi %parallel_loop3A_1968, %parallel_loop3A_1973 : i32
          %parallel_loop3A_1975 = arith.constant 0 : i32
          %parallel_loop3A_1976 = arith.constant 0 : i32
          %parallel_loop3A_1977 = tpu.memref_slice %arg7[%select_n3A_119, %parallel_loop3A_1975, %parallel_loop3A_1976] : memref<6x1x16384xf32, #tpu.memory_space<vmem>> -> memref<1x1x16384xf32, #tpu.memory_space<vmem>>
          %parallel_loop3A_1978 = tpu.memref_squeeze %parallel_loop3A_1977 : memref<1x1x16384xf32, #tpu.memory_space<vmem>> -> memref<1x16384xf32, #tpu.memory_space<vmem>>
          %parallel_loop3A_1979 = arith.constant 0 : i32
          %parallel_loop3A_1980 = tpu.memref_slice %parallel_loop3A_1978[%parallel_loop3A_137, %parallel_loop3A_1979] : memref<1x16384xf32, #tpu.memory_space<vmem>> -> memref<1x16384xf32, #tpu.memory_space<vmem>>
          %parallel_loop3A_1981 = tpu.memref_squeeze %parallel_loop3A_1980 : memref<1x16384xf32, #tpu.memory_space<vmem>> -> memref<16384xf32, #tpu.memory_space<vmem>>
          %parallel_loop3A_1982 = arith.index_cast %parallel_loop3A_1974 : i32 to index
          %parallel_loop3A_1983 = tpu.vector_load %parallel_loop3A_1981[%parallel_loop3A_1982] {strides = array<i32>} : memref<16384xf32, #tpu.memory_space<vmem>>, vector<16xf32>,
          tpu.vector_store %parallel_loop3A_1981[%parallel_loop3A_1982], %parallel_loop3A_1972 {strides = array<i32>} : memref<16384xf32, #tpu.memory_space<vmem>>, vector<16xf32>,
          %parallel_loop3A_1984 = arith.constant 16 : i32
          %parallel_loop3A_1985 = arith.addi %parallel_loop3A_1962, %parallel_loop3A_1984 : i32
          %parallel_loop3A_1986 = arith.index_cast %parallel_loop3A_1985 : i32 to index
          %parallel_loop3A_1987 = tpu.vector_load %arg5[%parallel_loop3A_1986] {strides = array<i32>} : memref<12800xf32, #tpu.memory_space<vmem>>, vector<16xf32>,
          %parallel_loop3A_1988 = arith.constant 16 : i32
          %parallel_loop3A_1989 = arith.addi %parallel_loop3A_1968, %parallel_loop3A_1988 : i32
          %parallel_loop3A_1990 = arith.constant 0 : i32
          %parallel_loop3A_1991 = arith.constant 0 : i32
          %parallel_loop3A_1992 = tpu.memref_slice %arg7[%select_n3A_119, %parallel_loop3A_1990, %parallel_loop3A_1991] : memref<6x1x16384xf32, #tpu.memory_space<vmem>> -> memref<1x1x16384xf32, #tpu.memory_space<vmem>>
          %parallel_loop3A_1993 = tpu.memref_squeeze %parallel_loop3A_1992 : memref<1x1x16384xf32, #tpu.memory_space<vmem>> -> memref<1x16384xf32, #tpu.memory_space<vmem>>
          %parallel_loop3A_1994 = arith.constant 0 : i32
          %parallel_loop3A_1995 = tpu.memref_slice %parallel_loop3A_1993[%parallel_loop3A_137, %parallel_loop3A_1994] : memref<1x16384xf32, #tpu.memory_space<vmem>> -> memref<1x16384xf32, #tpu.memory_space<vmem>>
          %parallel_loop3A_1996 = tpu.memref_squeeze %parallel_loop3A_1995 : memref<1x16384xf32, #tpu.memory_space<vmem>> -> memref<16384xf32, #tpu.memory_space<vmem>>
          %parallel_loop3A_1997 = arith.index_cast %parallel_loop3A_1989 : i32 to index
          %parallel_loop3A_1998 = tpu.vector_load %parallel_loop3A_1996[%parallel_loop3A_1997] {strides = array<i32>} : memref<16384xf32, #tpu.memory_space<vmem>>, vector<16xf32>,
          tpu.vector_store %parallel_loop3A_1996[%parallel_loop3A_1997], %parallel_loop3A_1987 {strides = array<i32>} : memref<16384xf32, #tpu.memory_space<vmem>>, vector<16xf32>,
          %parallel_loop3A_1999 = arith.constant 32 : i32
          %parallel_loop3A_2000 = arith.addi %parallel_loop3A_1962, %parallel_loop3A_1999 : i32
          %parallel_loop3A_2001 = arith.index_cast %parallel_loop3A_2000 : i32 to index
          %parallel_loop3A_2002 = tpu.vector_load %arg5[%parallel_loop3A_2001] {strides = array<i32>} : memref<12800xf32, #tpu.memory_space<vmem>>, vector<16xf32>,
          %parallel_loop3A_2003 = arith.constant 32 : i32
          %parallel_loop3A_2004 = arith.addi %parallel_loop3A_1968, %parallel_loop3A_2003 : i32
          %parallel_loop3A_2005 = arith.constant 0 : i32
          %parallel_loop3A_2006 = arith.constant 0 : i32
          %parallel_loop3A_2007 = tpu.memref_slice %arg7[%select_n3A_119, %parallel_loop3A_2005, %parallel_loop3A_2006] : memref<6x1x16384xf32, #tpu.memory_space<vmem>> -> memref<1x1x16384xf32, #tpu.memory_space<vmem>>
          %parallel_loop3A_2008 = tpu.memref_squeeze %parallel_loop3A_2007 : memref<1x1x16384xf32, #tpu.memory_space<vmem>> -> memref<1x16384xf32, #tpu.memory_space<vmem>>
          %parallel_loop3A_2009 = arith.constant 0 : i32
          %parallel_loop3A_2010 = tpu.memref_slice %parallel_loop3A_2008[%parallel_loop3A_137, %parallel_loop3A_2009] : memref<1x16384xf32, #tpu.memory_space<vmem>> -> memref<1x16384xf32, #tpu.memory_space<vmem>>
          %parallel_loop3A_2011 = tpu.memref_squeeze %parallel_loop3A_2010 : memref<1x16384xf32, #tpu.memory_space<vmem>> -> memref<16384xf32, #tpu.memory_space<vmem>>
          %parallel_loop3A_2012 = arith.index_cast %parallel_loop3A_2004 : i32 to index
          %parallel_loop3A_2013 = tpu.vector_load %parallel_loop3A_2011[%parallel_loop3A_2012] {strides = array<i32>} : memref<16384xf32, #tpu.memory_space<vmem>>, vector<16xf32>,
          tpu.vector_store %parallel_loop3A_2011[%parallel_loop3A_2012], %parallel_loop3A_2002 {strides = array<i32>} : memref<16384xf32, #tpu.memory_space<vmem>>, vector<16xf32>,
          %parallel_loop3A_2014 = arith.constant 48 : i32
          %parallel_loop3A_2015 = arith.addi %parallel_loop3A_1962, %parallel_loop3A_2014 : i32
          %parallel_loop3A_2016 = arith.index_cast %parallel_loop3A_2015 : i32 to index
          %parallel_loop3A_2017 = tpu.vector_load %arg5[%parallel_loop3A_2016] {strides = array<i32>} : memref<12800xf32, #tpu.memory_space<vmem>>, vector<16xf32>,
          %parallel_loop3A_2018 = arith.constant 48 : i32
          %parallel_loop3A_2019 = arith.addi %parallel_loop3A_1968, %parallel_loop3A_2018 : i32
          %parallel_loop3A_2020 = arith.constant 0 : i32
          %parallel_loop3A_2021 = arith.constant 0 : i32
          %parallel_loop3A_2022 = tpu.memref_slice %arg7[%select_n3A_119, %parallel_loop3A_2020, %parallel_loop3A_2021] : memref<6x1x16384xf32, #tpu.memory_space<vmem>> -> memref<1x1x16384xf32, #tpu.memory_space<vmem>>
          %parallel_loop3A_2023 = tpu.memref_squeeze %parallel_loop3A_2022 : memref<1x1x16384xf32, #tpu.memory_space<vmem>> -> memref<1x16384xf32, #tpu.memory_space<vmem>>
          %parallel_loop3A_2024 = arith.constant 0 : i32
          %parallel_loop3A_2025 = tpu.memref_slice %parallel_loop3A_2023[%parallel_loop3A_137, %parallel_loop3A_2024] : memref<1x16384xf32, #tpu.memory_space<vmem>> -> memref<1x16384xf32, #tpu.memory_space<vmem>>
          %parallel_loop3A_2026 = tpu.memref_squeeze %parallel_loop3A_2025 : memref<1x16384xf32, #tpu.memory_space<vmem>> -> memref<16384xf32, #tpu.memory_space<vmem>>
          %parallel_loop3A_2027 = arith.index_cast %parallel_loop3A_2019 : i32 to index
          %parallel_loop3A_2028 = tpu.vector_load %parallel_loop3A_2026[%parallel_loop3A_2027] {strides = array<i32>} : memref<16384xf32, #tpu.memory_space<vmem>>, vector<16xf32>,
          tpu.vector_store %parallel_loop3A_2026[%parallel_loop3A_2027], %parallel_loop3A_2017 {strides = array<i32>} : memref<16384xf32, #tpu.memory_space<vmem>>, vector<16xf32>,
          %parallel_loop3A_2029 = arith.constant 64 : i32
          %parallel_loop3A_2030 = arith.addi %parallel_loop3A_1962, %parallel_loop3A_2029 : i32
          %parallel_loop3A_2031 = arith.index_cast %parallel_loop3A_2030 : i32 to index
          %parallel_loop3A_2032 = tpu.vector_load %arg5[%parallel_loop3A_2031] {strides = array<i32>} : memref<12800xf32, #tpu.memory_space<vmem>>, vector<16xf32>,
          %parallel_loop3A_2033 = arith.constant 64 : i32
          %parallel_loop3A_2034 = arith.addi %parallel_loop3A_1968, %parallel_loop3A_2033 : i32
          %parallel_loop3A_2035 = arith.constant 0 : i32
          %parallel_loop3A_2036 = arith.constant 0 : i32
          %parallel_loop3A_2037 = tpu.memref_slice %arg7[%select_n3A_119, %parallel_loop3A_2035, %parallel_loop3A_2036] : memref<6x1x16384xf32, #tpu.memory_space<vmem>> -> memref<1x1x16384xf32, #tpu.memory_space<vmem>>
          %parallel_loop3A_2038 = tpu.memref_squeeze %parallel_loop3A_2037 : memref<1x1x16384xf32, #tpu.memory_space<vmem>> -> memref<1x16384xf32, #tpu.memory_space<vmem>>
          %parallel_loop3A_2039 = arith.constant 0 : i32
          %parallel_loop3A_2040 = tpu.memref_slice %parallel_loop3A_2038[%parallel_loop3A_137, %parallel_loop3A_2039] : memref<1x16384xf32, #tpu.memory_space<vmem>> -> memref<1x16384xf32, #tpu.memory_space<vmem>>
          %parallel_loop3A_2041 = tpu.memref_squeeze %parallel_loop3A_2040 : memref<1x16384xf32, #tpu.memory_space<vmem>> -> memref<16384xf32, #tpu.memory_space<vmem>>
          %parallel_loop3A_2042 = arith.index_cast %parallel_loop3A_2034 : i32 to index
          %parallel_loop3A_2043 = tpu.vector_load %parallel_loop3A_2041[%parallel_loop3A_2042] {strides = array<i32>} : memref<16384xf32, #tpu.memory_space<vmem>>, vector<16xf32>,
          tpu.vector_store %parallel_loop3A_2041[%parallel_loop3A_2042], %parallel_loop3A_2032 {strides = array<i32>} : memref<16384xf32, #tpu.memory_space<vmem>>, vector<16xf32>,
          %parallel_loop3A_2044 = arith.constant 80 : i32
          %parallel_loop3A_2045 = arith.addi %parallel_loop3A_1962, %parallel_loop3A_2044 : i32
          %parallel_loop3A_2046 = arith.index_cast %parallel_loop3A_2045 : i32 to index
          %parallel_loop3A_2047 = tpu.vector_load %arg5[%parallel_loop3A_2046] {strides = array<i32>} : memref<12800xf32, #tpu.memory_space<vmem>>, vector<16xf32>,
          %parallel_loop3A_2048 = arith.constant 80 : i32
          %parallel_loop3A_2049 = arith.addi %parallel_loop3A_1968, %parallel_loop3A_2048 : i32
          %parallel_loop3A_2050 = arith.constant 0 : i32
          %parallel_loop3A_2051 = arith.constant 0 : i32
          %parallel_loop3A_2052 = tpu.memref_slice %arg7[%select_n3A_119, %parallel_loop3A_2050, %parallel_loop3A_2051] : memref<6x1x16384xf32, #tpu.memory_space<vmem>> -> memref<1x1x16384xf32, #tpu.memory_space<vmem>>
          %parallel_loop3A_2053 = tpu.memref_squeeze %parallel_loop3A_2052 : memref<1x1x16384xf32, #tpu.memory_space<vmem>> -> memref<1x16384xf32, #tpu.memory_space<vmem>>
          %parallel_loop3A_2054 = arith.constant 0 : i32
          %parallel_loop3A_2055 = tpu.memref_slice %parallel_loop3A_2053[%parallel_loop3A_137, %parallel_loop3A_2054] : memref<1x16384xf32, #tpu.memory_space<vmem>> -> memref<1x16384xf32, #tpu.memory_space<vmem>>
          %parallel_loop3A_2056 = tpu.memref_squeeze %parallel_loop3A_2055 : memref<1x16384xf32, #tpu.memory_space<vmem>> -> memref<16384xf32, #tpu.memory_space<vmem>>
          %parallel_loop3A_2057 = arith.index_cast %parallel_loop3A_2049 : i32 to index
          %parallel_loop3A_2058 = tpu.vector_load %parallel_loop3A_2056[%parallel_loop3A_2057] {strides = array<i32>} : memref<16384xf32, #tpu.memory_space<vmem>>, vector<16xf32>,
          tpu.vector_store %parallel_loop3A_2056[%parallel_loop3A_2057], %parallel_loop3A_2047 {strides = array<i32>} : memref<16384xf32, #tpu.memory_space<vmem>>, vector<16xf32>,
          %parallel_loop3A_2059 = arith.constant 96 : i32
          %parallel_loop3A_2060 = arith.addi %parallel_loop3A_1962, %parallel_loop3A_2059 : i32
          %parallel_loop3A_2061 = arith.index_cast %parallel_loop3A_2060 : i32 to index
          %parallel_loop3A_2062 = tpu.vector_load %arg5[%parallel_loop3A_2061] {strides = array<i32>} : memref<12800xf32, #tpu.memory_space<vmem>>, vector<16xf32>,
          %parallel_loop3A_2063 = arith.constant 96 : i32
          %parallel_loop3A_2064 = arith.addi %parallel_loop3A_1968, %parallel_loop3A_2063 : i32
          %parallel_loop3A_2065 = arith.constant 0 : i32
          %parallel_loop3A_2066 = arith.constant 0 : i32
          %parallel_loop3A_2067 = tpu.memref_slice %arg7[%select_n3A_119, %parallel_loop3A_2065, %parallel_loop3A_2066] : memref<6x1x16384xf32, #tpu.memory_space<vmem>> -> memref<1x1x16384xf32, #tpu.memory_space<vmem>>
          %parallel_loop3A_2068 = tpu.memref_squeeze %parallel_loop3A_2067 : memref<1x1x16384xf32, #tpu.memory_space<vmem>> -> memref<1x16384xf32, #tpu.memory_space<vmem>>
          %parallel_loop3A_2069 = arith.constant 0 : i32
          %parallel_loop3A_2070 = tpu.memref_slice %parallel_loop3A_2068[%parallel_loop3A_137, %parallel_loop3A_2069] : memref<1x16384xf32, #tpu.memory_space<vmem>> -> memref<1x16384xf32, #tpu.memory_space<vmem>>
          %parallel_loop3A_2071 = tpu.memref_squeeze %parallel_loop3A_2070 : memref<1x16384xf32, #tpu.memory_space<vmem>> -> memref<16384xf32, #tpu.memory_space<vmem>>
          %parallel_loop3A_2072 = arith.index_cast %parallel_loop3A_2064 : i32 to index
          %parallel_loop3A_2073 = tpu.vector_load %parallel_loop3A_2071[%parallel_loop3A_2072] {strides = array<i32>} : memref<16384xf32, #tpu.memory_space<vmem>>, vector<16xf32>,
          tpu.vector_store %parallel_loop3A_2071[%parallel_loop3A_2072], %parallel_loop3A_2062 {strides = array<i32>} : memref<16384xf32, #tpu.memory_space<vmem>>, vector<16xf32>,
          %parallel_loop3A_2074 = arith.constant 112 : i32
          %parallel_loop3A_2075 = arith.addi %parallel_loop3A_1962, %parallel_loop3A_2074 : i32
          %parallel_loop3A_2076 = arith.index_cast %parallel_loop3A_2075 : i32 to index
          %parallel_loop3A_2077 = tpu.vector_load %arg5[%parallel_loop3A_2076] {strides = array<i32>} : memref<12800xf32, #tpu.memory_space<vmem>>, vector<16xf32>,
          %parallel_loop3A_2078 = arith.constant 112 : i32
          %parallel_loop3A_2079 = arith.addi %parallel_loop3A_1968, %parallel_loop3A_2078 : i32
          %parallel_loop3A_2080 = arith.constant 0 : i32
          %parallel_loop3A_2081 = arith.constant 0 : i32
          %parallel_loop3A_2082 = tpu.memref_slice %arg7[%select_n3A_119, %parallel_loop3A_2080, %parallel_loop3A_2081] : memref<6x1x16384xf32, #tpu.memory_space<vmem>> -> memref<1x1x16384xf32, #tpu.memory_space<vmem>>
          %parallel_loop3A_2083 = tpu.memref_squeeze %parallel_loop3A_2082 : memref<1x1x16384xf32, #tpu.memory_space<vmem>> -> memref<1x16384xf32, #tpu.memory_space<vmem>>
          %parallel_loop3A_2084 = arith.constant 0 : i32
          %parallel_loop3A_2085 = tpu.memref_slice %parallel_loop3A_2083[%parallel_loop3A_137, %parallel_loop3A_2084] : memref<1x16384xf32, #tpu.memory_space<vmem>> -> memref<1x16384xf32, #tpu.memory_space<vmem>>
          %parallel_loop3A_2086 = tpu.memref_squeeze %parallel_loop3A_2085 : memref<1x16384xf32, #tpu.memory_space<vmem>> -> memref<16384xf32, #tpu.memory_space<vmem>>
          %parallel_loop3A_2087 = arith.index_cast %parallel_loop3A_2079 : i32 to index
          %parallel_loop3A_2088 = tpu.vector_load %parallel_loop3A_2086[%parallel_loop3A_2087] {strides = array<i32>} : memref<16384xf32, #tpu.memory_space<vmem>>, vector<16xf32>,
          tpu.vector_store %parallel_loop3A_2086[%parallel_loop3A_2087], %parallel_loop3A_2077 {strides = array<i32>} : memref<16384xf32, #tpu.memory_space<vmem>>, vector<16xf32>,
          %parallel_loop3A_2089 = vector.extract_strided_slice %parallel_loop3A_168 {offsets = [15], sizes = [1], strides = [1]} : vector<16xi32> to vector<1xi32>
          %parallel_loop3A_2090 = vector.extract %parallel_loop3A_2089[0] : i32 from vector<1xi32>
          %parallel_loop3A_2091 = arith.constant 16 : i32
          %parallel_loop3A_2092 = arith.muli %parallel_loop3A_156, %parallel_loop3A_2091 : i32
          %parallel_loop3A_2093 = arith.constant 128 : i32
          %parallel_loop3A_2094 = arith.muli %parallel_loop3A_2092, %parallel_loop3A_2093 : i32
          %parallel_loop3A_2095 = arith.constant 1920 : i32
          %parallel_loop3A_2096 = arith.addi %parallel_loop3A_2094, %parallel_loop3A_2095 : i32
          %parallel_loop3A_2097 = arith.constant 0 : i32
          %parallel_loop3A_2098 = arith.addi %parallel_loop3A_2090, %parallel_loop3A_2097 : i32
          %parallel_loop3A_2099 = arith.index_cast %parallel_loop3A_2098 : i32 to index
          %parallel_loop3A_2100 = tpu.vector_load %arg5[%parallel_loop3A_2099] {strides = array<i32>} : memref<12800xf32, #tpu.memory_space<vmem>>, vector<16xf32>,
          %parallel_loop3A_2101 = arith.constant 0 : i32
          %parallel_loop3A_2102 = arith.addi %parallel_loop3A_2096, %parallel_loop3A_2101 : i32
          %parallel_loop3A_2103 = arith.constant 0 : i32
          %parallel_loop3A_2104 = arith.constant 0 : i32
          %parallel_loop3A_2105 = tpu.memref_slice %arg7[%select_n3A_119, %parallel_loop3A_2103, %parallel_loop3A_2104] : memref<6x1x16384xf32, #tpu.memory_space<vmem>> -> memref<1x1x16384xf32, #tpu.memory_space<vmem>>
          %parallel_loop3A_2106 = tpu.memref_squeeze %parallel_loop3A_2105 : memref<1x1x16384xf32, #tpu.memory_space<vmem>> -> memref<1x16384xf32, #tpu.memory_space<vmem>>
          %parallel_loop3A_2107 = arith.constant 0 : i32
          %parallel_loop3A_2108 = tpu.memref_slice %parallel_loop3A_2106[%parallel_loop3A_137, %parallel_loop3A_2107] : memref<1x16384xf32, #tpu.memory_space<vmem>> -> memref<1x16384xf32, #tpu.memory_space<vmem>>
          %parallel_loop3A_2109 = tpu.memref_squeeze %parallel_loop3A_2108 : memref<1x16384xf32, #tpu.memory_space<vmem>> -> memref<16384xf32, #tpu.memory_space<vmem>>
          %parallel_loop3A_2110 = arith.index_cast %parallel_loop3A_2102 : i32 to index
          %parallel_loop3A_2111 = tpu.vector_load %parallel_loop3A_2109[%parallel_loop3A_2110] {strides = array<i32>} : memref<16384xf32, #tpu.memory_space<vmem>>, vector<16xf32>,
          tpu.vector_store %parallel_loop3A_2109[%parallel_loop3A_2110], %parallel_loop3A_2100 {strides = array<i32>} : memref<16384xf32, #tpu.memory_space<vmem>>, vector<16xf32>,
          %parallel_loop3A_2112 = arith.constant 16 : i32
          %parallel_loop3A_2113 = arith.addi %parallel_loop3A_2090, %parallel_loop3A_2112 : i32
          %parallel_loop3A_2114 = arith.index_cast %parallel_loop3A_2113 : i32 to index
          %parallel_loop3A_2115 = tpu.vector_load %arg5[%parallel_loop3A_2114] {strides = array<i32>} : memref<12800xf32, #tpu.memory_space<vmem>>, vector<16xf32>,
          %parallel_loop3A_2116 = arith.constant 16 : i32
          %parallel_loop3A_2117 = arith.addi %parallel_loop3A_2096, %parallel_loop3A_2116 : i32
          %parallel_loop3A_2118 = arith.constant 0 : i32
          %parallel_loop3A_2119 = arith.constant 0 : i32
          %parallel_loop3A_2120 = tpu.memref_slice %arg7[%select_n3A_119, %parallel_loop3A_2118, %parallel_loop3A_2119] : memref<6x1x16384xf32, #tpu.memory_space<vmem>> -> memref<1x1x16384xf32, #tpu.memory_space<vmem>>
          %parallel_loop3A_2121 = tpu.memref_squeeze %parallel_loop3A_2120 : memref<1x1x16384xf32, #tpu.memory_space<vmem>> -> memref<1x16384xf32, #tpu.memory_space<vmem>>
          %parallel_loop3A_2122 = arith.constant 0 : i32
          %parallel_loop3A_2123 = tpu.memref_slice %parallel_loop3A_2121[%parallel_loop3A_137, %parallel_loop3A_2122] : memref<1x16384xf32, #tpu.memory_space<vmem>> -> memref<1x16384xf32, #tpu.memory_space<vmem>>
          %parallel_loop3A_2124 = tpu.memref_squeeze %parallel_loop3A_2123 : memref<1x16384xf32, #tpu.memory_space<vmem>> -> memref<16384xf32, #tpu.memory_space<vmem>>
          %parallel_loop3A_2125 = arith.index_cast %parallel_loop3A_2117 : i32 to index
          %parallel_loop3A_2126 = tpu.vector_load %parallel_loop3A_2124[%parallel_loop3A_2125] {strides = array<i32>} : memref<16384xf32, #tpu.memory_space<vmem>>, vector<16xf32>,
          tpu.vector_store %parallel_loop3A_2124[%parallel_loop3A_2125], %parallel_loop3A_2115 {strides = array<i32>} : memref<16384xf32, #tpu.memory_space<vmem>>, vector<16xf32>,
          %parallel_loop3A_2127 = arith.constant 32 : i32
          %parallel_loop3A_2128 = arith.addi %parallel_loop3A_2090, %parallel_loop3A_2127 : i32
          %parallel_loop3A_2129 = arith.index_cast %parallel_loop3A_2128 : i32 to index
          %parallel_loop3A_2130 = tpu.vector_load %arg5[%parallel_loop3A_2129] {strides = array<i32>} : memref<12800xf32, #tpu.memory_space<vmem>>, vector<16xf32>,
          %parallel_loop3A_2131 = arith.constant 32 : i32
          %parallel_loop3A_2132 = arith.addi %parallel_loop3A_2096, %parallel_loop3A_2131 : i32
          %parallel_loop3A_2133 = arith.constant 0 : i32
          %parallel_loop3A_2134 = arith.constant 0 : i32
          %parallel_loop3A_2135 = tpu.memref_slice %arg7[%select_n3A_119, %parallel_loop3A_2133, %parallel_loop3A_2134] : memref<6x1x16384xf32, #tpu.memory_space<vmem>> -> memref<1x1x16384xf32, #tpu.memory_space<vmem>>
          %parallel_loop3A_2136 = tpu.memref_squeeze %parallel_loop3A_2135 : memref<1x1x16384xf32, #tpu.memory_space<vmem>> -> memref<1x16384xf32, #tpu.memory_space<vmem>>
          %parallel_loop3A_2137 = arith.constant 0 : i32
          %parallel_loop3A_2138 = tpu.memref_slice %parallel_loop3A_2136[%parallel_loop3A_137, %parallel_loop3A_2137] : memref<1x16384xf32, #tpu.memory_space<vmem>> -> memref<1x16384xf32, #tpu.memory_space<vmem>>
          %parallel_loop3A_2139 = tpu.memref_squeeze %parallel_loop3A_2138 : memref<1x16384xf32, #tpu.memory_space<vmem>> -> memref<16384xf32, #tpu.memory_space<vmem>>
          %parallel_loop3A_2140 = arith.index_cast %parallel_loop3A_2132 : i32 to index
          %parallel_loop3A_2141 = tpu.vector_load %parallel_loop3A_2139[%parallel_loop3A_2140] {strides = array<i32>} : memref<16384xf32, #tpu.memory_space<vmem>>, vector<16xf32>,
          tpu.vector_store %parallel_loop3A_2139[%parallel_loop3A_2140], %parallel_loop3A_2130 {strides = array<i32>} : memref<16384xf32, #tpu.memory_space<vmem>>, vector<16xf32>,
          %parallel_loop3A_2142 = arith.constant 48 : i32
          %parallel_loop3A_2143 = arith.addi %parallel_loop3A_2090, %parallel_loop3A_2142 : i32
          %parallel_loop3A_2144 = arith.index_cast %parallel_loop3A_2143 : i32 to index
          %parallel_loop3A_2145 = tpu.vector_load %arg5[%parallel_loop3A_2144] {strides = array<i32>} : memref<12800xf32, #tpu.memory_space<vmem>>, vector<16xf32>,
          %parallel_loop3A_2146 = arith.constant 48 : i32
          %parallel_loop3A_2147 = arith.addi %parallel_loop3A_2096, %parallel_loop3A_2146 : i32
          %parallel_loop3A_2148 = arith.constant 0 : i32
          %parallel_loop3A_2149 = arith.constant 0 : i32
          %parallel_loop3A_2150 = tpu.memref_slice %arg7[%select_n3A_119, %parallel_loop3A_2148, %parallel_loop3A_2149] : memref<6x1x16384xf32, #tpu.memory_space<vmem>> -> memref<1x1x16384xf32, #tpu.memory_space<vmem>>
          %parallel_loop3A_2151 = tpu.memref_squeeze %parallel_loop3A_2150 : memref<1x1x16384xf32, #tpu.memory_space<vmem>> -> memref<1x16384xf32, #tpu.memory_space<vmem>>
          %parallel_loop3A_2152 = arith.constant 0 : i32
          %parallel_loop3A_2153 = tpu.memref_slice %parallel_loop3A_2151[%parallel_loop3A_137, %parallel_loop3A_2152] : memref<1x16384xf32, #tpu.memory_space<vmem>> -> memref<1x16384xf32, #tpu.memory_space<vmem>>
          %parallel_loop3A_2154 = tpu.memref_squeeze %parallel_loop3A_2153 : memref<1x16384xf32, #tpu.memory_space<vmem>> -> memref<16384xf32, #tpu.memory_space<vmem>>
          %parallel_loop3A_2155 = arith.index_cast %parallel_loop3A_2147 : i32 to index
          %parallel_loop3A_2156 = tpu.vector_load %parallel_loop3A_2154[%parallel_loop3A_2155] {strides = array<i32>} : memref<16384xf32, #tpu.memory_space<vmem>>, vector<16xf32>,
          tpu.vector_store %parallel_loop3A_2154[%parallel_loop3A_2155], %parallel_loop3A_2145 {strides = array<i32>} : memref<16384xf32, #tpu.memory_space<vmem>>, vector<16xf32>,
          %parallel_loop3A_2157 = arith.constant 64 : i32
          %parallel_loop3A_2158 = arith.addi %parallel_loop3A_2090, %parallel_loop3A_2157 : i32
          %parallel_loop3A_2159 = arith.index_cast %parallel_loop3A_2158 : i32 to index
          %parallel_loop3A_2160 = tpu.vector_load %arg5[%parallel_loop3A_2159] {strides = array<i32>} : memref<12800xf32, #tpu.memory_space<vmem>>, vector<16xf32>,
          %parallel_loop3A_2161 = arith.constant 64 : i32
          %parallel_loop3A_2162 = arith.addi %parallel_loop3A_2096, %parallel_loop3A_2161 : i32
          %parallel_loop3A_2163 = arith.constant 0 : i32
          %parallel_loop3A_2164 = arith.constant 0 : i32
          %parallel_loop3A_2165 = tpu.memref_slice %arg7[%select_n3A_119, %parallel_loop3A_2163, %parallel_loop3A_2164] : memref<6x1x16384xf32, #tpu.memory_space<vmem>> -> memref<1x1x16384xf32, #tpu.memory_space<vmem>>
          %parallel_loop3A_2166 = tpu.memref_squeeze %parallel_loop3A_2165 : memref<1x1x16384xf32, #tpu.memory_space<vmem>> -> memref<1x16384xf32, #tpu.memory_space<vmem>>
          %parallel_loop3A_2167 = arith.constant 0 : i32
          %parallel_loop3A_2168 = tpu.memref_slice %parallel_loop3A_2166[%parallel_loop3A_137, %parallel_loop3A_2167] : memref<1x16384xf32, #tpu.memory_space<vmem>> -> memref<1x16384xf32, #tpu.memory_space<vmem>>
          %parallel_loop3A_2169 = tpu.memref_squeeze %parallel_loop3A_2168 : memref<1x16384xf32, #tpu.memory_space<vmem>> -> memref<16384xf32, #tpu.memory_space<vmem>>
          %parallel_loop3A_2170 = arith.index_cast %parallel_loop3A_2162 : i32 to index
          %parallel_loop3A_2171 = tpu.vector_load %parallel_loop3A_2169[%parallel_loop3A_2170] {strides = array<i32>} : memref<16384xf32, #tpu.memory_space<vmem>>, vector<16xf32>,
          tpu.vector_store %parallel_loop3A_2169[%parallel_loop3A_2170], %parallel_loop3A_2160 {strides = array<i32>} : memref<16384xf32, #tpu.memory_space<vmem>>, vector<16xf32>,
          %parallel_loop3A_2172 = arith.constant 80 : i32
          %parallel_loop3A_2173 = arith.addi %parallel_loop3A_2090, %parallel_loop3A_2172 : i32
          %parallel_loop3A_2174 = arith.index_cast %parallel_loop3A_2173 : i32 to index
          %parallel_loop3A_2175 = tpu.vector_load %arg5[%parallel_loop3A_2174] {strides = array<i32>} : memref<12800xf32, #tpu.memory_space<vmem>>, vector<16xf32>,
          %parallel_loop3A_2176 = arith.constant 80 : i32
          %parallel_loop3A_2177 = arith.addi %parallel_loop3A_2096, %parallel_loop3A_2176 : i32
          %parallel_loop3A_2178 = arith.constant 0 : i32
          %parallel_loop3A_2179 = arith.constant 0 : i32
          %parallel_loop3A_2180 = tpu.memref_slice %arg7[%select_n3A_119, %parallel_loop3A_2178, %parallel_loop3A_2179] : memref<6x1x16384xf32, #tpu.memory_space<vmem>> -> memref<1x1x16384xf32, #tpu.memory_space<vmem>>
          %parallel_loop3A_2181 = tpu.memref_squeeze %parallel_loop3A_2180 : memref<1x1x16384xf32, #tpu.memory_space<vmem>> -> memref<1x16384xf32, #tpu.memory_space<vmem>>
          %parallel_loop3A_2182 = arith.constant 0 : i32
          %parallel_loop3A_2183 = tpu.memref_slice %parallel_loop3A_2181[%parallel_loop3A_137, %parallel_loop3A_2182] : memref<1x16384xf32, #tpu.memory_space<vmem>> -> memref<1x16384xf32, #tpu.memory_space<vmem>>
          %parallel_loop3A_2184 = tpu.memref_squeeze %parallel_loop3A_2183 : memref<1x16384xf32, #tpu.memory_space<vmem>> -> memref<16384xf32, #tpu.memory_space<vmem>>
          %parallel_loop3A_2185 = arith.index_cast %parallel_loop3A_2177 : i32 to index
          %parallel_loop3A_2186 = tpu.vector_load %parallel_loop3A_2184[%parallel_loop3A_2185] {strides = array<i32>} : memref<16384xf32, #tpu.memory_space<vmem>>, vector<16xf32>,
          tpu.vector_store %parallel_loop3A_2184[%parallel_loop3A_2185], %parallel_loop3A_2175 {strides = array<i32>} : memref<16384xf32, #tpu.memory_space<vmem>>, vector<16xf32>,
          %parallel_loop3A_2187 = arith.constant 96 : i32
          %parallel_loop3A_2188 = arith.addi %parallel_loop3A_2090, %parallel_loop3A_2187 : i32
          %parallel_loop3A_2189 = arith.index_cast %parallel_loop3A_2188 : i32 to index
          %parallel_loop3A_2190 = tpu.vector_load %arg5[%parallel_loop3A_2189] {strides = array<i32>} : memref<12800xf32, #tpu.memory_space<vmem>>, vector<16xf32>,
          %parallel_loop3A_2191 = arith.constant 96 : i32
          %parallel_loop3A_2192 = arith.addi %parallel_loop3A_2096, %parallel_loop3A_2191 : i32
          %parallel_loop3A_2193 = arith.constant 0 : i32
          %parallel_loop3A_2194 = arith.constant 0 : i32
          %parallel_loop3A_2195 = tpu.memref_slice %arg7[%select_n3A_119, %parallel_loop3A_2193, %parallel_loop3A_2194] : memref<6x1x16384xf32, #tpu.memory_space<vmem>> -> memref<1x1x16384xf32, #tpu.memory_space<vmem>>
          %parallel_loop3A_2196 = tpu.memref_squeeze %parallel_loop3A_2195 : memref<1x1x16384xf32, #tpu.memory_space<vmem>> -> memref<1x16384xf32, #tpu.memory_space<vmem>>
          %parallel_loop3A_2197 = arith.constant 0 : i32
          %parallel_loop3A_2198 = tpu.memref_slice %parallel_loop3A_2196[%parallel_loop3A_137, %parallel_loop3A_2197] : memref<1x16384xf32, #tpu.memory_space<vmem>> -> memref<1x16384xf32, #tpu.memory_space<vmem>>
          %parallel_loop3A_2199 = tpu.memref_squeeze %parallel_loop3A_2198 : memref<1x16384xf32, #tpu.memory_space<vmem>> -> memref<16384xf32, #tpu.memory_space<vmem>>
          %parallel_loop3A_2200 = arith.index_cast %parallel_loop3A_2192 : i32 to index
          %parallel_loop3A_2201 = tpu.vector_load %parallel_loop3A_2199[%parallel_loop3A_2200] {strides = array<i32>} : memref<16384xf32, #tpu.memory_space<vmem>>, vector<16xf32>,
          tpu.vector_store %parallel_loop3A_2199[%parallel_loop3A_2200], %parallel_loop3A_2190 {strides = array<i32>} : memref<16384xf32, #tpu.memory_space<vmem>>, vector<16xf32>,
          %parallel_loop3A_2202 = arith.constant 112 : i32
          %parallel_loop3A_2203 = arith.addi %parallel_loop3A_2090, %parallel_loop3A_2202 : i32
          %parallel_loop3A_2204 = arith.index_cast %parallel_loop3A_2203 : i32 to index
          %parallel_loop3A_2205 = tpu.vector_load %arg5[%parallel_loop3A_2204] {strides = array<i32>} : memref<12800xf32, #tpu.memory_space<vmem>>, vector<16xf32>,
          %parallel_loop3A_2206 = arith.constant 112 : i32
          %parallel_loop3A_2207 = arith.addi %parallel_loop3A_2096, %parallel_loop3A_2206 : i32
          %parallel_loop3A_2208 = arith.constant 0 : i32
          %parallel_loop3A_2209 = arith.constant 0 : i32
          %parallel_loop3A_2210 = tpu.memref_slice %arg7[%select_n3A_119, %parallel_loop3A_2208, %parallel_loop3A_2209] : memref<6x1x16384xf32, #tpu.memory_space<vmem>> -> memref<1x1x16384xf32, #tpu.memory_space<vmem>>
          %parallel_loop3A_2211 = tpu.memref_squeeze %parallel_loop3A_2210 : memref<1x1x16384xf32, #tpu.memory_space<vmem>> -> memref<1x16384xf32, #tpu.memory_space<vmem>>
          %parallel_loop3A_2212 = arith.constant 0 : i32
          %parallel_loop3A_2213 = tpu.memref_slice %parallel_loop3A_2211[%parallel_loop3A_137, %parallel_loop3A_2212] : memref<1x16384xf32, #tpu.memory_space<vmem>> -> memref<1x16384xf32, #tpu.memory_space<vmem>>
          %parallel_loop3A_2214 = tpu.memref_squeeze %parallel_loop3A_2213 : memref<1x16384xf32, #tpu.memory_space<vmem>> -> memref<16384xf32, #tpu.memory_space<vmem>>
          %parallel_loop3A_2215 = arith.index_cast %parallel_loop3A_2207 : i32 to index
          %parallel_loop3A_2216 = tpu.vector_load %parallel_loop3A_2214[%parallel_loop3A_2215] {strides = array<i32>} : memref<16384xf32, #tpu.memory_space<vmem>>, vector<16xf32>,
          tpu.vector_store %parallel_loop3A_2214[%parallel_loop3A_2215], %parallel_loop3A_2205 {strides = array<i32>} : memref<16384xf32, #tpu.memory_space<vmem>>, vector<16xf32>,
        } {sc.loop_unroll_factor = 1 : i64, sc.parallel_access}
        %mul3A_138 = arith.constant 128 : i32
        %mul3A_139 = arith.muli %min3A_134, %mul3A_138 : i32
        %dma_start3A = arith.constant 0 : i32
        %dma_start3A_140 = arith.constant 0 : i32
        %dma_start3A_141 = arith.constant 0 : i32
        %dma_start3A_142 = tpu.memref_slice %arg7[%select_n3A_119, %dma_start3A_140, %dma_start3A_141] : memref<6x1x16384xf32, #tpu.memory_space<vmem>> -> memref<1x1x16384xf32, #tpu.memory_space<vmem>>
        %dma_start3A_143 = tpu.memref_squeeze %dma_start3A_142 : memref<1x1x16384xf32, #tpu.memory_space<vmem>> -> memref<1x16384xf32, #tpu.memory_space<vmem>>
        %dma_start3A_144 = arith.constant 0 : i32
        %dma_start3A_145 = tpu.memref_slice %dma_start3A_143[%dma_start3A, %dma_start3A_144] : memref<1x16384xf32, #tpu.memory_space<vmem>> -> memref<1x16384xf32, #tpu.memory_space<vmem>>
        %dma_start3A_146 = tpu.memref_squeeze %dma_start3A_145 : memref<1x16384xf32, #tpu.memory_space<vmem>> -> memref<16384xf32, #tpu.memory_space<vmem>>
        %dma_start3A_147 = tpu.memref_slice %arg4[%mul3A_139] : memref<12800000xf32, #tpu.memory_space<hbm>> -> memref<16384xf32, #tpu.memory_space<hbm>>
        %dma_start3A_148 = tpu.memref_slice %arg4[%mul3A_139] : memref<12800000xf32, #tpu.memory_space<hbm>> -> memref<16384xf32, #tpu.memory_space<hbm>>
        %dma_start3A_149 = arith.constant 0 : i32
        %dma_start3A_150 = arith.constant 0 : i32
        %dma_start3A_151 = tpu.memref_slice %arg7[%select_n3A_119, %dma_start3A_149, %dma_start3A_150] : memref<6x1x16384xf32, #tpu.memory_space<vmem>> -> memref<1x1x16384xf32, #tpu.memory_space<vmem>>
        %dma_start3A_152 = tpu.memref_squeeze %dma_start3A_151 : memref<1x1x16384xf32, #tpu.memory_space<vmem>> -> memref<1x16384xf32, #tpu.memory_space<vmem>>
        %dma_start3A_153 = arith.constant 0 : i32
        %dma_start3A_154 = tpu.memref_slice %dma_start3A_152[%dma_start3A, %dma_start3A_153] : memref<1x16384xf32, #tpu.memory_space<vmem>> -> memref<1x16384xf32, #tpu.memory_space<vmem>>
        %dma_start3A_155 = tpu.memref_squeeze %dma_start3A_154 : memref<1x16384xf32, #tpu.memory_space<vmem>> -> memref<16384xf32, #tpu.memory_space<vmem>>
        tpu.enqueue_dma source(%dma_start3A_155 : memref<16384xf32, #tpu.memory_space<vmem>>) target(%dma_start3A_148 : memref<16384xf32, #tpu.memory_space<hbm>>) target_semaphore(%arg8 : memref<!tpu.dma_semaphore, #tpu.memory_space<semaphore_mem>>)
      } else {
      }
    }
    %scan3A_5 = arith.constant 25 : i32
    %dma_wait3A = arith.constant 1 : i32
    %dma_wait3A_6 = arith.constant 0 : i32
    %dma_wait3A_7 = arith.constant 0 : i32
    %dma_wait3A_8 = arith.constant 0 : i32
    %dma_wait3A_9 = tpu.memref_slice %arg7[%dma_wait3A, %dma_wait3A_7, %dma_wait3A_8] : memref<6x1x16384xf32, #tpu.memory_space<vmem>> -> memref<1x1x16384xf32, #tpu.memory_space<vmem>>
    %dma_wait3A_10 = tpu.memref_squeeze %dma_wait3A_9 : memref<1x1x16384xf32, #tpu.memory_space<vmem>> -> memref<1x16384xf32, #tpu.memory_space<vmem>>
    %dma_wait3A_11 = arith.constant 0 : i32
    %dma_wait3A_12 = tpu.memref_slice %dma_wait3A_10[%dma_wait3A_6, %dma_wait3A_11] : memref<1x16384xf32, #tpu.memory_space<vmem>> -> memref<1x16384xf32, #tpu.memory_space<vmem>>
    %dma_wait3A_13 = tpu.memref_squeeze %dma_wait3A_12 : memref<1x16384xf32, #tpu.memory_space<vmem>> -> memref<16384xf32, #tpu.memory_space<vmem>>
    %dma_wait3A_14 = arith.constant 0 : i32
    %dma_wait3A_15 = tpu.memref_slice %arg4[%dma_wait3A_14] : memref<12800000xf32, #tpu.memory_space<hbm>> -> memref<16384xf32, #tpu.memory_space<hbm>>
    %dma_wait3A_16 = arith.constant 0 : i32
    %dma_wait3A_17 = tpu.memref_slice %arg4[%dma_wait3A_16] : memref<12800000xf32, #tpu.memory_space<hbm>> -> memref<16384xf32, #tpu.memory_space<hbm>>
    %dma_wait3A_18 = arith.constant 0 : i32
    %dma_wait3A_19 = arith.constant 0 : i32
    %dma_wait3A_20 = tpu.memref_slice %arg7[%dma_wait3A, %dma_wait3A_18, %dma_wait3A_19] : memref<6x1x16384xf32, #tpu.memory_space<vmem>> -> memref<1x1x16384xf32, #tpu.memory_space<vmem>>
    %dma_wait3A_21 = tpu.memref_squeeze %dma_wait3A_20 : memref<1x1x16384xf32, #tpu.memory_space<vmem>> -> memref<1x16384xf32, #tpu.memory_space<vmem>>
    %dma_wait3A_22 = arith.constant 0 : i32
    %dma_wait3A_23 = tpu.memref_slice %dma_wait3A_21[%dma_wait3A_6, %dma_wait3A_22] : memref<1x16384xf32, #tpu.memory_space<vmem>> -> memref<1x16384xf32, #tpu.memory_space<vmem>>
    %dma_wait3A_24 = tpu.memref_squeeze %dma_wait3A_23 : memref<1x16384xf32, #tpu.memory_space<vmem>> -> memref<16384xf32, #tpu.memory_space<vmem>>
    tpu.wait_dma2 semaphore(%arg8 : memref<!tpu.dma_semaphore, #tpu.memory_space<semaphore_mem>>) src(%dma_wait3A_24 : memref<16384xf32, #tpu.memory_space<vmem>>) dst(%dma_wait3A_17 : memref<16384xf32, #tpu.memory_space<hbm>>)
    %dma_wait3A_25 = arith.constant 2 : i32
    %dma_wait3A_26 = arith.constant 0 : i32
    %dma_wait3A_27 = arith.constant 0 : i32
    %dma_wait3A_28 = arith.constant 0 : i32
    %dma_wait3A_29 = tpu.memref_slice %arg7[%dma_wait3A_25, %dma_wait3A_27, %dma_wait3A_28] : memref<6x1x16384xf32, #tpu.memory_space<vmem>> -> memref<1x1x16384xf32, #tpu.memory_space<vmem>>
    %dma_wait3A_30 = tpu.memref_squeeze %dma_wait3A_29 : memref<1x1x16384xf32, #tpu.memory_space<vmem>> -> memref<1x16384xf32, #tpu.memory_space<vmem>>
    %dma_wait3A_31 = arith.constant 0 : i32
    %dma_wait3A_32 = tpu.memref_slice %dma_wait3A_30[%dma_wait3A_26, %dma_wait3A_31] : memref<1x16384xf32, #tpu.memory_space<vmem>> -> memref<1x16384xf32, #tpu.memory_space<vmem>>
    %dma_wait3A_33 = tpu.memref_squeeze %dma_wait3A_32 : memref<1x16384xf32, #tpu.memory_space<vmem>> -> memref<16384xf32, #tpu.memory_space<vmem>>
    %dma_wait3A_34 = arith.constant 0 : i32
    %dma_wait3A_35 = tpu.memref_slice %arg4[%dma_wait3A_34] : memref<12800000xf32, #tpu.memory_space<hbm>> -> memref<16384xf32, #tpu.memory_space<hbm>>
    %dma_wait3A_36 = arith.constant 0 : i32
    %dma_wait3A_37 = tpu.memref_slice %arg4[%dma_wait3A_36] : memref<12800000xf32, #tpu.memory_space<hbm>> -> memref<16384xf32, #tpu.memory_space<hbm>>
    %dma_wait3A_38 = arith.constant 0 : i32
    %dma_wait3A_39 = arith.constant 0 : i32
    %dma_wait3A_40 = tpu.memref_slice %arg7[%dma_wait3A_25, %dma_wait3A_38, %dma_wait3A_39] : memref<6x1x16384xf32, #tpu.memory_space<vmem>> -> memref<1x1x16384xf32, #tpu.memory_space<vmem>>
    %dma_wait3A_41 = tpu.memref_squeeze %dma_wait3A_40 : memref<1x1x16384xf32, #tpu.memory_space<vmem>> -> memref<1x16384xf32, #tpu.memory_space<vmem>>
    %dma_wait3A_42 = arith.constant 0 : i32
    %dma_wait3A_43 = tpu.memref_slice %dma_wait3A_41[%dma_wait3A_26, %dma_wait3A_42] : memref<1x16384xf32, #tpu.memory_space<vmem>> -> memref<1x16384xf32, #tpu.memory_space<vmem>>
    %dma_wait3A_44 = tpu.memref_squeeze %dma_wait3A_43 : memref<1x16384xf32, #tpu.memory_space<vmem>> -> memref<16384xf32, #tpu.memory_space<vmem>>
    tpu.wait_dma2 semaphore(%arg8 : memref<!tpu.dma_semaphore, #tpu.memory_space<semaphore_mem>>) src(%dma_wait3A_44 : memref<16384xf32, #tpu.memory_space<vmem>>) dst(%dma_wait3A_37 : memref<16384xf32, #tpu.memory_space<hbm>>)
    %dma_wait3A_45 = arith.constant 3 : i32
    %dma_wait3A_46 = arith.constant 0 : i32
    %dma_wait3A_47 = arith.constant 0 : i32
    %dma_wait3A_48 = arith.constant 0 : i32
    %dma_wait3A_49 = tpu.memref_slice %arg7[%dma_wait3A_45, %dma_wait3A_47, %dma_wait3A_48] : memref<6x1x16384xf32, #tpu.memory_space<vmem>> -> memref<1x1x16384xf32, #tpu.memory_space<vmem>>
    %dma_wait3A_50 = tpu.memref_squeeze %dma_wait3A_49 : memref<1x1x16384xf32, #tpu.memory_space<vmem>> -> memref<1x16384xf32, #tpu.memory_space<vmem>>
    %dma_wait3A_51 = arith.constant 0 : i32
    %dma_wait3A_52 = tpu.memref_slice %dma_wait3A_50[%dma_wait3A_46, %dma_wait3A_51] : memref<1x16384xf32, #tpu.memory_space<vmem>> -> memref<1x16384xf32, #tpu.memory_space<vmem>>
    %dma_wait3A_53 = tpu.memref_squeeze %dma_wait3A_52 : memref<1x16384xf32, #tpu.memory_space<vmem>> -> memref<16384xf32, #tpu.memory_space<vmem>>
    %dma_wait3A_54 = arith.constant 0 : i32
    %dma_wait3A_55 = tpu.memref_slice %arg4[%dma_wait3A_54] : memref<12800000xf32, #tpu.memory_space<hbm>> -> memref<16384xf32, #tpu.memory_space<hbm>>
    %dma_wait3A_56 = arith.constant 0 : i32
    %dma_wait3A_57 = tpu.memref_slice %arg4[%dma_wait3A_56] : memref<12800000xf32, #tpu.memory_space<hbm>> -> memref<16384xf32, #tpu.memory_space<hbm>>
    %dma_wait3A_58 = arith.constant 0 : i32
    %dma_wait3A_59 = arith.constant 0 : i32
    %dma_wait3A_60 = tpu.memref_slice %arg7[%dma_wait3A_45, %dma_wait3A_58, %dma_wait3A_59] : memref<6x1x16384xf32, #tpu.memory_space<vmem>> -> memref<1x1x16384xf32, #tpu.memory_space<vmem>>
    %dma_wait3A_61 = tpu.memref_squeeze %dma_wait3A_60 : memref<1x1x16384xf32, #tpu.memory_space<vmem>> -> memref<1x16384xf32, #tpu.memory_space<vmem>>
    %dma_wait3A_62 = arith.constant 0 : i32
    %dma_wait3A_63 = tpu.memref_slice %dma_wait3A_61[%dma_wait3A_46, %dma_wait3A_62] : memref<1x16384xf32, #tpu.memory_space<vmem>> -> memref<1x16384xf32, #tpu.memory_space<vmem>>
    %dma_wait3A_64 = tpu.memref_squeeze %dma_wait3A_63 : memref<1x16384xf32, #tpu.memory_space<vmem>> -> memref<16384xf32, #tpu.memory_space<vmem>>
    tpu.wait_dma2 semaphore(%arg8 : memref<!tpu.dma_semaphore, #tpu.memory_space<semaphore_mem>>) src(%dma_wait3A_64 : memref<16384xf32, #tpu.memory_space<vmem>>) dst(%dma_wait3A_57 : memref<16384xf32, #tpu.memory_space<hbm>>)
    %dma_wait3A_65 = arith.constant 4 : i32
    %dma_wait3A_66 = arith.constant 0 : i32
    %dma_wait3A_67 = arith.constant 0 : i32
    %dma_wait3A_68 = arith.constant 0 : i32
    %dma_wait3A_69 = tpu.memref_slice %arg7[%dma_wait3A_65, %dma_wait3A_67, %dma_wait3A_68] : memref<6x1x16384xf32, #tpu.memory_space<vmem>> -> memref<1x1x16384xf32, #tpu.memory_space<vmem>>
    %dma_wait3A_70 = tpu.memref_squeeze %dma_wait3A_69 : memref<1x1x16384xf32, #tpu.memory_space<vmem>> -> memref<1x16384xf32, #tpu.memory_space<vmem>>
    %dma_wait3A_71 = arith.constant 0 : i32
    %dma_wait3A_72 = tpu.memref_slice %dma_wait3A_70[%dma_wait3A_66, %dma_wait3A_71] : memref<1x16384xf32, #tpu.memory_space<vmem>> -> memref<1x16384xf32, #tpu.memory_space<vmem>>
    %dma_wait3A_73 = tpu.memref_squeeze %dma_wait3A_72 : memref<1x16384xf32, #tpu.memory_space<vmem>> -> memref<16384xf32, #tpu.memory_space<vmem>>
    %dma_wait3A_74 = arith.constant 0 : i32
    %dma_wait3A_75 = tpu.memref_slice %arg4[%dma_wait3A_74] : memref<12800000xf32, #tpu.memory_space<hbm>> -> memref<16384xf32, #tpu.memory_space<hbm>>
    %dma_wait3A_76 = arith.constant 0 : i32
    %dma_wait3A_77 = tpu.memref_slice %arg4[%dma_wait3A_76] : memref<12800000xf32, #tpu.memory_space<hbm>> -> memref<16384xf32, #tpu.memory_space<hbm>>
    %dma_wait3A_78 = arith.constant 0 : i32
    %dma_wait3A_79 = arith.constant 0 : i32
    %dma_wait3A_80 = tpu.memref_slice %arg7[%dma_wait3A_65, %dma_wait3A_78, %dma_wait3A_79] : memref<6x1x16384xf32, #tpu.memory_space<vmem>> -> memref<1x1x16384xf32, #tpu.memory_space<vmem>>
    %dma_wait3A_81 = tpu.memref_squeeze %dma_wait3A_80 : memref<1x1x16384xf32, #tpu.memory_space<vmem>> -> memref<1x16384xf32, #tpu.memory_space<vmem>>
    %dma_wait3A_82 = arith.constant 0 : i32
    %dma_wait3A_83 = tpu.memref_slice %dma_wait3A_81[%dma_wait3A_66, %dma_wait3A_82] : memref<1x16384xf32, #tpu.memory_space<vmem>> -> memref<1x16384xf32, #tpu.memory_space<vmem>>
    %dma_wait3A_84 = tpu.memref_squeeze %dma_wait3A_83 : memref<1x16384xf32, #tpu.memory_space<vmem>> -> memref<16384xf32, #tpu.memory_space<vmem>>
    tpu.wait_dma2 semaphore(%arg8 : memref<!tpu.dma_semaphore, #tpu.memory_space<semaphore_mem>>) src(%dma_wait3A_84 : memref<16384xf32, #tpu.memory_space<vmem>>) dst(%dma_wait3A_77 : memref<16384xf32, #tpu.memory_space<hbm>>)
    %dma_wait3A_85 = arith.constant 5 : i32
    %dma_wait3A_86 = arith.constant 0 : i32
    %dma_wait3A_87 = arith.constant 0 : i32
    %dma_wait3A_88 = arith.constant 0 : i32
    %dma_wait3A_89 = tpu.memref_slice %arg7[%dma_wait3A_85, %dma_wait3A_87, %dma_wait3A_88] : memref<6x1x16384xf32, #tpu.memory_space<vmem>> -> memref<1x1x16384xf32, #tpu.memory_space<vmem>>
    %dma_wait3A_90 = tpu.memref_squeeze %dma_wait3A_89 : memref<1x1x16384xf32, #tpu.memory_space<vmem>> -> memref<1x16384xf32, #tpu.memory_space<vmem>>
    %dma_wait3A_91 = arith.constant 0 : i32
    %dma_wait3A_92 = tpu.memref_slice %dma_wait3A_90[%dma_wait3A_86, %dma_wait3A_91] : memref<1x16384xf32, #tpu.memory_space<vmem>> -> memref<1x16384xf32, #tpu.memory_space<vmem>>
    %dma_wait3A_93 = tpu.memref_squeeze %dma_wait3A_92 : memref<1x16384xf32, #tpu.memory_space<vmem>> -> memref<16384xf32, #tpu.memory_space<vmem>>
    %dma_wait3A_94 = arith.constant 0 : i32
    %dma_wait3A_95 = tpu.memref_slice %arg4[%dma_wait3A_94] : memref<12800000xf32, #tpu.memory_space<hbm>> -> memref<16384xf32, #tpu.memory_space<hbm>>
    %dma_wait3A_96 = arith.constant 0 : i32
    %dma_wait3A_97 = tpu.memref_slice %arg4[%dma_wait3A_96] : memref<12800000xf32, #tpu.memory_space<hbm>> -> memref<16384xf32, #tpu.memory_space<hbm>>
    %dma_wait3A_98 = arith.constant 0 : i32
    %dma_wait3A_99 = arith.constant 0 : i32
    %dma_wait3A_100 = tpu.memref_slice %arg7[%dma_wait3A_85, %dma_wait3A_98, %dma_wait3A_99] : memref<6x1x16384xf32, #tpu.memory_space<vmem>> -> memref<1x1x16384xf32, #tpu.memory_space<vmem>>
    %dma_wait3A_101 = tpu.memref_squeeze %dma_wait3A_100 : memref<1x1x16384xf32, #tpu.memory_space<vmem>> -> memref<1x16384xf32, #tpu.memory_space<vmem>>
    %dma_wait3A_102 = arith.constant 0 : i32
    %dma_wait3A_103 = tpu.memref_slice %dma_wait3A_101[%dma_wait3A_86, %dma_wait3A_102] : memref<1x16384xf32, #tpu.memory_space<vmem>> -> memref<1x16384xf32, #tpu.memory_space<vmem>>
    %dma_wait3A_104 = tpu.memref_squeeze %dma_wait3A_103 : memref<1x16384xf32, #tpu.memory_space<vmem>> -> memref<16384xf32, #tpu.memory_space<vmem>>
    tpu.wait_dma2 semaphore(%arg8 : memref<!tpu.dma_semaphore, #tpu.memory_space<semaphore_mem>>) src(%dma_wait3A_104 : memref<16384xf32, #tpu.memory_space<vmem>>) dst(%dma_wait3A_97 : memref<16384xf32, #tpu.memory_space<hbm>>)
    %add3A_105 = arith.constant 768 : i32
    %add3A_106 = arith.addi %add3A, %add3A_105 : i32
    %lt3A = arith.constant 782 : i32
    %lt3A_107 = arith.cmpi slt, %add3A_106, %lt3A : i32
    %convert_element_type3A = arith.extui %lt3A_107 : i1 to i32
    %cond3A = arith.constant 0 : i32
    %cond3A_108 = arith.cmpi ne, %convert_element_type3A, %cond3A : i32
    scf.if %cond3A_108 {
      %dma_wait3A_109 = arith.constant 0 : i32
      %dma_wait3A_110 = arith.constant 0 : i32
      %dma_wait3A_111 = arith.constant 0 : i32
      %dma_wait3A_112 = arith.constant 0 : i32
      %dma_wait3A_113 = tpu.memref_slice %arg7[%dma_wait3A_109, %dma_wait3A_111, %dma_wait3A_112] : memref<6x1x16384xf32, #tpu.memory_space<vmem>> -> memref<1x1x16384xf32, #tpu.memory_space<vmem>>
      %dma_wait3A_114 = tpu.memref_squeeze %dma_wait3A_113 : memref<1x1x16384xf32, #tpu.memory_space<vmem>> -> memref<1x16384xf32, #tpu.memory_space<vmem>>
      %dma_wait3A_115 = arith.constant 0 : i32
      %dma_wait3A_116 = tpu.memref_slice %dma_wait3A_114[%dma_wait3A_110, %dma_wait3A_115] : memref<1x16384xf32, #tpu.memory_space<vmem>> -> memref<1x16384xf32, #tpu.memory_space<vmem>>
      %dma_wait3A_117 = tpu.memref_squeeze %dma_wait3A_116 : memref<1x16384xf32, #tpu.memory_space<vmem>> -> memref<16384xf32, #tpu.memory_space<vmem>>
      %dma_wait3A_118 = arith.constant 0 : i32
      %dma_wait3A_119 = tpu.memref_slice %arg4[%dma_wait3A_118] : memref<12800000xf32, #tpu.memory_space<hbm>> -> memref<16384xf32, #tpu.memory_space<hbm>>
      %dma_wait3A_120 = arith.constant 0 : i32
      %dma_wait3A_121 = tpu.memref_slice %arg4[%dma_wait3A_120] : memref<12800000xf32, #tpu.memory_space<hbm>> -> memref<16384xf32, #tpu.memory_space<hbm>>
      %dma_wait3A_122 = arith.constant 0 : i32
      %dma_wait3A_123 = arith.constant 0 : i32
      %dma_wait3A_124 = tpu.memref_slice %arg7[%dma_wait3A_109, %dma_wait3A_122, %dma_wait3A_123] : memref<6x1x16384xf32, #tpu.memory_space<vmem>> -> memref<1x1x16384xf32, #tpu.memory_space<vmem>>
      %dma_wait3A_125 = tpu.memref_squeeze %dma_wait3A_124 : memref<1x1x16384xf32, #tpu.memory_space<vmem>> -> memref<1x16384xf32, #tpu.memory_space<vmem>>
      %dma_wait3A_126 = arith.constant 0 : i32
      %dma_wait3A_127 = tpu.memref_slice %dma_wait3A_125[%dma_wait3A_110, %dma_wait3A_126] : memref<1x16384xf32, #tpu.memory_space<vmem>> -> memref<1x16384xf32, #tpu.memory_space<vmem>>
      %dma_wait3A_128 = tpu.memref_squeeze %dma_wait3A_127 : memref<1x16384xf32, #tpu.memory_space<vmem>> -> memref<16384xf32, #tpu.memory_space<vmem>>
      tpu.wait_dma2 semaphore(%arg8 : memref<!tpu.dma_semaphore, #tpu.memory_space<semaphore_mem>>) src(%dma_wait3A_128 : memref<16384xf32, #tpu.memory_space<vmem>>) dst(%dma_wait3A_121 : memref<16384xf32, #tpu.memory_space<hbm>>)
    } else {
    }
    return
  }
}

</mosaic_0001>

<sc_bundles>
// kernel: _emb.3.cloned.1.call-start
scs
__scs_entry_jumppad:
0x0: {  	(pc) =	sbr.rel $0x88, $3  }
0x1: {  	(tag) =	ssettag $0x0;
	lr =	simm.s32 $0x1  }
0x2: {  	[smem:$0x3F9F] =	sst lr;
	_ =	strace $0xD0000000  }
0x3: {  	_ = 	snop  }
0x4: {  	_ = 	snop  }
0x5: {  	_ = 	snop  }
0x6: {  	_ = 	snop  }
0x7: {  	_ = 	snop  }
__scs_overlays_trampoline_lowered:
0x8: {  	[smem:$0x3FAE] =	sst s0  }
0x9: {  	[smem:$0x3FAF] =	sst s1  }
0xa: {  	[smem:$0x3FB0] =	sst s2  }
0xb: {  	[smem:$0x3FB1] =	sst s3  }
0xc: {  	[smem:$0x3FB2] =	sst s4  }
0xd: {  	[smem:$0x3FB3] =	sst s5  }
0xe: {  	[smem:$0x3FB4] =	sst s6  }
0xf: {  	[smem:$0x3FB5] =	sst s7  }
0x10: {  	[smem:$0x3FB6] =	sst s8  }
0x11: {  	[smem:$0x3FB7] =	sst s9;
	s0 =	simm.s32 @!p0 $0x0  }
0x12: {  	s1 =	sld [smem:$0x3F9D];
	s0 =	simm.s32 @p0 $0x1  }
0x13: {  	[smem:$0x3FB8] =	sst s0;
	s0 =	simm.s32 @!p1 $0x0  }
0x14: {  	s2 =	sld [smem:$0x3F9C];
	s0 =	simm.s32 @p1 $0x1  }
0x15: {  	[smem:$0x3FB9] =	sst s0;
	s0 =	simm.s32 @!p2 $0x0  }
0x16: {  	s3 =	sld [smem:$0x3FDB];
	s0 =	simm.s32 @p2 $0x1  }
0x17: {  	s4 =	simm.s32 $0x1BF5;
	[smem:$0x3FBB] =	sst s0  }
0x18: {  	s0 =	sld [smem:$0x3F9E];
	_ =	swait.ge [sflag:s4], $0x0  }
0x19: {  	s7 =	sld [smem:$0x3F9F]  }
0x1a: {  	s8 =	sadd.s32 $0xFFFFE003, lr  }
0x1b: {  	s9 =	sadd.s32 $0xFFFFFEF7, lr;
	s5 =	simm.s32 $0xFFFFFFFF;
	p2 =	slt.u32 s8, $0xFFFFF086  }
0x1c: {  	p1 =	slt.u32 s9, $0xF7A;
	s5 =	simm.s32 @!p2 $0x0  }
0x1d: {  	s5 =	simm.s32 @p1 $0x1;
	p0 =	seq.s32 s7, s2  }
0x1e: {  	s7 =	smul.u32 @!p0 $0xF7A, s2;
	p2 =	seq.s32 @!p0 s5, $0x0  }
0x1f: {  	s9 =	smul.u32 $0xF7A, s1;
	s8 =	simm.s32 @!p0 $0x1BF5;
	p2 =	por !p2, p0  }
0x20: {  	[sflag:s8] =	ssyncset.s32 @!p0 $0xFFFFF086;
	s6 =	sadd.s32 @!p0 s3, s7;
	s7 =	simm.s32 @!p0 $0x108  }
0x21: {  	s3 =	sadd.s32 s3, s9;
	s6 =	sadd.s32 @!p0 $0x88, s6;
	s7 =	simm.s32 @p2 $0x1082  }
0x22: {  	[simem:s7], [sflag:s8] =	dma.local @!p0 [hbm:s6], $0xF7A  }
0x23: {  	s9 =	sor.u32 $0xD0000000, s2;
	s6 =	simm.s32 $0x108;
	_ =	swait.ge @!p0 [sflag:s8], $0x0  }
0x24: {  	s3 =	sadd.s32 $0x88, s3;
	s6 =	simm.s32 @!p1 $0x1082;
	[sflag:s4] =	ssyncset.s32 $0xFFFFF086  }
0x25: {  	[simem:s6], [sflag:s4] =	dma.local [hbm:s3], $0xF7A  }
0x26: {  	[smem:$0x3F9F] =	sst s1;
	(tag) =	ssettag s2;
	_ =	strace s9  }
0x27: {  	s1 =	sld [smem:$0x3FAF]  }
0x28: {  	s2 =	sld [smem:$0x3FB0]  }
0x29: {  	s4 =	sld [smem:$0x3FB2]  }
0x2a: {  	p0 =	seq.s32 s5, $0x0;
	s5 =	sld [smem:$0x3FB3]  }
0x2b: {  	s6 =	sld [smem:$0x3FB4]  }
0x2c: {  	s7 =	sld [smem:$0x3FB5]  }
0x2d: {  	s3 =	simm.s32 $0x108;
	s8 =	sld [smem:$0x3FB6]  }
0x2e: {  	s3 =	simm.s32 @!p0 $0x1082;
	s9 =	sld [smem:$0x3FB7]  }
0x2f: {  	lr =	sadd.s32 s0, s3;
	s0 =	sld [smem:$0x3FAE]  }
0x30: {  	s3 =	sld [smem:$0x3FB1]  }
0x31: {  	[smem:$0x3FBA] =	sst s10  }
0x32: {  	s10 =	sld [smem:$0x3FB8];
	_ =	sdelay $0x3  }
0x33: {  	p0 =	seq.s32 s10, $0x1;
	s10 =	sld [smem:$0x3FBA];
	_ =	sdelay $0x3  }
0x34: {  	[smem:$0x3FBA] =	sst s10  }
0x35: {  	s10 =	sld [smem:$0x3FB9];
	_ =	sdelay $0x3  }
0x36: {  	p1 =	seq.s32 s10, $0x1;
	s10 =	sld [smem:$0x3FBA];
	_ =	sdelay $0x3  }
0x37: {  	[smem:$0x3FBA] =	sst s10  }
0x38: {  	s10 =	sld [smem:$0x3FBB]  }
0x39: {  	_ = 	snop;
	(pc) =	sbr.ind lr, $3  }
0x3a: {  	_ = 	snop  }
0x3b: {  	_ = 	snop  }
0x3c: {  	p2 =	seq.s32 s10, $0x1;
	s10 =	sld [smem:$0x3FBA]  }
0x3d: {  	_ =	shalt  }
0x3e: {  	_ =	shalt  }
0x3f: {  	_ =	shalt  }
0x40: {  	_ =	shalt  }
0x41: {  	_ =	shalt  }
0x42: {  	_ =	shalt  }
0x43: {  	_ =	shalt  }
0x44: {  	_ =	shalt  }
0x45: {  	_ =	shalt  }
0x46: {  	_ =	shalt  }
0x47: {  	_ =	shalt  }
0x48: {  	_ =	shalt  }
0x49: {  	_ =	shalt  }
0x4a: {  	_ =	shalt  }
0x4b: {  	_ =	shalt  }
0x4c: {  	_ =	shalt  }
0x4d: {  	_ =	shalt  }
0x4e: {  	_ =	shalt  }
0x4f: {  	_ =	shalt  }
0x50: {  	_ =	shalt  }
0x51: {  	_ =	shalt  }
0x52: {  	_ =	shalt  }
0x53: {  	_ =	shalt  }
0x54: {  	_ =	shalt  }
0x55: {  	_ =	shalt  }
0x56: {  	_ =	shalt  }
0x57: {  	_ =	shalt  }
0x58: {  	_ =	shalt  }
0x59: {  	_ =	shalt  }
0x5a: {  	_ =	shalt  }
0x5b: {  	_ =	shalt  }
0x5c: {  	_ =	shalt  }
0x5d: {  	_ =	shalt  }
0x5e: {  	_ =	shalt  }
0x5f: {  	_ =	shalt  }
0x60: {  	_ =	shalt  }
0x61: {  	_ =	shalt  }
0x62: {  	_ =	shalt  }
0x63: {  	_ =	shalt  }
0x64: {  	_ =	shalt  }
0x65: {  	_ =	shalt  }
0x66: {  	_ =	shalt  }
0x67: {  	_ =	shalt  }
0x68: {  	_ =	shalt  }
0x69: {  	_ =	shalt  }
0x6a: {  	_ =	shalt  }
0x6b: {  	_ =	shalt  }
0x6c: {  	_ =	shalt  }
0x6d: {  	_ =	shalt  }
0x6e: {  	_ =	shalt  }
0x6f: {  	_ =	shalt  }
0x70: {  	_ =	shalt  }
0x71: {  	_ =	shalt  }
0x72: {  	_ =	shalt  }
0x73: {  	_ =	shalt  }
0x74: {  	_ =	shalt  }
0x75: {  	_ =	shalt  }
0x76: {  	_ =	shalt  }
0x77: {  	_ =	shalt  }
0x78: {  	_ =	shalt  }
0x79: {  	_ =	shalt  }
0x7a: {  	_ =	shalt  }
0x7b: {  	_ =	shalt  }
0x7c: {  	_ =	shalt  }
0x7d: {  	_ =	shalt  }
0x7e: {  	_ =	shalt  }
0x7f: {  	_ =	shalt  }
0x80: {  	_ =	shalt  }
0x81: {  	_ =	shalt  }
0x82: {  	_ =	shalt  }
0x83: {  	_ =	shalt  }
0x84: {  	_ =	shalt  }
0x85: {  	_ =	shalt  }
0x86: {  	_ =	shalt  }
0x87: {  	_ =	shalt  }
.Lfunc_end0:
.L_simem_size_0:
called_computation_lowered:
.L_overlay_start_0:
0x88: {  	s2 =	sld [smem:$0x3FD9]  }
0x89: {  	s3 =	sld [smem:$0x3FFE];
	_ =	sdelay $0x1  }
0x8a: {  	s1 =	srdreg.scid  }
0x8b: {  	s0 =	sand.u32 $0x1, s1  }
0x8c: {  	s18 =	sshll.u32 s0, $0xA;
	s2 =	sadd.s32 s3, s2  }
0x8d: {  	s2 =	sadd.s32 s2, s18  }
0x8e: {  	[smem:$0x3FC6] =	sst s2  }
0x8f: {  	_ = 	snop  }
0x90: {  	s2 =	sld [smem:$0x3FC9]  }
0x91: {  	s19 =	sld [smem:$0x3FC8]  }
0x92: {  	s4 =	sld [smem:$0x3FD0];
	(tm) =	ssettm $0x1  }
0x93: {  	s5 =	sld [smem:$0x3FFB];
	_ =	sdelay $0x3  }
0x94: {  	_ =	strace s5  }
0x95: {  	s5 =	sld [smem:$0x3FFC];
	_ =	sdelay $0x3  }
0x96: {  	_ =	strace s5  }
0x97: {  	s5 =	sld [smem:$0x3FFD];
	_ =	sdelay $0x3  }
0x98: {  	_ =	strace s5  }
0x99: {  	_ =	strace $0x8FFFFFFF  }
0x9a: {  	s20 =	sld [smem:$0x3FDB];
	_ =	sdelay $0x1  }
0x9b: {  	s6 =	simm.s32 $_scs_section_size  }
0x9c: {  	s7 =	simm.s32 $_size__tile_overlayer_lowered;
	s8 =	simm.s32 $_tile_overlayer_lowered  }
0x9d: {  	s23 =	simm.s32 $0x1BFF;
	s22 =	sshll.u32 s8, $0x1;
	s5 =	sadd.s32 s6, s20  }
0x9e: {  	s9 =	simm.s32 $0x0;
	s21 =	sshll.u32 s7, $0x1;
	s7 =	sadd.s32 s22, s5  }
0x9f: {  	[timem:s9], [sflag:s23] =	dma.local [hbm:s7], s21  }
0xa0: {  	_ =	swait.ge [sflag:s23], s21  }
0xa1: {  	s6 =	ssub.s32 $0x0, s21;
	[sflag:s23] =	ssyncset.done $0x0  }
0xa2: {  	[sflag:s23] =	ssyncadd.s32 s6;
	_ =	sdelay $0x1  }
0xa3: {  	s24 =	simm.s32 $0x1B8B  }
0xa4: {  	_ =	swait.ge [sflag:s24], $0x1  }
0xa5: {  	[sflag:s24] =	ssyncset.done $0x0  }
0xa6: {  	s25 =	simm.s32 $0x1B8E;
	[sflag:s24] =	ssyncadd.s32 $0xFFFFFFFF  }
0xa7: {  	s26 =	simm.s32 $execute0_lowered;
	[smem:$0x3FD2] =	sst s25  }
0xa8: {  	s6 =	sshll.u32 s26, $0x1;
	_ =	strace $0x80000046;
	[dreg:$0x1] =	wrdreg $0xFFFFFFFF  }
0xa9: {  	s28 =	simm.s32 $_size_execute0_lowered;
	s5 =	sadd.s32 s5, s6;
	[dreg:$0x0] =	wrdreg $0x0  }
0xaa: {  	s6 =	sshll.u32 s28, $0x1;
	[dreg:$0x2] =	wrdreg s5  }
0xab: {  	[dreg:$0x3] =	wrdreg s6  }
0xac: {  	[dreg:$0x4] =	wrdreg $0xC0  }
0xad: {  	_ =	task [dreg:s9], $0x5FFFF  }
0xae: {  	[dreg:$0x1] =	wrdreg $0xFFFFFFFF  }
0xaf: {  	[dreg:$0x0] =	wrdreg $0x60  }
0xb0: {  	[dreg:$0x2] =	wrdreg s2  }
0xb1: {  	[dreg:$0x3] =	wrdreg s19  }
0xb2: {  	[dreg:$0x4] =	wrdreg s4  }
0xb3: {  	[dreg:$0x5] =	wrdreg $0x9  }
0xb4: {  	_ =	task.clear_ibuf [dreg:s9], $0x6FFFF;
	_ =	strace $0x90000046  }
0xb5: {  	s29 =	simm.s32 $0x9;
	_ =	strace $0x80000048  }
0xb6: {  	_ =	swait.ge [sflag:s29], $0x1  }
0xb7: {  	[sflag:s29] =	ssyncadd.s32 $0xFFFFFFFF  }
0xb8: {  	_ =	strace $0x90000048  }
0xb9: {  	_ =	sfence  }
0xba: {  	s30 =	sld [smem:$0x0];
	_ =	sdelay $0x2  }
0xbb: {  	s31 =	sshll.u32 s1, $0xD;
	s1 =	sshrl.u32 s1, $0x2  }
0xbc: {  	s3 =	sand.u32 $0x4000, s31;
	s1 =	sadd.s32 s1, s30  }
0xbd: {  	s0 =	sor.u32 s3, s0;
	s1 =	sshll.u32 s1, $0x11  }
0xbe: {  	s0 =	sor.u32 s1, s0  }
0xbf: {  	s0 =	sadd.s32 $0x8F2B, s0  }
0xc0: {  	[sflag:s0] =	ssyncadd.remote.s32 $0x1  }
0xc1: {  	_ =	sfence.sel $0xFFFF  }
0xc2: {  	[dreg:$0x0] =	wrdreg $0xFFFFFFFF;
	(pc) =	sbr.abs _section_cstart, $3  }
0xc3: {  	[dreg:$0x1] =	wrdreg $0xFFFFFFFF  }
0xc4: {  	_ =	task.clear_ibuf [dreg:s9], $0x2FFFF;
	_ =	strace $0x9FFFFFFF  }
0xc5: {  	(tm) =	ssettm $0x7FFFFFFF  }
tec
execute0_lowered:
.L_overlay_start_1:
0x0: {  	(tag) =	ssettag $0x1  }
0x1: {  	s0 =	rddreg [dreg:$0x0]  }
0x2: {  	s3 =	rddreg [dreg:$0x2]  }
0x3: {  	s1 =	srdreg.scid;
	s9 =	stileid.u32  }
0x4: {  	s4 =	simm.s32 $0x0;
	s1 =	sand.u32 $0x1, s1;
	s2 =	sshll.u32 s9, $0x1  }
.Ltmp0:
0x5: {  	s8 =	simm.s32 $0x2;
	s5 =	sor.u32 s1, s2;
	(pc) =	sbr.rel .LBB2_1-.Ltmp0, $4  }
0x6: {  	s10 =	simm.s32 $0x0;
	s6 =	ssub.s32 $0x2, s1;
	s2 =	smul.u32 $0x190, s5  }
0x7: {  	[smem:$0x7FF] =	sst s4;
	p0 =	sgt.u32 s9, $0x6;
	s31 =	sshrl.u32 s6, $0x1  }
0x8: {  	s9 =	simm.s32 $0x1;
	s1 =	ssub.s32 s6, s31;
	s0 =	sadd.s32 s0, s2  }
0x9: {  	_ =	strace $0x80000047;
	s7 =	smax.u32 s1, $0x1;
	[dreg:$0x4] =	wrdreg s0  }
.LBB2_7:
0xa: {  	_ =	swait.ge [sflag:s9], $0x4000  }
0xb: {  	[sflag:s9] =	ssyncset.done $0x0  }
0xc: {  	[sflag:s9] =	ssyncadd.s32 $0xFFFFC000  }
0xd: {  	_ =	swait.ge [sflag:s9], $0x4000  }
0xe: {  	[sflag:s9] =	ssyncset.done $0x0  }
0xf: {  	[sflag:s9] =	ssyncadd.s32 $0xFFFFC000  }
0x10: {  	_ =	swait.ge [sflag:s9], $0x4000  }
0x11: {  	[sflag:s9] =	ssyncset.done $0x0  }
0x12: {  	[sflag:s9] =	ssyncadd.s32 $0xFFFFC000  }
0x13: {  	_ =	swait.ge [sflag:s9], $0x4000  }
0x14: {  	[sflag:s9] =	ssyncset.done $0x0  }
0x15: {  	s10 =	sadd.s32 $0x1, s10;
	[sflag:s9] =	ssyncadd.s32 $0xFFFFC000  }
0x16: {  	p1 =	sne.s32 s10, s7;
	_ =	swait.ge [sflag:s9], $0x4000  }
.Ltmp1:
0x17: {  	[sflag:s9] =	ssyncset.done $0x0;
	(pc) =	sbr.rel @!p1 .LBB2_8-.Ltmp1, $4  }
0x18: {  	s0 =	simm.s32 @!p0 $0x1;
	[sflag:s9] =	ssyncadd.s32 $0xFFFFC000  }
0x19: {  	_ =	swait.ge @!p0 [sflag:s0], $0x4000  }
0x1a: {  	[sflag:s0] =	ssyncset.done @!p0 $0x0  }
0x1b: {  	[sflag:s0] =	ssyncadd.s32 @!p0 $0xFFFFC000  }
.LBB2_1:
0x1c: {  	s0 =	rddreg [dreg:$0x1]  }
0x1d: {  	[tilespmem:s4], [sflag:$0x2] =	stream.linear.gather [hbm4b:s0+s4], $0x3200, $0x38;
	[tilespmem:$0x1BE80] =	vst v63  }
0x1e: {  	_ =	swait.ge [sflag:s8], $0x3200  }
0x1f: {  	s11 =	simm.s32 $0x3200;
	[sflag:s8] =	ssyncset.done $0x0  }
.Ltmp2:
0x20: {  	s31 =	rddreg [dreg:$0x4];
	[sflag:s8] =	ssyncadd.s32 $0xFFFFCE00;
	(pc) =	sbr.rel .LBB2_2-.Ltmp2, $4  }
0x21: {  	[tilespmem:s11], [sflag:$0x2] =	stream.linear.gather [hbm4b:s31+s4], $0xC80, $0x38;
	[tilespmem:$0x1BE80] =	vst v63  }
0x22: {  	_ =	swait.ge [sflag:s8], $0xC80  }
0x23: {  	[sflag:s8] =	ssyncset.done $0x0  }
0x24: {  	s12 =	simm.s32 $0x3E80;
	s13 =	simm.s32 $0x0;
	[sflag:s8] =	ssyncadd.s32 $0xFFFFF380  }
.LBB2_6:
0x25: {  	s13 =	sadd.s32 $0x1, s13  }
0x26: {  	p1 =	sne.s32 s13, $0x19  }
.Ltmp3:
0x27: {  	_ = 	snop;
	(pc) =	sbr.rel @!p1 .LBB2_7-.Ltmp3, $2  }
0x28: {  	_ =	sdelay $0x2  }
0x29: {  	s11 =	sadd.s32 $0x80, s11;
	s12 =	sadd.s32 $0x4000, s12  }
.LBB2_2:
0x2a: {  	s1 =	sshll.u32 s13, $0x5  }
0x2b: {  	s14 =	sor.u32 s5, s1  }
0x2c: {  	p2 =	sgt.u32 s14, $0x30D  }
.Ltmp4:
0x2d: {  	p1 =	slt.u32 s13, $0x6;
	(pc) =	sbr.rel @p2 .LBB2_6-.Ltmp4, $4  }
0x2e: {  	s0 =	simm.s32 @!p1 $0x1  }
0x2f: {  	_ =	swait.ge @!p1 [sflag:s0], $0x4000  }
0x30: {  	[sflag:s0] =	ssyncset.done @!p1 $0x0  }
0x31: {  	[sflag:s0] =	ssyncadd.s32 @!p1 $0xFFFFC000  }
0x32: {  	v0 =	vld [tilespmem:s11+$0x0];
	_ =	sdelay $0x4  }
0x33: {  	v5 =	vshll.u32 v0, $0x7  }
0x34: {  	(v2sf) =	vpush v5, $0x0;
	_ =	sdelay $0x8  }
0x35: {  	s0 =	smulhi.u32 $0xAAAAAAAB, s13;
	_ =	sdelay $0x1  }
0x36: {  	s0 =	sshrl.u32 s0, $0x2  }
0x37: {  	s0 =	smul.u32 $0xFFFA0000, s0;
	_ =	sdelay $0x1  }
0x38: {  	s0 =	sshra.s32 s0, $0x2  }
0x39: {  	s0 =	sadd.s32 s0, s12;
	s1 =	spop (v2sf)  }
0x3a: {  	v0 =	vmov s0;
	v1 =	vld [tilespmem:s1+$0x0];
	_ =	sdelay $0x3  }
0x3b: {  	s18 =	simm.s32 $0x0  }
0x3c: {  	[tilespmem:v0+s18+$0x0 ss:$0x1] =	vst.idx.msk $0xffff, v1  }
0x3d: {  	v1 =	vld [tilespmem:s1+$0x10];
	_ =	sdelay $0x4  }
0x3e: {  	[tilespmem:v0+s18+$0x10 ss:$0x1] =	vst.idx.msk $0xffff, v1  }
0x3f: {  	v1 =	vld [tilespmem:s1+$0x20];
	_ =	sdelay $0x4  }
0x40: {  	[tilespmem:v0+s18+$0x20 ss:$0x1] =	vst.idx.msk $0xffff, v1  }
0x41: {  	v1 =	vld [tilespmem:s1+$0x30];
	_ =	sdelay $0x4  }
0x42: {  	[tilespmem:v0+s18+$0x30 ss:$0x1] =	vst.idx.msk $0xffff, v1  }
0x43: {  	v1 =	vld [tilespmem:s1+$0x40];
	_ =	sdelay $0x4  }
0x44: {  	[tilespmem:v0+s18+$0x40 ss:$0x1] =	vst.idx.msk $0xffff, v1  }
0x45: {  	v1 =	vld [tilespmem:s1+$0x50];
	_ =	sdelay $0x1  }
0x46: {  	(v2sf) =	vpush v5, $0x1;
	_ =	sdelay $0x2  }
0x47: {  	[tilespmem:v0+s18+$0x50 ss:$0x1] =	vst.idx.msk $0xffff, v1  }
0x48: {  	v1 =	vld [tilespmem:s1+$0x60];
	_ =	sdelay $0x4  }
0x49: {  	[tilespmem:v0+s18+$0x60 ss:$0x1] =	vst.idx.msk $0xffff, v1  }
0x4a: {  	v1 =	vld [tilespmem:s1+$0x70];
	_ =	sdelay $0x4  }
0x4b: {  	s17 =	spop (v2sf);
	[tilespmem:v0+s18+$0x70 ss:$0x1] =	vst.idx.msk $0xffff, v1  }
0x4c: {  	v1 =	vld [tilespmem:s17+$0x0];
	_ =	sdelay $0x4  }
0x4d: {  	[tilespmem:v0+s18+$0x80 ss:$0x1] =	vst.idx.msk $0xffff, v1  }
0x4e: {  	v1 =	vld [tilespmem:s17+$0x10];
	_ =	sdelay $0x4  }
0x4f: {  	[tilespmem:v0+s18+$0x90 ss:$0x1] =	vst.idx.msk $0xffff, v1  }
0x50: {  	v1 =	vld [tilespmem:s17+$0x20];
	_ =	sdelay $0x4  }
0x51: {  	[tilespmem:v0+s18+$0xA0 ss:$0x1] =	vst.idx.msk $0xffff, v1  }
0x52: {  	v1 =	vld [tilespmem:s17+$0x30];
	_ =	sdelay $0x4  }
0x53: {  	[tilespmem:v0+s18+$0xB0 ss:$0x1] =	vst.idx.msk $0xffff, v1  }
0x54: {  	v1 =	vld [tilespmem:s17+$0x40];
	_ =	sdelay $0x4  }
0x55: {  	[tilespmem:v0+s18+$0xC0 ss:$0x1] =	vst.idx.msk $0xffff, v1  }
0x56: {  	v1 =	vld [tilespmem:s17+$0x50];
	_ =	sdelay $0x1  }
0x57: {  	(v2sf) =	vpush v5, $0x2;
	_ =	sdelay $0x2  }
0x58: {  	[tilespmem:v0+s18+$0xD0 ss:$0x1] =	vst.idx.msk $0xffff, v1  }
0x59: {  	v1 =	vld [tilespmem:s17+$0x60];
	_ =	sdelay $0x4  }
0x5a: {  	[tilespmem:v0+s18+$0xE0 ss:$0x1] =	vst.idx.msk $0xffff, v1  }
0x5b: {  	v1 =	vld [tilespmem:s17+$0x70];
	_ =	sdelay $0x4  }
0x5c: {  	s19 =	spop (v2sf);
	[tilespmem:v0+s18+$0xF0 ss:$0x1] =	vst.idx.msk $0xffff, v1  }
0x5d: {  	v1 =	vld [tilespmem:s19+$0x0];
	_ =	sdelay $0x4  }
0x5e: {  	[tilespmem:v0+s18+$0x100 ss:$0x1] =	vst.idx.msk $0xffff, v1  }
0x5f: {  	v1 =	vld [tilespmem:s19+$0x10];
	_ =	sdelay $0x4  }
0x60: {  	[tilespmem:v0+s18+$0x110 ss:$0x1] =	vst.idx.msk $0xffff, v1  }
0x61: {  	s20 =	sadd.s32 $0x10, s11;
	v1 =	vld [tilespmem:s19+$0x20]  }
0x62: {  	v2 =	vld [tilespmem:s20+$0x0];
	_ =	sdelay $0x3  }
0x63: {  	[tilespmem:v0+s18+$0x120 ss:$0x1] =	vst.idx.msk $0xffff, v1  }
0x64: {  	v3 =	vshll.u32 v2, $0x7;
	v1 =	vld [tilespmem:s19+$0x30]  }
0x65: {  	(v2sf) =	vpush v3, $0x0;
	_ =	sdelay $0x3  }
0x66: {  	[tilespmem:v0+s18+$0x130 ss:$0x1] =	vst.idx.msk $0xffff, v1  }
0x67: {  	v1 =	vld [tilespmem:s19+$0x40];
	_ =	sdelay $0x4  }
0x68: {  	[tilespmem:v0+s18+$0x140 ss:$0x1] =	vst.idx.msk $0xffff, v1  }
0x69: {  	v1 =	vld [tilespmem:s19+$0x50];
	_ =	sdelay $0x1  }
0x6a: {  	(v2sf) =	vpush v5, $0x3;
	_ =	sdelay $0x1  }
0x6b: {  	s2 =	spop (v2sf)  }
0x6c: {  	v2 =	vld [tilespmem:s2+$0x0];
	[tilespmem:v0+s18+$0x150 ss:$0x1] =	vst.idx.msk $0xffff, v1  }
0x6d: {  	v1 =	vld [tilespmem:s19+$0x60];
	_ =	sdelay $0x2  }
0x6e: {  	s15 =	simm.s32 $0x800  }
0x6f: {  	[tilespmem:v0+s15+$0x0 ss:$0x1] =	vst.idx.msk $0xffff, v2  }
0x70: {  	v2 =	vld [tilespmem:s2+$0x10];
	[tilespmem:v0+s18+$0x160 ss:$0x1] =	vst.idx.msk $0xffff, v1  }
0x71: {  	v1 =	vld [tilespmem:s19+$0x70];
	_ =	sdelay $0x3  }
0x72: {  	[tilespmem:v0+s15+$0x10 ss:$0x1] =	vst.idx.msk $0xffff, v2  }
0x73: {  	s21 =	spop (v2sf);
	v2 =	vld [tilespmem:s2+$0x20];
	[tilespmem:v0+s18+$0x170 ss:$0x1] =	vst.idx.msk $0xffff, v1  }
0x74: {  	v1 =	vld [tilespmem:s21+$0x0];
	_ =	sdelay $0x3  }
0x75: {  	[tilespmem:v0+s15+$0x20 ss:$0x1] =	vst.idx.msk $0xffff, v2  }
0x76: {  	v2 =	vld [tilespmem:s2+$0x30];
	[tilespmem:v0+s18+$0x180 ss:$0x1] =	vst.idx.msk $0xffff, v1  }
0x77: {  	v1 =	vld [tilespmem:s21+$0x10];
	_ =	sdelay $0x3  }
0x78: {  	[tilespmem:v0+s15+$0x30 ss:$0x1] =	vst.idx.msk $0xffff, v2  }
0x79: {  	v2 =	vld [tilespmem:s2+$0x40];
	[tilespmem:v0+s18+$0x190 ss:$0x1] =	vst.idx.msk $0xffff, v1  }
0x7a: {  	v1 =	vld [tilespmem:s21+$0x20];
	_ =	sdelay $0x3  }
0x7b: {  	[tilespmem:v0+s15+$0x40 ss:$0x1] =	vst.idx.msk $0xffff, v2  }
0x7c: {  	v2 =	vld [tilespmem:s2+$0x50];
	[tilespmem:v0+s18+$0x1A0 ss:$0x1] =	vst.idx.msk $0xffff, v1  }
0x7d: {  	v1 =	vld [tilespmem:s21+$0x30]  }
0x7e: {  	(v2sf) =	vpush v3, $0x1;
	_ =	sdelay $0x2  }
0x7f: {  	[tilespmem:v0+s15+$0x50 ss:$0x1] =	vst.idx.msk $0xffff, v2  }
0x80: {  	v2 =	vld [tilespmem:s2+$0x60];
	[tilespmem:v0+s18+$0x1B0 ss:$0x1] =	vst.idx.msk $0xffff, v1  }
0x81: {  	v1 =	vld [tilespmem:s21+$0x40];
	_ =	sdelay $0x3  }
0x82: {  	[tilespmem:v0+s15+$0x60 ss:$0x1] =	vst.idx.msk $0xffff, v2  }
0x83: {  	v2 =	vld [tilespmem:s2+$0x70];
	[tilespmem:v0+s18+$0x1C0 ss:$0x1] =	vst.idx.msk $0xffff, v1  }
0x84: {  	v1 =	vld [tilespmem:s21+$0x50];
	_ =	sdelay $0x1  }
0x85: {  	(v2sf) =	vpush v5, $0x4;
	_ =	sdelay $0x1  }
0x86: {  	s22 =	spop (v2sf);
	[tilespmem:v0+s15+$0x70 ss:$0x1] =	vst.idx.msk $0xffff, v2  }
0x87: {  	v2 =	vld [tilespmem:s22+$0x0];
	[tilespmem:v0+s18+$0x1D0 ss:$0x1] =	vst.idx.msk $0xffff, v1  }
0x88: {  	v1 =	vld [tilespmem:s21+$0x60];
	_ =	sdelay $0x3  }
0x89: {  	[tilespmem:v0+s15+$0x80 ss:$0x1] =	vst.idx.msk $0xffff, v2  }
0x8a: {  	v2 =	vld [tilespmem:s22+$0x10];
	[tilespmem:v0+s18+$0x1E0 ss:$0x1] =	vst.idx.msk $0xffff, v1  }
0x8b: {  	v1 =	vld [tilespmem:s21+$0x70];
	_ =	sdelay $0x3  }
0x8c: {  	[tilespmem:v0+s15+$0x90 ss:$0x1] =	vst.idx.msk $0xffff, v2  }
0x8d: {  	s23 =	spop (v2sf);
	v2 =	vld [tilespmem:s22+$0x20];
	[tilespmem:v0+s18+$0x1F0 ss:$0x1] =	vst.idx.msk $0xffff, v1  }
0x8e: {  	v1 =	vld [tilespmem:s23+$0x0];
	_ =	sdelay $0x3  }
0x8f: {  	[tilespmem:v0+s15+$0xA0 ss:$0x1] =	vst.idx.msk $0xffff, v2  }
0x90: {  	v2 =	vld [tilespmem:s22+$0x30];
	[tilespmem:v0+s18+$0x200 ss:$0x1] =	vst.idx.msk $0xffff, v1  }
0x91: {  	v1 =	vld [tilespmem:s23+$0x10];
	_ =	sdelay $0x3  }
0x92: {  	[tilespmem:v0+s15+$0xB0 ss:$0x1] =	vst.idx.msk $0xffff, v2  }
0x93: {  	v2 =	vld [tilespmem:s22+$0x40];
	[tilespmem:v0+s18+$0x210 ss:$0x1] =	vst.idx.msk $0xffff, v1  }
0x94: {  	v1 =	vld [tilespmem:s23+$0x20];
	_ =	sdelay $0x3  }
0x95: {  	[tilespmem:v0+s15+$0xC0 ss:$0x1] =	vst.idx.msk $0xffff, v2  }
0x96: {  	v2 =	vld [tilespmem:s22+$0x50];
	[tilespmem:v0+s18+$0x220 ss:$0x1] =	vst.idx.msk $0xffff, v1  }
0x97: {  	v1 =	vld [tilespmem:s23+$0x30]  }
0x98: {  	(v2sf) =	vpush v3, $0x2;
	_ =	sdelay $0x2  }
0x99: {  	[tilespmem:v0+s15+$0xD0 ss:$0x1] =	vst.idx.msk $0xffff, v2  }
0x9a: {  	v2 =	vld [tilespmem:s22+$0x60];
	[tilespmem:v0+s18+$0x230 ss:$0x1] =	vst.idx.msk $0xffff, v1  }
0x9b: {  	v1 =	vld [tilespmem:s23+$0x40];
	_ =	sdelay $0x3  }
0x9c: {  	[tilespmem:v0+s15+$0xE0 ss:$0x1] =	vst.idx.msk $0xffff, v2  }
0x9d: {  	v2 =	vld [tilespmem:s22+$0x70];
	[tilespmem:v0+s18+$0x240 ss:$0x1] =	vst.idx.msk $0xffff, v1  }
0x9e: {  	v1 =	vld [tilespmem:s23+$0x50];
	_ =	sdelay $0x1  }
0x9f: {  	(v2sf) =	vpush v5, $0x5;
	_ =	sdelay $0x1  }
0xa0: {  	s24 =	spop (v2sf);
	[tilespmem:v0+s15+$0xF0 ss:$0x1] =	vst.idx.msk $0xffff, v2  }
0xa1: {  	v2 =	vld [tilespmem:s24+$0x0];
	[tilespmem:v0+s18+$0x250 ss:$0x1] =	vst.idx.msk $0xffff, v1  }
0xa2: {  	v1 =	vld [tilespmem:s23+$0x60];
	_ =	sdelay $0x3  }
0xa3: {  	[tilespmem:v0+s15+$0x100 ss:$0x1] =	vst.idx.msk $0xffff, v2  }
0xa4: {  	v2 =	vld [tilespmem:s24+$0x10];
	[tilespmem:v0+s18+$0x260 ss:$0x1] =	vst.idx.msk $0xffff, v1  }
0xa5: {  	v1 =	vld [tilespmem:s23+$0x70];
	_ =	sdelay $0x2  }
0xa6: {  	s0 =	sadd.s32 $0x10, s20  }
0xa7: {  	[tilespmem:v0+s15+$0x110 ss:$0x1] =	vst.idx.msk $0xffff, v2;
	v2 =	vld [tilespmem:s0+$0x0]  }
0xa8: {  	s25 =	spop (v2sf);
	[tilespmem:v0+s18+$0x270 ss:$0x1] =	vst.idx.msk $0xffff, v1;
	v1 =	vld [tilespmem:s24+$0x20]  }
0xa9: {  	v4 =	vld [tilespmem:s25+$0x0];
	_ =	sdelay $0x3  }
0xaa: {  	[tilespmem:v0+s15+$0x120 ss:$0x1] =	vst.idx.msk $0xffff, v1  }
0xab: {  	v1 =	vshll.u32 v2, $0x7;
	v2 =	vld [tilespmem:s24+$0x30];
	[tilespmem:v0+s18+$0x280 ss:$0x1] =	vst.idx.msk $0xffff, v4  }
0xac: {  	(v2sf) =	vpush v1, $0x0;
	v4 =	vld [tilespmem:s25+$0x10];
	_ =	sdelay $0x3  }
0xad: {  	[tilespmem:v0+s15+$0x130 ss:$0x1] =	vst.idx.msk $0xffff, v2  }
0xae: {  	v2 =	vld [tilespmem:s24+$0x40];
	[tilespmem:v0+s18+$0x290 ss:$0x1] =	vst.idx.msk $0xffff, v4  }
0xaf: {  	v4 =	vld [tilespmem:s25+$0x20];
	_ =	sdelay $0x3  }
0xb0: {  	[tilespmem:v0+s15+$0x140 ss:$0x1] =	vst.idx.msk $0xffff, v2  }
0xb1: {  	v2 =	vld [tilespmem:s24+$0x50];
	[tilespmem:v0+s18+$0x2A0 ss:$0x1] =	vst.idx.msk $0xffff, v4  }
0xb2: {  	v4 =	vld [tilespmem:s25+$0x30]  }
0xb3: {  	(v2sf) =	vpush v3, $0x3;
	_ =	sdelay $0x1  }
0xb4: {  	s17 =	spop (v2sf)  }
0xb5: {  	v6 =	vld [tilespmem:s17+$0x0];
	[tilespmem:v0+s15+$0x150 ss:$0x1] =	vst.idx.msk $0xffff, v2  }
0xb6: {  	v2 =	vld [tilespmem:s24+$0x60];
	[tilespmem:v0+s18+$0x2B0 ss:$0x1] =	vst.idx.msk $0xffff, v4  }
0xb7: {  	v4 =	vld [tilespmem:s25+$0x40];
	_ =	sdelay $0x1  }
0xb8: {  	s16 =	simm.s32 $0x1000  }
0xb9: {  	[tilespmem:v0+s16+$0x0 ss:$0x1] =	vst.idx.msk $0xffff, v6  }
0xba: {  	v6 =	vld [tilespmem:s17+$0x10];
	[tilespmem:v0+s15+$0x160 ss:$0x1] =	vst.idx.msk $0xffff, v2  }
0xbb: {  	v2 =	vld [tilespmem:s24+$0x70];
	[tilespmem:v0+s18+$0x2C0 ss:$0x1] =	vst.idx.msk $0xffff, v4  }
0xbc: {  	v4 =	vld [tilespmem:s25+$0x50];
	_ =	sdelay $0x1  }
0xbd: {  	(v2sf) =	vpush v5, $0x6  }
0xbe: {  	[tilespmem:v0+s16+$0x10 ss:$0x1] =	vst.idx.msk $0xffff, v6  }
0xbf: {  	s26 =	spop (v2sf);
	v6 =	vld [tilespmem:s17+$0x20];
	[tilespmem:v0+s15+$0x170 ss:$0x1] =	vst.idx.msk $0xffff, v2  }
0xc0: {  	v2 =	vld [tilespmem:s26+$0x0];
	[tilespmem:v0+s18+$0x2D0 ss:$0x1] =	vst.idx.msk $0xffff, v4  }
0xc1: {  	v4 =	vld [tilespmem:s25+$0x60];
	_ =	sdelay $0x2  }
0xc2: {  	[tilespmem:v0+s16+$0x20 ss:$0x1] =	vst.idx.msk $0xffff, v6  }
0xc3: {  	v6 =	vld [tilespmem:s17+$0x30];
	[tilespmem:v0+s15+$0x180 ss:$0x1] =	vst.idx.msk $0xffff, v2  }
0xc4: {  	v2 =	vld [tilespmem:s26+$0x10];
	[tilespmem:v0+s18+$0x2E0 ss:$0x1] =	vst.idx.msk $0xffff, v4  }
0xc5: {  	v4 =	vld [tilespmem:s25+$0x70];
	_ =	sdelay $0x2  }
0xc6: {  	[tilespmem:v0+s16+$0x30 ss:$0x1] =	vst.idx.msk $0xffff, v6  }
0xc7: {  	v6 =	vld [tilespmem:s17+$0x40];
	[tilespmem:v0+s15+$0x190 ss:$0x1] =	vst.idx.msk $0xffff, v2  }
0xc8: {  	s31 =	spop (v2sf);
	v2 =	vld [tilespmem:s26+$0x20];
	[tilespmem:v0+s18+$0x2F0 ss:$0x1] =	vst.idx.msk $0xffff, v4  }
0xc9: {  	v4 =	vld [tilespmem:s31+$0x0];
	_ =	sdelay $0x2  }
0xca: {  	[tilespmem:v0+s16+$0x40 ss:$0x1] =	vst.idx.msk $0xffff, v6  }
0xcb: {  	v6 =	vld [tilespmem:s17+$0x50];
	[tilespmem:v0+s15+$0x1A0 ss:$0x1] =	vst.idx.msk $0xffff, v2  }
0xcc: {  	v2 =	vld [tilespmem:s26+$0x30];
	[tilespmem:v0+s18+$0x300 ss:$0x1] =	vst.idx.msk $0xffff, v4  }
0xcd: {  	(v2sf) =	vpush v1, $0x1;
	v4 =	vld [tilespmem:s31+$0x10];
	_ =	sdelay $0x2  }
0xce: {  	[tilespmem:v0+s16+$0x50 ss:$0x1] =	vst.idx.msk $0xffff, v6  }
0xcf: {  	v6 =	vld [tilespmem:s17+$0x60];
	[tilespmem:v0+s15+$0x1B0 ss:$0x1] =	vst.idx.msk $0xffff, v2  }
0xd0: {  	v2 =	vld [tilespmem:s26+$0x40];
	[tilespmem:v0+s18+$0x310 ss:$0x1] =	vst.idx.msk $0xffff, v4  }
0xd1: {  	v4 =	vld [tilespmem:s31+$0x20];
	_ =	sdelay $0x2  }
0xd2: {  	[tilespmem:v0+s16+$0x60 ss:$0x1] =	vst.idx.msk $0xffff, v6  }
0xd3: {  	v6 =	vld [tilespmem:s17+$0x70];
	[tilespmem:v0+s15+$0x1C0 ss:$0x1] =	vst.idx.msk $0xffff, v2  }
0xd4: {  	v2 =	vld [tilespmem:s26+$0x50];
	[tilespmem:v0+s18+$0x320 ss:$0x1] =	vst.idx.msk $0xffff, v4  }
0xd5: {  	v4 =	vld [tilespmem:s31+$0x30]  }
0xd6: {  	(v2sf) =	vpush v3, $0x4;
	_ =	sdelay $0x1  }
0xd7: {  	s6 =	spop (v2sf);
	[tilespmem:v0+s16+$0x70 ss:$0x1] =	vst.idx.msk $0xffff, v6  }
0xd8: {  	v6 =	vld [tilespmem:s6+$0x0];
	[tilespmem:v0+s15+$0x1D0 ss:$0x1] =	vst.idx.msk $0xffff, v2  }
0xd9: {  	v2 =	vld [tilespmem:s26+$0x60];
	[tilespmem:v0+s18+$0x330 ss:$0x1] =	vst.idx.msk $0xffff, v4  }
0xda: {  	v4 =	vld [tilespmem:s31+$0x40];
	_ =	sdelay $0x2  }
0xdb: {  	[tilespmem:v0+s16+$0x80 ss:$0x1] =	vst.idx.msk $0xffff, v6  }
0xdc: {  	v6 =	vld [tilespmem:s6+$0x10];
	[tilespmem:v0+s15+$0x1E0 ss:$0x1] =	vst.idx.msk $0xffff, v2  }
0xdd: {  	v2 =	vld [tilespmem:s26+$0x70];
	[tilespmem:v0+s18+$0x340 ss:$0x1] =	vst.idx.msk $0xffff, v4  }
0xde: {  	v4 =	vld [tilespmem:s31+$0x50];
	_ =	sdelay $0x1  }
0xdf: {  	(v2sf) =	vpush v5, $0x7  }
0xe0: {  	[tilespmem:v0+s16+$0x90 ss:$0x1] =	vst.idx.msk $0xffff, v6  }
0xe1: {  	s19 =	spop (v2sf);
	v6 =	vld [tilespmem:s6+$0x20];
	[tilespmem:v0+s15+$0x1F0 ss:$0x1] =	vst.idx.msk $0xffff, v2  }
0xe2: {  	v2 =	vld [tilespmem:s19+$0x0];
	[tilespmem:v0+s18+$0x350 ss:$0x1] =	vst.idx.msk $0xffff, v4  }
0xe3: {  	v4 =	vld [tilespmem:s31+$0x60];
	_ =	sdelay $0x2  }
0xe4: {  	[tilespmem:v0+s16+$0xA0 ss:$0x1] =	vst.idx.msk $0xffff, v6  }
0xe5: {  	v6 =	vld [tilespmem:s6+$0x30];
	[tilespmem:v0+s15+$0x200 ss:$0x1] =	vst.idx.msk $0xffff, v2  }
0xe6: {  	v2 =	vld [tilespmem:s19+$0x10];
	[tilespmem:v0+s18+$0x360 ss:$0x1] =	vst.idx.msk $0xffff, v4  }
0xe7: {  	v4 =	vld [tilespmem:s31+$0x70];
	_ =	sdelay $0x2  }
0xe8: {  	[tilespmem:v0+s16+$0xB0 ss:$0x1] =	vst.idx.msk $0xffff, v6  }
0xe9: {  	v6 =	vld [tilespmem:s6+$0x40];
	[tilespmem:v0+s15+$0x210 ss:$0x1] =	vst.idx.msk $0xffff, v2  }
0xea: {  	s21 =	spop (v2sf);
	v2 =	vld [tilespmem:s19+$0x20];
	[tilespmem:v0+s18+$0x370 ss:$0x1] =	vst.idx.msk $0xffff, v4  }
0xeb: {  	v4 =	vld [tilespmem:s21+$0x0];
	_ =	sdelay $0x2  }
0xec: {  	[tilespmem:v0+s16+$0xC0 ss:$0x1] =	vst.idx.msk $0xffff, v6  }
0xed: {  	v6 =	vld [tilespmem:s6+$0x50];
	[tilespmem:v0+s15+$0x220 ss:$0x1] =	vst.idx.msk $0xffff, v2  }
0xee: {  	v2 =	vld [tilespmem:s19+$0x30];
	[tilespmem:v0+s18+$0x380 ss:$0x1] =	vst.idx.msk $0xffff, v4  }
0xef: {  	(v2sf) =	vpush v1, $0x2;
	v4 =	vld [tilespmem:s21+$0x10];
	_ =	sdelay $0x2  }
0xf0: {  	[tilespmem:v0+s16+$0xD0 ss:$0x1] =	vst.idx.msk $0xffff, v6  }
0xf1: {  	v6 =	vld [tilespmem:s6+$0x60];
	[tilespmem:v0+s15+$0x230 ss:$0x1] =	vst.idx.msk $0xffff, v2  }
0xf2: {  	v2 =	vld [tilespmem:s19+$0x40];
	[tilespmem:v0+s18+$0x390 ss:$0x1] =	vst.idx.msk $0xffff, v4  }
0xf3: {  	v4 =	vld [tilespmem:s21+$0x20];
	_ =	sdelay $0x2  }
0xf4: {  	[tilespmem:v0+s16+$0xE0 ss:$0x1] =	vst.idx.msk $0xffff, v6  }
0xf5: {  	v6 =	vld [tilespmem:s6+$0x70];
	[tilespmem:v0+s15+$0x240 ss:$0x1] =	vst.idx.msk $0xffff, v2  }
0xf6: {  	v2 =	vld [tilespmem:s19+$0x50];
	[tilespmem:v0+s18+$0x3A0 ss:$0x1] =	vst.idx.msk $0xffff, v4  }
0xf7: {  	v4 =	vld [tilespmem:s21+$0x30]  }
0xf8: {  	(v2sf) =	vpush v3, $0x5;
	_ =	sdelay $0x1  }
0xf9: {  	s20 =	spop (v2sf);
	[tilespmem:v0+s16+$0xF0 ss:$0x1] =	vst.idx.msk $0xffff, v6  }
0xfa: {  	v6 =	vld [tilespmem:s20+$0x0];
	[tilespmem:v0+s15+$0x250 ss:$0x1] =	vst.idx.msk $0xffff, v2  }
0xfb: {  	v2 =	vld [tilespmem:s19+$0x60];
	[tilespmem:v0+s18+$0x3B0 ss:$0x1] =	vst.idx.msk $0xffff, v4  }
0xfc: {  	v4 =	vld [tilespmem:s21+$0x40];
	_ =	sdelay $0x2  }
0xfd: {  	[tilespmem:v0+s16+$0x100 ss:$0x1] =	vst.idx.msk $0xffff, v6  }
0xfe: {  	v6 =	vld [tilespmem:s20+$0x10];
	[tilespmem:v0+s15+$0x260 ss:$0x1] =	vst.idx.msk $0xffff, v2  }
0xff: {  	v2 =	vld [tilespmem:s19+$0x70];
	[tilespmem:v0+s18+$0x3C0 ss:$0x1] =	vst.idx.msk $0xffff, v4  }
0x100: {  	v4 =	vld [tilespmem:s21+$0x50];
	_ =	sdelay $0x1  }
0x101: {  	(v2sf) =	vpush v5, $0x8;
	s19 =	sadd.s32 $0x10, s0  }
0x102: {  	[tilespmem:v0+s16+$0x110 ss:$0x1] =	vst.idx.msk $0xffff, v6;
	v6 =	vld [tilespmem:s19+$0x0]  }
0x103: {  	s22 =	spop (v2sf);
	[tilespmem:v0+s15+$0x270 ss:$0x1] =	vst.idx.msk $0xffff, v2;
	v2 =	vld [tilespmem:s20+$0x20]  }
0x104: {  	[tilespmem:v0+s18+$0x3D0 ss:$0x1] =	vst.idx.msk $0xffff, v4;
	v4 =	vld [tilespmem:s22+$0x0]  }
0x105: {  	v7 =	vld [tilespmem:s21+$0x60];
	_ =	sdelay $0x2  }
0x106: {  	[tilespmem:v0+s16+$0x120 ss:$0x1] =	vst.idx.msk $0xffff, v2  }
0x107: {  	v2 =	vshll.u32 v6, $0x7;
	v6 =	vld [tilespmem:s20+$0x30];
	[tilespmem:v0+s15+$0x280 ss:$0x1] =	vst.idx.msk $0xffff, v4  }
0x108: {  	(v2sf) =	vpush v2, $0x0;
	v4 =	vld [tilespmem:s22+$0x10];
	[tilespmem:v0+s18+$0x3E0 ss:$0x1] =	vst.idx.msk $0xffff, v7  }
0x109: {  	v7 =	vld [tilespmem:s21+$0x70];
	_ =	sdelay $0x2  }
0x10a: {  	[tilespmem:v0+s16+$0x130 ss:$0x1] =	vst.idx.msk $0xffff, v6  }
0x10b: {  	v6 =	vld [tilespmem:s20+$0x40];
	[tilespmem:v0+s15+$0x290 ss:$0x1] =	vst.idx.msk $0xffff, v4  }
0x10c: {  	s21 =	spop (v2sf);
	v4 =	vld [tilespmem:s22+$0x20];
	[tilespmem:v0+s18+$0x3F0 ss:$0x1] =	vst.idx.msk $0xffff, v7  }
0x10d: {  	v7 =	vld [tilespmem:s21+$0x0];
	_ =	sdelay $0x2  }
0x10e: {  	[tilespmem:v0+s16+$0x140 ss:$0x1] =	vst.idx.msk $0xffff, v6  }
0x10f: {  	v6 =	vld [tilespmem:s20+$0x50];
	[tilespmem:v0+s15+$0x2A0 ss:$0x1] =	vst.idx.msk $0xffff, v4  }
0x110: {  	v4 =	vld [tilespmem:s22+$0x30];
	[tilespmem:v0+s18+$0x400 ss:$0x1] =	vst.idx.msk $0xffff, v7  }
0x111: {  	(v2sf) =	vpush v1, $0x3;
	v7 =	vld [tilespmem:s21+$0x10];
	_ =	sdelay $0x1  }
0x112: {  	s23 =	spop (v2sf)  }
0x113: {  	v8 =	vld [tilespmem:s23+$0x0];
	[tilespmem:v0+s16+$0x150 ss:$0x1] =	vst.idx.msk $0xffff, v6  }
0x114: {  	v6 =	vld [tilespmem:s20+$0x60];
	[tilespmem:v0+s15+$0x2B0 ss:$0x1] =	vst.idx.msk $0xffff, v4  }
0x115: {  	v4 =	vld [tilespmem:s22+$0x40];
	[tilespmem:v0+s18+$0x410 ss:$0x1] =	vst.idx.msk $0xffff, v7  }
0x116: {  	v7 =	vld [tilespmem:s21+$0x20]  }
0x117: {  	s17 =	simm.s32 $0x1800  }
0x118: {  	[tilespmem:v0+s17+$0x0 ss:$0x1] =	vst.idx.msk $0xffff, v8  }
0x119: {  	v8 =	vld [tilespmem:s23+$0x10];
	[tilespmem:v0+s16+$0x160 ss:$0x1] =	vst.idx.msk $0xffff, v6  }
0x11a: {  	v6 =	vld [tilespmem:s20+$0x70];
	[tilespmem:v0+s15+$0x2C0 ss:$0x1] =	vst.idx.msk $0xffff, v4  }
0x11b: {  	v4 =	vld [tilespmem:s22+$0x50];
	[tilespmem:v0+s18+$0x420 ss:$0x1] =	vst.idx.msk $0xffff, v7  }
0x11c: {  	v7 =	vld [tilespmem:s21+$0x30]  }
0x11d: {  	(v2sf) =	vpush v3, $0x6  }
0x11e: {  	[tilespmem:v0+s17+$0x10 ss:$0x1] =	vst.idx.msk $0xffff, v8  }
0x11f: {  	s24 =	spop (v2sf);
	v8 =	vld [tilespmem:s23+$0x20];
	[tilespmem:v0+s16+$0x170 ss:$0x1] =	vst.idx.msk $0xffff, v6  }
0x120: {  	v6 =	vld [tilespmem:s24+$0x0];
	[tilespmem:v0+s15+$0x2D0 ss:$0x1] =	vst.idx.msk $0xffff, v4  }
0x121: {  	v4 =	vld [tilespmem:s22+$0x60];
	[tilespmem:v0+s18+$0x430 ss:$0x1] =	vst.idx.msk $0xffff, v7  }
0x122: {  	v7 =	vld [tilespmem:s21+$0x40];
	_ =	sdelay $0x1  }
0x123: {  	[tilespmem:v0+s17+$0x20 ss:$0x1] =	vst.idx.msk $0xffff, v8  }
0x124: {  	v8 =	vld [tilespmem:s23+$0x30];
	[tilespmem:v0+s16+$0x180 ss:$0x1] =	vst.idx.msk $0xffff, v6  }
0x125: {  	v6 =	vld [tilespmem:s24+$0x10];
	[tilespmem:v0+s15+$0x2E0 ss:$0x1] =	vst.idx.msk $0xffff, v4  }
0x126: {  	v4 =	vld [tilespmem:s22+$0x70];
	[tilespmem:v0+s18+$0x440 ss:$0x1] =	vst.idx.msk $0xffff, v7  }
0x127: {  	v7 =	vld [tilespmem:s21+$0x50];
	_ =	sdelay $0x1  }
0x128: {  	(v2sf) =	vpush v5, $0x9;
	[tilespmem:v0+s17+$0x30 ss:$0x1] =	vst.idx.msk $0xffff, v8  }
0x129: {  	v8 =	vld [tilespmem:s23+$0x40];
	[tilespmem:v0+s16+$0x190 ss:$0x1] =	vst.idx.msk $0xffff, v6  }
0x12a: {  	s25 =	spop (v2sf);
	v6 =	vld [tilespmem:s24+$0x20];
	[tilespmem:v0+s15+$0x2F0 ss:$0x1] =	vst.idx.msk $0xffff, v4  }
0x12b: {  	v4 =	vld [tilespmem:s25+$0x0];
	[tilespmem:v0+s18+$0x450 ss:$0x1] =	vst.idx.msk $0xffff, v7  }
0x12c: {  	v7 =	vld [tilespmem:s21+$0x60];
	_ =	sdelay $0x1  }
0x12d: {  	[tilespmem:v0+s17+$0x40 ss:$0x1] =	vst.idx.msk $0xffff, v8  }
0x12e: {  	v8 =	vld [tilespmem:s23+$0x50];
	[tilespmem:v0+s16+$0x1A0 ss:$0x1] =	vst.idx.msk $0xffff, v6  }
0x12f: {  	v6 =	vld [tilespmem:s24+$0x30];
	[tilespmem:v0+s15+$0x300 ss:$0x1] =	vst.idx.msk $0xffff, v4  }
0x130: {  	(v2sf) =	vpush v2, $0x1;
	v4 =	vld [tilespmem:s25+$0x10];
	[tilespmem:v0+s18+$0x460 ss:$0x1] =	vst.idx.msk $0xffff, v7  }
0x131: {  	v7 =	vld [tilespmem:s21+$0x70];
	_ =	sdelay $0x1  }
0x132: {  	[tilespmem:v0+s17+$0x50 ss:$0x1] =	vst.idx.msk $0xffff, v8  }
0x133: {  	v8 =	vld [tilespmem:s23+$0x60];
	[tilespmem:v0+s16+$0x1B0 ss:$0x1] =	vst.idx.msk $0xffff, v6  }
0x134: {  	v6 =	vld [tilespmem:s24+$0x40];
	[tilespmem:v0+s15+$0x310 ss:$0x1] =	vst.idx.msk $0xffff, v4  }
0x135: {  	s26 =	spop (v2sf);
	v4 =	vld [tilespmem:s25+$0x20];
	[tilespmem:v0+s18+$0x470 ss:$0x1] =	vst.idx.msk $0xffff, v7  }
0x136: {  	v7 =	vld [tilespmem:s26+$0x0];
	_ =	sdelay $0x1  }
0x137: {  	[tilespmem:v0+s17+$0x60 ss:$0x1] =	vst.idx.msk $0xffff, v8  }
0x138: {  	v8 =	vld [tilespmem:s23+$0x70];
	[tilespmem:v0+s16+$0x1C0 ss:$0x1] =	vst.idx.msk $0xffff, v6  }
0x139: {  	v6 =	vld [tilespmem:s24+$0x50];
	[tilespmem:v0+s15+$0x320 ss:$0x1] =	vst.idx.msk $0xffff, v4  }
0x13a: {  	v4 =	vld [tilespmem:s25+$0x30];
	[tilespmem:v0+s18+$0x480 ss:$0x1] =	vst.idx.msk $0xffff, v7  }
0x13b: {  	(v2sf) =	vpush v1, $0x4;
	v7 =	vld [tilespmem:s26+$0x10];
	_ =	sdelay $0x1  }
0x13c: {  	s31 =	spop (v2sf);
	[tilespmem:v0+s17+$0x70 ss:$0x1] =	vst.idx.msk $0xffff, v8  }
0x13d: {  	v8 =	vld [tilespmem:s31+$0x0];
	[tilespmem:v0+s16+$0x1D0 ss:$0x1] =	vst.idx.msk $0xffff, v6  }
0x13e: {  	v6 =	vld [tilespmem:s24+$0x60];
	[tilespmem:v0+s15+$0x330 ss:$0x1] =	vst.idx.msk $0xffff, v4  }
0x13f: {  	v4 =	vld [tilespmem:s25+$0x40];
	[tilespmem:v0+s18+$0x490 ss:$0x1] =	vst.idx.msk $0xffff, v7  }
0x140: {  	v7 =	vld [tilespmem:s26+$0x20];
	_ =	sdelay $0x1  }
0x141: {  	[tilespmem:v0+s17+$0x80 ss:$0x1] =	vst.idx.msk $0xffff, v8  }
0x142: {  	v8 =	vld [tilespmem:s31+$0x10];
	[tilespmem:v0+s16+$0x1E0 ss:$0x1] =	vst.idx.msk $0xffff, v6  }
0x143: {  	v6 =	vld [tilespmem:s24+$0x70];
	[tilespmem:v0+s15+$0x340 ss:$0x1] =	vst.idx.msk $0xffff, v4  }
0x144: {  	v4 =	vld [tilespmem:s25+$0x50];
	[tilespmem:v0+s18+$0x4A0 ss:$0x1] =	vst.idx.msk $0xffff, v7  }
0x145: {  	v7 =	vld [tilespmem:s26+$0x30]  }
0x146: {  	(v2sf) =	vpush v3, $0x7  }
0x147: {  	[tilespmem:v0+s17+$0x90 ss:$0x1] =	vst.idx.msk $0xffff, v8  }
0x148: {  	s22 =	spop (v2sf);
	v8 =	vld [tilespmem:s31+$0x20];
	[tilespmem:v0+s16+$0x1F0 ss:$0x1] =	vst.idx.msk $0xffff, v6  }
0x149: {  	v6 =	vld [tilespmem:s22+$0x0];
	[tilespmem:v0+s15+$0x350 ss:$0x1] =	vst.idx.msk $0xffff, v4  }
0x14a: {  	v4 =	vld [tilespmem:s25+$0x60];
	[tilespmem:v0+s18+$0x4B0 ss:$0x1] =	vst.idx.msk $0xffff, v7  }
0x14b: {  	v7 =	vld [tilespmem:s26+$0x40];
	_ =	sdelay $0x1  }
0x14c: {  	[tilespmem:v0+s17+$0xA0 ss:$0x1] =	vst.idx.msk $0xffff, v8  }
0x14d: {  	v8 =	vld [tilespmem:s31+$0x30];
	[tilespmem:v0+s16+$0x200 ss:$0x1] =	vst.idx.msk $0xffff, v6  }
0x14e: {  	v6 =	vld [tilespmem:s22+$0x10];
	[tilespmem:v0+s15+$0x360 ss:$0x1] =	vst.idx.msk $0xffff, v4  }
0x14f: {  	v4 =	vld [tilespmem:s25+$0x70];
	[tilespmem:v0+s18+$0x4C0 ss:$0x1] =	vst.idx.msk $0xffff, v7  }
0x150: {  	v7 =	vld [tilespmem:s26+$0x50];
	_ =	sdelay $0x1  }
0x151: {  	(v2sf) =	vpush v5, $0xA;
	[tilespmem:v0+s17+$0xB0 ss:$0x1] =	vst.idx.msk $0xffff, v8  }
0x152: {  	v8 =	vld [tilespmem:s31+$0x40];
	[tilespmem:v0+s16+$0x210 ss:$0x1] =	vst.idx.msk $0xffff, v6  }
0x153: {  	s0 =	spop (v2sf);
	v6 =	vld [tilespmem:s22+$0x20];
	[tilespmem:v0+s15+$0x370 ss:$0x1] =	vst.idx.msk $0xffff, v4  }
0x154: {  	v4 =	vld [tilespmem:s0+$0x0];
	[tilespmem:v0+s18+$0x4D0 ss:$0x1] =	vst.idx.msk $0xffff, v7  }
0x155: {  	v7 =	vld [tilespmem:s26+$0x60];
	_ =	sdelay $0x1  }
0x156: {  	[tilespmem:v0+s17+$0xC0 ss:$0x1] =	vst.idx.msk $0xffff, v8  }
0x157: {  	v8 =	vld [tilespmem:s31+$0x50];
	[tilespmem:v0+s16+$0x220 ss:$0x1] =	vst.idx.msk $0xffff, v6  }
0x158: {  	v6 =	vld [tilespmem:s22+$0x30];
	[tilespmem:v0+s15+$0x380 ss:$0x1] =	vst.idx.msk $0xffff, v4  }
0x159: {  	(v2sf) =	vpush v2, $0x2;
	v4 =	vld [tilespmem:s0+$0x10];
	[tilespmem:v0+s18+$0x4E0 ss:$0x1] =	vst.idx.msk $0xffff, v7  }
0x15a: {  	v7 =	vld [tilespmem:s26+$0x70];
	_ =	sdelay $0x1  }
0x15b: {  	[tilespmem:v0+s17+$0xD0 ss:$0x1] =	vst.idx.msk $0xffff, v8  }
0x15c: {  	v8 =	vld [tilespmem:s31+$0x60];
	[tilespmem:v0+s16+$0x230 ss:$0x1] =	vst.idx.msk $0xffff, v6  }
0x15d: {  	v6 =	vld [tilespmem:s22+$0x40];
	[tilespmem:v0+s15+$0x390 ss:$0x1] =	vst.idx.msk $0xffff, v4  }
0x15e: {  	s6 =	spop (v2sf);
	v4 =	vld [tilespmem:s0+$0x20];
	[tilespmem:v0+s18+$0x4F0 ss:$0x1] =	vst.idx.msk $0xffff, v7  }
0x15f: {  	v7 =	vld [tilespmem:s6+$0x0];
	_ =	sdelay $0x1  }
0x160: {  	[tilespmem:v0+s17+$0xE0 ss:$0x1] =	vst.idx.msk $0xffff, v8  }
0x161: {  	v8 =	vld [tilespmem:s31+$0x70];
	[tilespmem:v0+s16+$0x240 ss:$0x1] =	vst.idx.msk $0xffff, v6  }
0x162: {  	v6 =	vld [tilespmem:s22+$0x50];
	[tilespmem:v0+s15+$0x3A0 ss:$0x1] =	vst.idx.msk $0xffff, v4  }
0x163: {  	v4 =	vld [tilespmem:s0+$0x30];
	[tilespmem:v0+s18+$0x500 ss:$0x1] =	vst.idx.msk $0xffff, v7  }
0x164: {  	(v2sf) =	vpush v1, $0x5;
	v7 =	vld [tilespmem:s6+$0x10];
	_ =	sdelay $0x1  }
0x165: {  	s21 =	spop (v2sf);
	[tilespmem:v0+s17+$0xF0 ss:$0x1] =	vst.idx.msk $0xffff, v8  }
0x166: {  	v8 =	vld [tilespmem:s21+$0x0];
	[tilespmem:v0+s16+$0x250 ss:$0x1] =	vst.idx.msk $0xffff, v6  }
0x167: {  	v6 =	vld [tilespmem:s22+$0x60];
	[tilespmem:v0+s15+$0x3B0 ss:$0x1] =	vst.idx.msk $0xffff, v4  }
0x168: {  	v4 =	vld [tilespmem:s0+$0x40];
	[tilespmem:v0+s18+$0x510 ss:$0x1] =	vst.idx.msk $0xffff, v7  }
0x169: {  	v7 =	vld [tilespmem:s6+$0x20];
	_ =	sdelay $0x1  }
0x16a: {  	[tilespmem:v0+s17+$0x100 ss:$0x1] =	vst.idx.msk $0xffff, v8  }
0x16b: {  	v8 =	vld [tilespmem:s21+$0x10];
	[tilespmem:v0+s16+$0x260 ss:$0x1] =	vst.idx.msk $0xffff, v6  }
0x16c: {  	v6 =	vld [tilespmem:s22+$0x70];
	[tilespmem:v0+s15+$0x3C0 ss:$0x1] =	vst.idx.msk $0xffff, v4  }
0x16d: {  	v4 =	vld [tilespmem:s0+$0x50];
	[tilespmem:v0+s18+$0x520 ss:$0x1] =	vst.idx.msk $0xffff, v7  }
0x16e: {  	v7 =	vld [tilespmem:s6+$0x30]  }
0x16f: {  	s20 =	sadd.s32 $0x10, s19;
	(v2sf) =	vpush v3, $0x8  }
0x170: {  	[tilespmem:v0+s17+$0x110 ss:$0x1] =	vst.idx.msk $0xffff, v8;
	v8 =	vld [tilespmem:s20+$0x0]  }
0x171: {  	s22 =	spop (v2sf);
	[tilespmem:v0+s16+$0x270 ss:$0x1] =	vst.idx.msk $0xffff, v6;
	v6 =	vld [tilespmem:s21+$0x20]  }
0x172: {  	[tilespmem:v0+s15+$0x3D0 ss:$0x1] =	vst.idx.msk $0xffff, v4;
	v9 =	vld [tilespmem:s22+$0x0]  }
0x173: {  	[tilespmem:v0+s18+$0x530 ss:$0x1] =	vst.idx.msk $0xffff, v7;
	v7 =	vld [tilespmem:s0+$0x60]  }
0x174: {  	v10 =	vld [tilespmem:s6+$0x40];
	_ =	sdelay $0x1  }
0x175: {  	[tilespmem:v0+s17+$0x120 ss:$0x1] =	vst.idx.msk $0xffff, v6  }
0x176: {  	v4 =	vshll.u32 v8, $0x7;
	v6 =	vld [tilespmem:s21+$0x30];
	[tilespmem:v0+s16+$0x280 ss:$0x1] =	vst.idx.msk $0xffff, v9  }
0x177: {  	(v2sf) =	vpush v4, $0x0;
	v8 =	vld [tilespmem:s22+$0x10];
	[tilespmem:v0+s15+$0x3E0 ss:$0x1] =	vst.idx.msk $0xffff, v7  }
0x178: {  	v7 =	vld [tilespmem:s0+$0x70];
	[tilespmem:v0+s18+$0x540 ss:$0x1] =	vst.idx.msk $0xffff, v10  }
0x179: {  	v9 =	vld [tilespmem:s6+$0x50];
	_ =	sdelay $0x1  }
0x17a: {  	(v2sf) =	vpush v5, $0xB;
	[tilespmem:v0+s17+$0x130 ss:$0x1] =	vst.idx.msk $0xffff, v6  }
0x17b: {  	v6 =	vld [tilespmem:s21+$0x40];
	[tilespmem:v0+s16+$0x290 ss:$0x1] =	vst.idx.msk $0xffff, v8  }
0x17c: {  	s23 =	spop (v2sf);
	v8 =	vld [tilespmem:s22+$0x20];
	[tilespmem:v0+s15+$0x3F0 ss:$0x1] =	vst.idx.msk $0xffff, v7  }
0x17d: {  	v7 =	vld [tilespmem:s23+$0x0];
	[tilespmem:v0+s18+$0x550 ss:$0x1] =	vst.idx.msk $0xffff, v9  }
0x17e: {  	v9 =	vld [tilespmem:s6+$0x60];
	_ =	sdelay $0x1  }
0x17f: {  	[tilespmem:v0+s17+$0x140 ss:$0x1] =	vst.idx.msk $0xffff, v6  }
0x180: {  	v6 =	vld [tilespmem:s21+$0x50];
	[tilespmem:v0+s16+$0x2A0 ss:$0x1] =	vst.idx.msk $0xffff, v8  }
0x181: {  	v8 =	vld [tilespmem:s22+$0x30];
	[tilespmem:v0+s15+$0x400 ss:$0x1] =	vst.idx.msk $0xffff, v7  }
0x182: {  	(v2sf) =	vpush v2, $0x3;
	v7 =	vld [tilespmem:s23+$0x10];
	[tilespmem:v0+s18+$0x560 ss:$0x1] =	vst.idx.msk $0xffff, v9  }
0x183: {  	v9 =	vld [tilespmem:s6+$0x70]  }
0x184: {  	s24 =	spop (v2sf)  }
0x185: {  	v10 =	vld [tilespmem:s24+$0x0];
	[tilespmem:v0+s17+$0x150 ss:$0x1] =	vst.idx.msk $0xffff, v6  }
0x186: {  	v6 =	vld [tilespmem:s21+$0x60];
	[tilespmem:v0+s16+$0x2B0 ss:$0x1] =	vst.idx.msk $0xffff, v8  }
0x187: {  	v8 =	vld [tilespmem:s22+$0x40];
	[tilespmem:v0+s15+$0x410 ss:$0x1] =	vst.idx.msk $0xffff, v7  }
0x188: {  	s25 =	spop (v2sf);
	v7 =	vld [tilespmem:s23+$0x20];
	[tilespmem:v0+s18+$0x570 ss:$0x1] =	vst.idx.msk $0xffff, v9  }
0x189: {  	s19 =	simm.s32 $0x2000;
	v9 =	vld [tilespmem:s25+$0x0]  }
0x18a: {  	[tilespmem:v0+s19+$0x0 ss:$0x1] =	vst.idx.msk $0xffff, v10  }
0x18b: {  	v10 =	vld [tilespmem:s24+$0x10];
	[tilespmem:v0+s17+$0x160 ss:$0x1] =	vst.idx.msk $0xffff, v6  }
0x18c: {  	v6 =	vld [tilespmem:s21+$0x70];
	[tilespmem:v0+s16+$0x2C0 ss:$0x1] =	vst.idx.msk $0xffff, v8  }
0x18d: {  	v8 =	vld [tilespmem:s22+$0x50];
	[tilespmem:v0+s15+$0x420 ss:$0x1] =	vst.idx.msk $0xffff, v7  }
0x18e: {  	v7 =	vld [tilespmem:s23+$0x30];
	[tilespmem:v0+s18+$0x580 ss:$0x1] =	vst.idx.msk $0xffff, v9  }
0x18f: {  	(v2sf) =	vpush v1, $0x6;
	v9 =	vld [tilespmem:s25+$0x10]  }
0x190: {  	[tilespmem:v0+s19+$0x10 ss:$0x1] =	vst.idx.msk $0xffff, v10  }
0x191: {  	s26 =	spop (v2sf);
	v10 =	vld [tilespmem:s24+$0x20];
	[tilespmem:v0+s17+$0x170 ss:$0x1] =	vst.idx.msk $0xffff, v6  }
0x192: {  	v6 =	vld [tilespmem:s26+$0x0];
	[tilespmem:v0+s16+$0x2D0 ss:$0x1] =	vst.idx.msk $0xffff, v8  }
0x193: {  	v8 =	vld [tilespmem:s22+$0x60];
	[tilespmem:v0+s15+$0x430 ss:$0x1] =	vst.idx.msk $0xffff, v7  }
0x194: {  	v7 =	vld [tilespmem:s23+$0x40];
	[tilespmem:v0+s18+$0x590 ss:$0x1] =	vst.idx.msk $0xffff, v9  }
0x195: {  	v9 =	vld [tilespmem:s25+$0x20]  }
0x196: {  	[tilespmem:v0+s19+$0x20 ss:$0x1] =	vst.idx.msk $0xffff, v10  }
0x197: {  	v10 =	vld [tilespmem:s24+$0x30];
	[tilespmem:v0+s17+$0x180 ss:$0x1] =	vst.idx.msk $0xffff, v6  }
0x198: {  	v6 =	vld [tilespmem:s26+$0x10];
	[tilespmem:v0+s16+$0x2E0 ss:$0x1] =	vst.idx.msk $0xffff, v8  }
0x199: {  	v8 =	vld [tilespmem:s22+$0x70];
	[tilespmem:v0+s15+$0x440 ss:$0x1] =	vst.idx.msk $0xffff, v7  }
0x19a: {  	v7 =	vld [tilespmem:s23+$0x50];
	[tilespmem:v0+s18+$0x5A0 ss:$0x1] =	vst.idx.msk $0xffff, v9  }
0x19b: {  	v9 =	vld [tilespmem:s25+$0x30]  }
0x19c: {  	(v2sf) =	vpush v3, $0x9;
	[tilespmem:v0+s19+$0x30 ss:$0x1] =	vst.idx.msk $0xffff, v10  }
0x19d: {  	v10 =	vld [tilespmem:s24+$0x40];
	[tilespmem:v0+s17+$0x190 ss:$0x1] =	vst.idx.msk $0xffff, v6  }
0x19e: {  	s31 =	spop (v2sf);
	v6 =	vld [tilespmem:s26+$0x20];
	[tilespmem:v0+s16+$0x2F0 ss:$0x1] =	vst.idx.msk $0xffff, v8  }
0x19f: {  	v8 =	vld [tilespmem:s31+$0x0];
	[tilespmem:v0+s15+$0x450 ss:$0x1] =	vst.idx.msk $0xffff, v7  }
0x1a0: {  	v7 =	vld [tilespmem:s23+$0x60];
	[tilespmem:v0+s18+$0x5B0 ss:$0x1] =	vst.idx.msk $0xffff, v9  }
0x1a1: {  	v9 =	vld [tilespmem:s25+$0x40]  }
0x1a2: {  	[tilespmem:v0+s19+$0x40 ss:$0x1] =	vst.idx.msk $0xffff, v10  }
0x1a3: {  	v10 =	vld [tilespmem:s24+$0x50];
	[tilespmem:v0+s17+$0x1A0 ss:$0x1] =	vst.idx.msk $0xffff, v6  }
0x1a4: {  	v6 =	vld [tilespmem:s26+$0x30];
	[tilespmem:v0+s16+$0x300 ss:$0x1] =	vst.idx.msk $0xffff, v8  }
0x1a5: {  	(v2sf) =	vpush v4, $0x1;
	v8 =	vld [tilespmem:s31+$0x10];
	[tilespmem:v0+s15+$0x460 ss:$0x1] =	vst.idx.msk $0xffff, v7  }
0x1a6: {  	v7 =	vld [tilespmem:s23+$0x70];
	[tilespmem:v0+s18+$0x5C0 ss:$0x1] =	vst.idx.msk $0xffff, v9  }
0x1a7: {  	v9 =	vld [tilespmem:s25+$0x50]  }
0x1a8: {  	[tilespmem:v0+s19+$0x50 ss:$0x1] =	vst.idx.msk $0xffff, v10  }
0x1a9: {  	(v2sf) =	vpush v5, $0xC;
	v10 =	vld [tilespmem:s24+$0x60];
	[tilespmem:v0+s17+$0x1B0 ss:$0x1] =	vst.idx.msk $0xffff, v6  }
0x1aa: {  	v6 =	vld [tilespmem:s26+$0x40];
	[tilespmem:v0+s16+$0x310 ss:$0x1] =	vst.idx.msk $0xffff, v8  }
0x1ab: {  	s6 =	spop (v2sf);
	v8 =	vld [tilespmem:s31+$0x20];
	[tilespmem:v0+s15+$0x470 ss:$0x1] =	vst.idx.msk $0xffff, v7  }
0x1ac: {  	v7 =	vld [tilespmem:s6+$0x0];
	[tilespmem:v0+s18+$0x5D0 ss:$0x1] =	vst.idx.msk $0xffff, v9  }
0x1ad: {  	v9 =	vld [tilespmem:s25+$0x60]  }
0x1ae: {  	[tilespmem:v0+s19+$0x60 ss:$0x1] =	vst.idx.msk $0xffff, v10  }
0x1af: {  	v10 =	vld [tilespmem:s24+$0x70];
	[tilespmem:v0+s17+$0x1C0 ss:$0x1] =	vst.idx.msk $0xffff, v6  }
0x1b0: {  	v6 =	vld [tilespmem:s26+$0x50];
	[tilespmem:v0+s16+$0x320 ss:$0x1] =	vst.idx.msk $0xffff, v8  }
0x1b1: {  	v8 =	vld [tilespmem:s31+$0x30];
	[tilespmem:v0+s15+$0x480 ss:$0x1] =	vst.idx.msk $0xffff, v7  }
0x1b2: {  	(v2sf) =	vpush v2, $0x4;
	v7 =	vld [tilespmem:s6+$0x10];
	[tilespmem:v0+s18+$0x5E0 ss:$0x1] =	vst.idx.msk $0xffff, v9  }
0x1b3: {  	v9 =	vld [tilespmem:s25+$0x70]  }
0x1b4: {  	s23 =	spop (v2sf);
	[tilespmem:v0+s19+$0x70 ss:$0x1] =	vst.idx.msk $0xffff, v10  }
0x1b5: {  	v10 =	vld [tilespmem:s23+$0x0];
	[tilespmem:v0+s17+$0x1D0 ss:$0x1] =	vst.idx.msk $0xffff, v6  }
0x1b6: {  	v6 =	vld [tilespmem:s26+$0x60];
	[tilespmem:v0+s16+$0x330 ss:$0x1] =	vst.idx.msk $0xffff, v8  }
0x1b7: {  	v8 =	vld [tilespmem:s31+$0x40];
	[tilespmem:v0+s15+$0x490 ss:$0x1] =	vst.idx.msk $0xffff, v7  }
0x1b8: {  	s24 =	spop (v2sf);
	v7 =	vld [tilespmem:s6+$0x20];
	[tilespmem:v0+s18+$0x5F0 ss:$0x1] =	vst.idx.msk $0xffff, v9  }
0x1b9: {  	v9 =	vld [tilespmem:s24+$0x0]  }
0x1ba: {  	[tilespmem:v0+s19+$0x80 ss:$0x1] =	vst.idx.msk $0xffff, v10  }
0x1bb: {  	v10 =	vld [tilespmem:s23+$0x10];
	[tilespmem:v0+s17+$0x1E0 ss:$0x1] =	vst.idx.msk $0xffff, v6  }
0x1bc: {  	v6 =	vld [tilespmem:s26+$0x70];
	[tilespmem:v0+s16+$0x340 ss:$0x1] =	vst.idx.msk $0xffff, v8  }
0x1bd: {  	v8 =	vld [tilespmem:s31+$0x50];
	[tilespmem:v0+s15+$0x4A0 ss:$0x1] =	vst.idx.msk $0xffff, v7  }
0x1be: {  	v7 =	vld [tilespmem:s6+$0x30];
	[tilespmem:v0+s18+$0x600 ss:$0x1] =	vst.idx.msk $0xffff, v9  }
0x1bf: {  	(v2sf) =	vpush v1, $0x7;
	v9 =	vld [tilespmem:s24+$0x10]  }
0x1c0: {  	[tilespmem:v0+s19+$0x90 ss:$0x1] =	vst.idx.msk $0xffff, v10  }
0x1c1: {  	s25 =	spop (v2sf);
	v10 =	vld [tilespmem:s23+$0x20];
	[tilespmem:v0+s17+$0x1F0 ss:$0x1] =	vst.idx.msk $0xffff, v6  }
0x1c2: {  	v6 =	vld [tilespmem:s25+$0x0];
	[tilespmem:v0+s16+$0x350 ss:$0x1] =	vst.idx.msk $0xffff, v8  }
0x1c3: {  	v8 =	vld [tilespmem:s31+$0x60];
	[tilespmem:v0+s15+$0x4B0 ss:$0x1] =	vst.idx.msk $0xffff, v7  }
0x1c4: {  	v7 =	vld [tilespmem:s6+$0x40];
	[tilespmem:v0+s18+$0x610 ss:$0x1] =	vst.idx.msk $0xffff, v9  }
0x1c5: {  	v9 =	vld [tilespmem:s24+$0x20]  }
0x1c6: {  	[tilespmem:v0+s19+$0xA0 ss:$0x1] =	vst.idx.msk $0xffff, v10  }
0x1c7: {  	v10 =	vld [tilespmem:s23+$0x30];
	[tilespmem:v0+s17+$0x200 ss:$0x1] =	vst.idx.msk $0xffff, v6  }
0x1c8: {  	v6 =	vld [tilespmem:s25+$0x10];
	[tilespmem:v0+s16+$0x360 ss:$0x1] =	vst.idx.msk $0xffff, v8  }
0x1c9: {  	v8 =	vld [tilespmem:s31+$0x70];
	[tilespmem:v0+s15+$0x4C0 ss:$0x1] =	vst.idx.msk $0xffff, v7  }
0x1ca: {  	v7 =	vld [tilespmem:s6+$0x50];
	[tilespmem:v0+s18+$0x620 ss:$0x1] =	vst.idx.msk $0xffff, v9  }
0x1cb: {  	v9 =	vld [tilespmem:s24+$0x30]  }
0x1cc: {  	(v2sf) =	vpush v3, $0xA;
	[tilespmem:v0+s19+$0xB0 ss:$0x1] =	vst.idx.msk $0xffff, v10  }
0x1cd: {  	v10 =	vld [tilespmem:s23+$0x40];
	[tilespmem:v0+s17+$0x210 ss:$0x1] =	vst.idx.msk $0xffff, v6  }
0x1ce: {  	s26 =	spop (v2sf);
	v6 =	vld [tilespmem:s25+$0x20];
	[tilespmem:v0+s16+$0x370 ss:$0x1] =	vst.idx.msk $0xffff, v8  }
0x1cf: {  	v8 =	vld [tilespmem:s26+$0x0];
	[tilespmem:v0+s15+$0x4D0 ss:$0x1] =	vst.idx.msk $0xffff, v7  }
0x1d0: {  	v7 =	vld [tilespmem:s6+$0x60];
	[tilespmem:v0+s18+$0x630 ss:$0x1] =	vst.idx.msk $0xffff, v9  }
0x1d1: {  	v9 =	vld [tilespmem:s24+$0x40]  }
0x1d2: {  	[tilespmem:v0+s19+$0xC0 ss:$0x1] =	vst.idx.msk $0xffff, v10  }
0x1d3: {  	v10 =	vld [tilespmem:s23+$0x50];
	[tilespmem:v0+s17+$0x220 ss:$0x1] =	vst.idx.msk $0xffff, v6  }
0x1d4: {  	v6 =	vld [tilespmem:s25+$0x30];
	[tilespmem:v0+s16+$0x380 ss:$0x1] =	vst.idx.msk $0xffff, v8  }
0x1d5: {  	(v2sf) =	vpush v4, $0x2;
	v8 =	vld [tilespmem:s26+$0x10];
	[tilespmem:v0+s15+$0x4E0 ss:$0x1] =	vst.idx.msk $0xffff, v7  }
0x1d6: {  	v7 =	vld [tilespmem:s6+$0x70];
	[tilespmem:v0+s18+$0x640 ss:$0x1] =	vst.idx.msk $0xffff, v9  }
0x1d7: {  	v9 =	vld [tilespmem:s24+$0x50]  }
0x1d8: {  	[tilespmem:v0+s19+$0xD0 ss:$0x1] =	vst.idx.msk $0xffff, v10  }
0x1d9: {  	(v2sf) =	vpush v5, $0xD;
	v10 =	vld [tilespmem:s23+$0x60];
	[tilespmem:v0+s17+$0x230 ss:$0x1] =	vst.idx.msk $0xffff, v6  }
0x1da: {  	v6 =	vld [tilespmem:s25+$0x40];
	[tilespmem:v0+s16+$0x390 ss:$0x1] =	vst.idx.msk $0xffff, v8  }
0x1db: {  	s29 =	spop (v2sf);
	v8 =	vld [tilespmem:s26+$0x20];
	[tilespmem:v0+s15+$0x4F0 ss:$0x1] =	vst.idx.msk $0xffff, v7  }
0x1dc: {  	v7 =	vld [tilespmem:s29+$0x0];
	[tilespmem:v0+s18+$0x650 ss:$0x1] =	vst.idx.msk $0xffff, v9  }
0x1dd: {  	v9 =	vld [tilespmem:s24+$0x60]  }
0x1de: {  	[tilespmem:v0+s19+$0xE0 ss:$0x1] =	vst.idx.msk $0xffff, v10  }
0x1df: {  	v10 =	vld [tilespmem:s23+$0x70];
	[tilespmem:v0+s17+$0x240 ss:$0x1] =	vst.idx.msk $0xffff, v6  }
0x1e0: {  	v6 =	vld [tilespmem:s25+$0x50];
	[tilespmem:v0+s16+$0x3A0 ss:$0x1] =	vst.idx.msk $0xffff, v8  }
0x1e1: {  	v8 =	vld [tilespmem:s26+$0x30];
	[tilespmem:v0+s15+$0x500 ss:$0x1] =	vst.idx.msk $0xffff, v7  }
0x1e2: {  	(v2sf) =	vpush v2, $0x5;
	v7 =	vld [tilespmem:s29+$0x10];
	[tilespmem:v0+s18+$0x660 ss:$0x1] =	vst.idx.msk $0xffff, v9  }
0x1e3: {  	v9 =	vld [tilespmem:s24+$0x70]  }
0x1e4: {  	s28 =	spop (v2sf);
	[tilespmem:v0+s19+$0xF0 ss:$0x1] =	vst.idx.msk $0xffff, v10  }
0x1e5: {  	v10 =	vld [tilespmem:s28+$0x0];
	[tilespmem:v0+s17+$0x250 ss:$0x1] =	vst.idx.msk $0xffff, v6  }
0x1e6: {  	v6 =	vld [tilespmem:s25+$0x60];
	[tilespmem:v0+s16+$0x3B0 ss:$0x1] =	vst.idx.msk $0xffff, v8  }
0x1e7: {  	v8 =	vld [tilespmem:s26+$0x40];
	[tilespmem:v0+s15+$0x510 ss:$0x1] =	vst.idx.msk $0xffff, v7  }
0x1e8: {  	s22 =	spop (v2sf);
	v7 =	vld [tilespmem:s29+$0x20];
	[tilespmem:v0+s18+$0x670 ss:$0x1] =	vst.idx.msk $0xffff, v9  }
0x1e9: {  	v9 =	vld [tilespmem:s22+$0x0]  }
0x1ea: {  	[tilespmem:v0+s19+$0x100 ss:$0x1] =	vst.idx.msk $0xffff, v10  }
0x1eb: {  	v10 =	vld [tilespmem:s28+$0x10];
	[tilespmem:v0+s17+$0x260 ss:$0x1] =	vst.idx.msk $0xffff, v6  }
0x1ec: {  	v6 =	vld [tilespmem:s25+$0x70];
	[tilespmem:v0+s16+$0x3C0 ss:$0x1] =	vst.idx.msk $0xffff, v8  }
0x1ed: {  	v8 =	vld [tilespmem:s26+$0x50];
	[tilespmem:v0+s15+$0x520 ss:$0x1] =	vst.idx.msk $0xffff, v7  }
0x1ee: {  	s31 =	smul.u32 $0xAB, s13;
	v7 =	vld [tilespmem:s29+$0x30];
	[tilespmem:v0+s18+$0x680 ss:$0x1] =	vst.idx.msk $0xffff, v9  }
0x1ef: {  	(v2sf) =	vpush v1, $0x8;
	s23 =	sadd.s32 $0x10, s20;
	v9 =	vld [tilespmem:s22+$0x10]  }
0x1f0: {  	s0 =	sshrl.u32 s31, $0xA;
	[tilespmem:v0+s19+$0x110 ss:$0x1] =	vst.idx.msk $0xffff, v10;
	v10 =	vld [tilespmem:s23+$0x0]  }
0x1f1: {  	s0 =	sand.u32 $0x3F, s0;
	s30 =	spop (v2sf);
	[tilespmem:v0+s17+$0x270 ss:$0x1] =	vst.idx.msk $0xffff, v6;
	v6 =	vld [tilespmem:s28+$0x20]  }
0x1f2: {  	s0 =	smul.u32 $0x6, s0;
	v11 =	vld [tilespmem:s30+$0x0];
	[tilespmem:v0+s16+$0x3D0 ss:$0x1] =	vst.idx.msk $0xffff, v8  }
0x1f3: {  	[tilespmem:v0+s15+$0x530 ss:$0x1] =	vst.idx.msk $0xffff, v7;
	v8 =	vld [tilespmem:s26+$0x60]  }
0x1f4: {  	s0 =	ssub.s32 s13, s0;
	[tilespmem:v0+s18+$0x690 ss:$0x1] =	vst.idx.msk $0xffff, v9;
	v9 =	vld [tilespmem:s29+$0x40]  }
0x1f5: {  	s0 =	sand.u32 $0xFF, s0;
	v7 =	vld [tilespmem:s22+$0x20]  }
0x1f6: {  	s0 =	sshll.u32 s0, $0xE;
	[tilespmem:v0+s19+$0x120 ss:$0x1] =	vst.idx.msk $0xffff, v6  }
0x1f7: {  	s21 =	simm.s32 $0xA000;
	s20 =	sor.u32 $0x3E80, s0;
	s24 =	simm.s32 $0xC000;
	v6 =	vshll.u32 v10, $0x7;
	v10 =	vld [tilespmem:s28+$0x30];
	[tilespmem:v0+s17+$0x280 ss:$0x1] =	vst.idx.msk $0xffff, v11  }
.LBB2_4:
0x1f8: {  	p1 =	sne.s32 s24, $0xE000;
	(v2sf) =	vpush v6, $0x0;
	v11 =	vld [tilespmem:s30+$0x10];
	[tilespmem:v0+s16+$0x3E0 ss:$0x1] =	vst.idx.msk $0xffff, v8  }
0x1f9: {  	v8 =	vld [tilespmem:s26+$0x70];
	[tilespmem:v0+s15+$0x540 ss:$0x1] =	vst.idx.msk $0xffff, v9  }
0x1fa: {  	v9 =	vld [tilespmem:s29+$0x50];
	[tilespmem:v0+s18+$0x6A0 ss:$0x1] =	vst.idx.msk $0xffff, v7  }
0x1fb: {  	v7 =	vld [tilespmem:s22+$0x30]  }
0x1fc: {  	[tilespmem:v0+s19+$0x130 ss:$0x1] =	vst.idx.msk $0xffff, v10;
	(v2sf) =	vpush v3, $0xB  }
0x1fd: {  	v10 =	vld [tilespmem:s28+$0x40];
	[tilespmem:v0+s17+$0x290 ss:$0x1] =	vst.idx.msk $0xffff, v11  }
0x1fe: {  	v11 =	vld [tilespmem:s30+$0x20];
	[tilespmem:v0+s16+$0x3F0 ss:$0x1] =	vst.idx.msk $0xffff, v8;
	s31 =	spop (v2sf)  }
0x1ff: {  	v8 =	vld [tilespmem:s31+$0x0];
	[tilespmem:v0+s15+$0x550 ss:$0x1] =	vst.idx.msk $0xffff, v9  }
0x200: {  	v9 =	vld [tilespmem:s29+$0x60];
	[tilespmem:v0+s18+$0x6B0 ss:$0x1] =	vst.idx.msk $0xffff, v7  }
0x201: {  	v7 =	vld [tilespmem:s22+$0x40]  }
0x202: {  	[tilespmem:v0+s19+$0x140 ss:$0x1] =	vst.idx.msk $0xffff, v10  }
0x203: {  	v10 =	vld [tilespmem:s28+$0x50];
	[tilespmem:v0+s17+$0x2A0 ss:$0x1] =	vst.idx.msk $0xffff, v11  }
0x204: {  	v11 =	vld [tilespmem:s30+$0x30];
	[tilespmem:v0+s16+$0x400 ss:$0x1] =	vst.idx.msk $0xffff, v8  }
0x205: {  	(v2sf) =	vpush v4, $0x3;
	v8 =	vld [tilespmem:s31+$0x10];
	[tilespmem:v0+s15+$0x560 ss:$0x1] =	vst.idx.msk $0xffff, v9  }
0x206: {  	v9 =	vld [tilespmem:s29+$0x70];
	[tilespmem:v0+s18+$0x6C0 ss:$0x1] =	vst.idx.msk $0xffff, v7  }
0x207: {  	s0 =	spop (v2sf);
	v7 =	vld [tilespmem:s22+$0x50]  }
0x208: {  	v12 =	vld [tilespmem:s0+$0x0];
	[tilespmem:v0+s19+$0x150 ss:$0x1] =	vst.idx.msk $0xffff, v10  }
0x209: {  	v10 =	vld [tilespmem:s28+$0x60];
	[tilespmem:v0+s17+$0x2B0 ss:$0x1] =	vst.idx.msk $0xffff, v11;
	(v2sf) =	vpush v5, $0xE  }
0x20a: {  	v11 =	vld [tilespmem:s30+$0x40];
	[tilespmem:v0+s16+$0x410 ss:$0x1] =	vst.idx.msk $0xffff, v8  }
0x20b: {  	v8 =	vld [tilespmem:s31+$0x20];
	[tilespmem:v0+s15+$0x570 ss:$0x1] =	vst.idx.msk $0xffff, v9;
	s29 =	spop (v2sf)  }
0x20c: {  	s25 =	sshra.s32 s21, $0x2;
	s21 =	smov.u32 s24;
	v9 =	vld [tilespmem:s29+$0x0];
	[tilespmem:v0+s18+$0x6D0 ss:$0x1] =	vst.idx.msk $0xffff, v7  }
0x20d: {  	[tilespmem:v0+s25+$0x0 ss:$0x1] =	vst.idx.msk $0xffff, v12;
	v7 =	vld [tilespmem:s22+$0x60]  }
0x20e: {  	v12 =	vld [tilespmem:s0+$0x10];
	[tilespmem:v0+s19+$0x160 ss:$0x1] =	vst.idx.msk $0xffff, v10  }
0x20f: {  	v10 =	vld [tilespmem:s28+$0x70];
	[tilespmem:v0+s17+$0x2C0 ss:$0x1] =	vst.idx.msk $0xffff, v11  }
0x210: {  	v11 =	vld [tilespmem:s30+$0x50];
	[tilespmem:v0+s16+$0x420 ss:$0x1] =	vst.idx.msk $0xffff, v8  }
0x211: {  	v8 =	vld [tilespmem:s31+$0x30];
	[tilespmem:v0+s15+$0x580 ss:$0x1] =	vst.idx.msk $0xffff, v9  }
0x212: {  	(v2sf) =	vpush v2, $0x6;
	v9 =	vld [tilespmem:s29+$0x10];
	[tilespmem:v0+s18+$0x6E0 ss:$0x1] =	vst.idx.msk $0xffff, v7  }
0x213: {  	[tilespmem:v0+s25+$0x10 ss:$0x1] =	vst.idx.msk $0xffff, v12;
	v7 =	vld [tilespmem:s22+$0x70]  }
0x214: {  	v12 =	vld [tilespmem:s0+$0x20];
	[tilespmem:v0+s19+$0x170 ss:$0x1] =	vst.idx.msk $0xffff, v10;
	s22 =	spop (v2sf)  }
0x215: {  	v10 =	vld [tilespmem:s22+$0x0];
	[tilespmem:v0+s17+$0x2D0 ss:$0x1] =	vst.idx.msk $0xffff, v11  }
0x216: {  	v11 =	vld [tilespmem:s30+$0x60];
	[tilespmem:v0+s16+$0x430 ss:$0x1] =	vst.idx.msk $0xffff, v8  }
0x217: {  	v8 =	vld [tilespmem:s31+$0x40];
	[tilespmem:v0+s15+$0x590 ss:$0x1] =	vst.idx.msk $0xffff, v9  }
0x218: {  	v9 =	vld [tilespmem:s29+$0x20];
	[tilespmem:v0+s18+$0x6F0 ss:$0x1] =	vst.idx.msk $0xffff, v7;
	s1 =	spop (v2sf)  }
0x219: {  	[tilespmem:v0+s25+$0x20 ss:$0x1] =	vst.idx.msk $0xffff, v12;
	v7 =	vld [tilespmem:s1+$0x0]  }
0x21a: {  	v12 =	vld [tilespmem:s0+$0x30];
	[tilespmem:v0+s19+$0x180 ss:$0x1] =	vst.idx.msk $0xffff, v10  }
0x21b: {  	v10 =	vld [tilespmem:s22+$0x10];
	[tilespmem:v0+s17+$0x2E0 ss:$0x1] =	vst.idx.msk $0xffff, v11  }
0x21c: {  	v11 =	vld [tilespmem:s30+$0x70];
	[tilespmem:v0+s16+$0x440 ss:$0x1] =	vst.idx.msk $0xffff, v8  }
0x21d: {  	v8 =	vld [tilespmem:s31+$0x50];
	[tilespmem:v0+s15+$0x5A0 ss:$0x1] =	vst.idx.msk $0xffff, v9  }
0x21e: {  	v9 =	vld [tilespmem:s29+$0x30];
	[tilespmem:v0+s18+$0x700 ss:$0x1] =	vst.idx.msk $0xffff, v7  }
0x21f: {  	[tilespmem:v0+s25+$0x30 ss:$0x1] =	vst.idx.msk $0xffff, v12;
	(v2sf) =	vpush v1, $0x9;
	v7 =	vld [tilespmem:s1+$0x10]  }
0x220: {  	v12 =	vld [tilespmem:s0+$0x40];
	[tilespmem:v0+s19+$0x190 ss:$0x1] =	vst.idx.msk $0xffff, v10  }
0x221: {  	v10 =	vld [tilespmem:s22+$0x20];
	[tilespmem:v0+s17+$0x2F0 ss:$0x1] =	vst.idx.msk $0xffff, v11;
	s26 =	spop (v2sf)  }
0x222: {  	v11 =	vld [tilespmem:s26+$0x0];
	[tilespmem:v0+s16+$0x450 ss:$0x1] =	vst.idx.msk $0xffff, v8  }
0x223: {  	v8 =	vld [tilespmem:s31+$0x60];
	[tilespmem:v0+s15+$0x5B0 ss:$0x1] =	vst.idx.msk $0xffff, v9  }
0x224: {  	v9 =	vld [tilespmem:s29+$0x40];
	[tilespmem:v0+s18+$0x710 ss:$0x1] =	vst.idx.msk $0xffff, v7  }
0x225: {  	[tilespmem:v0+s25+$0x40 ss:$0x1] =	vst.idx.msk $0xffff, v12;
	v7 =	vld [tilespmem:s1+$0x20]  }
0x226: {  	v12 =	vld [tilespmem:s0+$0x50];
	[tilespmem:v0+s19+$0x1A0 ss:$0x1] =	vst.idx.msk $0xffff, v10  }
0x227: {  	v10 =	vld [tilespmem:s22+$0x30];
	[tilespmem:v0+s17+$0x300 ss:$0x1] =	vst.idx.msk $0xffff, v11  }
0x228: {  	(v2sf) =	vpush v6, $0x1;
	v11 =	vld [tilespmem:s26+$0x10];
	[tilespmem:v0+s16+$0x460 ss:$0x1] =	vst.idx.msk $0xffff, v8  }
0x229: {  	v8 =	vld [tilespmem:s31+$0x70];
	[tilespmem:v0+s15+$0x5C0 ss:$0x1] =	vst.idx.msk $0xffff, v9  }
0x22a: {  	v9 =	vld [tilespmem:s29+$0x50];
	[tilespmem:v0+s18+$0x720 ss:$0x1] =	vst.idx.msk $0xffff, v7  }
0x22b: {  	[tilespmem:v0+s25+$0x50 ss:$0x1] =	vst.idx.msk $0xffff, v12;
	v7 =	vld [tilespmem:s1+$0x30]  }
0x22c: {  	v12 =	vld [tilespmem:s0+$0x60];
	[tilespmem:v0+s19+$0x1B0 ss:$0x1] =	vst.idx.msk $0xffff, v10;
	(v2sf) =	vpush v3, $0xC  }
0x22d: {  	v10 =	vld [tilespmem:s22+$0x40];
	[tilespmem:v0+s17+$0x310 ss:$0x1] =	vst.idx.msk $0xffff, v11  }
0x22e: {  	v11 =	vld [tilespmem:s26+$0x20];
	[tilespmem:v0+s16+$0x470 ss:$0x1] =	vst.idx.msk $0xffff, v8;
	s28 =	spop (v2sf)  }
0x22f: {  	v8 =	vld [tilespmem:s28+$0x0];
	[tilespmem:v0+s15+$0x5D0 ss:$0x1] =	vst.idx.msk $0xffff, v9  }
0x230: {  	v9 =	vld [tilespmem:s29+$0x60];
	[tilespmem:v0+s18+$0x730 ss:$0x1] =	vst.idx.msk $0xffff, v7  }
0x231: {  	[tilespmem:v0+s25+$0x60 ss:$0x1] =	vst.idx.msk $0xffff, v12;
	v7 =	vld [tilespmem:s1+$0x40]  }
0x232: {  	v12 =	vld [tilespmem:s0+$0x70];
	[tilespmem:v0+s19+$0x1C0 ss:$0x1] =	vst.idx.msk $0xffff, v10  }
0x233: {  	v10 =	vld [tilespmem:s22+$0x50];
	[tilespmem:v0+s17+$0x320 ss:$0x1] =	vst.idx.msk $0xffff, v11  }
0x234: {  	v11 =	vld [tilespmem:s26+$0x30];
	[tilespmem:v0+s16+$0x480 ss:$0x1] =	vst.idx.msk $0xffff, v8  }
0x235: {  	(v2sf) =	vpush v4, $0x4;
	v8 =	vld [tilespmem:s28+$0x10];
	[tilespmem:v0+s15+$0x5E0 ss:$0x1] =	vst.idx.msk $0xffff, v9  }
0x236: {  	v9 =	vld [tilespmem:s29+$0x70];
	[tilespmem:v0+s18+$0x740 ss:$0x1] =	vst.idx.msk $0xffff, v7  }
0x237: {  	[tilespmem:v0+s25+$0x70 ss:$0x1] =	vst.idx.msk $0xffff, v12;
	s0 =	spop (v2sf);
	v7 =	vld [tilespmem:s1+$0x50]  }
0x238: {  	v12 =	vld [tilespmem:s0+$0x0];
	[tilespmem:v0+s19+$0x1D0 ss:$0x1] =	vst.idx.msk $0xffff, v10  }
0x239: {  	v10 =	vld [tilespmem:s22+$0x60];
	[tilespmem:v0+s17+$0x330 ss:$0x1] =	vst.idx.msk $0xffff, v11;
	(v2sf) =	vpush v5, $0xF;
	v5 =	vmovc v3;
	v3 =	vmovc v1;
	v1 =	vmov v2;
	v2 =	vmov v4  }
0x23a: {  	v4 =	vmov v6;
	v11 =	vld [tilespmem:s26+$0x40];
	[tilespmem:v0+s16+$0x490 ss:$0x1] =	vst.idx.msk $0xffff, v8  }
0x23b: {  	v6 =	vld [tilespmem:s28+$0x20];
	[tilespmem:v0+s15+$0x5F0 ss:$0x1] =	vst.idx.msk $0xffff, v9;
	s31 =	spop (v2sf)  }
0x23c: {  	v8 =	vld [tilespmem:s31+$0x0];
	[tilespmem:v0+s18+$0x750 ss:$0x1] =	vst.idx.msk $0xffff, v7  }
0x23d: {  	[tilespmem:v0+s25+$0x80 ss:$0x1] =	vst.idx.msk $0xffff, v12;
	v7 =	vld [tilespmem:s1+$0x60]  }
0x23e: {  	v9 =	vld [tilespmem:s0+$0x10];
	[tilespmem:v0+s19+$0x1E0 ss:$0x1] =	vst.idx.msk $0xffff, v10  }
0x23f: {  	v10 =	vld [tilespmem:s22+$0x70];
	[tilespmem:v0+s17+$0x340 ss:$0x1] =	vst.idx.msk $0xffff, v11  }
0x240: {  	v11 =	vld [tilespmem:s26+$0x50];
	[tilespmem:v0+s16+$0x4A0 ss:$0x1] =	vst.idx.msk $0xffff, v6  }
0x241: {  	v6 =	vld [tilespmem:s28+$0x30];
	[tilespmem:v0+s15+$0x600 ss:$0x1] =	vst.idx.msk $0xffff, v8  }
0x242: {  	(v2sf) =	vpush v1, $0x7;
	v8 =	vld [tilespmem:s31+$0x10];
	[tilespmem:v0+s18+$0x760 ss:$0x1] =	vst.idx.msk $0xffff, v7  }
0x243: {  	[tilespmem:v0+s25+$0x90 ss:$0x1] =	vst.idx.msk $0xffff, v9;
	v7 =	vld [tilespmem:s1+$0x70]  }
0x244: {  	v9 =	vld [tilespmem:s0+$0x20];
	[tilespmem:v0+s19+$0x1F0 ss:$0x1] =	vst.idx.msk $0xffff, v10;
	s30 =	spop (v2sf)  }
0x245: {  	v10 =	vld [tilespmem:s30+$0x0];
	[tilespmem:v0+s17+$0x350 ss:$0x1] =	vst.idx.msk $0xffff, v11  }
0x246: {  	v11 =	vld [tilespmem:s26+$0x60];
	[tilespmem:v0+s16+$0x4B0 ss:$0x1] =	vst.idx.msk $0xffff, v6  }
0x247: {  	v6 =	vld [tilespmem:s28+$0x40];
	[tilespmem:v0+s15+$0x610 ss:$0x1] =	vst.idx.msk $0xffff, v8  }
0x248: {  	v8 =	vld [tilespmem:s31+$0x20];
	[tilespmem:v0+s18+$0x770 ss:$0x1] =	vst.idx.msk $0xffff, v7;
	s1 =	spop (v2sf)  }
0x249: {  	[tilespmem:v0+s25+$0xA0 ss:$0x1] =	vst.idx.msk $0xffff, v9;
	v7 =	vld [tilespmem:s1+$0x0]  }
0x24a: {  	v9 =	vld [tilespmem:s0+$0x30];
	[tilespmem:v0+s19+$0x200 ss:$0x1] =	vst.idx.msk $0xffff, v10  }
0x24b: {  	v10 =	vld [tilespmem:s30+$0x10];
	[tilespmem:v0+s17+$0x360 ss:$0x1] =	vst.idx.msk $0xffff, v11  }
0x24c: {  	v11 =	vld [tilespmem:s26+$0x70];
	[tilespmem:v0+s16+$0x4C0 ss:$0x1] =	vst.idx.msk $0xffff, v6  }
0x24d: {  	v6 =	vld [tilespmem:s28+$0x50];
	[tilespmem:v0+s15+$0x620 ss:$0x1] =	vst.idx.msk $0xffff, v8  }
0x24e: {  	v8 =	vld [tilespmem:s31+$0x30];
	[tilespmem:v0+s18+$0x780 ss:$0x1] =	vst.idx.msk $0xffff, v7  }
0x24f: {  	[tilespmem:v0+s25+$0xB0 ss:$0x1] =	vst.idx.msk $0xffff, v9;
	(v2sf) =	vpush v3, $0xA;
	v7 =	vld [tilespmem:s1+$0x10]  }
0x250: {  	v9 =	vld [tilespmem:s0+$0x40];
	[tilespmem:v0+s19+$0x210 ss:$0x1] =	vst.idx.msk $0xffff, v10  }
0x251: {  	v10 =	vld [tilespmem:s30+$0x20];
	[tilespmem:v0+s17+$0x370 ss:$0x1] =	vst.idx.msk $0xffff, v11;
	s26 =	spop (v2sf)  }
0x252: {  	v11 =	vld [tilespmem:s26+$0x0];
	[tilespmem:v0+s16+$0x4D0 ss:$0x1] =	vst.idx.msk $0xffff, v6  }
0x253: {  	v6 =	vld [tilespmem:s28+$0x60];
	[tilespmem:v0+s15+$0x630 ss:$0x1] =	vst.idx.msk $0xffff, v8  }
0x254: {  	v8 =	vld [tilespmem:s31+$0x40];
	[tilespmem:v0+s18+$0x790 ss:$0x1] =	vst.idx.msk $0xffff, v7  }
0x255: {  	[tilespmem:v0+s25+$0xC0 ss:$0x1] =	vst.idx.msk $0xffff, v9;
	v7 =	vld [tilespmem:s1+$0x20]  }
0x256: {  	v9 =	vld [tilespmem:s0+$0x50];
	[tilespmem:v0+s19+$0x220 ss:$0x1] =	vst.idx.msk $0xffff, v10  }
0x257: {  	v10 =	vld [tilespmem:s30+$0x30];
	[tilespmem:v0+s17+$0x380 ss:$0x1] =	vst.idx.msk $0xffff, v11  }
0x258: {  	(v2sf) =	vpush v4, $0x2;
	v11 =	vld [tilespmem:s26+$0x10];
	[tilespmem:v0+s16+$0x4E0 ss:$0x1] =	vst.idx.msk $0xffff, v6  }
0x259: {  	v6 =	vld [tilespmem:s28+$0x70];
	[tilespmem:v0+s15+$0x640 ss:$0x1] =	vst.idx.msk $0xffff, v8  }
0x25a: {  	v8 =	vld [tilespmem:s31+$0x50];
	[tilespmem:v0+s18+$0x7A0 ss:$0x1] =	vst.idx.msk $0xffff, v7  }
0x25b: {  	[tilespmem:v0+s25+$0xD0 ss:$0x1] =	vst.idx.msk $0xffff, v9;
	v7 =	vld [tilespmem:s1+$0x30]  }
0x25c: {  	v9 =	vld [tilespmem:s0+$0x60];
	[tilespmem:v0+s19+$0x230 ss:$0x1] =	vst.idx.msk $0xffff, v10;
	(v2sf) =	vpush v5, $0xD  }
0x25d: {  	v10 =	vld [tilespmem:s30+$0x40];
	[tilespmem:v0+s17+$0x390 ss:$0x1] =	vst.idx.msk $0xffff, v11  }
0x25e: {  	v11 =	vld [tilespmem:s26+$0x20];
	[tilespmem:v0+s16+$0x4F0 ss:$0x1] =	vst.idx.msk $0xffff, v6;
	s29 =	spop (v2sf)  }
0x25f: {  	v6 =	vld [tilespmem:s29+$0x0];
	[tilespmem:v0+s15+$0x650 ss:$0x1] =	vst.idx.msk $0xffff, v8  }
0x260: {  	v8 =	vld [tilespmem:s31+$0x60];
	[tilespmem:v0+s18+$0x7B0 ss:$0x1] =	vst.idx.msk $0xffff, v7  }
0x261: {  	[tilespmem:v0+s25+$0xE0 ss:$0x1] =	vst.idx.msk $0xffff, v9;
	v7 =	vld [tilespmem:s1+$0x40]  }
0x262: {  	v9 =	vld [tilespmem:s0+$0x70];
	[tilespmem:v0+s19+$0x240 ss:$0x1] =	vst.idx.msk $0xffff, v10  }
0x263: {  	v10 =	vld [tilespmem:s30+$0x50];
	[tilespmem:v0+s17+$0x3A0 ss:$0x1] =	vst.idx.msk $0xffff, v11  }
0x264: {  	v11 =	vld [tilespmem:s26+$0x30];
	[tilespmem:v0+s16+$0x500 ss:$0x1] =	vst.idx.msk $0xffff, v6  }
0x265: {  	v6 =	vld [tilespmem:s29+$0x10];
	[tilespmem:v0+s15+$0x660 ss:$0x1] =	vst.idx.msk $0xffff, v8  }
0x266: {  	(v2sf) =	vpush v2, $0x5;
	v8 =	vld [tilespmem:s31+$0x70];
	[tilespmem:v0+s18+$0x7C0 ss:$0x1] =	vst.idx.msk $0xffff, v7  }
0x267: {  	[tilespmem:v0+s25+$0xF0 ss:$0x1] =	vst.idx.msk $0xffff, v9;
	s28 =	spop (v2sf);
	v7 =	vld [tilespmem:s1+$0x50]  }
0x268: {  	v9 =	vld [tilespmem:s28+$0x0];
	[tilespmem:v0+s19+$0x250 ss:$0x1] =	vst.idx.msk $0xffff, v10  }
0x269: {  	v10 =	vld [tilespmem:s30+$0x60];
	[tilespmem:v0+s17+$0x3B0 ss:$0x1] =	vst.idx.msk $0xffff, v11  }
0x26a: {  	v11 =	vld [tilespmem:s26+$0x40];
	[tilespmem:v0+s16+$0x510 ss:$0x1] =	vst.idx.msk $0xffff, v6  }
0x26b: {  	v6 =	vld [tilespmem:s29+$0x20];
	[tilespmem:v0+s15+$0x670 ss:$0x1] =	vst.idx.msk $0xffff, v8;
	s22 =	spop (v2sf)  }
0x26c: {  	v8 =	vld [tilespmem:s22+$0x0];
	[tilespmem:v0+s18+$0x7D0 ss:$0x1] =	vst.idx.msk $0xffff, v7  }
0x26d: {  	[tilespmem:v0+s25+$0x100 ss:$0x1] =	vst.idx.msk $0xffff, v9;
	v7 =	vld [tilespmem:s1+$0x60]  }
0x26e: {  	v9 =	vld [tilespmem:s28+$0x10];
	[tilespmem:v0+s19+$0x260 ss:$0x1] =	vst.idx.msk $0xffff, v10  }
0x26f: {  	v10 =	vld [tilespmem:s30+$0x70];
	[tilespmem:v0+s17+$0x3C0 ss:$0x1] =	vst.idx.msk $0xffff, v11  }
0x270: {  	v11 =	vld [tilespmem:s26+$0x50];
	[tilespmem:v0+s16+$0x520 ss:$0x1] =	vst.idx.msk $0xffff, v6  }
0x271: {  	v6 =	vld [tilespmem:s29+$0x30];
	[tilespmem:v0+s15+$0x680 ss:$0x1] =	vst.idx.msk $0xffff, v8  }
0x272: {  	v12 =	vld [tilespmem:s22+$0x10];
	[tilespmem:v0+s18+$0x7E0 ss:$0x1] =	vst.idx.msk $0xffff, v7  }
0x273: {  	s23 =	sadd.s32 $0x10, s23;
	[tilespmem:v0+s25+$0x110 ss:$0x1] =	vst.idx.msk $0xffff, v9;
	(v2sf) =	vpush v1, $0x8;
	v7 =	vld [tilespmem:s1+$0x70]  }
0x274: {  	v13 =	vld [tilespmem:s23+$0x0];
	[tilespmem:v0+s19+$0x270 ss:$0x1] =	vst.idx.msk $0xffff, v10  }
0x275: {  	v10 =	vld [tilespmem:s28+$0x20];
	s30 =	spop (v2sf);
	[tilespmem:v0+s17+$0x3D0 ss:$0x1] =	vst.idx.msk $0xffff, v11  }
0x276: {  	v11 =	vld [tilespmem:s30+$0x0];
	[tilespmem:v0+s16+$0x530 ss:$0x1] =	vst.idx.msk $0xffff, v6  }
.Ltmp5:
0x277: {  	v8 =	vld [tilespmem:s26+$0x60];
	[tilespmem:v0+s15+$0x690 ss:$0x1] =	vst.idx.msk $0xffff, v12;
	(pc) =	sbr.rel @p1 .LBB2_4-.Ltmp5, $4  }
0x278: {  	v9 =	vld [tilespmem:s29+$0x40];
	[tilespmem:v0+s18+$0x7F0 ss:$0x1] =	vst.idx.msk $0xffff, v7;
	s18 =	smov.u32 s15;
	s15 =	smov.u32 s16;
	s16 =	smov.u32 s17  }
0x279: {  	s17 =	smov.u32 s19;
	s19 =	smov.u32 s25;
	v7 =	vld [tilespmem:s22+$0x20]  }
0x27a: {  	[tilespmem:v0+s19+$0x120 ss:$0x1] =	vst.idx.msk $0xffff, v10  }
0x27b: {  	s24 =	sadd.s32 $0x2000, s24;
	v6 =	vshll.u32 v13, $0x7;
	v10 =	vld [tilespmem:s28+$0x30];
	[tilespmem:v0+s17+$0x280 ss:$0x1] =	vst.idx.msk $0xffff, v11  }
0x27c: {  	_ =	sdelay $0x1  }
0x27d: {  	(v2sf) =	vpush v6, $0x0;
	_ =	sdelay $0x1  }
0x27e: {  	v11 =	vld [tilespmem:s30+$0x10];
	[tilespmem:v0+s16+$0x3E0 ss:$0x1] =	vst.idx.msk $0xffff, v8  }
0x27f: {  	v8 =	vld [tilespmem:s26+$0x70];
	_ =	sdelay $0x1  }
0x280: {  	[tilespmem:v0+s15+$0x540 ss:$0x1] =	vst.idx.msk $0xffff, v9  }
0x281: {  	v9 =	vld [tilespmem:s29+$0x50];
	[tilespmem:v0+s19+$0x130 ss:$0x1] =	vst.idx.msk $0xffff, v10  }
0x282: {  	v10 =	vld [tilespmem:s28+$0x40];
	[tilespmem:v0+s17+$0x290 ss:$0x1] =	vst.idx.msk $0xffff, v11  }
0x283: {  	(v2sf) =	vpush v3, $0xB;
	v11 =	vld [tilespmem:s30+$0x20];
	[tilespmem:v0+s16+$0x3F0 ss:$0x1] =	vst.idx.msk $0xffff, v8;
	s2 =	spop (v2sf)  }
0x284: {  	v8 =	vld [tilespmem:s2+$0x0]  }
0x285: {  	[tilespmem:v0+s18+$0x6A0 ss:$0x1] =	vst.idx.msk $0xffff, v7  }
0x286: {  	v7 =	vld [tilespmem:s22+$0x30];
	[tilespmem:v0+s15+$0x550 ss:$0x1] =	vst.idx.msk $0xffff, v9  }
0x287: {  	v9 =	vld [tilespmem:s29+$0x60];
	[tilespmem:v0+s19+$0x140 ss:$0x1] =	vst.idx.msk $0xffff, v10  }
0x288: {  	v10 =	vld [tilespmem:s28+$0x50];
	[tilespmem:v0+s17+$0x2A0 ss:$0x1] =	vst.idx.msk $0xffff, v11  }
0x289: {  	v11 =	vld [tilespmem:s30+$0x30];
	[tilespmem:v0+s16+$0x400 ss:$0x1] =	vst.idx.msk $0xffff, v8  }
0x28a: {  	(v2sf) =	vpush v4, $0x3;
	v8 =	vld [tilespmem:s2+$0x10];
	s0 =	spop (v2sf)  }
0x28b: {  	v46 =	vld [tilespmem:s0+$0x0]  }
0x28c: {  	[tilespmem:v0+s15+$0x560 ss:$0x1] =	vst.idx.msk $0xffff, v9  }
0x28d: {  	v12 =	vld [tilespmem:s29+$0x70];
	[tilespmem:v0+s19+$0x150 ss:$0x1] =	vst.idx.msk $0xffff, v10  }
0x28e: {  	v10 =	vld [tilespmem:s28+$0x60];
	[tilespmem:v0+s17+$0x2B0 ss:$0x1] =	vst.idx.msk $0xffff, v11  }
0x28f: {  	s21 =	sshra.s32 s21, $0x2;
	v11 =	vld [tilespmem:s30+$0x40];
	[tilespmem:v0+s16+$0x410 ss:$0x1] =	vst.idx.msk $0xffff, v8  }
0x290: {  	v8 =	vld [tilespmem:s2+$0x20];
	[tilespmem:v0+s21+$0x0 ss:$0x1] =	vst.idx.msk $0xffff, v46  }
0x291: {  	v9 =	vld [tilespmem:s0+$0x10]  }
0x292: {  	s1 =	spop (v2sf);
	[tilespmem:v0+s15+$0x570 ss:$0x1] =	vst.idx.msk $0xffff, v12  }
0x293: {  	v12 =	vld [tilespmem:s1+$0x0];
	[tilespmem:v0+s19+$0x160 ss:$0x1] =	vst.idx.msk $0xffff, v10  }
0x294: {  	v10 =	vld [tilespmem:s28+$0x70];
	[tilespmem:v0+s17+$0x2C0 ss:$0x1] =	vst.idx.msk $0xffff, v11  }
0x295: {  	v11 =	vld [tilespmem:s30+$0x50];
	[tilespmem:v0+s16+$0x420 ss:$0x1] =	vst.idx.msk $0xffff, v8  }
0x296: {  	(v2sf) =	vpush v5, $0xE;
	v8 =	vld [tilespmem:s2+$0x30];
	[tilespmem:v0+s21+$0x10 ss:$0x1] =	vst.idx.msk $0xffff, v9  }
0x297: {  	(v2sf) =	vpush v2, $0x6;
	v9 =	vld [tilespmem:s0+$0x20]  }
0x298: {  	[tilespmem:v0+s15+$0x580 ss:$0x1] =	vst.idx.msk $0xffff, v12  }
0x299: {  	s23 =	spop (v2sf);
	v12 =	vld [tilespmem:s1+$0x10];
	[tilespmem:v0+s19+$0x170 ss:$0x1] =	vst.idx.msk $0xffff, v10  }
0x29a: {  	v10 =	vld [tilespmem:s23+$0x0];
	[tilespmem:v0+s17+$0x2D0 ss:$0x1] =	vst.idx.msk $0xffff, v11  }
0x29b: {  	v11 =	vld [tilespmem:s30+$0x60];
	[tilespmem:v0+s16+$0x430 ss:$0x1] =	vst.idx.msk $0xffff, v8  }
0x29c: {  	v8 =	vld [tilespmem:s2+$0x40];
	[tilespmem:v0+s21+$0x20 ss:$0x1] =	vst.idx.msk $0xffff, v9  }
0x29d: {  	v9 =	vld [tilespmem:s0+$0x30]  }
0x29e: {  	[tilespmem:v0+s15+$0x590 ss:$0x1] =	vst.idx.msk $0xffff, v12  }
0x29f: {  	v12 =	vld [tilespmem:s1+$0x20];
	[tilespmem:v0+s19+$0x180 ss:$0x1] =	vst.idx.msk $0xffff, v10  }
0x2a0: {  	v10 =	vld [tilespmem:s23+$0x10];
	[tilespmem:v0+s17+$0x2E0 ss:$0x1] =	vst.idx.msk $0xffff, v11  }
0x2a1: {  	v11 =	vld [tilespmem:s30+$0x70];
	[tilespmem:v0+s16+$0x440 ss:$0x1] =	vst.idx.msk $0xffff, v8  }
0x2a2: {  	v8 =	vld [tilespmem:s2+$0x50];
	[tilespmem:v0+s21+$0x30 ss:$0x1] =	vst.idx.msk $0xffff, v9  }
0x2a3: {  	v9 =	vld [tilespmem:s0+$0x40]  }
0x2a4: {  	(v2sf) =	vpush v1, $0x9;
	[tilespmem:v0+s15+$0x5A0 ss:$0x1] =	vst.idx.msk $0xffff, v12  }
0x2a5: {  	s24 =	spop (v2sf);
	v12 =	vld [tilespmem:s1+$0x30];
	[tilespmem:v0+s19+$0x190 ss:$0x1] =	vst.idx.msk $0xffff, v10  }
0x2a6: {  	s28 =	spop (v2sf);
	v10 =	vld [tilespmem:s23+$0x20];
	[tilespmem:v0+s17+$0x2F0 ss:$0x1] =	vst.idx.msk $0xffff, v11  }
0x2a7: {  	v11 =	vld [tilespmem:s28+$0x0];
	[tilespmem:v0+s16+$0x450 ss:$0x1] =	vst.idx.msk $0xffff, v8  }
0x2a8: {  	v8 =	vld [tilespmem:s2+$0x60];
	[tilespmem:v0+s21+$0x40 ss:$0x1] =	vst.idx.msk $0xffff, v9  }
0x2a9: {  	v9 =	vld [tilespmem:s0+$0x50]  }
0x2aa: {  	[tilespmem:v0+s15+$0x5B0 ss:$0x1] =	vst.idx.msk $0xffff, v12  }
0x2ab: {  	(v2sf) =	vpush v6, $0x1;
	v12 =	vld [tilespmem:s1+$0x40];
	[tilespmem:v0+s19+$0x1A0 ss:$0x1] =	vst.idx.msk $0xffff, v10  }
0x2ac: {  	v10 =	vld [tilespmem:s23+$0x30];
	[tilespmem:v0+s17+$0x300 ss:$0x1] =	vst.idx.msk $0xffff, v11  }
0x2ad: {  	v11 =	vld [tilespmem:s28+$0x10];
	[tilespmem:v0+s16+$0x460 ss:$0x1] =	vst.idx.msk $0xffff, v8  }
0x2ae: {  	v8 =	vld [tilespmem:s2+$0x70];
	[tilespmem:v0+s21+$0x50 ss:$0x1] =	vst.idx.msk $0xffff, v9  }
0x2af: {  	v9 =	vld [tilespmem:s0+$0x60]  }
0x2b0: {  	[tilespmem:v0+s15+$0x5C0 ss:$0x1] =	vst.idx.msk $0xffff, v12  }
0x2b1: {  	v12 =	vld [tilespmem:s1+$0x50];
	[tilespmem:v0+s19+$0x1B0 ss:$0x1] =	vst.idx.msk $0xffff, v10  }
0x2b2: {  	v10 =	vld [tilespmem:s23+$0x40];
	[tilespmem:v0+s17+$0x310 ss:$0x1] =	vst.idx.msk $0xffff, v11  }
0x2b3: {  	(v2sf) =	vpush v3, $0xC;
	s25 =	spop (v2sf);
	v11 =	vld [tilespmem:s28+$0x20];
	[tilespmem:v0+s16+$0x470 ss:$0x1] =	vst.idx.msk $0xffff, v8  }
0x2b4: {  	v8 =	vld [tilespmem:s25+$0x0];
	[tilespmem:v0+s21+$0x60 ss:$0x1] =	vst.idx.msk $0xffff, v9  }
0x2b5: {  	v9 =	vld [tilespmem:s0+$0x70]  }
0x2b6: {  	[tilespmem:v0+s15+$0x5D0 ss:$0x1] =	vst.idx.msk $0xffff, v12  }
0x2b7: {  	v12 =	vld [tilespmem:s1+$0x60];
	[tilespmem:v0+s19+$0x1C0 ss:$0x1] =	vst.idx.msk $0xffff, v10  }
0x2b8: {  	v10 =	vld [tilespmem:s23+$0x50];
	[tilespmem:v0+s17+$0x320 ss:$0x1] =	vst.idx.msk $0xffff, v11  }
0x2b9: {  	v11 =	vld [tilespmem:s28+$0x30];
	[tilespmem:v0+s16+$0x480 ss:$0x1] =	vst.idx.msk $0xffff, v8  }
0x2ba: {  	(v2sf) =	vpush v4, $0x4;
	s0 =	spop (v2sf);
	v8 =	vld [tilespmem:s25+$0x10];
	[tilespmem:v0+s21+$0x70 ss:$0x1] =	vst.idx.msk $0xffff, v9  }
0x2bb: {  	v9 =	vld [tilespmem:s0+$0x0]  }
0x2bc: {  	[tilespmem:v0+s15+$0x5E0 ss:$0x1] =	vst.idx.msk $0xffff, v12  }
0x2bd: {  	v12 =	vld [tilespmem:s1+$0x70];
	[tilespmem:v0+s19+$0x1D0 ss:$0x1] =	vst.idx.msk $0xffff, v10  }
0x2be: {  	v10 =	vld [tilespmem:s23+$0x60];
	[tilespmem:v0+s17+$0x330 ss:$0x1] =	vst.idx.msk $0xffff, v11  }
0x2bf: {  	v11 =	vld [tilespmem:s28+$0x40];
	[tilespmem:v0+s16+$0x490 ss:$0x1] =	vst.idx.msk $0xffff, v8  }
0x2c0: {  	v8 =	vld [tilespmem:s25+$0x20];
	[tilespmem:v0+s21+$0x80 ss:$0x1] =	vst.idx.msk $0xffff, v9  }
0x2c1: {  	v9 =	vld [tilespmem:s0+$0x10]  }
0x2c2: {  	s30 =	spop (v2sf);
	[tilespmem:v0+s15+$0x5F0 ss:$0x1] =	vst.idx.msk $0xffff, v12  }
0x2c3: {  	v12 =	vld [tilespmem:s30+$0x0];
	[tilespmem:v0+s19+$0x1E0 ss:$0x1] =	vst.idx.msk $0xffff, v10  }
0x2c4: {  	v10 =	vld [tilespmem:s23+$0x70];
	[tilespmem:v0+s17+$0x340 ss:$0x1] =	vst.idx.msk $0xffff, v11  }
0x2c5: {  	v11 =	vld [tilespmem:s28+$0x50];
	[tilespmem:v0+s16+$0x4A0 ss:$0x1] =	vst.idx.msk $0xffff, v8  }
0x2c6: {  	(v2sf) =	vpush v5, $0xF;
	v47 =	vld [tilespmem:s25+$0x30];
	[tilespmem:v0+s21+$0x90 ss:$0x1] =	vst.idx.msk $0xffff, v9  }
0x2c7: {  	(v2sf) =	vpush v2, $0x7;
	v48 =	vld [tilespmem:s0+$0x20]  }
0x2c8: {  	[tilespmem:v0+s15+$0x600 ss:$0x1] =	vst.idx.msk $0xffff, v12  }
0x2c9: {  	s31 =	spop (v2sf);
	v49 =	vld [tilespmem:s30+$0x10];
	[tilespmem:v0+s19+$0x1F0 ss:$0x1] =	vst.idx.msk $0xffff, v10  }
0x2ca: {  	v10 =	vld [tilespmem:s31+$0x0];
	[tilespmem:v0+s17+$0x350 ss:$0x1] =	vst.idx.msk $0xffff, v11  }
0x2cb: {  	v11 =	vld [tilespmem:s28+$0x60];
	[tilespmem:v0+s16+$0x4B0 ss:$0x1] =	vst.idx.msk $0xffff, v47  }
0x2cc: {  	v5 =	vld [tilespmem:s25+$0x40];
	[tilespmem:v0+s21+$0xA0 ss:$0x1] =	vst.idx.msk $0xffff, v48  }
0x2cd: {  	v8 =	vld [tilespmem:s0+$0x30]  }
0x2ce: {  	[tilespmem:v0+s15+$0x610 ss:$0x1] =	vst.idx.msk $0xffff, v49  }
0x2cf: {  	v9 =	vld [tilespmem:s30+$0x20];
	[tilespmem:v0+s19+$0x200 ss:$0x1] =	vst.idx.msk $0xffff, v10  }
0x2d0: {  	v10 =	vld [tilespmem:s31+$0x10];
	[tilespmem:v0+s17+$0x360 ss:$0x1] =	vst.idx.msk $0xffff, v11  }
0x2d1: {  	v11 =	vld [tilespmem:s28+$0x70];
	[tilespmem:v0+s16+$0x4C0 ss:$0x1] =	vst.idx.msk $0xffff, v5  }
0x2d2: {  	v5 =	vld [tilespmem:s25+$0x50];
	[tilespmem:v0+s21+$0xB0 ss:$0x1] =	vst.idx.msk $0xffff, v8  }
0x2d3: {  	v8 =	vld [tilespmem:s0+$0x40]  }
0x2d4: {  	(v2sf) =	vpush v1, $0xA;
	[tilespmem:v0+s15+$0x620 ss:$0x1] =	vst.idx.msk $0xffff, v9  }
0x2d5: {  	s23 =	spop (v2sf);
	v9 =	vld [tilespmem:s30+$0x30];
	[tilespmem:v0+s19+$0x210 ss:$0x1] =	vst.idx.msk $0xffff, v10  }
0x2d6: {  	s1 =	spop (v2sf);
	v10 =	vld [tilespmem:s31+$0x20];
	[tilespmem:v0+s17+$0x370 ss:$0x1] =	vst.idx.msk $0xffff, v11  }
0x2d7: {  	v11 =	vld [tilespmem:s1+$0x0];
	[tilespmem:v0+s16+$0x4D0 ss:$0x1] =	vst.idx.msk $0xffff, v5  }
0x2d8: {  	v5 =	vld [tilespmem:s25+$0x60];
	[tilespmem:v0+s21+$0xC0 ss:$0x1] =	vst.idx.msk $0xffff, v8  }
0x2d9: {  	v8 =	vld [tilespmem:s0+$0x50]  }
0x2da: {  	[tilespmem:v0+s15+$0x630 ss:$0x1] =	vst.idx.msk $0xffff, v9  }
0x2db: {  	(v2sf) =	vpush v6, $0x2;
	v9 =	vld [tilespmem:s30+$0x40];
	[tilespmem:v0+s19+$0x220 ss:$0x1] =	vst.idx.msk $0xffff, v10  }
0x2dc: {  	v10 =	vld [tilespmem:s31+$0x30];
	[tilespmem:v0+s17+$0x380 ss:$0x1] =	vst.idx.msk $0xffff, v11  }
0x2dd: {  	v11 =	vld [tilespmem:s1+$0x10];
	[tilespmem:v0+s16+$0x4E0 ss:$0x1] =	vst.idx.msk $0xffff, v5  }
0x2de: {  	v5 =	vld [tilespmem:s25+$0x70];
	[tilespmem:v0+s21+$0xD0 ss:$0x1] =	vst.idx.msk $0xffff, v8  }
0x2df: {  	v8 =	vld [tilespmem:s0+$0x60]  }
0x2e0: {  	[tilespmem:v0+s15+$0x640 ss:$0x1] =	vst.idx.msk $0xffff, v9  }
0x2e1: {  	v9 =	vld [tilespmem:s30+$0x50];
	[tilespmem:v0+s19+$0x230 ss:$0x1] =	vst.idx.msk $0xffff, v10  }
0x2e2: {  	v10 =	vld [tilespmem:s31+$0x40];
	[tilespmem:v0+s17+$0x390 ss:$0x1] =	vst.idx.msk $0xffff, v11  }
0x2e3: {  	(v2sf) =	vpush v3, $0xD;
	s6 =	spop (v2sf);
	v11 =	vld [tilespmem:s1+$0x20];
	[tilespmem:v0+s16+$0x4F0 ss:$0x1] =	vst.idx.msk $0xffff, v5  }
0x2e4: {  	v5 =	vld [tilespmem:s6+$0x0];
	[tilespmem:v0+s21+$0xE0 ss:$0x1] =	vst.idx.msk $0xffff, v8  }
0x2e5: {  	v8 =	vld [tilespmem:s0+$0x70]  }
0x2e6: {  	[tilespmem:v0+s15+$0x650 ss:$0x1] =	vst.idx.msk $0xffff, v9  }
0x2e7: {  	v9 =	vld [tilespmem:s30+$0x60];
	[tilespmem:v0+s19+$0x240 ss:$0x1] =	vst.idx.msk $0xffff, v10  }
0x2e8: {  	v10 =	vld [tilespmem:s31+$0x50];
	[tilespmem:v0+s17+$0x3A0 ss:$0x1] =	vst.idx.msk $0xffff, v11  }
0x2e9: {  	v11 =	vld [tilespmem:s1+$0x30];
	[tilespmem:v0+s16+$0x500 ss:$0x1] =	vst.idx.msk $0xffff, v5  }
0x2ea: {  	(v2sf) =	vpush v4, $0x5;
	s25 =	spop (v2sf);
	v5 =	vld [tilespmem:s6+$0x10];
	[tilespmem:v0+s21+$0xF0 ss:$0x1] =	vst.idx.msk $0xffff, v8  }
0x2eb: {  	v8 =	vld [tilespmem:s25+$0x0]  }
0x2ec: {  	[tilespmem:v0+s15+$0x660 ss:$0x1] =	vst.idx.msk $0xffff, v9  }
0x2ed: {  	v9 =	vld [tilespmem:s30+$0x70];
	[tilespmem:v0+s19+$0x250 ss:$0x1] =	vst.idx.msk $0xffff, v10  }
0x2ee: {  	v10 =	vld [tilespmem:s31+$0x60];
	[tilespmem:v0+s17+$0x3B0 ss:$0x1] =	vst.idx.msk $0xffff, v11  }
0x2ef: {  	v11 =	vld [tilespmem:s1+$0x40];
	[tilespmem:v0+s16+$0x510 ss:$0x1] =	vst.idx.msk $0xffff, v5  }
0x2f0: {  	v5 =	vld [tilespmem:s6+$0x20];
	[tilespmem:v0+s21+$0x100 ss:$0x1] =	vst.idx.msk $0xffff, v8  }
0x2f1: {  	v8 =	vld [tilespmem:s25+$0x10]  }
0x2f2: {  	s26 =	spop (v2sf);
	[tilespmem:v0+s15+$0x670 ss:$0x1] =	vst.idx.msk $0xffff, v9  }
0x2f3: {  	v9 =	vld [tilespmem:s26+$0x0];
	[tilespmem:v0+s19+$0x260 ss:$0x1] =	vst.idx.msk $0xffff, v10  }
0x2f4: {  	v10 =	vld [tilespmem:s31+$0x70];
	[tilespmem:v0+s17+$0x3C0 ss:$0x1] =	vst.idx.msk $0xffff, v11  }
0x2f5: {  	v11 =	vld [tilespmem:s1+$0x50];
	[tilespmem:v0+s16+$0x520 ss:$0x1] =	vst.idx.msk $0xffff, v5  }
0x2f6: {  	v5 =	vld [tilespmem:s6+$0x30];
	[tilespmem:v0+s21+$0x110 ss:$0x1] =	vst.idx.msk $0xffff, v8  }
0x2f7: {  	(v2sf) =	vpush v2, $0x8;
	v8 =	vld [tilespmem:s25+$0x20]  }
0x2f8: {  	[tilespmem:v0+s15+$0x680 ss:$0x1] =	vst.idx.msk $0xffff, v9  }
0x2f9: {  	s30 =	spop (v2sf);
	v9 =	vld [tilespmem:s26+$0x10];
	[tilespmem:v0+s19+$0x270 ss:$0x1] =	vst.idx.msk $0xffff, v10  }
0x2fa: {  	[tilespmem:v0+s17+$0x3D0 ss:$0x1] =	vst.idx.msk $0xffff, v11;
	v10 =	vld [tilespmem:s30+$0x0]  }
0x2fb: {  	[tilespmem:v0+s16+$0x530 ss:$0x1] =	vst.idx.msk $0xffff, v5;
	v50 =	vld [tilespmem:s1+$0x60]  }
0x2fc: {  	v51 =	vld [tilespmem:s6+$0x40];
	[tilespmem:v0+s21+$0x120 ss:$0x1] =	vst.idx.msk $0xffff, v8  }
0x2fd: {  	[tilespmem:v0+s18+$0x6B0 ss:$0x1] =	vst.idx.msk $0xffff, v7;
	v8 =	vld [tilespmem:s25+$0x30]  }
0x2fe: {  	v52 =	vld [tilespmem:s22+$0x40];
	[tilespmem:v0+s15+$0x690 ss:$0x1] =	vst.idx.msk $0xffff, v9  }
0x2ff: {  	v9 =	vld [tilespmem:s26+$0x20];
	[tilespmem:v0+s19+$0x280 ss:$0x1] =	vst.idx.msk $0xffff, v10  }
0x300: {  	v10 =	vld [tilespmem:s30+$0x10];
	[tilespmem:v0+s17+$0x3E0 ss:$0x1] =	vst.idx.msk $0xffff, v50  }
0x301: {  	v5 =	vld [tilespmem:s1+$0x70];
	[tilespmem:v0+s16+$0x540 ss:$0x1] =	vst.idx.msk $0xffff, v51  }
0x302: {  	v7 =	vld [tilespmem:s6+$0x50];
	[tilespmem:v0+s21+$0x130 ss:$0x1] =	vst.idx.msk $0xffff, v8  }
0x303: {  	[tilespmem:v0+s18+$0x6C0 ss:$0x1] =	vst.idx.msk $0xffff, v52;
	v8 =	vld [tilespmem:s25+$0x40]  }
0x304: {  	(v2sf) =	vpush v1, $0xB;
	v11 =	vld [tilespmem:s22+$0x50];
	[tilespmem:v0+s15+$0x6A0 ss:$0x1] =	vst.idx.msk $0xffff, v9  }
0x305: {  	v9 =	vld [tilespmem:s26+$0x30];
	[tilespmem:v0+s19+$0x290 ss:$0x1] =	vst.idx.msk $0xffff, v10  }
0x306: {  	s31 =	spop (v2sf);
	v10 =	vld [tilespmem:s30+$0x20];
	[tilespmem:v0+s17+$0x3F0 ss:$0x1] =	vst.idx.msk $0xffff, v5  }
0x307: {  	v5 =	vld [tilespmem:s31+$0x0];
	[tilespmem:v0+s16+$0x550 ss:$0x1] =	vst.idx.msk $0xffff, v7  }
0x308: {  	v7 =	vld [tilespmem:s6+$0x60];
	[tilespmem:v0+s21+$0x140 ss:$0x1] =	vst.idx.msk $0xffff, v8  }
0x309: {  	[tilespmem:v0+s18+$0x6D0 ss:$0x1] =	vst.idx.msk $0xffff, v11;
	v8 =	vld [tilespmem:s25+$0x50]  }
0x30a: {  	v11 =	vld [tilespmem:s22+$0x60];
	[tilespmem:v0+s15+$0x6B0 ss:$0x1] =	vst.idx.msk $0xffff, v9  }
0x30b: {  	(v2sf) =	vpush v6, $0x3;
	v9 =	vld [tilespmem:s26+$0x40];
	[tilespmem:v0+s19+$0x2A0 ss:$0x1] =	vst.idx.msk $0xffff, v10  }
0x30c: {  	v10 =	vld [tilespmem:s30+$0x30];
	[tilespmem:v0+s17+$0x400 ss:$0x1] =	vst.idx.msk $0xffff, v5  }
0x30d: {  	v5 =	vld [tilespmem:s31+$0x10];
	[tilespmem:v0+s16+$0x560 ss:$0x1] =	vst.idx.msk $0xffff, v7  }
0x30e: {  	v7 =	vld [tilespmem:s6+$0x70];
	[tilespmem:v0+s21+$0x150 ss:$0x1] =	vst.idx.msk $0xffff, v8  }
0x30f: {  	[tilespmem:v0+s18+$0x6E0 ss:$0x1] =	vst.idx.msk $0xffff, v11;
	v8 =	vld [tilespmem:s25+$0x60]  }
0x310: {  	v11 =	vld [tilespmem:s22+$0x70];
	[tilespmem:v0+s15+$0x6C0 ss:$0x1] =	vst.idx.msk $0xffff, v9  }
0x311: {  	v9 =	vld [tilespmem:s26+$0x50];
	[tilespmem:v0+s19+$0x2B0 ss:$0x1] =	vst.idx.msk $0xffff, v10  }
0x312: {  	v10 =	vld [tilespmem:s30+$0x40];
	[tilespmem:v0+s17+$0x410 ss:$0x1] =	vst.idx.msk $0xffff, v5  }
0x313: {  	(v2sf) =	vpush v3, $0xE;
	s6 =	spop (v2sf);
	v5 =	vld [tilespmem:s31+$0x20];
	[tilespmem:v0+s16+$0x570 ss:$0x1] =	vst.idx.msk $0xffff, v7  }
0x314: {  	v7 =	vld [tilespmem:s6+$0x0];
	[tilespmem:v0+s21+$0x160 ss:$0x1] =	vst.idx.msk $0xffff, v8  }
0x315: {  	[tilespmem:v0+s18+$0x6F0 ss:$0x1] =	vst.idx.msk $0xffff, v11;
	v8 =	vld [tilespmem:s25+$0x70]  }
0x316: {  	v11 =	vld [tilespmem:s24+$0x0];
	[tilespmem:v0+s15+$0x6D0 ss:$0x1] =	vst.idx.msk $0xffff, v9  }
0x317: {  	v9 =	vld [tilespmem:s26+$0x60];
	[tilespmem:v0+s19+$0x2C0 ss:$0x1] =	vst.idx.msk $0xffff, v10  }
0x318: {  	v10 =	vld [tilespmem:s30+$0x50];
	[tilespmem:v0+s17+$0x420 ss:$0x1] =	vst.idx.msk $0xffff, v5  }
0x319: {  	v5 =	vld [tilespmem:s31+$0x30];
	[tilespmem:v0+s16+$0x580 ss:$0x1] =	vst.idx.msk $0xffff, v7  }
0x31a: {  	(v2sf) =	vpush v4, $0x6;
	s22 =	spop (v2sf);
	v7 =	vld [tilespmem:s6+$0x10];
	[tilespmem:v0+s21+$0x170 ss:$0x1] =	vst.idx.msk $0xffff, v8  }
0x31b: {  	[tilespmem:v0+s18+$0x700 ss:$0x1] =	vst.idx.msk $0xffff, v11;
	v8 =	vld [tilespmem:s22+$0x0]  }
0x31c: {  	v11 =	vld [tilespmem:s24+$0x10];
	[tilespmem:v0+s15+$0x6E0 ss:$0x1] =	vst.idx.msk $0xffff, v9  }
0x31d: {  	v9 =	vld [tilespmem:s26+$0x70];
	[tilespmem:v0+s19+$0x2D0 ss:$0x1] =	vst.idx.msk $0xffff, v10  }
0x31e: {  	v10 =	vld [tilespmem:s30+$0x60];
	[tilespmem:v0+s17+$0x430 ss:$0x1] =	vst.idx.msk $0xffff, v5  }
0x31f: {  	v5 =	vld [tilespmem:s31+$0x40];
	[tilespmem:v0+s16+$0x590 ss:$0x1] =	vst.idx.msk $0xffff, v7  }
0x320: {  	v7 =	vld [tilespmem:s6+$0x20];
	[tilespmem:v0+s21+$0x180 ss:$0x1] =	vst.idx.msk $0xffff, v8  }
0x321: {  	[tilespmem:v0+s18+$0x710 ss:$0x1] =	vst.idx.msk $0xffff, v11;
	v8 =	vld [tilespmem:s22+$0x10]  }
0x322: {  	s28 =	spop (v2sf);
	v11 =	vld [tilespmem:s24+$0x20];
	[tilespmem:v0+s15+$0x6F0 ss:$0x1] =	vst.idx.msk $0xffff, v9  }
0x323: {  	v9 =	vld [tilespmem:s28+$0x0];
	[tilespmem:v0+s19+$0x2E0 ss:$0x1] =	vst.idx.msk $0xffff, v10  }
0x324: {  	v10 =	vld [tilespmem:s30+$0x70];
	[tilespmem:v0+s17+$0x440 ss:$0x1] =	vst.idx.msk $0xffff, v5  }
0x325: {  	v5 =	vld [tilespmem:s31+$0x50];
	[tilespmem:v0+s16+$0x5A0 ss:$0x1] =	vst.idx.msk $0xffff, v7  }
0x326: {  	v7 =	vld [tilespmem:s6+$0x30];
	[tilespmem:v0+s21+$0x190 ss:$0x1] =	vst.idx.msk $0xffff, v8  }
0x327: {  	(v2sf) =	vpush v2, $0x9;
	[tilespmem:v0+s18+$0x720 ss:$0x1] =	vst.idx.msk $0xffff, v11;
	v8 =	vld [tilespmem:s22+$0x20]  }
0x328: {  	v11 =	vld [tilespmem:s24+$0x30];
	[tilespmem:v0+s15+$0x700 ss:$0x1] =	vst.idx.msk $0xffff, v9  }
0x329: {  	s29 =	spop (v2sf);
	v9 =	vld [tilespmem:s28+$0x10];
	[tilespmem:v0+s19+$0x2F0 ss:$0x1] =	vst.idx.msk $0xffff, v10  }
0x32a: {  	v10 =	vld [tilespmem:s29+$0x0];
	[tilespmem:v0+s17+$0x450 ss:$0x1] =	vst.idx.msk $0xffff, v5  }
0x32b: {  	v5 =	vld [tilespmem:s31+$0x60];
	[tilespmem:v0+s16+$0x5B0 ss:$0x1] =	vst.idx.msk $0xffff, v7  }
0x32c: {  	v7 =	vld [tilespmem:s6+$0x40];
	[tilespmem:v0+s21+$0x1A0 ss:$0x1] =	vst.idx.msk $0xffff, v8  }
0x32d: {  	[tilespmem:v0+s18+$0x730 ss:$0x1] =	vst.idx.msk $0xffff, v11;
	v8 =	vld [tilespmem:s22+$0x30]  }
0x32e: {  	v11 =	vld [tilespmem:s24+$0x40];
	[tilespmem:v0+s15+$0x710 ss:$0x1] =	vst.idx.msk $0xffff, v9  }
0x32f: {  	v9 =	vld [tilespmem:s28+$0x20];
	[tilespmem:v0+s19+$0x300 ss:$0x1] =	vst.idx.msk $0xffff, v10  }
0x330: {  	v10 =	vld [tilespmem:s29+$0x10];
	[tilespmem:v0+s17+$0x460 ss:$0x1] =	vst.idx.msk $0xffff, v5  }
0x331: {  	v5 =	vld [tilespmem:s31+$0x70];
	[tilespmem:v0+s16+$0x5C0 ss:$0x1] =	vst.idx.msk $0xffff, v7  }
0x332: {  	v7 =	vld [tilespmem:s6+$0x50];
	[tilespmem:v0+s21+$0x1B0 ss:$0x1] =	vst.idx.msk $0xffff, v8  }
0x333: {  	[tilespmem:v0+s18+$0x740 ss:$0x1] =	vst.idx.msk $0xffff, v11;
	v8 =	vld [tilespmem:s22+$0x40]  }
0x334: {  	(v2sf) =	vpush v1, $0xC;
	v11 =	vld [tilespmem:s24+$0x50];
	[tilespmem:v0+s15+$0x720 ss:$0x1] =	vst.idx.msk $0xffff, v9  }
0x335: {  	v9 =	vld [tilespmem:s28+$0x30];
	[tilespmem:v0+s19+$0x310 ss:$0x1] =	vst.idx.msk $0xffff, v10  }
0x336: {  	s30 =	spop (v2sf);
	v10 =	vld [tilespmem:s29+$0x20];
	[tilespmem:v0+s17+$0x470 ss:$0x1] =	vst.idx.msk $0xffff, v5  }
0x337: {  	v5 =	vld [tilespmem:s30+$0x0];
	[tilespmem:v0+s16+$0x5D0 ss:$0x1] =	vst.idx.msk $0xffff, v7  }
0x338: {  	v7 =	vld [tilespmem:s6+$0x60];
	[tilespmem:v0+s21+$0x1C0 ss:$0x1] =	vst.idx.msk $0xffff, v8  }
0x339: {  	[tilespmem:v0+s18+$0x750 ss:$0x1] =	vst.idx.msk $0xffff, v11;
	v8 =	vld [tilespmem:s22+$0x50]  }
0x33a: {  	v11 =	vld [tilespmem:s24+$0x60];
	[tilespmem:v0+s15+$0x730 ss:$0x1] =	vst.idx.msk $0xffff, v9  }
0x33b: {  	(v2sf) =	vpush v6, $0x4;
	v9 =	vld [tilespmem:s28+$0x40];
	[tilespmem:v0+s19+$0x320 ss:$0x1] =	vst.idx.msk $0xffff, v10  }
0x33c: {  	v10 =	vld [tilespmem:s29+$0x30];
	[tilespmem:v0+s17+$0x480 ss:$0x1] =	vst.idx.msk $0xffff, v5  }
0x33d: {  	v5 =	vld [tilespmem:s30+$0x10];
	[tilespmem:v0+s16+$0x5E0 ss:$0x1] =	vst.idx.msk $0xffff, v7  }
0x33e: {  	v7 =	vld [tilespmem:s6+$0x70];
	[tilespmem:v0+s21+$0x1D0 ss:$0x1] =	vst.idx.msk $0xffff, v8  }
0x33f: {  	[tilespmem:v0+s18+$0x760 ss:$0x1] =	vst.idx.msk $0xffff, v11;
	v8 =	vld [tilespmem:s22+$0x60]  }
0x340: {  	v11 =	vld [tilespmem:s24+$0x70];
	[tilespmem:v0+s15+$0x740 ss:$0x1] =	vst.idx.msk $0xffff, v9  }
0x341: {  	v9 =	vld [tilespmem:s28+$0x50];
	[tilespmem:v0+s19+$0x330 ss:$0x1] =	vst.idx.msk $0xffff, v10  }
0x342: {  	v10 =	vld [tilespmem:s29+$0x40];
	[tilespmem:v0+s17+$0x490 ss:$0x1] =	vst.idx.msk $0xffff, v5  }
0x343: {  	(v2sf) =	vpush v3, $0xF;
	s31 =	spop (v2sf);
	v53 =	vld [tilespmem:s30+$0x20];
	[tilespmem:v0+s16+$0x5F0 ss:$0x1] =	vst.idx.msk $0xffff, v7  }
0x344: {  	v54 =	vld [tilespmem:s31+$0x0];
	[tilespmem:v0+s21+$0x1E0 ss:$0x1] =	vst.idx.msk $0xffff, v8  }
0x345: {  	[tilespmem:v0+s18+$0x770 ss:$0x1] =	vst.idx.msk $0xffff, v11;
	v8 =	vld [tilespmem:s22+$0x70]  }
0x346: {  	v55 =	vld [tilespmem:s23+$0x0];
	[tilespmem:v0+s15+$0x750 ss:$0x1] =	vst.idx.msk $0xffff, v9  }
0x347: {  	v9 =	vld [tilespmem:s28+$0x60];
	[tilespmem:v0+s19+$0x340 ss:$0x1] =	vst.idx.msk $0xffff, v10  }
0x348: {  	v10 =	vld [tilespmem:s29+$0x50];
	[tilespmem:v0+s17+$0x4A0 ss:$0x1] =	vst.idx.msk $0xffff, v53  }
0x349: {  	v3 =	vld [tilespmem:s30+$0x30];
	[tilespmem:v0+s16+$0x600 ss:$0x1] =	vst.idx.msk $0xffff, v54  }
0x34a: {  	(v2sf) =	vpush v4, $0x7;
	s6 =	spop (v2sf);
	v5 =	vld [tilespmem:s31+$0x10];
	[tilespmem:v0+s21+$0x1F0 ss:$0x1] =	vst.idx.msk $0xffff, v8  }
0x34b: {  	[tilespmem:v0+s18+$0x780 ss:$0x1] =	vst.idx.msk $0xffff, v55;
	v8 =	vld [tilespmem:s6+$0x0]  }
0x34c: {  	v7 =	vld [tilespmem:s23+$0x10];
	[tilespmem:v0+s15+$0x760 ss:$0x1] =	vst.idx.msk $0xffff, v9  }
0x34d: {  	v9 =	vld [tilespmem:s28+$0x70];
	[tilespmem:v0+s19+$0x350 ss:$0x1] =	vst.idx.msk $0xffff, v10  }
0x34e: {  	v10 =	vld [tilespmem:s29+$0x60];
	[tilespmem:v0+s17+$0x4B0 ss:$0x1] =	vst.idx.msk $0xffff, v3  }
0x34f: {  	v3 =	vld [tilespmem:s30+$0x40];
	[tilespmem:v0+s16+$0x610 ss:$0x1] =	vst.idx.msk $0xffff, v5  }
0x350: {  	v5 =	vld [tilespmem:s31+$0x20];
	[tilespmem:v0+s21+$0x200 ss:$0x1] =	vst.idx.msk $0xffff, v8  }
0x351: {  	[tilespmem:v0+s18+$0x790 ss:$0x1] =	vst.idx.msk $0xffff, v7;
	v8 =	vld [tilespmem:s6+$0x10]  }
0x352: {  	s22 =	spop (v2sf);
	v7 =	vld [tilespmem:s23+$0x20];
	[tilespmem:v0+s15+$0x770 ss:$0x1] =	vst.idx.msk $0xffff, v9  }
0x353: {  	v9 =	vld [tilespmem:s22+$0x0];
	[tilespmem:v0+s19+$0x360 ss:$0x1] =	vst.idx.msk $0xffff, v10  }
0x354: {  	v10 =	vld [tilespmem:s29+$0x70];
	[tilespmem:v0+s17+$0x4C0 ss:$0x1] =	vst.idx.msk $0xffff, v3  }
0x355: {  	v3 =	vld [tilespmem:s30+$0x50];
	[tilespmem:v0+s16+$0x620 ss:$0x1] =	vst.idx.msk $0xffff, v5  }
0x356: {  	v5 =	vld [tilespmem:s31+$0x30];
	[tilespmem:v0+s21+$0x210 ss:$0x1] =	vst.idx.msk $0xffff, v8  }
0x357: {  	(v2sf) =	vpush v2, $0xA;
	[tilespmem:v0+s18+$0x7A0 ss:$0x1] =	vst.idx.msk $0xffff, v7;
	v8 =	vld [tilespmem:s6+$0x20]  }
0x358: {  	v7 =	vld [tilespmem:s23+$0x30];
	[tilespmem:v0+s15+$0x780 ss:$0x1] =	vst.idx.msk $0xffff, v9  }
0x359: {  	s26 =	spop (v2sf);
	v9 =	vld [tilespmem:s22+$0x10];
	[tilespmem:v0+s19+$0x370 ss:$0x1] =	vst.idx.msk $0xffff, v10  }
0x35a: {  	v10 =	vld [tilespmem:s26+$0x0];
	[tilespmem:v0+s17+$0x4D0 ss:$0x1] =	vst.idx.msk $0xffff, v3  }
0x35b: {  	v3 =	vld [tilespmem:s30+$0x60];
	[tilespmem:v0+s16+$0x630 ss:$0x1] =	vst.idx.msk $0xffff, v5  }
0x35c: {  	v5 =	vld [tilespmem:s31+$0x40];
	[tilespmem:v0+s21+$0x220 ss:$0x1] =	vst.idx.msk $0xffff, v8  }
0x35d: {  	[tilespmem:v0+s18+$0x7B0 ss:$0x1] =	vst.idx.msk $0xffff, v7;
	v8 =	vld [tilespmem:s6+$0x30]  }
0x35e: {  	v7 =	vld [tilespmem:s23+$0x40];
	[tilespmem:v0+s15+$0x790 ss:$0x1] =	vst.idx.msk $0xffff, v9  }
0x35f: {  	v9 =	vld [tilespmem:s22+$0x20];
	[tilespmem:v0+s19+$0x380 ss:$0x1] =	vst.idx.msk $0xffff, v10  }
0x360: {  	v10 =	vld [tilespmem:s26+$0x10];
	[tilespmem:v0+s17+$0x4E0 ss:$0x1] =	vst.idx.msk $0xffff, v3  }
0x361: {  	v3 =	vld [tilespmem:s30+$0x70];
	[tilespmem:v0+s16+$0x640 ss:$0x1] =	vst.idx.msk $0xffff, v5  }
0x362: {  	v5 =	vld [tilespmem:s31+$0x50];
	[tilespmem:v0+s21+$0x230 ss:$0x1] =	vst.idx.msk $0xffff, v8  }
0x363: {  	[tilespmem:v0+s18+$0x7C0 ss:$0x1] =	vst.idx.msk $0xffff, v7;
	v8 =	vld [tilespmem:s6+$0x40]  }
0x364: {  	(v2sf) =	vpush v1, $0xD;
	v7 =	vld [tilespmem:s23+$0x50];
	[tilespmem:v0+s15+$0x7A0 ss:$0x1] =	vst.idx.msk $0xffff, v9  }
0x365: {  	v9 =	vld [tilespmem:s22+$0x30];
	[tilespmem:v0+s19+$0x390 ss:$0x1] =	vst.idx.msk $0xffff, v10  }
0x366: {  	s30 =	spop (v2sf);
	v10 =	vld [tilespmem:s26+$0x20];
	[tilespmem:v0+s17+$0x4F0 ss:$0x1] =	vst.idx.msk $0xffff, v3  }
0x367: {  	v3 =	vld [tilespmem:s30+$0x0];
	[tilespmem:v0+s16+$0x650 ss:$0x1] =	vst.idx.msk $0xffff, v5  }
0x368: {  	v5 =	vld [tilespmem:s31+$0x60];
	[tilespmem:v0+s21+$0x240 ss:$0x1] =	vst.idx.msk $0xffff, v8  }
0x369: {  	[tilespmem:v0+s18+$0x7D0 ss:$0x1] =	vst.idx.msk $0xffff, v7;
	v8 =	vld [tilespmem:s6+$0x50]  }
0x36a: {  	v7 =	vld [tilespmem:s23+$0x60];
	[tilespmem:v0+s15+$0x7B0 ss:$0x1] =	vst.idx.msk $0xffff, v9  }
0x36b: {  	(v2sf) =	vpush v6, $0x5;
	v9 =	vld [tilespmem:s22+$0x40];
	[tilespmem:v0+s19+$0x3A0 ss:$0x1] =	vst.idx.msk $0xffff, v10  }
0x36c: {  	v10 =	vld [tilespmem:s26+$0x30];
	[tilespmem:v0+s17+$0x500 ss:$0x1] =	vst.idx.msk $0xffff, v3  }
0x36d: {  	v3 =	vld [tilespmem:s30+$0x10];
	[tilespmem:v0+s16+$0x660 ss:$0x1] =	vst.idx.msk $0xffff, v5  }
0x36e: {  	v5 =	vld [tilespmem:s31+$0x70];
	[tilespmem:v0+s21+$0x250 ss:$0x1] =	vst.idx.msk $0xffff, v8  }
0x36f: {  	[tilespmem:v0+s18+$0x7E0 ss:$0x1] =	vst.idx.msk $0xffff, v7;
	v8 =	vld [tilespmem:s6+$0x60]  }
0x370: {  	v7 =	vld [tilespmem:s23+$0x70];
	[tilespmem:v0+s15+$0x7C0 ss:$0x1] =	vst.idx.msk $0xffff, v9  }
0x371: {  	v9 =	vld [tilespmem:s22+$0x50];
	[tilespmem:v0+s19+$0x3B0 ss:$0x1] =	vst.idx.msk $0xffff, v10  }
0x372: {  	v10 =	vld [tilespmem:s26+$0x40];
	[tilespmem:v0+s17+$0x510 ss:$0x1] =	vst.idx.msk $0xffff, v3  }
0x373: {  	s24 =	spop (v2sf);
	v56 =	vld [tilespmem:s30+$0x20];
	[tilespmem:v0+s16+$0x670 ss:$0x1] =	vst.idx.msk $0xffff, v5  }
0x374: {  	v5 =	vld [tilespmem:s24+$0x0];
	[tilespmem:v0+s21+$0x260 ss:$0x1] =	vst.idx.msk $0xffff, v8  }
0x375: {  	[tilespmem:v0+s18+$0x7F0 ss:$0x1] =	vst.idx.msk $0xffff, v7;
	v8 =	vld [tilespmem:s6+$0x70]  }
0x376: {  	[tilespmem:v0+s15+$0x7D0 ss:$0x1] =	vst.idx.msk $0xffff, v9  }
0x377: {  	v57 =	vld [tilespmem:s22+$0x60];
	[tilespmem:v0+s19+$0x3C0 ss:$0x1] =	vst.idx.msk $0xffff, v10  }
0x378: {  	v58 =	vld [tilespmem:s26+$0x50];
	[tilespmem:v0+s17+$0x520 ss:$0x1] =	vst.idx.msk $0xffff, v56  }
0x379: {  	v59 =	vld [tilespmem:s30+$0x30];
	[tilespmem:v0+s16+$0x680 ss:$0x1] =	vst.idx.msk $0xffff, v5  }
0x37a: {  	v5 =	vld [tilespmem:s24+$0x10];
	s28 =	spop (v2sf);
	[tilespmem:v0+s21+$0x270 ss:$0x1] =	vst.idx.msk $0xffff, v8  }
0x37b: {  	v8 =	vld [tilespmem:s28+$0x0];
	_ =	sdelay $0x4  }
0x37c: {  	[tilespmem:v0+s21+$0x280 ss:$0x1] =	vst.idx.msk $0xffff, v8  }
0x37d: {  	v8 =	vld [tilespmem:s28+$0x10];
	_ =	sdelay $0x4  }
0x37e: {  	[tilespmem:v0+s21+$0x290 ss:$0x1] =	vst.idx.msk $0xffff, v8  }
0x37f: {  	v8 =	vld [tilespmem:s28+$0x20];
	_ =	sdelay $0x4  }
0x380: {  	[tilespmem:v0+s21+$0x2A0 ss:$0x1] =	vst.idx.msk $0xffff, v8  }
0x381: {  	v8 =	vld [tilespmem:s28+$0x30];
	_ =	sdelay $0x4  }
0x382: {  	[tilespmem:v0+s21+$0x2B0 ss:$0x1] =	vst.idx.msk $0xffff, v8  }
0x383: {  	v8 =	vld [tilespmem:s28+$0x40];
	_ =	sdelay $0x4  }
0x384: {  	(v2sf) =	vpush v4, $0x8;
	[tilespmem:v0+s21+$0x2C0 ss:$0x1] =	vst.idx.msk $0xffff, v8  }
0x385: {  	(v2sf) =	vpush v2, $0xB;
	v8 =	vld [tilespmem:s28+$0x50]  }
0x386: {  	(v2sf) =	vpush v1, $0xE  }
0x387: {  	(v2sf) =	vpush v6, $0x6;
	_ =	sdelay $0x2  }
0x388: {  	[tilespmem:v0+s21+$0x2D0 ss:$0x1] =	vst.idx.msk $0xffff, v8  }
0x389: {  	v8 =	vld [tilespmem:s28+$0x60];
	_ =	sdelay $0x4  }
0x38a: {  	[tilespmem:v0+s21+$0x2E0 ss:$0x1] =	vst.idx.msk $0xffff, v8  }
0x38b: {  	v8 =	vld [tilespmem:s28+$0x70];
	_ =	sdelay $0x1  }
0x38c: {  	s2 =	spop (v2sf)  }
0x38d: {  	s31 =	spop (v2sf)  }
0x38e: {  	s23 =	spop (v2sf)  }
0x38f: {  	s29 =	spop (v2sf);
	[tilespmem:v0+s21+$0x2F0 ss:$0x1] =	vst.idx.msk $0xffff, v8  }
0x390: {  	v8 =	vld [tilespmem:s29+$0x0];
	_ =	sdelay $0x4  }
0x391: {  	[tilespmem:v0+s21+$0x300 ss:$0x1] =	vst.idx.msk $0xffff, v8  }
0x392: {  	v8 =	vld [tilespmem:s29+$0x10];
	_ =	sdelay $0x4  }
0x393: {  	[tilespmem:v0+s21+$0x310 ss:$0x1] =	vst.idx.msk $0xffff, v8  }
0x394: {  	v8 =	vld [tilespmem:s29+$0x20];
	_ =	sdelay $0x4  }
0x395: {  	[tilespmem:v0+s21+$0x320 ss:$0x1] =	vst.idx.msk $0xffff, v8  }
0x396: {  	v8 =	vld [tilespmem:s29+$0x30];
	_ =	sdelay $0x4  }
0x397: {  	[tilespmem:v0+s21+$0x330 ss:$0x1] =	vst.idx.msk $0xffff, v8  }
0x398: {  	v8 =	vld [tilespmem:s29+$0x40];
	_ =	sdelay $0x4  }
0x399: {  	(v2sf) =	vpush v4, $0x9;
	[tilespmem:v0+s21+$0x340 ss:$0x1] =	vst.idx.msk $0xffff, v8  }
0x39a: {  	(v2sf) =	vpush v2, $0xC;
	v8 =	vld [tilespmem:s29+$0x50]  }
0x39b: {  	(v2sf) =	vpush v1, $0xF  }
0x39c: {  	(v2sf) =	vpush v6, $0x7;
	_ =	sdelay $0x2  }
0x39d: {  	[tilespmem:v0+s21+$0x350 ss:$0x1] =	vst.idx.msk $0xffff, v8  }
0x39e: {  	v60 =	vld [tilespmem:s29+$0x60];
	_ =	sdelay $0x4  }
0x39f: {  	[tilespmem:v0+s21+$0x360 ss:$0x1] =	vst.idx.msk $0xffff, v60  }
0x3a0: {  	v1 =	vld [tilespmem:s29+$0x70];
	_ =	sdelay $0x1  }
0x3a1: {  	s1 =	spop (v2sf)  }
0x3a2: {  	s29 =	spop (v2sf)  }
0x3a3: {  	s18 =	spop (v2sf)  }
0x3a4: {  	s6 =	spop (v2sf);
	[tilespmem:v0+s21+$0x370 ss:$0x1] =	vst.idx.msk $0xffff, v1  }
0x3a5: {  	v1 =	vld [tilespmem:s6+$0x0];
	_ =	sdelay $0x4  }
0x3a6: {  	[tilespmem:v0+s21+$0x380 ss:$0x1] =	vst.idx.msk $0xffff, v1  }
0x3a7: {  	v1 =	vld [tilespmem:s6+$0x10];
	_ =	sdelay $0x4  }
0x3a8: {  	[tilespmem:v0+s21+$0x390 ss:$0x1] =	vst.idx.msk $0xffff, v1  }
0x3a9: {  	v1 =	vld [tilespmem:s6+$0x20];
	_ =	sdelay $0x4  }
0x3aa: {  	[tilespmem:v0+s21+$0x3A0 ss:$0x1] =	vst.idx.msk $0xffff, v1  }
0x3ab: {  	v1 =	vld [tilespmem:s6+$0x30];
	_ =	sdelay $0x4  }
0x3ac: {  	[tilespmem:v0+s21+$0x3B0 ss:$0x1] =	vst.idx.msk $0xffff, v1  }
0x3ad: {  	v1 =	vld [tilespmem:s6+$0x40];
	_ =	sdelay $0x4  }
0x3ae: {  	[tilespmem:v0+s21+$0x3C0 ss:$0x1] =	vst.idx.msk $0xffff, v1  }
0x3af: {  	(v2sf) =	vpush v4, $0xA;
	v1 =	vld [tilespmem:s6+$0x50]  }
0x3b0: {  	(v2sf) =	vpush v2, $0xD  }
0x3b1: {  	(v2sf) =	vpush v6, $0x8;
	_ =	sdelay $0x1  }
0x3b2: {  	[tilespmem:v0+s19+$0x3D0 ss:$0x1] =	vst.idx.msk $0xffff, v58  }
0x3b3: {  	v61 =	vld [tilespmem:s26+$0x60];
	[tilespmem:v0+s21+$0x3D0 ss:$0x1] =	vst.idx.msk $0xffff, v1  }
0x3b4: {  	v1 =	vld [tilespmem:s6+$0x60];
	_ =	sdelay $0x3  }
0x3b5: {  	[tilespmem:v0+s19+$0x3E0 ss:$0x1] =	vst.idx.msk $0xffff, v61  }
0x3b6: {  	v8 =	vld [tilespmem:s26+$0x70];
	[tilespmem:v0+s21+$0x3E0 ss:$0x1] =	vst.idx.msk $0xffff, v1  }
0x3b7: {  	v1 =	vld [tilespmem:s6+$0x70];
	_ =	sdelay $0x2  }
0x3b8: {  	s0 =	spop (v2sf)  }
0x3b9: {  	[tilespmem:v0+s19+$0x3F0 ss:$0x1] =	vst.idx.msk $0xffff, v8;
	s28 =	spop (v2sf)  }
0x3ba: {  	v8 =	vld [tilespmem:s2+$0x0];
	s26 =	spop (v2sf);
	[tilespmem:v0+s21+$0x3F0 ss:$0x1] =	vst.idx.msk $0xffff, v1  }
0x3bb: {  	v1 =	vld [tilespmem:s26+$0x0];
	_ =	sdelay $0x3  }
0x3bc: {  	[tilespmem:v0+s19+$0x400 ss:$0x1] =	vst.idx.msk $0xffff, v8  }
0x3bd: {  	v8 =	vld [tilespmem:s2+$0x10];
	[tilespmem:v0+s21+$0x400 ss:$0x1] =	vst.idx.msk $0xffff, v1  }
0x3be: {  	v1 =	vld [tilespmem:s26+$0x10];
	_ =	sdelay $0x3  }
0x3bf: {  	[tilespmem:v0+s19+$0x410 ss:$0x1] =	vst.idx.msk $0xffff, v8  }
0x3c0: {  	v8 =	vld [tilespmem:s2+$0x20];
	[tilespmem:v0+s21+$0x410 ss:$0x1] =	vst.idx.msk $0xffff, v1  }
0x3c1: {  	v1 =	vld [tilespmem:s26+$0x20];
	_ =	sdelay $0x3  }
0x3c2: {  	[tilespmem:v0+s19+$0x420 ss:$0x1] =	vst.idx.msk $0xffff, v8  }
0x3c3: {  	v8 =	vld [tilespmem:s2+$0x30];
	[tilespmem:v0+s21+$0x420 ss:$0x1] =	vst.idx.msk $0xffff, v1  }
0x3c4: {  	v1 =	vld [tilespmem:s26+$0x30];
	_ =	sdelay $0x3  }
0x3c5: {  	[tilespmem:v0+s19+$0x430 ss:$0x1] =	vst.idx.msk $0xffff, v8  }
0x3c6: {  	v8 =	vld [tilespmem:s2+$0x40];
	[tilespmem:v0+s21+$0x430 ss:$0x1] =	vst.idx.msk $0xffff, v1  }
0x3c7: {  	v1 =	vld [tilespmem:s26+$0x40];
	_ =	sdelay $0x3  }
0x3c8: {  	[tilespmem:v0+s19+$0x440 ss:$0x1] =	vst.idx.msk $0xffff, v8  }
0x3c9: {  	v8 =	vld [tilespmem:s2+$0x50];
	[tilespmem:v0+s21+$0x440 ss:$0x1] =	vst.idx.msk $0xffff, v1  }
0x3ca: {  	(v2sf) =	vpush v4, $0xB;
	v1 =	vld [tilespmem:s26+$0x50]  }
0x3cb: {  	(v2sf) =	vpush v2, $0xE  }
0x3cc: {  	(v2sf) =	vpush v6, $0x9;
	_ =	sdelay $0x1  }
0x3cd: {  	[tilespmem:v0+s19+$0x450 ss:$0x1] =	vst.idx.msk $0xffff, v8  }
0x3ce: {  	v8 =	vld [tilespmem:s2+$0x60];
	[tilespmem:v0+s21+$0x450 ss:$0x1] =	vst.idx.msk $0xffff, v1  }
0x3cf: {  	v1 =	vld [tilespmem:s26+$0x60];
	_ =	sdelay $0x3  }
0x3d0: {  	[tilespmem:v0+s19+$0x460 ss:$0x1] =	vst.idx.msk $0xffff, v8  }
0x3d1: {  	v8 =	vld [tilespmem:s2+$0x70];
	[tilespmem:v0+s21+$0x460 ss:$0x1] =	vst.idx.msk $0xffff, v1  }
0x3d2: {  	v1 =	vld [tilespmem:s26+$0x70];
	_ =	sdelay $0x2  }
0x3d3: {  	s2 =	spop (v2sf)  }
0x3d4: {  	[tilespmem:v0+s19+$0x470 ss:$0x1] =	vst.idx.msk $0xffff, v8;
	s26 =	spop (v2sf)  }
0x3d5: {  	v8 =	vld [tilespmem:s1+$0x0];
	s6 =	spop (v2sf);
	[tilespmem:v0+s21+$0x470 ss:$0x1] =	vst.idx.msk $0xffff, v1  }
0x3d6: {  	v1 =	vld [tilespmem:s6+$0x0];
	_ =	sdelay $0x3  }
0x3d7: {  	[tilespmem:v0+s19+$0x480 ss:$0x1] =	vst.idx.msk $0xffff, v8  }
0x3d8: {  	v8 =	vld [tilespmem:s1+$0x10];
	[tilespmem:v0+s21+$0x480 ss:$0x1] =	vst.idx.msk $0xffff, v1  }
0x3d9: {  	v1 =	vld [tilespmem:s6+$0x10];
	_ =	sdelay $0x3  }
0x3da: {  	[tilespmem:v0+s19+$0x490 ss:$0x1] =	vst.idx.msk $0xffff, v8  }
0x3db: {  	v8 =	vld [tilespmem:s1+$0x20];
	[tilespmem:v0+s21+$0x490 ss:$0x1] =	vst.idx.msk $0xffff, v1  }
0x3dc: {  	v1 =	vld [tilespmem:s6+$0x20];
	_ =	sdelay $0x3  }
0x3dd: {  	[tilespmem:v0+s19+$0x4A0 ss:$0x1] =	vst.idx.msk $0xffff, v8  }
0x3de: {  	v8 =	vld [tilespmem:s1+$0x30];
	[tilespmem:v0+s21+$0x4A0 ss:$0x1] =	vst.idx.msk $0xffff, v1  }
0x3df: {  	v1 =	vld [tilespmem:s6+$0x30];
	_ =	sdelay $0x3  }
0x3e0: {  	[tilespmem:v0+s19+$0x4B0 ss:$0x1] =	vst.idx.msk $0xffff, v8  }
0x3e1: {  	v8 =	vld [tilespmem:s1+$0x40];
	[tilespmem:v0+s21+$0x4B0 ss:$0x1] =	vst.idx.msk $0xffff, v1  }
0x3e2: {  	v1 =	vld [tilespmem:s6+$0x40];
	_ =	sdelay $0x3  }
0x3e3: {  	[tilespmem:v0+s19+$0x4C0 ss:$0x1] =	vst.idx.msk $0xffff, v8  }
0x3e4: {  	v8 =	vld [tilespmem:s1+$0x50];
	[tilespmem:v0+s21+$0x4C0 ss:$0x1] =	vst.idx.msk $0xffff, v1  }
0x3e5: {  	(v2sf) =	vpush v4, $0xC;
	v1 =	vld [tilespmem:s6+$0x50]  }
0x3e6: {  	(v2sf) =	vpush v2, $0xF  }
0x3e7: {  	(v2sf) =	vpush v6, $0xA;
	_ =	sdelay $0x1  }
0x3e8: {  	[tilespmem:v0+s19+$0x4D0 ss:$0x1] =	vst.idx.msk $0xffff, v8  }
0x3e9: {  	v62 =	vld [tilespmem:s1+$0x60];
	[tilespmem:v0+s21+$0x4D0 ss:$0x1] =	vst.idx.msk $0xffff, v1  }
0x3ea: {  	v1 =	vld [tilespmem:s6+$0x60];
	_ =	sdelay $0x3  }
0x3eb: {  	[tilespmem:v0+s19+$0x4E0 ss:$0x1] =	vst.idx.msk $0xffff, v62  }
0x3ec: {  	v2 =	vld [tilespmem:s1+$0x70];
	[tilespmem:v0+s21+$0x4E0 ss:$0x1] =	vst.idx.msk $0xffff, v1  }
0x3ed: {  	v1 =	vld [tilespmem:s6+$0x70];
	_ =	sdelay $0x2  }
0x3ee: {  	s1 =	spop (v2sf)  }
0x3ef: {  	[tilespmem:v0+s19+$0x4F0 ss:$0x1] =	vst.idx.msk $0xffff, v2;
	s25 =	spop (v2sf)  }
0x3f0: {  	v2 =	vld [tilespmem:s0+$0x0];
	s6 =	spop (v2sf);
	[tilespmem:v0+s21+$0x4F0 ss:$0x1] =	vst.idx.msk $0xffff, v1  }
0x3f1: {  	v1 =	vld [tilespmem:s6+$0x0];
	_ =	sdelay $0x3  }
0x3f2: {  	[tilespmem:v0+s19+$0x500 ss:$0x1] =	vst.idx.msk $0xffff, v2  }
0x3f3: {  	v2 =	vld [tilespmem:s0+$0x10];
	[tilespmem:v0+s21+$0x500 ss:$0x1] =	vst.idx.msk $0xffff, v1  }
0x3f4: {  	v1 =	vld [tilespmem:s6+$0x10];
	_ =	sdelay $0x3  }
0x3f5: {  	[tilespmem:v0+s19+$0x510 ss:$0x1] =	vst.idx.msk $0xffff, v2  }
0x3f6: {  	v2 =	vld [tilespmem:s0+$0x20];
	[tilespmem:v0+s21+$0x510 ss:$0x1] =	vst.idx.msk $0xffff, v1  }
0x3f7: {  	v1 =	vld [tilespmem:s6+$0x20];
	_ =	sdelay $0x3  }
0x3f8: {  	[tilespmem:v0+s19+$0x520 ss:$0x1] =	vst.idx.msk $0xffff, v2  }
0x3f9: {  	v2 =	vld [tilespmem:s0+$0x30];
	[tilespmem:v0+s21+$0x520 ss:$0x1] =	vst.idx.msk $0xffff, v1  }
0x3fa: {  	v1 =	vld [tilespmem:s6+$0x30];
	_ =	sdelay $0x2  }
0x3fb: {  	[tilespmem:v0+s17+$0x530 ss:$0x1] =	vst.idx.msk $0xffff, v59  }
0x3fc: {  	v7 =	vld [tilespmem:s30+$0x40];
	[tilespmem:v0+s19+$0x530 ss:$0x1] =	vst.idx.msk $0xffff, v2  }
0x3fd: {  	v2 =	vld [tilespmem:s0+$0x40];
	[tilespmem:v0+s21+$0x530 ss:$0x1] =	vst.idx.msk $0xffff, v1  }
0x3fe: {  	v1 =	vld [tilespmem:s6+$0x40];
	_ =	sdelay $0x2  }
0x3ff: {  	[tilespmem:v0+s17+$0x540 ss:$0x1] =	vst.idx.msk $0xffff, v7  }
0x400: {  	v7 =	vld [tilespmem:s30+$0x50];
	[tilespmem:v0+s19+$0x540 ss:$0x1] =	vst.idx.msk $0xffff, v2  }
0x401: {  	v2 =	vld [tilespmem:s0+$0x50];
	[tilespmem:v0+s21+$0x540 ss:$0x1] =	vst.idx.msk $0xffff, v1  }
0x402: {  	v1 =	vld [tilespmem:s6+$0x50]  }
0x403: {  	(v2sf) =	vpush v4, $0xD  }
0x404: {  	(v2sf) =	vpush v6, $0xB  }
0x405: {  	[tilespmem:v0+s17+$0x550 ss:$0x1] =	vst.idx.msk $0xffff, v7  }
0x406: {  	v7 =	vld [tilespmem:s30+$0x60];
	[tilespmem:v0+s19+$0x550 ss:$0x1] =	vst.idx.msk $0xffff, v2  }
0x407: {  	v2 =	vld [tilespmem:s0+$0x60];
	[tilespmem:v0+s21+$0x550 ss:$0x1] =	vst.idx.msk $0xffff, v1  }
0x408: {  	v1 =	vld [tilespmem:s6+$0x60];
	_ =	sdelay $0x2  }
0x409: {  	[tilespmem:v0+s17+$0x560 ss:$0x1] =	vst.idx.msk $0xffff, v7  }
0x40a: {  	v7 =	vld [tilespmem:s30+$0x70];
	[tilespmem:v0+s19+$0x560 ss:$0x1] =	vst.idx.msk $0xffff, v2  }
0x40b: {  	v2 =	vld [tilespmem:s0+$0x70];
	[tilespmem:v0+s21+$0x560 ss:$0x1] =	vst.idx.msk $0xffff, v1  }
0x40c: {  	v1 =	vld [tilespmem:s6+$0x70];
	_ =	sdelay $0x2  }
0x40d: {  	[tilespmem:v0+s17+$0x570 ss:$0x1] =	vst.idx.msk $0xffff, v7  }
0x40e: {  	v7 =	vld [tilespmem:s31+$0x0];
	s0 =	spop (v2sf);
	[tilespmem:v0+s19+$0x570 ss:$0x1] =	vst.idx.msk $0xffff, v2  }
0x40f: {  	s30 =	spop (v2sf);
	v2 =	vld [tilespmem:s2+$0x0];
	[tilespmem:v0+s21+$0x570 ss:$0x1] =	vst.idx.msk $0xffff, v1  }
0x410: {  	v1 =	vld [tilespmem:s30+$0x0];
	_ =	sdelay $0x2  }
0x411: {  	[tilespmem:v0+s17+$0x580 ss:$0x1] =	vst.idx.msk $0xffff, v7  }
0x412: {  	v7 =	vld [tilespmem:s31+$0x10];
	[tilespmem:v0+s19+$0x580 ss:$0x1] =	vst.idx.msk $0xffff, v2  }
0x413: {  	v2 =	vld [tilespmem:s2+$0x10];
	[tilespmem:v0+s21+$0x580 ss:$0x1] =	vst.idx.msk $0xffff, v1  }
0x414: {  	v1 =	vld [tilespmem:s30+$0x10];
	_ =	sdelay $0x2  }
0x415: {  	[tilespmem:v0+s17+$0x590 ss:$0x1] =	vst.idx.msk $0xffff, v7  }
0x416: {  	v7 =	vld [tilespmem:s31+$0x20];
	[tilespmem:v0+s19+$0x590 ss:$0x1] =	vst.idx.msk $0xffff, v2  }
0x417: {  	v2 =	vld [tilespmem:s2+$0x20];
	[tilespmem:v0+s21+$0x590 ss:$0x1] =	vst.idx.msk $0xffff, v1  }
0x418: {  	v1 =	vld [tilespmem:s30+$0x20];
	_ =	sdelay $0x2  }
0x419: {  	[tilespmem:v0+s17+$0x5A0 ss:$0x1] =	vst.idx.msk $0xffff, v7  }
0x41a: {  	v7 =	vld [tilespmem:s31+$0x30];
	[tilespmem:v0+s19+$0x5A0 ss:$0x1] =	vst.idx.msk $0xffff, v2  }
0x41b: {  	v2 =	vld [tilespmem:s2+$0x30];
	[tilespmem:v0+s21+$0x5A0 ss:$0x1] =	vst.idx.msk $0xffff, v1  }
0x41c: {  	v1 =	vld [tilespmem:s30+$0x30];
	_ =	sdelay $0x2  }
0x41d: {  	[tilespmem:v0+s17+$0x5B0 ss:$0x1] =	vst.idx.msk $0xffff, v7  }
0x41e: {  	v7 =	vld [tilespmem:s31+$0x40];
	[tilespmem:v0+s19+$0x5B0 ss:$0x1] =	vst.idx.msk $0xffff, v2  }
0x41f: {  	v2 =	vld [tilespmem:s2+$0x40];
	[tilespmem:v0+s21+$0x5B0 ss:$0x1] =	vst.idx.msk $0xffff, v1  }
0x420: {  	v1 =	vld [tilespmem:s30+$0x40];
	_ =	sdelay $0x2  }
0x421: {  	[tilespmem:v0+s17+$0x5C0 ss:$0x1] =	vst.idx.msk $0xffff, v7  }
0x422: {  	v7 =	vld [tilespmem:s31+$0x50];
	[tilespmem:v0+s19+$0x5C0 ss:$0x1] =	vst.idx.msk $0xffff, v2  }
0x423: {  	v2 =	vld [tilespmem:s2+$0x50];
	[tilespmem:v0+s21+$0x5C0 ss:$0x1] =	vst.idx.msk $0xffff, v1  }
0x424: {  	v1 =	vld [tilespmem:s30+$0x50]  }
0x425: {  	(v2sf) =	vpush v4, $0xE  }
0x426: {  	(v2sf) =	vpush v6, $0xC  }
0x427: {  	[tilespmem:v0+s17+$0x5D0 ss:$0x1] =	vst.idx.msk $0xffff, v7  }
0x428: {  	v7 =	vld [tilespmem:s31+$0x60];
	[tilespmem:v0+s19+$0x5D0 ss:$0x1] =	vst.idx.msk $0xffff, v2  }
0x429: {  	v2 =	vld [tilespmem:s2+$0x60];
	[tilespmem:v0+s21+$0x5D0 ss:$0x1] =	vst.idx.msk $0xffff, v1  }
0x42a: {  	v1 =	vld [tilespmem:s30+$0x60];
	_ =	sdelay $0x2  }
0x42b: {  	[tilespmem:v0+s17+$0x5E0 ss:$0x1] =	vst.idx.msk $0xffff, v7  }
0x42c: {  	v7 =	vld [tilespmem:s31+$0x70];
	[tilespmem:v0+s19+$0x5E0 ss:$0x1] =	vst.idx.msk $0xffff, v2  }
0x42d: {  	v2 =	vld [tilespmem:s2+$0x70];
	[tilespmem:v0+s21+$0x5E0 ss:$0x1] =	vst.idx.msk $0xffff, v1  }
0x42e: {  	v1 =	vld [tilespmem:s30+$0x70];
	_ =	sdelay $0x2  }
0x42f: {  	[tilespmem:v0+s17+$0x5F0 ss:$0x1] =	vst.idx.msk $0xffff, v7  }
0x430: {  	v7 =	vld [tilespmem:s29+$0x0];
	[tilespmem:v0+s19+$0x5F0 ss:$0x1] =	vst.idx.msk $0xffff, v2;
	s30 =	spop (v2sf)  }
0x431: {  	v2 =	vld [tilespmem:s1+$0x0];
	s31 =	spop (v2sf);
	[tilespmem:v0+s21+$0x5F0 ss:$0x1] =	vst.idx.msk $0xffff, v1  }
0x432: {  	v1 =	vld [tilespmem:s31+$0x0];
	_ =	sdelay $0x2  }
0x433: {  	[tilespmem:v0+s17+$0x600 ss:$0x1] =	vst.idx.msk $0xffff, v7  }
0x434: {  	v7 =	vld [tilespmem:s29+$0x10];
	[tilespmem:v0+s19+$0x600 ss:$0x1] =	vst.idx.msk $0xffff, v2  }
0x435: {  	v2 =	vld [tilespmem:s1+$0x10];
	[tilespmem:v0+s21+$0x600 ss:$0x1] =	vst.idx.msk $0xffff, v1  }
0x436: {  	v1 =	vld [tilespmem:s31+$0x10];
	_ =	sdelay $0x2  }
0x437: {  	[tilespmem:v0+s17+$0x610 ss:$0x1] =	vst.idx.msk $0xffff, v7  }
0x438: {  	v7 =	vld [tilespmem:s29+$0x20];
	[tilespmem:v0+s19+$0x610 ss:$0x1] =	vst.idx.msk $0xffff, v2  }
0x439: {  	v2 =	vld [tilespmem:s1+$0x20];
	[tilespmem:v0+s21+$0x610 ss:$0x1] =	vst.idx.msk $0xffff, v1  }
0x43a: {  	v1 =	vld [tilespmem:s31+$0x20];
	_ =	sdelay $0x2  }
0x43b: {  	[tilespmem:v0+s17+$0x620 ss:$0x1] =	vst.idx.msk $0xffff, v7  }
0x43c: {  	v7 =	vld [tilespmem:s29+$0x30];
	[tilespmem:v0+s19+$0x620 ss:$0x1] =	vst.idx.msk $0xffff, v2  }
0x43d: {  	v2 =	vld [tilespmem:s1+$0x30];
	[tilespmem:v0+s21+$0x620 ss:$0x1] =	vst.idx.msk $0xffff, v1  }
0x43e: {  	v1 =	vld [tilespmem:s31+$0x30];
	_ =	sdelay $0x2  }
0x43f: {  	[tilespmem:v0+s17+$0x630 ss:$0x1] =	vst.idx.msk $0xffff, v7  }
0x440: {  	v7 =	vld [tilespmem:s29+$0x40];
	[tilespmem:v0+s19+$0x630 ss:$0x1] =	vst.idx.msk $0xffff, v2  }
0x441: {  	v2 =	vld [tilespmem:s1+$0x40];
	[tilespmem:v0+s21+$0x630 ss:$0x1] =	vst.idx.msk $0xffff, v1  }
0x442: {  	v1 =	vld [tilespmem:s31+$0x40];
	_ =	sdelay $0x2  }
0x443: {  	[tilespmem:v0+s17+$0x640 ss:$0x1] =	vst.idx.msk $0xffff, v7  }
0x444: {  	v7 =	vld [tilespmem:s29+$0x50];
	[tilespmem:v0+s19+$0x640 ss:$0x1] =	vst.idx.msk $0xffff, v2  }
0x445: {  	v2 =	vld [tilespmem:s1+$0x50];
	[tilespmem:v0+s21+$0x640 ss:$0x1] =	vst.idx.msk $0xffff, v1  }
0x446: {  	v1 =	vld [tilespmem:s31+$0x50]  }
0x447: {  	(v2sf) =	vpush v4, $0xF  }
0x448: {  	(v2sf) =	vpush v6, $0xD  }
0x449: {  	[tilespmem:v0+s17+$0x650 ss:$0x1] =	vst.idx.msk $0xffff, v7  }
0x44a: {  	v63 =	vld [tilespmem:s29+$0x60];
	[tilespmem:v0+s19+$0x650 ss:$0x1] =	vst.idx.msk $0xffff, v2  }
0x44b: {  	v2 =	vld [tilespmem:s1+$0x60];
	[tilespmem:v0+s21+$0x650 ss:$0x1] =	vst.idx.msk $0xffff, v1  }
0x44c: {  	v1 =	vld [tilespmem:s31+$0x60];
	_ =	sdelay $0x2  }
0x44d: {  	[tilespmem:v0+s17+$0x660 ss:$0x1] =	vst.idx.msk $0xffff, v63  }
0x44e: {  	[tilespmem:v0+s19+$0x660 ss:$0x1] =	vst.idx.msk $0xffff, v2;
	v4 =	vld [tilespmem:s29+$0x70]  }
0x44f: {  	v2 =	vld [tilespmem:s1+$0x70];
	[tilespmem:v0+s21+$0x660 ss:$0x1] =	vst.idx.msk $0xffff, v1  }
0x450: {  	v1 =	vld [tilespmem:s31+$0x70];
	_ =	sdelay $0x2  }
0x451: {  	[tilespmem:v0+s17+$0x670 ss:$0x1] =	vst.idx.msk $0xffff, v4  }
0x452: {  	[tilespmem:v0+s19+$0x670 ss:$0x1] =	vst.idx.msk $0xffff, v2;
	v4 =	vld [tilespmem:s28+$0x0];
	s2 =	spop (v2sf)  }
0x453: {  	v2 =	vld [tilespmem:s0+$0x0];
	s6 =	spop (v2sf);
	[tilespmem:v0+s21+$0x670 ss:$0x1] =	vst.idx.msk $0xffff, v1  }
0x454: {  	v1 =	vld [tilespmem:s6+$0x0];
	_ =	sdelay $0x2  }
0x455: {  	[tilespmem:v0+s17+$0x680 ss:$0x1] =	vst.idx.msk $0xffff, v4  }
0x456: {  	[tilespmem:v0+s19+$0x680 ss:$0x1] =	vst.idx.msk $0xffff, v2;
	v4 =	vld [tilespmem:s28+$0x10]  }
0x457: {  	v2 =	vld [tilespmem:s0+$0x10];
	[tilespmem:v0+s21+$0x680 ss:$0x1] =	vst.idx.msk $0xffff, v1  }
0x458: {  	v1 =	vld [tilespmem:s6+$0x10];
	_ =	sdelay $0x1  }
0x459: {  	[tilespmem:v0+s16+$0x690 ss:$0x1] =	vst.idx.msk $0xffff, v5  }
0x45a: {  	v5 =	vld [tilespmem:s24+$0x20];
	[tilespmem:v0+s17+$0x690 ss:$0x1] =	vst.idx.msk $0xffff, v4  }
0x45b: {  	[tilespmem:v0+s19+$0x690 ss:$0x1] =	vst.idx.msk $0xffff, v2;
	v4 =	vld [tilespmem:s28+$0x20]  }
0x45c: {  	v2 =	vld [tilespmem:s0+$0x20];
	[tilespmem:v0+s21+$0x690 ss:$0x1] =	vst.idx.msk $0xffff, v1  }
0x45d: {  	v1 =	vld [tilespmem:s6+$0x20];
	_ =	sdelay $0x1  }
0x45e: {  	[tilespmem:v0+s16+$0x6A0 ss:$0x1] =	vst.idx.msk $0xffff, v5  }
0x45f: {  	v5 =	vld [tilespmem:s24+$0x30];
	[tilespmem:v0+s17+$0x6A0 ss:$0x1] =	vst.idx.msk $0xffff, v4  }
0x460: {  	[tilespmem:v0+s19+$0x6A0 ss:$0x1] =	vst.idx.msk $0xffff, v2;
	v4 =	vld [tilespmem:s28+$0x30]  }
0x461: {  	v2 =	vld [tilespmem:s0+$0x30];
	[tilespmem:v0+s21+$0x6A0 ss:$0x1] =	vst.idx.msk $0xffff, v1  }
0x462: {  	v1 =	vld [tilespmem:s6+$0x30];
	_ =	sdelay $0x1  }
0x463: {  	[tilespmem:v0+s16+$0x6B0 ss:$0x1] =	vst.idx.msk $0xffff, v5  }
0x464: {  	v5 =	vld [tilespmem:s24+$0x40];
	[tilespmem:v0+s17+$0x6B0 ss:$0x1] =	vst.idx.msk $0xffff, v4  }
0x465: {  	[tilespmem:v0+s19+$0x6B0 ss:$0x1] =	vst.idx.msk $0xffff, v2;
	v4 =	vld [tilespmem:s28+$0x40]  }
0x466: {  	v2 =	vld [tilespmem:s0+$0x40];
	[tilespmem:v0+s21+$0x6B0 ss:$0x1] =	vst.idx.msk $0xffff, v1  }
0x467: {  	v1 =	vld [tilespmem:s6+$0x40];
	_ =	sdelay $0x1  }
0x468: {  	[tilespmem:v0+s16+$0x6C0 ss:$0x1] =	vst.idx.msk $0xffff, v5  }
0x469: {  	v5 =	vld [tilespmem:s24+$0x50];
	[tilespmem:v0+s17+$0x6C0 ss:$0x1] =	vst.idx.msk $0xffff, v4  }
0x46a: {  	[tilespmem:v0+s19+$0x6C0 ss:$0x1] =	vst.idx.msk $0xffff, v2;
	v4 =	vld [tilespmem:s28+$0x50]  }
0x46b: {  	v2 =	vld [tilespmem:s0+$0x50];
	[tilespmem:v0+s21+$0x6C0 ss:$0x1] =	vst.idx.msk $0xffff, v1  }
0x46c: {  	v1 =	vld [tilespmem:s6+$0x50];
	_ =	sdelay $0x1  }
0x46d: {  	[tilespmem:v0+s16+$0x6D0 ss:$0x1] =	vst.idx.msk $0xffff, v5;
	(v2sf) =	vpush v6, $0xE  }
0x46e: {  	v5 =	vld [tilespmem:s24+$0x60];
	[tilespmem:v0+s17+$0x6D0 ss:$0x1] =	vst.idx.msk $0xffff, v4  }
0x46f: {  	[tilespmem:v0+s19+$0x6D0 ss:$0x1] =	vst.idx.msk $0xffff, v2;
	v4 =	vld [tilespmem:s28+$0x60]  }
0x470: {  	v2 =	vld [tilespmem:s0+$0x60];
	[tilespmem:v0+s21+$0x6D0 ss:$0x1] =	vst.idx.msk $0xffff, v1  }
0x471: {  	v1 =	vld [tilespmem:s6+$0x60];
	_ =	sdelay $0x1  }
0x472: {  	[tilespmem:v0+s16+$0x6E0 ss:$0x1] =	vst.idx.msk $0xffff, v5  }
0x473: {  	v5 =	vld [tilespmem:s24+$0x70];
	[tilespmem:v0+s17+$0x6E0 ss:$0x1] =	vst.idx.msk $0xffff, v4  }
0x474: {  	[tilespmem:v0+s19+$0x6E0 ss:$0x1] =	vst.idx.msk $0xffff, v2;
	v4 =	vld [tilespmem:s28+$0x70]  }
0x475: {  	v2 =	vld [tilespmem:s0+$0x70];
	[tilespmem:v0+s21+$0x6E0 ss:$0x1] =	vst.idx.msk $0xffff, v1  }
0x476: {  	v1 =	vld [tilespmem:s6+$0x70];
	_ =	sdelay $0x1  }
0x477: {  	[tilespmem:v0+s16+$0x6F0 ss:$0x1] =	vst.idx.msk $0xffff, v5  }
0x478: {  	v5 =	vld [tilespmem:s23+$0x0];
	[tilespmem:v0+s17+$0x6F0 ss:$0x1] =	vst.idx.msk $0xffff, v4  }
0x479: {  	[tilespmem:v0+s19+$0x6F0 ss:$0x1] =	vst.idx.msk $0xffff, v2;
	v4 =	vld [tilespmem:s26+$0x0]  }
0x47a: {  	s28 =	spop (v2sf);
	v2 =	vld [tilespmem:s30+$0x0];
	[tilespmem:v0+s21+$0x6F0 ss:$0x1] =	vst.idx.msk $0xffff, v1  }
0x47b: {  	v1 =	vld [tilespmem:s28+$0x0];
	_ =	sdelay $0x1  }
0x47c: {  	[tilespmem:v0+s16+$0x700 ss:$0x1] =	vst.idx.msk $0xffff, v5  }
0x47d: {  	v5 =	vld [tilespmem:s23+$0x10];
	[tilespmem:v0+s17+$0x700 ss:$0x1] =	vst.idx.msk $0xffff, v4  }
0x47e: {  	[tilespmem:v0+s19+$0x700 ss:$0x1] =	vst.idx.msk $0xffff, v2;
	v4 =	vld [tilespmem:s26+$0x10]  }
0x47f: {  	v2 =	vld [tilespmem:s30+$0x10];
	[tilespmem:v0+s21+$0x700 ss:$0x1] =	vst.idx.msk $0xffff, v1  }
0x480: {  	v1 =	vld [tilespmem:s28+$0x10];
	_ =	sdelay $0x1  }
0x481: {  	[tilespmem:v0+s16+$0x710 ss:$0x1] =	vst.idx.msk $0xffff, v5  }
0x482: {  	v5 =	vld [tilespmem:s23+$0x20];
	[tilespmem:v0+s17+$0x710 ss:$0x1] =	vst.idx.msk $0xffff, v4  }
0x483: {  	[tilespmem:v0+s19+$0x710 ss:$0x1] =	vst.idx.msk $0xffff, v2;
	v4 =	vld [tilespmem:s26+$0x20]  }
0x484: {  	v2 =	vld [tilespmem:s30+$0x20];
	[tilespmem:v0+s21+$0x710 ss:$0x1] =	vst.idx.msk $0xffff, v1  }
0x485: {  	v1 =	vld [tilespmem:s28+$0x20];
	_ =	sdelay $0x1  }
0x486: {  	[tilespmem:v0+s16+$0x720 ss:$0x1] =	vst.idx.msk $0xffff, v5  }
0x487: {  	v5 =	vld [tilespmem:s23+$0x30];
	[tilespmem:v0+s17+$0x720 ss:$0x1] =	vst.idx.msk $0xffff, v4  }
0x488: {  	[tilespmem:v0+s19+$0x720 ss:$0x1] =	vst.idx.msk $0xffff, v2;
	v4 =	vld [tilespmem:s26+$0x30]  }
0x489: {  	v2 =	vld [tilespmem:s30+$0x30];
	[tilespmem:v0+s21+$0x720 ss:$0x1] =	vst.idx.msk $0xffff, v1  }
0x48a: {  	v1 =	vld [tilespmem:s28+$0x30];
	_ =	sdelay $0x1  }
0x48b: {  	[tilespmem:v0+s16+$0x730 ss:$0x1] =	vst.idx.msk $0xffff, v5  }
0x48c: {  	v5 =	vld [tilespmem:s23+$0x40];
	[tilespmem:v0+s17+$0x730 ss:$0x1] =	vst.idx.msk $0xffff, v4  }
0x48d: {  	[tilespmem:v0+s19+$0x730 ss:$0x1] =	vst.idx.msk $0xffff, v2;
	v4 =	vld [tilespmem:s26+$0x40]  }
0x48e: {  	v2 =	vld [tilespmem:s30+$0x40];
	[tilespmem:v0+s21+$0x730 ss:$0x1] =	vst.idx.msk $0xffff, v1  }
0x48f: {  	v1 =	vld [tilespmem:s28+$0x40];
	_ =	sdelay $0x1  }
0x490: {  	[tilespmem:v0+s16+$0x740 ss:$0x1] =	vst.idx.msk $0xffff, v5  }
0x491: {  	v5 =	vld [tilespmem:s23+$0x50];
	[tilespmem:v0+s17+$0x740 ss:$0x1] =	vst.idx.msk $0xffff, v4  }
0x492: {  	[tilespmem:v0+s19+$0x740 ss:$0x1] =	vst.idx.msk $0xffff, v2;
	v4 =	vld [tilespmem:s26+$0x50]  }
0x493: {  	v2 =	vld [tilespmem:s30+$0x50];
	[tilespmem:v0+s21+$0x740 ss:$0x1] =	vst.idx.msk $0xffff, v1  }
0x494: {  	v1 =	vld [tilespmem:s28+$0x50];
	_ =	sdelay $0x1  }
0x495: {  	[tilespmem:v0+s16+$0x750 ss:$0x1] =	vst.idx.msk $0xffff, v5;
	(v2sf) =	vpush v6, $0xF  }
0x496: {  	v5 =	vld [tilespmem:s23+$0x60];
	[tilespmem:v0+s17+$0x750 ss:$0x1] =	vst.idx.msk $0xffff, v4  }
0x497: {  	[tilespmem:v0+s19+$0x750 ss:$0x1] =	vst.idx.msk $0xffff, v2;
	v4 =	vld [tilespmem:s26+$0x60]  }
0x498: {  	v2 =	vld [tilespmem:s30+$0x60];
	[tilespmem:v0+s21+$0x750 ss:$0x1] =	vst.idx.msk $0xffff, v1  }
0x499: {  	v1 =	vld [tilespmem:s28+$0x60];
	_ =	sdelay $0x1  }
0x49a: {  	[tilespmem:v0+s16+$0x760 ss:$0x1] =	vst.idx.msk $0xffff, v5  }
0x49b: {  	v5 =	vld [tilespmem:s23+$0x70];
	[tilespmem:v0+s17+$0x760 ss:$0x1] =	vst.idx.msk $0xffff, v4  }
0x49c: {  	[tilespmem:v0+s19+$0x760 ss:$0x1] =	vst.idx.msk $0xffff, v2;
	v4 =	vld [tilespmem:s26+$0x70]  }
0x49d: {  	v2 =	vld [tilespmem:s30+$0x70];
	[tilespmem:v0+s21+$0x760 ss:$0x1] =	vst.idx.msk $0xffff, v1  }
0x49e: {  	v1 =	vld [tilespmem:s28+$0x70];
	_ =	sdelay $0x1  }
0x49f: {  	[tilespmem:v0+s16+$0x770 ss:$0x1] =	vst.idx.msk $0xffff, v5  }
0x4a0: {  	v5 =	vld [tilespmem:s18+$0x0];
	[tilespmem:v0+s17+$0x770 ss:$0x1] =	vst.idx.msk $0xffff, v4  }
0x4a1: {  	[tilespmem:v0+s19+$0x770 ss:$0x1] =	vst.idx.msk $0xffff, v2;
	v4 =	vld [tilespmem:s25+$0x0]  }
0x4a2: {  	s30 =	spop (v2sf);
	v2 =	vld [tilespmem:s2+$0x0];
	[tilespmem:v0+s21+$0x770 ss:$0x1] =	vst.idx.msk $0xffff, v1  }
0x4a3: {  	v1 =	vld [tilespmem:s30+$0x0];
	_ =	sdelay $0x1  }
0x4a4: {  	[tilespmem:v0+s16+$0x780 ss:$0x1] =	vst.idx.msk $0xffff, v5  }
0x4a5: {  	v5 =	vld [tilespmem:s18+$0x10];
	[tilespmem:v0+s17+$0x780 ss:$0x1] =	vst.idx.msk $0xffff, v4  }
0x4a6: {  	[tilespmem:v0+s19+$0x780 ss:$0x1] =	vst.idx.msk $0xffff, v2;
	v4 =	vld [tilespmem:s25+$0x10]  }
0x4a7: {  	v2 =	vld [tilespmem:s2+$0x10];
	[tilespmem:v0+s21+$0x780 ss:$0x1] =	vst.idx.msk $0xffff, v1  }
0x4a8: {  	v1 =	vld [tilespmem:s30+$0x10];
	_ =	sdelay $0x1  }
0x4a9: {  	[tilespmem:v0+s16+$0x790 ss:$0x1] =	vst.idx.msk $0xffff, v5  }
0x4aa: {  	v5 =	vld [tilespmem:s18+$0x20];
	[tilespmem:v0+s17+$0x790 ss:$0x1] =	vst.idx.msk $0xffff, v4  }
0x4ab: {  	[tilespmem:v0+s19+$0x790 ss:$0x1] =	vst.idx.msk $0xffff, v2;
	v4 =	vld [tilespmem:s25+$0x20]  }
0x4ac: {  	v2 =	vld [tilespmem:s2+$0x20];
	[tilespmem:v0+s21+$0x790 ss:$0x1] =	vst.idx.msk $0xffff, v1  }
0x4ad: {  	v1 =	vld [tilespmem:s30+$0x20];
	_ =	sdelay $0x1  }
0x4ae: {  	[tilespmem:v0+s16+$0x7A0 ss:$0x1] =	vst.idx.msk $0xffff, v5  }
0x4af: {  	v5 =	vld [tilespmem:s18+$0x30];
	[tilespmem:v0+s17+$0x7A0 ss:$0x1] =	vst.idx.msk $0xffff, v4  }
0x4b0: {  	[tilespmem:v0+s19+$0x7A0 ss:$0x1] =	vst.idx.msk $0xffff, v2;
	v4 =	vld [tilespmem:s25+$0x30]  }
0x4b1: {  	v2 =	vld [tilespmem:s2+$0x30];
	[tilespmem:v0+s21+$0x7A0 ss:$0x1] =	vst.idx.msk $0xffff, v1  }
0x4b2: {  	v1 =	vld [tilespmem:s30+$0x30];
	_ =	sdelay $0x1  }
0x4b3: {  	[tilespmem:v0+s16+$0x7B0 ss:$0x1] =	vst.idx.msk $0xffff, v5  }
0x4b4: {  	v5 =	vld [tilespmem:s18+$0x40];
	[tilespmem:v0+s17+$0x7B0 ss:$0x1] =	vst.idx.msk $0xffff, v4  }
0x4b5: {  	[tilespmem:v0+s19+$0x7B0 ss:$0x1] =	vst.idx.msk $0xffff, v2;
	v4 =	vld [tilespmem:s25+$0x40]  }
0x4b6: {  	v2 =	vld [tilespmem:s2+$0x40];
	[tilespmem:v0+s21+$0x7B0 ss:$0x1] =	vst.idx.msk $0xffff, v1  }
0x4b7: {  	v1 =	vld [tilespmem:s30+$0x40];
	_ =	sdelay $0x1  }
0x4b8: {  	[tilespmem:v0+s16+$0x7C0 ss:$0x1] =	vst.idx.msk $0xffff, v5  }
0x4b9: {  	v5 =	vld [tilespmem:s18+$0x50];
	[tilespmem:v0+s17+$0x7C0 ss:$0x1] =	vst.idx.msk $0xffff, v4  }
0x4ba: {  	[tilespmem:v0+s19+$0x7C0 ss:$0x1] =	vst.idx.msk $0xffff, v2;
	v4 =	vld [tilespmem:s25+$0x50]  }
0x4bb: {  	v2 =	vld [tilespmem:s2+$0x50];
	[tilespmem:v0+s21+$0x7C0 ss:$0x1] =	vst.idx.msk $0xffff, v1  }
0x4bc: {  	v1 =	vld [tilespmem:s30+$0x50];
	_ =	sdelay $0x1  }
0x4bd: {  	[tilespmem:v0+s16+$0x7D0 ss:$0x1] =	vst.idx.msk $0xffff, v5  }
0x4be: {  	v5 =	vld [tilespmem:s18+$0x60];
	[tilespmem:v0+s17+$0x7D0 ss:$0x1] =	vst.idx.msk $0xffff, v4  }
0x4bf: {  	[tilespmem:v0+s19+$0x7D0 ss:$0x1] =	vst.idx.msk $0xffff, v2;
	v4 =	vld [tilespmem:s25+$0x60]  }
0x4c0: {  	v2 =	vld [tilespmem:s2+$0x60];
	[tilespmem:v0+s21+$0x7D0 ss:$0x1] =	vst.idx.msk $0xffff, v1  }
0x4c1: {  	v1 =	vld [tilespmem:s30+$0x60]  }
0x4c2: {  	[tilespmem:v0+s15+$0x7E0 ss:$0x1] =	vst.idx.msk $0xffff, v57  }
0x4c3: {  	v3 =	vld [tilespmem:s22+$0x70];
	[tilespmem:v0+s16+$0x7E0 ss:$0x1] =	vst.idx.msk $0xffff, v5  }
0x4c4: {  	v5 =	vld [tilespmem:s18+$0x70];
	[tilespmem:v0+s17+$0x7E0 ss:$0x1] =	vst.idx.msk $0xffff, v4  }
0x4c5: {  	[tilespmem:v0+s19+$0x7E0 ss:$0x1] =	vst.idx.msk $0xffff, v2;
	v4 =	vld [tilespmem:s25+$0x70]  }
0x4c6: {  	v2 =	vld [tilespmem:s2+$0x70];
	[tilespmem:v0+s21+$0x7E0 ss:$0x1] =	vst.idx.msk $0xffff, v1  }
0x4c7: {  	v1 =	vld [tilespmem:s30+$0x70]  }
0x4c8: {  	[tilespmem:v0+s15+$0x7F0 ss:$0x1] =	vst.idx.msk $0xffff, v3  }
.Ltmp6:
0x4c9: {  	[tilespmem:v0+s16+$0x7F0 ss:$0x1] =	vst.idx.msk $0xffff, v5;
	s31 =	sshll.u32 s14, $0x7;
	(pc) =	sbr.rel .LBB2_6-.Ltmp6, $4  }
0x4ca: {  	s0 =	smin.u32 s31, $0x18620;
	[tilespmem:v0+s17+$0x7F0 ss:$0x1] =	vst.idx.msk $0xffff, v4  }
0x4cb: {  	s0 =	sshll.u32 s0, $0x4;
	[tilespmem:v0+s19+$0x7F0 ss:$0x1] =	vst.idx.msk $0xffff, v2  }
0x4cc: {  	s0 =	sadd.s32 s3, s0;
	[tilespmem:v0+s21+$0x7F0 ss:$0x1] =	vst.idx.msk $0xffff, v1  }
0x4cd: {  	[hbm4b:s0+s4] =	stream.linear.scatter [tilespmem:s20], [sflag:$0x1], $0x4000, $0x38;
	[tilespmem:$0x1BE80] =	vst v63  }
.LBB2_8:
0x4ce: {  	_ =	sfence.sel $0x180000  }
0x4cf: {  	[bflag:$0x0] =	sbarrier.arrive $0xFFFF  }
0x4d0: {  	_ =	strace $0x90000047  }
0x4d1: {  	s0 =	stileid.u32;
	[bflag:$0x2] =	sbarrier.arrive $0xFFFF  }
0x4d2: {  	p0 =	sne.s32 s0, $0x0;
	s0 =	rddreg [dreg:$0x3]  }
0x4d3: {  	s0 =	sadd.s32 @!p0 $0x100000, s0  }
0x4d4: {  	[sflag:s0] =	ssyncadd.tile.s32 @!p0 $0x1;
	_ =	shalt  }
.Lfunc_end2:
_tile_overlayer_lowered:
.L_overlay_start_2:
0x4d5: {  	(tag) =	ssettag $0x2  }
0x4d6: {  	s0 =	rddreg [dreg:$0x0];
	s2 =	stileid.u32  }
0x4d7: {  	s1 =	rddreg [dreg:$0x1];
	p0 =	sne.s32 s2, $0x0  }
0x4d8: {  	s3 =	rddreg [dreg:$0x2];
	[bflag:$0x3] =	sbarrier.arrive $0xFFFF;
	s2 =	simm.s32 @!p0 $0x1C02  }
0x4d9: {  	[timem:s3], [sflag:s2] =	dma.local @!p0 [hbm:s0], s1  }
0x4da: {  	s0 =	simm.s32 @!p0 $0x2  }
0x4db: {  	_ =	swait.ge @!p0 [sflag:s0], s1  }
0x4dc: {  	s1 =	ssub.s32 @!p0 $0x0, s1;
	[sflag:s0] =	ssyncset.done @!p0 $0x0  }
0x4dd: {  	[sflag:s0] =	ssyncadd.s32 @!p0 s1  }
0x4de: {  	[bflag:$0x3] =	sbarrier.arrive $0xFFFF  }
0x4df: {  	_ =	shalt  }

</sc_bundles>
